<compile_context>
chip_gen: v7x
topology: tpu7x:2x2x1
jax: 0.10.2.dev20260603
libtpu: 0.0.44.dev20260713+nightly
codegen_flags: <defaults>
</compile_context>

<pallas_src>
import functools

import jax
import jax.numpy as jnp
from jax import lax
from jax.experimental import pallas as pl
from jax.experimental.pallas import tpu as pltpu
from jax.experimental.pallas import tpu_sc as plsc

L, B, C = 200, 1024, 8
VOCAB, D_SUB, D_EMBED = 100000, 32, 128
N_TOK = L * B
N_ROWS = N_TOK * C

N_SEG = 5
L_SEG = L // N_SEG
SEG_ROWS = N_ROWS // N_SEG
SEG_OUT = SEG_ROWS // 4

NC, NS = 2, 16
NW = NC * NS
ROWS_PER_W = SEG_ROWS // NW
CHUNK = 1024
OUT_CHUNK = CHUNK // 4
N_CHUNKS = ROWS_PER_W // CHUNK


def _gather_body(idx_hbm, table_hbm, out_hbm, idx_a, idx_b, rows_a, rows_b,
                 gsem_a, gsem_b, wsem_a, wsem_b):
    wid = lax.axis_index("s") * NC + lax.axis_index("c")
    base_w = wid * ROWS_PER_W
    n_half = N_CHUNKS // 2

    def load_and_fire(chunk, idx_v, rows_v, gsem):
        pltpu.sync_copy(idx_hbm.at[pl.ds(base_w + chunk * CHUNK, CHUNK)], idx_v)
        pltpu.async_copy(table_hbm.at[idx_v], rows_v, gsem)

    def write_copies(rows_v, out_base, wsem):
        return [
            pltpu.make_async_copy(
                rows_v.at[pl.ds(j * OUT_CHUNK, OUT_CHUNK), :],
                out_hbm.at[pl.ds(out_base, OUT_CHUNK), pl.ds(j * D_SUB, D_SUB)],
                wsem,
            )
            for j in range(4)
        ]

    def fire_writes(rows_v, chunk, wsem):
        for cp in write_copies(rows_v, (base_w + chunk * CHUNK) // 4, wsem):
            cp.start()

    def drain_writes(rows_v, chunk, wsem):
        for cp in write_copies(rows_v, (base_w + chunk * CHUNK) // 4, wsem):
            cp.wait()

    load_and_fire(0, idx_a, rows_a, gsem_a)

    def step(i, carry):
        pltpu.make_async_copy(table_hbm.at[idx_a], rows_a, gsem_a).wait()
        fire_writes(rows_a, 2 * i, wsem_a)

        @pl.when(i > 0)
        def _():
            drain_writes(rows_b, 2 * i - 1, wsem_b)

        load_and_fire(2 * i + 1, idx_b, rows_b, gsem_b)
        pltpu.make_async_copy(table_hbm.at[idx_b], rows_b, gsem_b).wait()
        fire_writes(rows_b, 2 * i + 1, wsem_b)

        @pl.when(i < n_half - 1)
        def _():
            drain_writes(rows_a, 2 * i, wsem_a)
            load_and_fire(2 * i + 2, idx_a, rows_a, gsem_a)

        return carry

    lax.fori_loop(0, n_half, step, 0)
    drain_writes(rows_a, N_CHUNKS - 2, wsem_a)
    drain_writes(rows_b, N_CHUNKS - 1, wsem_b)


_sc_gather = functools.partial(
    pl.kernel,
    out_type=jax.ShapeDtypeStruct((SEG_OUT, 128), jnp.float32),
    mesh=plsc.VectorSubcoreMesh(core_axis_name="c", subcore_axis_name="s"),
    scratch_types=[
        pltpu.VMEM((CHUNK,), jnp.int32),
        pltpu.VMEM((CHUNK,), jnp.int32),
        pltpu.VMEM((CHUNK, D_SUB), jnp.float32),
        pltpu.VMEM((CHUNK, D_SUB), jnp.float32),
        pltpu.SemaphoreType.DMA,
        pltpu.SemaphoreType.DMA,
        pltpu.SemaphoreType.DMA,
        pltpu.SemaphoreType.DMA,
    ],
    compiler_params=pltpu.CompilerParams(use_tc_tiling_on_sc=False),
)(_gather_body)


MM_TOK = 1024
MM_GRP = 5
SEG_BLOCKS = L_SEG // MM_GRP


def _mm_compute(x_ref, w_ref, b_ref, o_ref):
    for g in range(MM_GRP):
        x0 = x_ref[2 * g * MM_TOK : (2 * g + 1) * MM_TOK, :]
        x1 = x_ref[(2 * g + 1) * MM_TOK : (2 * g + 2) * MM_TOK, :]
        x = jnp.concatenate([x0, x1], axis=1)
        o_ref[g * MM_TOK : (g + 1) * MM_TOK, :] = (
            jnp.dot(x, w_ref[...], preferred_element_type=jnp.float32)
            + b_ref[0, :]
        )


def _mm_body_first(x_ref, w_ref, b_ref, o_ref):
    _mm_compute(x_ref, w_ref, b_ref, o_ref)


def _mm_body_chained(x_ref, w_ref, b_ref, acc_ref, o_ref):
    del acc_ref
    _mm_compute(x_ref, w_ref, b_ref, o_ref)


def _tc_matmul_seg(seg, x, w, b, acc=None):
    blk = MM_TOK * MM_GRP

    def out_map(i, s=seg):
        return (s * SEG_BLOCKS + i, 0)

    in_specs = [
        pl.BlockSpec((2 * blk, 128), lambda i: (i, 0)),
        pl.BlockSpec((256, D_EMBED), lambda i: (0, 0)),
        pl.BlockSpec((1, D_EMBED), lambda i: (0, 0)),
    ]
    args = (x, w, b)
    if acc is None:
        body = _mm_body_first
        aliases = {}
    else:
        body = _mm_body_chained
        in_specs = in_specs + [pl.BlockSpec(memory_space=pl.ANY)]
        args = args + (acc,)
        aliases = {3: 0}
    return pl.pallas_call(
        body,
        grid=(SEG_BLOCKS,),
        in_specs=in_specs,
        out_specs=pl.BlockSpec((blk, D_EMBED), out_map),
        out_shape=jax.ShapeDtypeStruct((N_TOK, D_EMBED), jnp.float32),
        input_output_aliases=aliases,
    )(*args)


@jax.jit
def kernel(input_ids, table, W_trans, b_trans):
    wt = W_trans.T
    bias = b_trans.reshape(1, D_EMBED)
    stagings = []
    for s in range(N_SEG):
        ids_s = input_ids[s * L_SEG : (s + 1) * L_SEG]
        idx_flat = (
            ids_s.reshape(L_SEG, 4, 256, 2, 4)
            .transpose(0, 3, 1, 4, 2)
            .reshape(SEG_ROWS)
        )
        stagings.append(_sc_gather(idx_flat, table))
    out = None
    for s in range(N_SEG):
        out = _tc_matmul_seg(s, stagings[s], wt, bias, acc=out)
    return out.reshape(L, B, D_EMBED)

# --- scband reference (transcript-rebuilt; emitter-appended) ---
"""Pipeline reference for scband-cpembedding-88613765251223 (READ-ONLY COPY).

The authoritative reference and input builder live on the scoring server;
editing this copy changes nothing except your own understanding.
"""

import jax, jax.numpy as jnp
import numpy as np

L, B, C = 200, 1024, 8
VOCAB, D_SUB, D_EMBED = 100000, 32, 128

def setup_inputs(seed: int = 0) -> dict:
    key = jax.random.key(seed)
    k1, k2, k3 = jax.random.split(key, 3)
    input_ids = jax.random.randint(k1, (L, B, C), 0, VOCAB)
    table = jax.random.normal(k2, (VOCAB, D_SUB), dtype=jnp.float32) * 0.02
    W_trans = jax.random.normal(k3, (D_EMBED, C * D_SUB), dtype=jnp.float32) * 0.05
    b_trans = jnp.zeros((D_EMBED,), dtype=jnp.float32)
    return {"input_ids": input_ids, "table": table, "W_trans": W_trans, "b_trans": b_trans}

def reference(input_ids, table, W_trans, b_trans):
    # subembed lookup: (L, B, C) -> (L, B, C, d_subembed)
    out = jnp.take(table, input_ids, axis=0)
    # view to (L, B, C * d_subembed)
    out = out.reshape(input_ids.shape[:-1] + (input_ids.shape[-1] * D_SUB,))
    # dropout is identity in eval mode; trans_forward linear
    out = out @ W_trans.T + b_trans
    return out

if __name__ == "__main__":
    import jax
    _d = setup_inputs()
    print(jax.jit(kernel)(*tuple(_d.values())))

</pallas_src>

<mosaic_0001>
#map = affine_map<(d0, d1) -> (0)>
#map1 = affine_map<(d0, d1) -> (0, 0)>
module attributes {stable_mosaic.version = 14 : i64} {
  func.func @_gather_body(%arg0: i32, %arg1: i32, %arg2: memref<327680xi32, #tpu.memory_space<hbm>>, %arg3: memref<100000x32xf32, #tpu.memory_space<hbm>>, %arg4: memref<81920x128xf32, #tpu.memory_space<hbm>>, %arg5: memref<1024xi32, #tpu.memory_space<vmem>>, %arg6: memref<1024xi32, #tpu.memory_space<vmem>>, %arg7: memref<1024x32xf32, #tpu.memory_space<vmem>>, %arg8: memref<1024x32xf32, #tpu.memory_space<vmem>>, %arg9: memref<!tpu.dma_semaphore, #tpu.memory_space<semaphore_mem>>, %arg10: memref<!tpu.dma_semaphore, #tpu.memory_space<semaphore_mem>>, %arg11: memref<!tpu.dma_semaphore, #tpu.memory_space<semaphore_mem>>, %arg12: memref<!tpu.dma_semaphore, #tpu.memory_space<semaphore_mem>>) attributes {dimension_semantics = [#tpu.dimension_semantics<core_parallel>, #tpu.dimension_semantics<subcore_parallel>], iteration_bounds = array<i64: 2, 16>, scalar_prefetch = 0 : i64, scratch_operands = 8 : i64, tpu.core_type = #tpu.core_type<sc_vector_subcore>, window_params = [{transform_indices = #map}, {transform_indices = #map1}, {transform_indices = #map1}]} {
    %mul3A = arith.constant 2 : i32
    %mul3A_0 = arith.muli %arg1, %mul3A : i32
    %add3A = arith.addi %mul3A_0, %arg0 : i32
    %mul3A_1 = arith.constant 10240 : i32
    %mul3A_2 = arith.muli %add3A, %mul3A_1 : i32
    %add3A_3 = arith.constant 0 : i32
    %add3A_4 = arith.addi %mul3A_2, %add3A_3 : i32
    "tpu.region"() ({
      %run_scoped3A = tpu.sem_alloc : memref<!tpu.dma_semaphore, #tpu.memory_space<semaphore_mem>>
      %dma_start3A_135 = tpu.memref_slice %arg2[%add3A_4] : memref<327680xi32, #tpu.memory_space<hbm>> -> memref<1024xi32, #tpu.memory_space<hbm>>
      %dma_start3A_136 = tpu.memref_slice %arg2[%add3A_4] : memref<327680xi32, #tpu.memory_space<hbm>> -> memref<1024xi32, #tpu.memory_space<hbm>>
      tpu.enqueue_dma source(%dma_start3A_136 : memref<1024xi32, #tpu.memory_space<hbm>>) target(%arg5 : memref<1024xi32, #tpu.memory_space<vmem>>) target_semaphore(%run_scoped3A : memref<!tpu.dma_semaphore, #tpu.memory_space<semaphore_mem>>)
      %dma_wait3A_137 = tpu.memref_slice %arg2[%add3A_4] : memref<327680xi32, #tpu.memory_space<hbm>> -> memref<1024xi32, #tpu.memory_space<hbm>>
      %dma_wait3A_138 = tpu.memref_slice %arg2[%add3A_4] : memref<327680xi32, #tpu.memory_space<hbm>> -> memref<1024xi32, #tpu.memory_space<hbm>>
      tpu.wait_dma2 semaphore(%run_scoped3A : memref<!tpu.dma_semaphore, #tpu.memory_space<semaphore_mem>>) src(%dma_wait3A_138 : memref<1024xi32, #tpu.memory_space<hbm>>) dst(%arg5 : memref<1024xi32, #tpu.memory_space<vmem>>)
      tpu.yield
    }) : () -> ()
    %dma_start3A = arith.constant 0 : i32
    %dma_start3A_5 = arith.constant 0 : i32
    %dma_start3A_6 = tpu.memref_slice %arg3[%dma_start3A, %dma_start3A_5] : memref<100000x32xf32, #tpu.memory_space<hbm>> -> memref<100000x32xf32, #tpu.memory_space<hbm>>
    tpu.enqueue_indirect_dma source(%dma_start3A_6 : memref<100000x32xf32, #tpu.memory_space<hbm>>) target(%arg7 : memref<1024x32xf32, #tpu.memory_space<vmem>>) offsets(%arg5 : memref<1024xi32, #tpu.memory_space<vmem>>) semaphore(%arg9 : memref<!tpu.dma_semaphore, #tpu.memory_space<semaphore_mem>>)
    %scan3A = arith.constant 0 : i32
    %scan3A_7 = arith.constant 0 : i32
    %scan3A_8 = arith.constant 5 : i32
    %scan3A_9 = arith.addi %scan3A_7, %scan3A_8 : i32
    %scan3A_10 = arith.constant 1 : i32
    scf.for %scan3A_135 = %scan3A_7 to %scan3A_9 step %scan3A_10  : i32 {
      %dma_wait3A_136 = arith.constant 0 : i32
      %dma_wait3A_137 = arith.constant 0 : i32
      %dma_wait3A_138 = tpu.memref_slice %arg3[%dma_wait3A_136, %dma_wait3A_137] : memref<100000x32xf32, #tpu.memory_space<hbm>> -> memref<100000x32xf32, #tpu.memory_space<hbm>>
      tpu.wait_indirect_dma semaphore(%arg9 : memref<!tpu.dma_semaphore, #tpu.memory_space<semaphore_mem>>) src(%dma_wait3A_138 : memref<100000x32xf32, #tpu.memory_space<hbm>>) dst(%arg7 : memref<1024x32xf32, #tpu.memory_space<vmem>>)
      %mul3A_139 = arith.constant 2 : i32
      %mul3A_140 = arith.muli %mul3A_139, %scan3A_135 : i32
      %mul3A_141 = arith.constant 1024 : i32
      %mul3A_142 = arith.muli %mul3A_140, %mul3A_141 : i32
      %add3A_143 = arith.addi %mul3A_2, %mul3A_142 : i32
      %jit3A_144 = arith.constant 4 : i32
      %div3A_145 = arith.divsi %add3A_143, %jit3A_144 : i32
      %sign3A_146 = arith.constant 0 : i32
      %sign3A_147 = arith.cmpi sgt, %add3A_143, %sign3A_146 : i32
      %sign3A_148 = arith.extui %sign3A_147 : i1 to i32
      %sign3A_149 = arith.constant 0 : i32
      %sign3A_150 = arith.cmpi slt, %add3A_143, %sign3A_149 : i32
      %sign3A_151 = arith.extui %sign3A_150 : i1 to i32
      %sign3A_152 = arith.subi %sign3A_148, %sign3A_151 : i32
      %sign3A_153 = arith.constant 0 : i32
      %sign3A_154 = arith.cmpi sgt, %jit3A_144, %sign3A_153 : i32
      %sign3A_155 = arith.extui %sign3A_154 : i1 to i32
      %sign3A_156 = arith.constant 0 : i32
      %sign3A_157 = arith.cmpi slt, %jit3A_144, %sign3A_156 : i32
      %sign3A_158 = arith.extui %sign3A_157 : i1 to i32
      %sign3A_159 = arith.subi %sign3A_155, %sign3A_158 : i32
      %ne3A_160 = arith.cmpi ne, %sign3A_152, %sign3A_159 : i32
      %rem3A_161 = arith.remsi %add3A_143, %jit3A_144 : i32
      %ne3A_162 = arith.constant 0 : i32
      %ne3A_163 = arith.cmpi ne, %rem3A_161, %ne3A_162 : i32
      %and3A_164 = arith.andi %ne3A_160, %ne3A_163 : i1
      %sub3A_165 = arith.constant 1 : i32
      %sub3A_166 = arith.subi %div3A_145, %sub3A_165 : i32
      %select_n3A_167 = arith.select %and3A_164, %sub3A_166, %div3A_145 : i32
      %dma_start3A_168 = arith.constant 0 : i32
      %dma_start3A_169 = arith.constant 0 : i32
      %dma_start3A_170 = tpu.memref_slice %arg7[%dma_start3A_168, %dma_start3A_169] : memref<1024x32xf32, #tpu.memory_space<vmem>> -> memref<256x32xf32, #tpu.memory_space<vmem>>
      %dma_start3A_171 = arith.constant 0 : i32
      %dma_start3A_172 = tpu.memref_slice %arg4[%select_n3A_167, %dma_start3A_171] : memref<81920x128xf32, #tpu.memory_space<hbm>> -> memref<256x32xf32, #tpu.memory_space<hbm>>
      %dma_start3A_173 = arith.constant 0 : i32
      %dma_start3A_174 = tpu.memref_slice %arg4[%select_n3A_167, %dma_start3A_173] : memref<81920x128xf32, #tpu.memory_space<hbm>> -> memref<256x32xf32, #tpu.memory_space<hbm>>
      %dma_start3A_175 = arith.constant 0 : i32
      %dma_start3A_176 = arith.constant 0 : i32
      %dma_start3A_177 = tpu.memref_slice %arg7[%dma_start3A_175, %dma_start3A_176] : memref<1024x32xf32, #tpu.memory_space<vmem>> -> memref<256x32xf32, #tpu.memory_space<vmem>>
      tpu.enqueue_dma source(%dma_start3A_177 : memref<256x32xf32, #tpu.memory_space<vmem>>) target(%dma_start3A_174 : memref<256x32xf32, #tpu.memory_space<hbm>>) target_semaphore(%arg11 : memref<!tpu.dma_semaphore, #tpu.memory_space<semaphore_mem>>)
      %dma_start3A_178 = arith.constant 256 : i32
      %dma_start3A_179 = arith.constant 0 : i32
      %dma_start3A_180 = tpu.memref_slice %arg7[%dma_start3A_178, %dma_start3A_179] : memref<1024x32xf32, #tpu.memory_space<vmem>> -> memref<256x32xf32, #tpu.memory_space<vmem>>
      %dma_start3A_181 = arith.constant 32 : i32
      %dma_start3A_182 = tpu.memref_slice %arg4[%select_n3A_167, %dma_start3A_181] : memref<81920x128xf32, #tpu.memory_space<hbm>> -> memref<256x32xf32, #tpu.memory_space<hbm>>
      %dma_start3A_183 = arith.constant 32 : i32
      %dma_start3A_184 = tpu.memref_slice %arg4[%select_n3A_167, %dma_start3A_183] : memref<81920x128xf32, #tpu.memory_space<hbm>> -> memref<256x32xf32, #tpu.memory_space<hbm>>
      %dma_start3A_185 = arith.constant 256 : i32
      %dma_start3A_186 = arith.constant 0 : i32
      %dma_start3A_187 = tpu.memref_slice %arg7[%dma_start3A_185, %dma_start3A_186] : memref<1024x32xf32, #tpu.memory_space<vmem>> -> memref<256x32xf32, #tpu.memory_space<vmem>>
      tpu.enqueue_dma source(%dma_start3A_187 : memref<256x32xf32, #tpu.memory_space<vmem>>) target(%dma_start3A_184 : memref<256x32xf32, #tpu.memory_space<hbm>>) target_semaphore(%arg11 : memref<!tpu.dma_semaphore, #tpu.memory_space<semaphore_mem>>)
      %dma_start3A_188 = arith.constant 512 : i32
      %dma_start3A_189 = arith.constant 0 : i32
      %dma_start3A_190 = tpu.memref_slice %arg7[%dma_start3A_188, %dma_start3A_189] : memref<1024x32xf32, #tpu.memory_space<vmem>> -> memref<256x32xf32, #tpu.memory_space<vmem>>
      %dma_start3A_191 = arith.constant 64 : i32
      %dma_start3A_192 = tpu.memref_slice %arg4[%select_n3A_167, %dma_start3A_191] : memref<81920x128xf32, #tpu.memory_space<hbm>> -> memref<256x32xf32, #tpu.memory_space<hbm>>
      %dma_start3A_193 = arith.constant 64 : i32
      %dma_start3A_194 = tpu.memref_slice %arg4[%select_n3A_167, %dma_start3A_193] : memref<81920x128xf32, #tpu.memory_space<hbm>> -> memref<256x32xf32, #tpu.memory_space<hbm>>
      %dma_start3A_195 = arith.constant 512 : i32
      %dma_start3A_196 = arith.constant 0 : i32
      %dma_start3A_197 = tpu.memref_slice %arg7[%dma_start3A_195, %dma_start3A_196] : memref<1024x32xf32, #tpu.memory_space<vmem>> -> memref<256x32xf32, #tpu.memory_space<vmem>>
      tpu.enqueue_dma source(%dma_start3A_197 : memref<256x32xf32, #tpu.memory_space<vmem>>) target(%dma_start3A_194 : memref<256x32xf32, #tpu.memory_space<hbm>>) target_semaphore(%arg11 : memref<!tpu.dma_semaphore, #tpu.memory_space<semaphore_mem>>)
      %dma_start3A_198 = arith.constant 768 : i32
      %dma_start3A_199 = arith.constant 0 : i32
      %dma_start3A_200 = tpu.memref_slice %arg7[%dma_start3A_198, %dma_start3A_199] : memref<1024x32xf32, #tpu.memory_space<vmem>> -> memref<256x32xf32, #tpu.memory_space<vmem>>
      %dma_start3A_201 = arith.constant 96 : i32
      %dma_start3A_202 = tpu.memref_slice %arg4[%select_n3A_167, %dma_start3A_201] : memref<81920x128xf32, #tpu.memory_space<hbm>> -> memref<256x32xf32, #tpu.memory_space<hbm>>
      %dma_start3A_203 = arith.constant 96 : i32
      %dma_start3A_204 = tpu.memref_slice %arg4[%select_n3A_167, %dma_start3A_203] : memref<81920x128xf32, #tpu.memory_space<hbm>> -> memref<256x32xf32, #tpu.memory_space<hbm>>
      %dma_start3A_205 = arith.constant 768 : i32
      %dma_start3A_206 = arith.constant 0 : i32
      %dma_start3A_207 = tpu.memref_slice %arg7[%dma_start3A_205, %dma_start3A_206] : memref<1024x32xf32, #tpu.memory_space<vmem>> -> memref<256x32xf32, #tpu.memory_space<vmem>>
      tpu.enqueue_dma source(%dma_start3A_207 : memref<256x32xf32, #tpu.memory_space<vmem>>) target(%dma_start3A_204 : memref<256x32xf32, #tpu.memory_space<hbm>>) target_semaphore(%arg11 : memref<!tpu.dma_semaphore, #tpu.memory_space<semaphore_mem>>)
      %gt3A = arith.constant 0 : i32
      %gt3A_208 = arith.cmpi sgt, %scan3A_135, %gt3A : i32
      %convert_element_type3A = arith.extui %gt3A_208 : i1 to i32
      %cond3A = arith.constant 0 : i32
      %cond3A_209 = arith.cmpi ne, %convert_element_type3A, %cond3A : i32
      scf.if %cond3A_209 {
        %mul3A_298 = arith.constant 2 : i32
        %mul3A_299 = arith.muli %mul3A_298, %scan3A_135 : i32
        %sub3A_300 = arith.constant 1 : i32
        %sub3A_301 = arith.subi %mul3A_299, %sub3A_300 : i32
        %mul3A_302 = arith.constant 1024 : i32
        %mul3A_303 = arith.muli %sub3A_301, %mul3A_302 : i32
        %add3A_304 = arith.addi %mul3A_2, %mul3A_303 : i32
        %jit3A_305 = arith.constant 4 : i32
        %div3A_306 = arith.divsi %add3A_304, %jit3A_305 : i32
        %sign3A_307 = arith.constant 0 : i32
        %sign3A_308 = arith.cmpi sgt, %add3A_304, %sign3A_307 : i32
        %sign3A_309 = arith.extui %sign3A_308 : i1 to i32
        %sign3A_310 = arith.constant 0 : i32
        %sign3A_311 = arith.cmpi slt, %add3A_304, %sign3A_310 : i32
        %sign3A_312 = arith.extui %sign3A_311 : i1 to i32
        %sign3A_313 = arith.subi %sign3A_309, %sign3A_312 : i32
        %sign3A_314 = arith.constant 0 : i32
        %sign3A_315 = arith.cmpi sgt, %jit3A_305, %sign3A_314 : i32
        %sign3A_316 = arith.extui %sign3A_315 : i1 to i32
        %sign3A_317 = arith.constant 0 : i32
        %sign3A_318 = arith.cmpi slt, %jit3A_305, %sign3A_317 : i32
        %sign3A_319 = arith.extui %sign3A_318 : i1 to i32
        %sign3A_320 = arith.subi %sign3A_316, %sign3A_319 : i32
        %ne3A_321 = arith.cmpi ne, %sign3A_313, %sign3A_320 : i32
        %rem3A_322 = arith.remsi %add3A_304, %jit3A_305 : i32
        %ne3A_323 = arith.constant 0 : i32
        %ne3A_324 = arith.cmpi ne, %rem3A_322, %ne3A_323 : i32
        %and3A_325 = arith.andi %ne3A_321, %ne3A_324 : i1
        %sub3A_326 = arith.constant 1 : i32
        %sub3A_327 = arith.subi %div3A_306, %sub3A_326 : i32
        %select_n3A_328 = arith.select %and3A_325, %sub3A_327, %div3A_306 : i32
        %dma_wait3A_329 = arith.constant 0 : i32
        %dma_wait3A_330 = arith.constant 0 : i32
        %dma_wait3A_331 = tpu.memref_slice %arg8[%dma_wait3A_329, %dma_wait3A_330] : memref<1024x32xf32, #tpu.memory_space<vmem>> -> memref<256x32xf32, #tpu.memory_space<vmem>>
        %dma_wait3A_332 = arith.constant 0 : i32
        %dma_wait3A_333 = tpu.memref_slice %arg4[%select_n3A_328, %dma_wait3A_332] : memref<81920x128xf32, #tpu.memory_space<hbm>> -> memref<256x32xf32, #tpu.memory_space<hbm>>
        %dma_wait3A_334 = arith.constant 0 : i32
        %dma_wait3A_335 = tpu.memref_slice %arg4[%select_n3A_328, %dma_wait3A_334] : memref<81920x128xf32, #tpu.memory_space<hbm>> -> memref<256x32xf32, #tpu.memory_space<hbm>>
        %dma_wait3A_336 = arith.constant 0 : i32
        %dma_wait3A_337 = arith.constant 0 : i32
        %dma_wait3A_338 = tpu.memref_slice %arg8[%dma_wait3A_336, %dma_wait3A_337] : memref<1024x32xf32, #tpu.memory_space<vmem>> -> memref<256x32xf32, #tpu.memory_space<vmem>>
        tpu.wait_dma2 semaphore(%arg12 : memref<!tpu.dma_semaphore, #tpu.memory_space<semaphore_mem>>) src(%dma_wait3A_338 : memref<256x32xf32, #tpu.memory_space<vmem>>) dst(%dma_wait3A_335 : memref<256x32xf32, #tpu.memory_space<hbm>>)
        %dma_wait3A_339 = arith.constant 256 : i32
        %dma_wait3A_340 = arith.constant 0 : i32
        %dma_wait3A_341 = tpu.memref_slice %arg8[%dma_wait3A_339, %dma_wait3A_340] : memref<1024x32xf32, #tpu.memory_space<vmem>> -> memref<256x32xf32, #tpu.memory_space<vmem>>
        %dma_wait3A_342 = arith.constant 32 : i32
        %dma_wait3A_343 = tpu.memref_slice %arg4[%select_n3A_328, %dma_wait3A_342] : memref<81920x128xf32, #tpu.memory_space<hbm>> -> memref<256x32xf32, #tpu.memory_space<hbm>>
        %dma_wait3A_344 = arith.constant 32 : i32
        %dma_wait3A_345 = tpu.memref_slice %arg4[%select_n3A_328, %dma_wait3A_344] : memref<81920x128xf32, #tpu.memory_space<hbm>> -> memref<256x32xf32, #tpu.memory_space<hbm>>
        %dma_wait3A_346 = arith.constant 256 : i32
        %dma_wait3A_347 = arith.constant 0 : i32
        %dma_wait3A_348 = tpu.memref_slice %arg8[%dma_wait3A_346, %dma_wait3A_347] : memref<1024x32xf32, #tpu.memory_space<vmem>> -> memref<256x32xf32, #tpu.memory_space<vmem>>
        tpu.wait_dma2 semaphore(%arg12 : memref<!tpu.dma_semaphore, #tpu.memory_space<semaphore_mem>>) src(%dma_wait3A_348 : memref<256x32xf32, #tpu.memory_space<vmem>>) dst(%dma_wait3A_345 : memref<256x32xf32, #tpu.memory_space<hbm>>)
        %dma_wait3A_349 = arith.constant 512 : i32
        %dma_wait3A_350 = arith.constant 0 : i32
        %dma_wait3A_351 = tpu.memref_slice %arg8[%dma_wait3A_349, %dma_wait3A_350] : memref<1024x32xf32, #tpu.memory_space<vmem>> -> memref<256x32xf32, #tpu.memory_space<vmem>>
        %dma_wait3A_352 = arith.constant 64 : i32
        %dma_wait3A_353 = tpu.memref_slice %arg4[%select_n3A_328, %dma_wait3A_352] : memref<81920x128xf32, #tpu.memory_space<hbm>> -> memref<256x32xf32, #tpu.memory_space<hbm>>
        %dma_wait3A_354 = arith.constant 64 : i32
        %dma_wait3A_355 = tpu.memref_slice %arg4[%select_n3A_328, %dma_wait3A_354] : memref<81920x128xf32, #tpu.memory_space<hbm>> -> memref<256x32xf32, #tpu.memory_space<hbm>>
        %dma_wait3A_356 = arith.constant 512 : i32
        %dma_wait3A_357 = arith.constant 0 : i32
        %dma_wait3A_358 = tpu.memref_slice %arg8[%dma_wait3A_356, %dma_wait3A_357] : memref<1024x32xf32, #tpu.memory_space<vmem>> -> memref<256x32xf32, #tpu.memory_space<vmem>>
        tpu.wait_dma2 semaphore(%arg12 : memref<!tpu.dma_semaphore, #tpu.memory_space<semaphore_mem>>) src(%dma_wait3A_358 : memref<256x32xf32, #tpu.memory_space<vmem>>) dst(%dma_wait3A_355 : memref<256x32xf32, #tpu.memory_space<hbm>>)
        %dma_wait3A_359 = arith.constant 768 : i32
        %dma_wait3A_360 = arith.constant 0 : i32
        %dma_wait3A_361 = tpu.memref_slice %arg8[%dma_wait3A_359, %dma_wait3A_360] : memref<1024x32xf32, #tpu.memory_space<vmem>> -> memref<256x32xf32, #tpu.memory_space<vmem>>
        %dma_wait3A_362 = arith.constant 96 : i32
        %dma_wait3A_363 = tpu.memref_slice %arg4[%select_n3A_328, %dma_wait3A_362] : memref<81920x128xf32, #tpu.memory_space<hbm>> -> memref<256x32xf32, #tpu.memory_space<hbm>>
        %dma_wait3A_364 = arith.constant 96 : i32
        %dma_wait3A_365 = tpu.memref_slice %arg4[%select_n3A_328, %dma_wait3A_364] : memref<81920x128xf32, #tpu.memory_space<hbm>> -> memref<256x32xf32, #tpu.memory_space<hbm>>
        %dma_wait3A_366 = arith.constant 768 : i32
        %dma_wait3A_367 = arith.constant 0 : i32
        %dma_wait3A_368 = tpu.memref_slice %arg8[%dma_wait3A_366, %dma_wait3A_367] : memref<1024x32xf32, #tpu.memory_space<vmem>> -> memref<256x32xf32, #tpu.memory_space<vmem>>
        tpu.wait_dma2 semaphore(%arg12 : memref<!tpu.dma_semaphore, #tpu.memory_space<semaphore_mem>>) src(%dma_wait3A_368 : memref<256x32xf32, #tpu.memory_space<vmem>>) dst(%dma_wait3A_365 : memref<256x32xf32, #tpu.memory_space<hbm>>)
      } else {
      }
      %mul3A_210 = arith.constant 2 : i32
      %mul3A_211 = arith.muli %mul3A_210, %scan3A_135 : i32
      %add3A_212 = arith.constant 1 : i32
      %add3A_213 = arith.addi %mul3A_211, %add3A_212 : i32
      %mul3A_214 = arith.constant 1024 : i32
      %mul3A_215 = arith.muli %add3A_213, %mul3A_214 : i32
      %add3A_216 = arith.addi %mul3A_2, %mul3A_215 : i32
      "tpu.region"() ({
        %run_scoped3A = tpu.sem_alloc : memref<!tpu.dma_semaphore, #tpu.memory_space<semaphore_mem>>
        %dma_start3A_298 = tpu.memref_slice %arg2[%add3A_216] : memref<327680xi32, #tpu.memory_space<hbm>> -> memref<1024xi32, #tpu.memory_space<hbm>>
        %dma_start3A_299 = tpu.memref_slice %arg2[%add3A_216] : memref<327680xi32, #tpu.memory_space<hbm>> -> memref<1024xi32, #tpu.memory_space<hbm>>
        tpu.enqueue_dma source(%dma_start3A_299 : memref<1024xi32, #tpu.memory_space<hbm>>) target(%arg6 : memref<1024xi32, #tpu.memory_space<vmem>>) target_semaphore(%run_scoped3A : memref<!tpu.dma_semaphore, #tpu.memory_space<semaphore_mem>>)
        %dma_wait3A_300 = tpu.memref_slice %arg2[%add3A_216] : memref<327680xi32, #tpu.memory_space<hbm>> -> memref<1024xi32, #tpu.memory_space<hbm>>
        %dma_wait3A_301 = tpu.memref_slice %arg2[%add3A_216] : memref<327680xi32, #tpu.memory_space<hbm>> -> memref<1024xi32, #tpu.memory_space<hbm>>
        tpu.wait_dma2 semaphore(%run_scoped3A : memref<!tpu.dma_semaphore, #tpu.memory_space<semaphore_mem>>) src(%dma_wait3A_301 : memref<1024xi32, #tpu.memory_space<hbm>>) dst(%arg6 : memref<1024xi32, #tpu.memory_space<vmem>>)
        tpu.yield
      }) : () -> ()
      %dma_start3A_217 = arith.constant 0 : i32
      %dma_start3A_218 = arith.constant 0 : i32
      %dma_start3A_219 = tpu.memref_slice %arg3[%dma_start3A_217, %dma_start3A_218] : memref<100000x32xf32, #tpu.memory_space<hbm>> -> memref<100000x32xf32, #tpu.memory_space<hbm>>
      tpu.enqueue_indirect_dma source(%dma_start3A_219 : memref<100000x32xf32, #tpu.memory_space<hbm>>) target(%arg8 : memref<1024x32xf32, #tpu.memory_space<vmem>>) offsets(%arg6 : memref<1024xi32, #tpu.memory_space<vmem>>) semaphore(%arg10 : memref<!tpu.dma_semaphore, #tpu.memory_space<semaphore_mem>>)
      %dma_wait3A_220 = arith.constant 0 : i32
      %dma_wait3A_221 = arith.constant 0 : i32
      %dma_wait3A_222 = tpu.memref_slice %arg3[%dma_wait3A_220, %dma_wait3A_221] : memref<100000x32xf32, #tpu.memory_space<hbm>> -> memref<100000x32xf32, #tpu.memory_space<hbm>>
      tpu.wait_indirect_dma semaphore(%arg10 : memref<!tpu.dma_semaphore, #tpu.memory_space<semaphore_mem>>) src(%dma_wait3A_222 : memref<100000x32xf32, #tpu.memory_space<hbm>>) dst(%arg8 : memref<1024x32xf32, #tpu.memory_space<vmem>>)
      %mul3A_223 = arith.constant 2 : i32
      %mul3A_224 = arith.muli %mul3A_223, %scan3A_135 : i32
      %add3A_225 = arith.constant 1 : i32
      %add3A_226 = arith.addi %mul3A_224, %add3A_225 : i32
      %mul3A_227 = arith.constant 1024 : i32
      %mul3A_228 = arith.muli %add3A_226, %mul3A_227 : i32
      %add3A_229 = arith.addi %mul3A_2, %mul3A_228 : i32
      %jit3A_230 = arith.constant 4 : i32
      %div3A_231 = arith.divsi %add3A_229, %jit3A_230 : i32
      %sign3A_232 = arith.constant 0 : i32
      %sign3A_233 = arith.cmpi sgt, %add3A_229, %sign3A_232 : i32
      %sign3A_234 = arith.extui %sign3A_233 : i1 to i32
      %sign3A_235 = arith.constant 0 : i32
      %sign3A_236 = arith.cmpi slt, %add3A_229, %sign3A_235 : i32
      %sign3A_237 = arith.extui %sign3A_236 : i1 to i32
      %sign3A_238 = arith.subi %sign3A_234, %sign3A_237 : i32
      %sign3A_239 = arith.constant 0 : i32
      %sign3A_240 = arith.cmpi sgt, %jit3A_230, %sign3A_239 : i32
      %sign3A_241 = arith.extui %sign3A_240 : i1 to i32
      %sign3A_242 = arith.constant 0 : i32
      %sign3A_243 = arith.cmpi slt, %jit3A_230, %sign3A_242 : i32
      %sign3A_244 = arith.extui %sign3A_243 : i1 to i32
      %sign3A_245 = arith.subi %sign3A_241, %sign3A_244 : i32
      %ne3A_246 = arith.cmpi ne, %sign3A_238, %sign3A_245 : i32
      %rem3A_247 = arith.remsi %add3A_229, %jit3A_230 : i32
      %ne3A_248 = arith.constant 0 : i32
      %ne3A_249 = arith.cmpi ne, %rem3A_247, %ne3A_248 : i32
      %and3A_250 = arith.andi %ne3A_246, %ne3A_249 : i1
      %sub3A_251 = arith.constant 1 : i32
      %sub3A_252 = arith.subi %div3A_231, %sub3A_251 : i32
      %select_n3A_253 = arith.select %and3A_250, %sub3A_252, %div3A_231 : i32
      %dma_start3A_254 = arith.constant 0 : i32
      %dma_start3A_255 = arith.constant 0 : i32
      %dma_start3A_256 = tpu.memref_slice %arg8[%dma_start3A_254, %dma_start3A_255] : memref<1024x32xf32, #tpu.memory_space<vmem>> -> memref<256x32xf32, #tpu.memory_space<vmem>>
      %dma_start3A_257 = arith.constant 0 : i32
      %dma_start3A_258 = tpu.memref_slice %arg4[%select_n3A_253, %dma_start3A_257] : memref<81920x128xf32, #tpu.memory_space<hbm>> -> memref<256x32xf32, #tpu.memory_space<hbm>>
      %dma_start3A_259 = arith.constant 0 : i32
      %dma_start3A_260 = tpu.memref_slice %arg4[%select_n3A_253, %dma_start3A_259] : memref<81920x128xf32, #tpu.memory_space<hbm>> -> memref<256x32xf32, #tpu.memory_space<hbm>>
      %dma_start3A_261 = arith.constant 0 : i32
      %dma_start3A_262 = arith.constant 0 : i32
      %dma_start3A_263 = tpu.memref_slice %arg8[%dma_start3A_261, %dma_start3A_262] : memref<1024x32xf32, #tpu.memory_space<vmem>> -> memref<256x32xf32, #tpu.memory_space<vmem>>
      tpu.enqueue_dma source(%dma_start3A_263 : memref<256x32xf32, #tpu.memory_space<vmem>>) target(%dma_start3A_260 : memref<256x32xf32, #tpu.memory_space<hbm>>) target_semaphore(%arg12 : memref<!tpu.dma_semaphore, #tpu.memory_space<semaphore_mem>>)
      %dma_start3A_264 = arith.constant 256 : i32
      %dma_start3A_265 = arith.constant 0 : i32
      %dma_start3A_266 = tpu.memref_slice %arg8[%dma_start3A_264, %dma_start3A_265] : memref<1024x32xf32, #tpu.memory_space<vmem>> -> memref<256x32xf32, #tpu.memory_space<vmem>>
      %dma_start3A_267 = arith.constant 32 : i32
      %dma_start3A_268 = tpu.memref_slice %arg4[%select_n3A_253, %dma_start3A_267] : memref<81920x128xf32, #tpu.memory_space<hbm>> -> memref<256x32xf32, #tpu.memory_space<hbm>>
      %dma_start3A_269 = arith.constant 32 : i32
      %dma_start3A_270 = tpu.memref_slice %arg4[%select_n3A_253, %dma_start3A_269] : memref<81920x128xf32, #tpu.memory_space<hbm>> -> memref<256x32xf32, #tpu.memory_space<hbm>>
      %dma_start3A_271 = arith.constant 256 : i32
      %dma_start3A_272 = arith.constant 0 : i32
      %dma_start3A_273 = tpu.memref_slice %arg8[%dma_start3A_271, %dma_start3A_272] : memref<1024x32xf32, #tpu.memory_space<vmem>> -> memref<256x32xf32, #tpu.memory_space<vmem>>
      tpu.enqueue_dma source(%dma_start3A_273 : memref<256x32xf32, #tpu.memory_space<vmem>>) target(%dma_start3A_270 : memref<256x32xf32, #tpu.memory_space<hbm>>) target_semaphore(%arg12 : memref<!tpu.dma_semaphore, #tpu.memory_space<semaphore_mem>>)
      %dma_start3A_274 = arith.constant 512 : i32
      %dma_start3A_275 = arith.constant 0 : i32
      %dma_start3A_276 = tpu.memref_slice %arg8[%dma_start3A_274, %dma_start3A_275] : memref<1024x32xf32, #tpu.memory_space<vmem>> -> memref<256x32xf32, #tpu.memory_space<vmem>>
      %dma_start3A_277 = arith.constant 64 : i32
      %dma_start3A_278 = tpu.memref_slice %arg4[%select_n3A_253, %dma_start3A_277] : memref<81920x128xf32, #tpu.memory_space<hbm>> -> memref<256x32xf32, #tpu.memory_space<hbm>>
      %dma_start3A_279 = arith.constant 64 : i32
      %dma_start3A_280 = tpu.memref_slice %arg4[%select_n3A_253, %dma_start3A_279] : memref<81920x128xf32, #tpu.memory_space<hbm>> -> memref<256x32xf32, #tpu.memory_space<hbm>>
      %dma_start3A_281 = arith.constant 512 : i32
      %dma_start3A_282 = arith.constant 0 : i32
      %dma_start3A_283 = tpu.memref_slice %arg8[%dma_start3A_281, %dma_start3A_282] : memref<1024x32xf32, #tpu.memory_space<vmem>> -> memref<256x32xf32, #tpu.memory_space<vmem>>
      tpu.enqueue_dma source(%dma_start3A_283 : memref<256x32xf32, #tpu.memory_space<vmem>>) target(%dma_start3A_280 : memref<256x32xf32, #tpu.memory_space<hbm>>) target_semaphore(%arg12 : memref<!tpu.dma_semaphore, #tpu.memory_space<semaphore_mem>>)
      %dma_start3A_284 = arith.constant 768 : i32
      %dma_start3A_285 = arith.constant 0 : i32
      %dma_start3A_286 = tpu.memref_slice %arg8[%dma_start3A_284, %dma_start3A_285] : memref<1024x32xf32, #tpu.memory_space<vmem>> -> memref<256x32xf32, #tpu.memory_space<vmem>>
      %dma_start3A_287 = arith.constant 96 : i32
      %dma_start3A_288 = tpu.memref_slice %arg4[%select_n3A_253, %dma_start3A_287] : memref<81920x128xf32, #tpu.memory_space<hbm>> -> memref<256x32xf32, #tpu.memory_space<hbm>>
      %dma_start3A_289 = arith.constant 96 : i32
      %dma_start3A_290 = tpu.memref_slice %arg4[%select_n3A_253, %dma_start3A_289] : memref<81920x128xf32, #tpu.memory_space<hbm>> -> memref<256x32xf32, #tpu.memory_space<hbm>>
      %dma_start3A_291 = arith.constant 768 : i32
      %dma_start3A_292 = arith.constant 0 : i32
      %dma_start3A_293 = tpu.memref_slice %arg8[%dma_start3A_291, %dma_start3A_292] : memref<1024x32xf32, #tpu.memory_space<vmem>> -> memref<256x32xf32, #tpu.memory_space<vmem>>
      tpu.enqueue_dma source(%dma_start3A_293 : memref<256x32xf32, #tpu.memory_space<vmem>>) target(%dma_start3A_290 : memref<256x32xf32, #tpu.memory_space<hbm>>) target_semaphore(%arg12 : memref<!tpu.dma_semaphore, #tpu.memory_space<semaphore_mem>>)
      %lt3A = arith.constant 4 : i32
      %lt3A_294 = arith.cmpi slt, %scan3A_135, %lt3A : i32
      %convert_element_type3A_295 = arith.extui %lt3A_294 : i1 to i32
      %cond3A_296 = arith.constant 0 : i32
      %cond3A_297 = arith.cmpi ne, %convert_element_type3A_295, %cond3A_296 : i32
      scf.if %cond3A_297 {
        %mul3A_298 = arith.constant 2 : i32
        %mul3A_299 = arith.muli %mul3A_298, %scan3A_135 : i32
        %mul3A_300 = arith.constant 1024 : i32
        %mul3A_301 = arith.muli %mul3A_299, %mul3A_300 : i32
        %add3A_302 = arith.addi %mul3A_2, %mul3A_301 : i32
        %jit3A_303 = arith.constant 4 : i32
        %div3A_304 = arith.divsi %add3A_302, %jit3A_303 : i32
        %sign3A_305 = arith.constant 0 : i32
        %sign3A_306 = arith.cmpi sgt, %add3A_302, %sign3A_305 : i32
        %sign3A_307 = arith.extui %sign3A_306 : i1 to i32
        %sign3A_308 = arith.constant 0 : i32
        %sign3A_309 = arith.cmpi slt, %add3A_302, %sign3A_308 : i32
        %sign3A_310 = arith.extui %sign3A_309 : i1 to i32
        %sign3A_311 = arith.subi %sign3A_307, %sign3A_310 : i32
        %sign3A_312 = arith.constant 0 : i32
        %sign3A_313 = arith.cmpi sgt, %jit3A_303, %sign3A_312 : i32
        %sign3A_314 = arith.extui %sign3A_313 : i1 to i32
        %sign3A_315 = arith.constant 0 : i32
        %sign3A_316 = arith.cmpi slt, %jit3A_303, %sign3A_315 : i32
        %sign3A_317 = arith.extui %sign3A_316 : i1 to i32
        %sign3A_318 = arith.subi %sign3A_314, %sign3A_317 : i32
        %ne3A_319 = arith.cmpi ne, %sign3A_311, %sign3A_318 : i32
        %rem3A_320 = arith.remsi %add3A_302, %jit3A_303 : i32
        %ne3A_321 = arith.constant 0 : i32
        %ne3A_322 = arith.cmpi ne, %rem3A_320, %ne3A_321 : i32
        %and3A_323 = arith.andi %ne3A_319, %ne3A_322 : i1
        %sub3A_324 = arith.constant 1 : i32
        %sub3A_325 = arith.subi %div3A_304, %sub3A_324 : i32
        %select_n3A_326 = arith.select %and3A_323, %sub3A_325, %div3A_304 : i32
        %dma_wait3A_327 = arith.constant 0 : i32
        %dma_wait3A_328 = arith.constant 0 : i32
        %dma_wait3A_329 = tpu.memref_slice %arg7[%dma_wait3A_327, %dma_wait3A_328] : memref<1024x32xf32, #tpu.memory_space<vmem>> -> memref<256x32xf32, #tpu.memory_space<vmem>>
        %dma_wait3A_330 = arith.constant 0 : i32
        %dma_wait3A_331 = tpu.memref_slice %arg4[%select_n3A_326, %dma_wait3A_330] : memref<81920x128xf32, #tpu.memory_space<hbm>> -> memref<256x32xf32, #tpu.memory_space<hbm>>
        %dma_wait3A_332 = arith.constant 0 : i32
        %dma_wait3A_333 = tpu.memref_slice %arg4[%select_n3A_326, %dma_wait3A_332] : memref<81920x128xf32, #tpu.memory_space<hbm>> -> memref<256x32xf32, #tpu.memory_space<hbm>>
        %dma_wait3A_334 = arith.constant 0 : i32
        %dma_wait3A_335 = arith.constant 0 : i32
        %dma_wait3A_336 = tpu.memref_slice %arg7[%dma_wait3A_334, %dma_wait3A_335] : memref<1024x32xf32, #tpu.memory_space<vmem>> -> memref<256x32xf32, #tpu.memory_space<vmem>>
        tpu.wait_dma2 semaphore(%arg11 : memref<!tpu.dma_semaphore, #tpu.memory_space<semaphore_mem>>) src(%dma_wait3A_336 : memref<256x32xf32, #tpu.memory_space<vmem>>) dst(%dma_wait3A_333 : memref<256x32xf32, #tpu.memory_space<hbm>>)
        %dma_wait3A_337 = arith.constant 256 : i32
        %dma_wait3A_338 = arith.constant 0 : i32
        %dma_wait3A_339 = tpu.memref_slice %arg7[%dma_wait3A_337, %dma_wait3A_338] : memref<1024x32xf32, #tpu.memory_space<vmem>> -> memref<256x32xf32, #tpu.memory_space<vmem>>
        %dma_wait3A_340 = arith.constant 32 : i32
        %dma_wait3A_341 = tpu.memref_slice %arg4[%select_n3A_326, %dma_wait3A_340] : memref<81920x128xf32, #tpu.memory_space<hbm>> -> memref<256x32xf32, #tpu.memory_space<hbm>>
        %dma_wait3A_342 = arith.constant 32 : i32
        %dma_wait3A_343 = tpu.memref_slice %arg4[%select_n3A_326, %dma_wait3A_342] : memref<81920x128xf32, #tpu.memory_space<hbm>> -> memref<256x32xf32, #tpu.memory_space<hbm>>
        %dma_wait3A_344 = arith.constant 256 : i32
        %dma_wait3A_345 = arith.constant 0 : i32
        %dma_wait3A_346 = tpu.memref_slice %arg7[%dma_wait3A_344, %dma_wait3A_345] : memref<1024x32xf32, #tpu.memory_space<vmem>> -> memref<256x32xf32, #tpu.memory_space<vmem>>
        tpu.wait_dma2 semaphore(%arg11 : memref<!tpu.dma_semaphore, #tpu.memory_space<semaphore_mem>>) src(%dma_wait3A_346 : memref<256x32xf32, #tpu.memory_space<vmem>>) dst(%dma_wait3A_343 : memref<256x32xf32, #tpu.memory_space<hbm>>)
        %dma_wait3A_347 = arith.constant 512 : i32
        %dma_wait3A_348 = arith.constant 0 : i32
        %dma_wait3A_349 = tpu.memref_slice %arg7[%dma_wait3A_347, %dma_wait3A_348] : memref<1024x32xf32, #tpu.memory_space<vmem>> -> memref<256x32xf32, #tpu.memory_space<vmem>>
        %dma_wait3A_350 = arith.constant 64 : i32
        %dma_wait3A_351 = tpu.memref_slice %arg4[%select_n3A_326, %dma_wait3A_350] : memref<81920x128xf32, #tpu.memory_space<hbm>> -> memref<256x32xf32, #tpu.memory_space<hbm>>
        %dma_wait3A_352 = arith.constant 64 : i32
        %dma_wait3A_353 = tpu.memref_slice %arg4[%select_n3A_326, %dma_wait3A_352] : memref<81920x128xf32, #tpu.memory_space<hbm>> -> memref<256x32xf32, #tpu.memory_space<hbm>>
        %dma_wait3A_354 = arith.constant 512 : i32
        %dma_wait3A_355 = arith.constant 0 : i32
        %dma_wait3A_356 = tpu.memref_slice %arg7[%dma_wait3A_354, %dma_wait3A_355] : memref<1024x32xf32, #tpu.memory_space<vmem>> -> memref<256x32xf32, #tpu.memory_space<vmem>>
        tpu.wait_dma2 semaphore(%arg11 : memref<!tpu.dma_semaphore, #tpu.memory_space<semaphore_mem>>) src(%dma_wait3A_356 : memref<256x32xf32, #tpu.memory_space<vmem>>) dst(%dma_wait3A_353 : memref<256x32xf32, #tpu.memory_space<hbm>>)
        %dma_wait3A_357 = arith.constant 768 : i32
        %dma_wait3A_358 = arith.constant 0 : i32
        %dma_wait3A_359 = tpu.memref_slice %arg7[%dma_wait3A_357, %dma_wait3A_358] : memref<1024x32xf32, #tpu.memory_space<vmem>> -> memref<256x32xf32, #tpu.memory_space<vmem>>
        %dma_wait3A_360 = arith.constant 96 : i32
        %dma_wait3A_361 = tpu.memref_slice %arg4[%select_n3A_326, %dma_wait3A_360] : memref<81920x128xf32, #tpu.memory_space<hbm>> -> memref<256x32xf32, #tpu.memory_space<hbm>>
        %dma_wait3A_362 = arith.constant 96 : i32
        %dma_wait3A_363 = tpu.memref_slice %arg4[%select_n3A_326, %dma_wait3A_362] : memref<81920x128xf32, #tpu.memory_space<hbm>> -> memref<256x32xf32, #tpu.memory_space<hbm>>
        %dma_wait3A_364 = arith.constant 768 : i32
        %dma_wait3A_365 = arith.constant 0 : i32
        %dma_wait3A_366 = tpu.memref_slice %arg7[%dma_wait3A_364, %dma_wait3A_365] : memref<1024x32xf32, #tpu.memory_space<vmem>> -> memref<256x32xf32, #tpu.memory_space<vmem>>
        tpu.wait_dma2 semaphore(%arg11 : memref<!tpu.dma_semaphore, #tpu.memory_space<semaphore_mem>>) src(%dma_wait3A_366 : memref<256x32xf32, #tpu.memory_space<vmem>>) dst(%dma_wait3A_363 : memref<256x32xf32, #tpu.memory_space<hbm>>)
        %mul3A_367 = arith.constant 2 : i32
        %mul3A_368 = arith.muli %mul3A_367, %scan3A_135 : i32
        %add3A_369 = arith.constant 2 : i32
        %add3A_370 = arith.addi %mul3A_368, %add3A_369 : i32
        %mul3A_371 = arith.constant 1024 : i32
        %mul3A_372 = arith.muli %add3A_370, %mul3A_371 : i32
        %add3A_373 = arith.addi %mul3A_2, %mul3A_372 : i32
        "tpu.region"() ({
          %run_scoped3A = tpu.sem_alloc : memref<!tpu.dma_semaphore, #tpu.memory_space<semaphore_mem>>
          %dma_start3A_377 = tpu.memref_slice %arg2[%add3A_373] : memref<327680xi32, #tpu.memory_space<hbm>> -> memref<1024xi32, #tpu.memory_space<hbm>>
          %dma_start3A_378 = tpu.memref_slice %arg2[%add3A_373] : memref<327680xi32, #tpu.memory_space<hbm>> -> memref<1024xi32, #tpu.memory_space<hbm>>
          tpu.enqueue_dma source(%dma_start3A_378 : memref<1024xi32, #tpu.memory_space<hbm>>) target(%arg5 : memref<1024xi32, #tpu.memory_space<vmem>>) target_semaphore(%run_scoped3A : memref<!tpu.dma_semaphore, #tpu.memory_space<semaphore_mem>>)
          %dma_wait3A_379 = tpu.memref_slice %arg2[%add3A_373] : memref<327680xi32, #tpu.memory_space<hbm>> -> memref<1024xi32, #tpu.memory_space<hbm>>
          %dma_wait3A_380 = tpu.memref_slice %arg2[%add3A_373] : memref<327680xi32, #tpu.memory_space<hbm>> -> memref<1024xi32, #tpu.memory_space<hbm>>
          tpu.wait_dma2 semaphore(%run_scoped3A : memref<!tpu.dma_semaphore, #tpu.memory_space<semaphore_mem>>) src(%dma_wait3A_380 : memref<1024xi32, #tpu.memory_space<hbm>>) dst(%arg5 : memref<1024xi32, #tpu.memory_space<vmem>>)
          tpu.yield
        }) : () -> ()
        %dma_start3A_374 = arith.constant 0 : i32
        %dma_start3A_375 = arith.constant 0 : i32
        %dma_start3A_376 = tpu.memref_slice %arg3[%dma_start3A_374, %dma_start3A_375] : memref<100000x32xf32, #tpu.memory_space<hbm>> -> memref<100000x32xf32, #tpu.memory_space<hbm>>
        tpu.enqueue_indirect_dma source(%dma_start3A_376 : memref<100000x32xf32, #tpu.memory_space<hbm>>) target(%arg7 : memref<1024x32xf32, #tpu.memory_space<vmem>>) offsets(%arg5 : memref<1024xi32, #tpu.memory_space<vmem>>) semaphore(%arg9 : memref<!tpu.dma_semaphore, #tpu.memory_space<semaphore_mem>>)
      } else {
      }
    }
    %scan3A_11 = arith.constant 5 : i32
    %add3A_12 = arith.constant 8192 : i32
    %add3A_13 = arith.addi %mul3A_2, %add3A_12 : i32
    %jit3A = arith.constant 4 : i32
    %div3A = arith.divsi %add3A_13, %jit3A : i32
    %sign3A = arith.constant 0 : i32
    %sign3A_14 = arith.cmpi sgt, %add3A_13, %sign3A : i32
    %sign3A_15 = arith.extui %sign3A_14 : i1 to i32
    %sign3A_16 = arith.constant 0 : i32
    %sign3A_17 = arith.cmpi slt, %add3A_13, %sign3A_16 : i32
    %sign3A_18 = arith.extui %sign3A_17 : i1 to i32
    %sign3A_19 = arith.subi %sign3A_15, %sign3A_18 : i32
    %sign3A_20 = arith.constant 0 : i32
    %sign3A_21 = arith.cmpi sgt, %jit3A, %sign3A_20 : i32
    %sign3A_22 = arith.extui %sign3A_21 : i1 to i32
    %sign3A_23 = arith.constant 0 : i32
    %sign3A_24 = arith.cmpi slt, %jit3A, %sign3A_23 : i32
    %sign3A_25 = arith.extui %sign3A_24 : i1 to i32
    %sign3A_26 = arith.subi %sign3A_22, %sign3A_25 : i32
    %ne3A = arith.cmpi ne, %sign3A_19, %sign3A_26 : i32
    %rem3A = arith.remsi %add3A_13, %jit3A : i32
    %ne3A_27 = arith.constant 0 : i32
    %ne3A_28 = arith.cmpi ne, %rem3A, %ne3A_27 : i32
    %and3A = arith.andi %ne3A, %ne3A_28 : i1
    %sub3A = arith.constant 1 : i32
    %sub3A_29 = arith.subi %div3A, %sub3A : i32
    %select_n3A = arith.select %and3A, %sub3A_29, %div3A : i32
    %dma_wait3A = arith.constant 0 : i32
    %dma_wait3A_30 = arith.constant 0 : i32
    %dma_wait3A_31 = tpu.memref_slice %arg7[%dma_wait3A, %dma_wait3A_30] : memref<1024x32xf32, #tpu.memory_space<vmem>> -> memref<256x32xf32, #tpu.memory_space<vmem>>
    %dma_wait3A_32 = arith.constant 0 : i32
    %dma_wait3A_33 = tpu.memref_slice %arg4[%select_n3A, %dma_wait3A_32] : memref<81920x128xf32, #tpu.memory_space<hbm>> -> memref<256x32xf32, #tpu.memory_space<hbm>>
    %dma_wait3A_34 = arith.constant 0 : i32
    %dma_wait3A_35 = tpu.memref_slice %arg4[%select_n3A, %dma_wait3A_34] : memref<81920x128xf32, #tpu.memory_space<hbm>> -> memref<256x32xf32, #tpu.memory_space<hbm>>
    %dma_wait3A_36 = arith.constant 0 : i32
    %dma_wait3A_37 = arith.constant 0 : i32
    %dma_wait3A_38 = tpu.memref_slice %arg7[%dma_wait3A_36, %dma_wait3A_37] : memref<1024x32xf32, #tpu.memory_space<vmem>> -> memref<256x32xf32, #tpu.memory_space<vmem>>
    tpu.wait_dma2 semaphore(%arg11 : memref<!tpu.dma_semaphore, #tpu.memory_space<semaphore_mem>>) src(%dma_wait3A_38 : memref<256x32xf32, #tpu.memory_space<vmem>>) dst(%dma_wait3A_35 : memref<256x32xf32, #tpu.memory_space<hbm>>)
    %dma_wait3A_39 = arith.constant 256 : i32
    %dma_wait3A_40 = arith.constant 0 : i32
    %dma_wait3A_41 = tpu.memref_slice %arg7[%dma_wait3A_39, %dma_wait3A_40] : memref<1024x32xf32, #tpu.memory_space<vmem>> -> memref<256x32xf32, #tpu.memory_space<vmem>>
    %dma_wait3A_42 = arith.constant 32 : i32
    %dma_wait3A_43 = tpu.memref_slice %arg4[%select_n3A, %dma_wait3A_42] : memref<81920x128xf32, #tpu.memory_space<hbm>> -> memref<256x32xf32, #tpu.memory_space<hbm>>
    %dma_wait3A_44 = arith.constant 32 : i32
    %dma_wait3A_45 = tpu.memref_slice %arg4[%select_n3A, %dma_wait3A_44] : memref<81920x128xf32, #tpu.memory_space<hbm>> -> memref<256x32xf32, #tpu.memory_space<hbm>>
    %dma_wait3A_46 = arith.constant 256 : i32
    %dma_wait3A_47 = arith.constant 0 : i32
    %dma_wait3A_48 = tpu.memref_slice %arg7[%dma_wait3A_46, %dma_wait3A_47] : memref<1024x32xf32, #tpu.memory_space<vmem>> -> memref<256x32xf32, #tpu.memory_space<vmem>>
    tpu.wait_dma2 semaphore(%arg11 : memref<!tpu.dma_semaphore, #tpu.memory_space<semaphore_mem>>) src(%dma_wait3A_48 : memref<256x32xf32, #tpu.memory_space<vmem>>) dst(%dma_wait3A_45 : memref<256x32xf32, #tpu.memory_space<hbm>>)
    %dma_wait3A_49 = arith.constant 512 : i32
    %dma_wait3A_50 = arith.constant 0 : i32
    %dma_wait3A_51 = tpu.memref_slice %arg7[%dma_wait3A_49, %dma_wait3A_50] : memref<1024x32xf32, #tpu.memory_space<vmem>> -> memref<256x32xf32, #tpu.memory_space<vmem>>
    %dma_wait3A_52 = arith.constant 64 : i32
    %dma_wait3A_53 = tpu.memref_slice %arg4[%select_n3A, %dma_wait3A_52] : memref<81920x128xf32, #tpu.memory_space<hbm>> -> memref<256x32xf32, #tpu.memory_space<hbm>>
    %dma_wait3A_54 = arith.constant 64 : i32
    %dma_wait3A_55 = tpu.memref_slice %arg4[%select_n3A, %dma_wait3A_54] : memref<81920x128xf32, #tpu.memory_space<hbm>> -> memref<256x32xf32, #tpu.memory_space<hbm>>
    %dma_wait3A_56 = arith.constant 512 : i32
    %dma_wait3A_57 = arith.constant 0 : i32
    %dma_wait3A_58 = tpu.memref_slice %arg7[%dma_wait3A_56, %dma_wait3A_57] : memref<1024x32xf32, #tpu.memory_space<vmem>> -> memref<256x32xf32, #tpu.memory_space<vmem>>
    tpu.wait_dma2 semaphore(%arg11 : memref<!tpu.dma_semaphore, #tpu.memory_space<semaphore_mem>>) src(%dma_wait3A_58 : memref<256x32xf32, #tpu.memory_space<vmem>>) dst(%dma_wait3A_55 : memref<256x32xf32, #tpu.memory_space<hbm>>)
    %dma_wait3A_59 = arith.constant 768 : i32
    %dma_wait3A_60 = arith.constant 0 : i32
    %dma_wait3A_61 = tpu.memref_slice %arg7[%dma_wait3A_59, %dma_wait3A_60] : memref<1024x32xf32, #tpu.memory_space<vmem>> -> memref<256x32xf32, #tpu.memory_space<vmem>>
    %dma_wait3A_62 = arith.constant 96 : i32
    %dma_wait3A_63 = tpu.memref_slice %arg4[%select_n3A, %dma_wait3A_62] : memref<81920x128xf32, #tpu.memory_space<hbm>> -> memref<256x32xf32, #tpu.memory_space<hbm>>
    %dma_wait3A_64 = arith.constant 96 : i32
    %dma_wait3A_65 = tpu.memref_slice %arg4[%select_n3A, %dma_wait3A_64] : memref<81920x128xf32, #tpu.memory_space<hbm>> -> memref<256x32xf32, #tpu.memory_space<hbm>>
    %dma_wait3A_66 = arith.constant 768 : i32
    %dma_wait3A_67 = arith.constant 0 : i32
    %dma_wait3A_68 = tpu.memref_slice %arg7[%dma_wait3A_66, %dma_wait3A_67] : memref<1024x32xf32, #tpu.memory_space<vmem>> -> memref<256x32xf32, #tpu.memory_space<vmem>>
    tpu.wait_dma2 semaphore(%arg11 : memref<!tpu.dma_semaphore, #tpu.memory_space<semaphore_mem>>) src(%dma_wait3A_68 : memref<256x32xf32, #tpu.memory_space<vmem>>) dst(%dma_wait3A_65 : memref<256x32xf32, #tpu.memory_space<hbm>>)
    %add3A_69 = arith.constant 9216 : i32
    %add3A_70 = arith.addi %mul3A_2, %add3A_69 : i32
    %jit3A_71 = arith.constant 4 : i32
    %div3A_72 = arith.divsi %add3A_70, %jit3A_71 : i32
    %sign3A_73 = arith.constant 0 : i32
    %sign3A_74 = arith.cmpi sgt, %add3A_70, %sign3A_73 : i32
    %sign3A_75 = arith.extui %sign3A_74 : i1 to i32
    %sign3A_76 = arith.constant 0 : i32
    %sign3A_77 = arith.cmpi slt, %add3A_70, %sign3A_76 : i32
    %sign3A_78 = arith.extui %sign3A_77 : i1 to i32
    %sign3A_79 = arith.subi %sign3A_75, %sign3A_78 : i32
    %sign3A_80 = arith.constant 0 : i32
    %sign3A_81 = arith.cmpi sgt, %jit3A_71, %sign3A_80 : i32
    %sign3A_82 = arith.extui %sign3A_81 : i1 to i32
    %sign3A_83 = arith.constant 0 : i32
    %sign3A_84 = arith.cmpi slt, %jit3A_71, %sign3A_83 : i32
    %sign3A_85 = arith.extui %sign3A_84 : i1 to i32
    %sign3A_86 = arith.subi %sign3A_82, %sign3A_85 : i32
    %ne3A_87 = arith.cmpi ne, %sign3A_79, %sign3A_86 : i32
    %rem3A_88 = arith.remsi %add3A_70, %jit3A_71 : i32
    %ne3A_89 = arith.constant 0 : i32
    %ne3A_90 = arith.cmpi ne, %rem3A_88, %ne3A_89 : i32
    %and3A_91 = arith.andi %ne3A_87, %ne3A_90 : i1
    %sub3A_92 = arith.constant 1 : i32
    %sub3A_93 = arith.subi %div3A_72, %sub3A_92 : i32
    %select_n3A_94 = arith.select %and3A_91, %sub3A_93, %div3A_72 : i32
    %dma_wait3A_95 = arith.constant 0 : i32
    %dma_wait3A_96 = arith.constant 0 : i32
    %dma_wait3A_97 = tpu.memref_slice %arg8[%dma_wait3A_95, %dma_wait3A_96] : memref<1024x32xf32, #tpu.memory_space<vmem>> -> memref<256x32xf32, #tpu.memory_space<vmem>>
    %dma_wait3A_98 = arith.constant 0 : i32
    %dma_wait3A_99 = tpu.memref_slice %arg4[%select_n3A_94, %dma_wait3A_98] : memref<81920x128xf32, #tpu.memory_space<hbm>> -> memref<256x32xf32, #tpu.memory_space<hbm>>
    %dma_wait3A_100 = arith.constant 0 : i32
    %dma_wait3A_101 = tpu.memref_slice %arg4[%select_n3A_94, %dma_wait3A_100] : memref<81920x128xf32, #tpu.memory_space<hbm>> -> memref<256x32xf32, #tpu.memory_space<hbm>>
    %dma_wait3A_102 = arith.constant 0 : i32
    %dma_wait3A_103 = arith.constant 0 : i32
    %dma_wait3A_104 = tpu.memref_slice %arg8[%dma_wait3A_102, %dma_wait3A_103] : memref<1024x32xf32, #tpu.memory_space<vmem>> -> memref<256x32xf32, #tpu.memory_space<vmem>>
    tpu.wait_dma2 semaphore(%arg12 : memref<!tpu.dma_semaphore, #tpu.memory_space<semaphore_mem>>) src(%dma_wait3A_104 : memref<256x32xf32, #tpu.memory_space<vmem>>) dst(%dma_wait3A_101 : memref<256x32xf32, #tpu.memory_space<hbm>>)
    %dma_wait3A_105 = arith.constant 256 : i32
    %dma_wait3A_106 = arith.constant 0 : i32
    %dma_wait3A_107 = tpu.memref_slice %arg8[%dma_wait3A_105, %dma_wait3A_106] : memref<1024x32xf32, #tpu.memory_space<vmem>> -> memref<256x32xf32, #tpu.memory_space<vmem>>
    %dma_wait3A_108 = arith.constant 32 : i32
    %dma_wait3A_109 = tpu.memref_slice %arg4[%select_n3A_94, %dma_wait3A_108] : memref<81920x128xf32, #tpu.memory_space<hbm>> -> memref<256x32xf32, #tpu.memory_space<hbm>>
    %dma_wait3A_110 = arith.constant 32 : i32
    %dma_wait3A_111 = tpu.memref_slice %arg4[%select_n3A_94, %dma_wait3A_110] : memref<81920x128xf32, #tpu.memory_space<hbm>> -> memref<256x32xf32, #tpu.memory_space<hbm>>
    %dma_wait3A_112 = arith.constant 256 : i32
    %dma_wait3A_113 = arith.constant 0 : i32
    %dma_wait3A_114 = tpu.memref_slice %arg8[%dma_wait3A_112, %dma_wait3A_113] : memref<1024x32xf32, #tpu.memory_space<vmem>> -> memref<256x32xf32, #tpu.memory_space<vmem>>
    tpu.wait_dma2 semaphore(%arg12 : memref<!tpu.dma_semaphore, #tpu.memory_space<semaphore_mem>>) src(%dma_wait3A_114 : memref<256x32xf32, #tpu.memory_space<vmem>>) dst(%dma_wait3A_111 : memref<256x32xf32, #tpu.memory_space<hbm>>)
    %dma_wait3A_115 = arith.constant 512 : i32
    %dma_wait3A_116 = arith.constant 0 : i32
    %dma_wait3A_117 = tpu.memref_slice %arg8[%dma_wait3A_115, %dma_wait3A_116] : memref<1024x32xf32, #tpu.memory_space<vmem>> -> memref<256x32xf32, #tpu.memory_space<vmem>>
    %dma_wait3A_118 = arith.constant 64 : i32
    %dma_wait3A_119 = tpu.memref_slice %arg4[%select_n3A_94, %dma_wait3A_118] : memref<81920x128xf32, #tpu.memory_space<hbm>> -> memref<256x32xf32, #tpu.memory_space<hbm>>
    %dma_wait3A_120 = arith.constant 64 : i32
    %dma_wait3A_121 = tpu.memref_slice %arg4[%select_n3A_94, %dma_wait3A_120] : memref<81920x128xf32, #tpu.memory_space<hbm>> -> memref<256x32xf32, #tpu.memory_space<hbm>>
    %dma_wait3A_122 = arith.constant 512 : i32
    %dma_wait3A_123 = arith.constant 0 : i32
    %dma_wait3A_124 = tpu.memref_slice %arg8[%dma_wait3A_122, %dma_wait3A_123] : memref<1024x32xf32, #tpu.memory_space<vmem>> -> memref<256x32xf32, #tpu.memory_space<vmem>>
    tpu.wait_dma2 semaphore(%arg12 : memref<!tpu.dma_semaphore, #tpu.memory_space<semaphore_mem>>) src(%dma_wait3A_124 : memref<256x32xf32, #tpu.memory_space<vmem>>) dst(%dma_wait3A_121 : memref<256x32xf32, #tpu.memory_space<hbm>>)
    %dma_wait3A_125 = arith.constant 768 : i32
    %dma_wait3A_126 = arith.constant 0 : i32
    %dma_wait3A_127 = tpu.memref_slice %arg8[%dma_wait3A_125, %dma_wait3A_126] : memref<1024x32xf32, #tpu.memory_space<vmem>> -> memref<256x32xf32, #tpu.memory_space<vmem>>
    %dma_wait3A_128 = arith.constant 96 : i32
    %dma_wait3A_129 = tpu.memref_slice %arg4[%select_n3A_94, %dma_wait3A_128] : memref<81920x128xf32, #tpu.memory_space<hbm>> -> memref<256x32xf32, #tpu.memory_space<hbm>>
    %dma_wait3A_130 = arith.constant 96 : i32
    %dma_wait3A_131 = tpu.memref_slice %arg4[%select_n3A_94, %dma_wait3A_130] : memref<81920x128xf32, #tpu.memory_space<hbm>> -> memref<256x32xf32, #tpu.memory_space<hbm>>
    %dma_wait3A_132 = arith.constant 768 : i32
    %dma_wait3A_133 = arith.constant 0 : i32
    %dma_wait3A_134 = tpu.memref_slice %arg8[%dma_wait3A_132, %dma_wait3A_133] : memref<1024x32xf32, #tpu.memory_space<vmem>> -> memref<256x32xf32, #tpu.memory_space<vmem>>
    tpu.wait_dma2 semaphore(%arg12 : memref<!tpu.dma_semaphore, #tpu.memory_space<semaphore_mem>>) src(%dma_wait3A_134 : memref<256x32xf32, #tpu.memory_space<vmem>>) dst(%dma_wait3A_131 : memref<256x32xf32, #tpu.memory_space<hbm>>)
    return
  }
}

#map = affine_map<(d0, d1) -> (0)>
#map1 = affine_map<(d0, d1) -> (0, 0)>
module attributes {stable_mosaic.version = 14 : i64} {
  func.func @_gather_body(%arg0: i32, %arg1: i32, %arg2: memref<327680xi32, #tpu.memory_space<hbm>>, %arg3: memref<100000x32xf32, #tpu.memory_space<hbm>>, %arg4: memref<81920x128xf32, #tpu.memory_space<hbm>>, %arg5: memref<1024xi32, #tpu.memory_space<vmem>>, %arg6: memref<1024xi32, #tpu.memory_space<vmem>>, %arg7: memref<1024x32xf32, #tpu.memory_space<vmem>>, %arg8: memref<1024x32xf32, #tpu.memory_space<vmem>>, %arg9: memref<!tpu.dma_semaphore, #tpu.memory_space<semaphore_mem>>, %arg10: memref<!tpu.dma_semaphore, #tpu.memory_space<semaphore_mem>>, %arg11: memref<!tpu.dma_semaphore, #tpu.memory_space<semaphore_mem>>, %arg12: memref<!tpu.dma_semaphore, #tpu.memory_space<semaphore_mem>>) attributes {dimension_semantics = [#tpu.dimension_semantics<core_parallel>, #tpu.dimension_semantics<subcore_parallel>], iteration_bounds = array<i64: 2, 16>, scalar_prefetch = 0 : i64, scratch_operands = 8 : i64, tpu.core_type = #tpu.core_type<sc_vector_subcore>, window_params = [{transform_indices = #map}, {transform_indices = #map1}, {transform_indices = #map1}]} {
    %mul3A = arith.constant 2 : i32
    %mul3A_0 = arith.muli %arg1, %mul3A : i32
    %add3A = arith.addi %mul3A_0, %arg0 : i32
    %mul3A_1 = arith.constant 10240 : i32
    %mul3A_2 = arith.muli %add3A, %mul3A_1 : i32
    %add3A_3 = arith.constant 0 : i32
    %add3A_4 = arith.addi %mul3A_2, %add3A_3 : i32
    "tpu.region"() ({
      %run_scoped3A = tpu.sem_alloc : memref<!tpu.dma_semaphore, #tpu.memory_space<semaphore_mem>>
      %dma_start3A_135 = tpu.memref_slice %arg2[%add3A_4] : memref<327680xi32, #tpu.memory_space<hbm>> -> memref<1024xi32, #tpu.memory_space<hbm>>
      %dma_start3A_136 = tpu.memref_slice %arg2[%add3A_4] : memref<327680xi32, #tpu.memory_space<hbm>> -> memref<1024xi32, #tpu.memory_space<hbm>>
      tpu.enqueue_dma source(%dma_start3A_136 : memref<1024xi32, #tpu.memory_space<hbm>>) target(%arg5 : memref<1024xi32, #tpu.memory_space<vmem>>) target_semaphore(%run_scoped3A : memref<!tpu.dma_semaphore, #tpu.memory_space<semaphore_mem>>)
      %dma_wait3A_137 = tpu.memref_slice %arg2[%add3A_4] : memref<327680xi32, #tpu.memory_space<hbm>> -> memref<1024xi32, #tpu.memory_space<hbm>>
      %dma_wait3A_138 = tpu.memref_slice %arg2[%add3A_4] : memref<327680xi32, #tpu.memory_space<hbm>> -> memref<1024xi32, #tpu.memory_space<hbm>>
      tpu.wait_dma2 semaphore(%run_scoped3A : memref<!tpu.dma_semaphore, #tpu.memory_space<semaphore_mem>>) src(%dma_wait3A_138 : memref<1024xi32, #tpu.memory_space<hbm>>) dst(%arg5 : memref<1024xi32, #tpu.memory_space<vmem>>)
      tpu.yield
    }) : () -> ()
    %dma_start3A = arith.constant 0 : i32
    %dma_start3A_5 = arith.constant 0 : i32
    %dma_start3A_6 = tpu.memref_slice %arg3[%dma_start3A, %dma_start3A_5] : memref<100000x32xf32, #tpu.memory_space<hbm>> -> memref<100000x32xf32, #tpu.memory_space<hbm>>
    tpu.enqueue_indirect_dma source(%dma_start3A_6 : memref<100000x32xf32, #tpu.memory_space<hbm>>) target(%arg7 : memref<1024x32xf32, #tpu.memory_space<vmem>>) offsets(%arg5 : memref<1024xi32, #tpu.memory_space<vmem>>) semaphore(%arg9 : memref<!tpu.dma_semaphore, #tpu.memory_space<semaphore_mem>>)
    %scan3A = arith.constant 0 : i32
    %scan3A_7 = arith.constant 0 : i32
    %scan3A_8 = arith.constant 5 : i32
    %scan3A_9 = arith.addi %scan3A_7, %scan3A_8 : i32
    %scan3A_10 = arith.constant 1 : i32
    scf.for %scan3A_135 = %scan3A_7 to %scan3A_9 step %scan3A_10  : i32 {
      %dma_wait3A_136 = arith.constant 0 : i32
      %dma_wait3A_137 = arith.constant 0 : i32
      %dma_wait3A_138 = tpu.memref_slice %arg3[%dma_wait3A_136, %dma_wait3A_137] : memref<100000x32xf32, #tpu.memory_space<hbm>> -> memref<100000x32xf32, #tpu.memory_space<hbm>>
      tpu.wait_indirect_dma semaphore(%arg9 : memref<!tpu.dma_semaphore, #tpu.memory_space<semaphore_mem>>) src(%dma_wait3A_138 : memref<100000x32xf32, #tpu.memory_space<hbm>>) dst(%arg7 : memref<1024x32xf32, #tpu.memory_space<vmem>>)
      %mul3A_139 = arith.constant 2 : i32
      %mul3A_140 = arith.muli %mul3A_139, %scan3A_135 : i32
      %mul3A_141 = arith.constant 1024 : i32
      %mul3A_142 = arith.muli %mul3A_140, %mul3A_141 : i32
      %add3A_143 = arith.addi %mul3A_2, %mul3A_142 : i32
      %jit3A_144 = arith.constant 4 : i32
      %div3A_145 = arith.divsi %add3A_143, %jit3A_144 : i32
      %sign3A_146 = arith.constant 0 : i32
      %sign3A_147 = arith.cmpi sgt, %add3A_143, %sign3A_146 : i32
      %sign3A_148 = arith.extui %sign3A_147 : i1 to i32
      %sign3A_149 = arith.constant 0 : i32
      %sign3A_150 = arith.cmpi slt, %add3A_143, %sign3A_149 : i32
      %sign3A_151 = arith.extui %sign3A_150 : i1 to i32
      %sign3A_152 = arith.subi %sign3A_148, %sign3A_151 : i32
      %sign3A_153 = arith.constant 0 : i32
      %sign3A_154 = arith.cmpi sgt, %jit3A_144, %sign3A_153 : i32
      %sign3A_155 = arith.extui %sign3A_154 : i1 to i32
      %sign3A_156 = arith.constant 0 : i32
      %sign3A_157 = arith.cmpi slt, %jit3A_144, %sign3A_156 : i32
      %sign3A_158 = arith.extui %sign3A_157 : i1 to i32
      %sign3A_159 = arith.subi %sign3A_155, %sign3A_158 : i32
      %ne3A_160 = arith.cmpi ne, %sign3A_152, %sign3A_159 : i32
      %rem3A_161 = arith.remsi %add3A_143, %jit3A_144 : i32
      %ne3A_162 = arith.constant 0 : i32
      %ne3A_163 = arith.cmpi ne, %rem3A_161, %ne3A_162 : i32
      %and3A_164 = arith.andi %ne3A_160, %ne3A_163 : i1
      %sub3A_165 = arith.constant 1 : i32
      %sub3A_166 = arith.subi %div3A_145, %sub3A_165 : i32
      %select_n3A_167 = arith.select %and3A_164, %sub3A_166, %div3A_145 : i32
      %dma_start3A_168 = arith.constant 0 : i32
      %dma_start3A_169 = arith.constant 0 : i32
      %dma_start3A_170 = tpu.memref_slice %arg7[%dma_start3A_168, %dma_start3A_169] : memref<1024x32xf32, #tpu.memory_space<vmem>> -> memref<256x32xf32, #tpu.memory_space<vmem>>
      %dma_start3A_171 = arith.constant 0 : i32
      %dma_start3A_172 = tpu.memref_slice %arg4[%select_n3A_167, %dma_start3A_171] : memref<81920x128xf32, #tpu.memory_space<hbm>> -> memref<256x32xf32, #tpu.memory_space<hbm>>
      %dma_start3A_173 = arith.constant 0 : i32
      %dma_start3A_174 = tpu.memref_slice %arg4[%select_n3A_167, %dma_start3A_173] : memref<81920x128xf32, #tpu.memory_space<hbm>> -> memref<256x32xf32, #tpu.memory_space<hbm>>
      %dma_start3A_175 = arith.constant 0 : i32
      %dma_start3A_176 = arith.constant 0 : i32
      %dma_start3A_177 = tpu.memref_slice %arg7[%dma_start3A_175, %dma_start3A_176] : memref<1024x32xf32, #tpu.memory_space<vmem>> -> memref<256x32xf32, #tpu.memory_space<vmem>>
      tpu.enqueue_dma source(%dma_start3A_177 : memref<256x32xf32, #tpu.memory_space<vmem>>) target(%dma_start3A_174 : memref<256x32xf32, #tpu.memory_space<hbm>>) target_semaphore(%arg11 : memref<!tpu.dma_semaphore, #tpu.memory_space<semaphore_mem>>)
      %dma_start3A_178 = arith.constant 256 : i32
      %dma_start3A_179 = arith.constant 0 : i32
      %dma_start3A_180 = tpu.memref_slice %arg7[%dma_start3A_178, %dma_start3A_179] : memref<1024x32xf32, #tpu.memory_space<vmem>> -> memref<256x32xf32, #tpu.memory_space<vmem>>
      %dma_start3A_181 = arith.constant 32 : i32
      %dma_start3A_182 = tpu.memref_slice %arg4[%select_n3A_167, %dma_start3A_181] : memref<81920x128xf32, #tpu.memory_space<hbm>> -> memref<256x32xf32, #tpu.memory_space<hbm>>
      %dma_start3A_183 = arith.constant 32 : i32
      %dma_start3A_184 = tpu.memref_slice %arg4[%select_n3A_167, %dma_start3A_183] : memref<81920x128xf32, #tpu.memory_space<hbm>> -> memref<256x32xf32, #tpu.memory_space<hbm>>
      %dma_start3A_185 = arith.constant 256 : i32
      %dma_start3A_186 = arith.constant 0 : i32
      %dma_start3A_187 = tpu.memref_slice %arg7[%dma_start3A_185, %dma_start3A_186] : memref<1024x32xf32, #tpu.memory_space<vmem>> -> memref<256x32xf32, #tpu.memory_space<vmem>>
      tpu.enqueue_dma source(%dma_start3A_187 : memref<256x32xf32, #tpu.memory_space<vmem>>) target(%dma_start3A_184 : memref<256x32xf32, #tpu.memory_space<hbm>>) target_semaphore(%arg11 : memref<!tpu.dma_semaphore, #tpu.memory_space<semaphore_mem>>)
      %dma_start3A_188 = arith.constant 512 : i32
      %dma_start3A_189 = arith.constant 0 : i32
      %dma_start3A_190 = tpu.memref_slice %arg7[%dma_start3A_188, %dma_start3A_189] : memref<1024x32xf32, #tpu.memory_space<vmem>> -> memref<256x32xf32, #tpu.memory_space<vmem>>
      %dma_start3A_191 = arith.constant 64 : i32
      %dma_start3A_192 = tpu.memref_slice %arg4[%select_n3A_167, %dma_start3A_191] : memref<81920x128xf32, #tpu.memory_space<hbm>> -> memref<256x32xf32, #tpu.memory_space<hbm>>
      %dma_start3A_193 = arith.constant 64 : i32
      %dma_start3A_194 = tpu.memref_slice %arg4[%select_n3A_167, %dma_start3A_193] : memref<81920x128xf32, #tpu.memory_space<hbm>> -> memref<256x32xf32, #tpu.memory_space<hbm>>
      %dma_start3A_195 = arith.constant 512 : i32
      %dma_start3A_196 = arith.constant 0 : i32
      %dma_start3A_197 = tpu.memref_slice %arg7[%dma_start3A_195, %dma_start3A_196] : memref<1024x32xf32, #tpu.memory_space<vmem>> -> memref<256x32xf32, #tpu.memory_space<vmem>>
      tpu.enqueue_dma source(%dma_start3A_197 : memref<256x32xf32, #tpu.memory_space<vmem>>) target(%dma_start3A_194 : memref<256x32xf32, #tpu.memory_space<hbm>>) target_semaphore(%arg11 : memref<!tpu.dma_semaphore, #tpu.memory_space<semaphore_mem>>)
      %dma_start3A_198 = arith.constant 768 : i32
      %dma_start3A_199 = arith.constant 0 : i32
      %dma_start3A_200 = tpu.memref_slice %arg7[%dma_start3A_198, %dma_start3A_199] : memref<1024x32xf32, #tpu.memory_space<vmem>> -> memref<256x32xf32, #tpu.memory_space<vmem>>
      %dma_start3A_201 = arith.constant 96 : i32
      %dma_start3A_202 = tpu.memref_slice %arg4[%select_n3A_167, %dma_start3A_201] : memref<81920x128xf32, #tpu.memory_space<hbm>> -> memref<256x32xf32, #tpu.memory_space<hbm>>
      %dma_start3A_203 = arith.constant 96 : i32
      %dma_start3A_204 = tpu.memref_slice %arg4[%select_n3A_167, %dma_start3A_203] : memref<81920x128xf32, #tpu.memory_space<hbm>> -> memref<256x32xf32, #tpu.memory_space<hbm>>
      %dma_start3A_205 = arith.constant 768 : i32
      %dma_start3A_206 = arith.constant 0 : i32
      %dma_start3A_207 = tpu.memref_slice %arg7[%dma_start3A_205, %dma_start3A_206] : memref<1024x32xf32, #tpu.memory_space<vmem>> -> memref<256x32xf32, #tpu.memory_space<vmem>>
      tpu.enqueue_dma source(%dma_start3A_207 : memref<256x32xf32, #tpu.memory_space<vmem>>) target(%dma_start3A_204 : memref<256x32xf32, #tpu.memory_space<hbm>>) target_semaphore(%arg11 : memref<!tpu.dma_semaphore, #tpu.memory_space<semaphore_mem>>)
      %gt3A = arith.constant 0 : i32
      %gt3A_208 = arith.cmpi sgt, %scan3A_135, %gt3A : i32
      %convert_element_type3A = arith.extui %gt3A_208 : i1 to i32
      %cond3A = arith.constant 0 : i32
      %cond3A_209 = arith.cmpi ne, %convert_element_type3A, %cond3A : i32
      scf.if %cond3A_209 {
        %mul3A_298 = arith.constant 2 : i32
        %mul3A_299 = arith.muli %mul3A_298, %scan3A_135 : i32
        %sub3A_300 = arith.constant 1 : i32
        %sub3A_301 = arith.subi %mul3A_299, %sub3A_300 : i32
        %mul3A_302 = arith.constant 1024 : i32
        %mul3A_303 = arith.muli %sub3A_301, %mul3A_302 : i32
        %add3A_304 = arith.addi %mul3A_2, %mul3A_303 : i32
        %jit3A_305 = arith.constant 4 : i32
        %div3A_306 = arith.divsi %add3A_304, %jit3A_305 : i32
        %sign3A_307 = arith.constant 0 : i32
        %sign3A_308 = arith.cmpi sgt, %add3A_304, %sign3A_307 : i32
        %sign3A_309 = arith.extui %sign3A_308 : i1 to i32
        %sign3A_310 = arith.constant 0 : i32
        %sign3A_311 = arith.cmpi slt, %add3A_304, %sign3A_310 : i32
        %sign3A_312 = arith.extui %sign3A_311 : i1 to i32
        %sign3A_313 = arith.subi %sign3A_309, %sign3A_312 : i32
        %sign3A_314 = arith.constant 0 : i32
        %sign3A_315 = arith.cmpi sgt, %jit3A_305, %sign3A_314 : i32
        %sign3A_316 = arith.extui %sign3A_315 : i1 to i32
        %sign3A_317 = arith.constant 0 : i32
        %sign3A_318 = arith.cmpi slt, %jit3A_305, %sign3A_317 : i32
        %sign3A_319 = arith.extui %sign3A_318 : i1 to i32
        %sign3A_320 = arith.subi %sign3A_316, %sign3A_319 : i32
        %ne3A_321 = arith.cmpi ne, %sign3A_313, %sign3A_320 : i32
        %rem3A_322 = arith.remsi %add3A_304, %jit3A_305 : i32
        %ne3A_323 = arith.constant 0 : i32
        %ne3A_324 = arith.cmpi ne, %rem3A_322, %ne3A_323 : i32
        %and3A_325 = arith.andi %ne3A_321, %ne3A_324 : i1
        %sub3A_326 = arith.constant 1 : i32
        %sub3A_327 = arith.subi %div3A_306, %sub3A_326 : i32
        %select_n3A_328 = arith.select %and3A_325, %sub3A_327, %div3A_306 : i32
        %dma_wait3A_329 = arith.constant 0 : i32
        %dma_wait3A_330 = arith.constant 0 : i32
        %dma_wait3A_331 = tpu.memref_slice %arg8[%dma_wait3A_329, %dma_wait3A_330] : memref<1024x32xf32, #tpu.memory_space<vmem>> -> memref<256x32xf32, #tpu.memory_space<vmem>>
        %dma_wait3A_332 = arith.constant 0 : i32
        %dma_wait3A_333 = tpu.memref_slice %arg4[%select_n3A_328, %dma_wait3A_332] : memref<81920x128xf32, #tpu.memory_space<hbm>> -> memref<256x32xf32, #tpu.memory_space<hbm>>
        %dma_wait3A_334 = arith.constant 0 : i32
        %dma_wait3A_335 = tpu.memref_slice %arg4[%select_n3A_328, %dma_wait3A_334] : memref<81920x128xf32, #tpu.memory_space<hbm>> -> memref<256x32xf32, #tpu.memory_space<hbm>>
        %dma_wait3A_336 = arith.constant 0 : i32
        %dma_wait3A_337 = arith.constant 0 : i32
        %dma_wait3A_338 = tpu.memref_slice %arg8[%dma_wait3A_336, %dma_wait3A_337] : memref<1024x32xf32, #tpu.memory_space<vmem>> -> memref<256x32xf32, #tpu.memory_space<vmem>>
        tpu.wait_dma2 semaphore(%arg12 : memref<!tpu.dma_semaphore, #tpu.memory_space<semaphore_mem>>) src(%dma_wait3A_338 : memref<256x32xf32, #tpu.memory_space<vmem>>) dst(%dma_wait3A_335 : memref<256x32xf32, #tpu.memory_space<hbm>>)
        %dma_wait3A_339 = arith.constant 256 : i32
        %dma_wait3A_340 = arith.constant 0 : i32
        %dma_wait3A_341 = tpu.memref_slice %arg8[%dma_wait3A_339, %dma_wait3A_340] : memref<1024x32xf32, #tpu.memory_space<vmem>> -> memref<256x32xf32, #tpu.memory_space<vmem>>
        %dma_wait3A_342 = arith.constant 32 : i32
        %dma_wait3A_343 = tpu.memref_slice %arg4[%select_n3A_328, %dma_wait3A_342] : memref<81920x128xf32, #tpu.memory_space<hbm>> -> memref<256x32xf32, #tpu.memory_space<hbm>>
        %dma_wait3A_344 = arith.constant 32 : i32
        %dma_wait3A_345 = tpu.memref_slice %arg4[%select_n3A_328, %dma_wait3A_344] : memref<81920x128xf32, #tpu.memory_space<hbm>> -> memref<256x32xf32, #tpu.memory_space<hbm>>
        %dma_wait3A_346 = arith.constant 256 : i32
        %dma_wait3A_347 = arith.constant 0 : i32
        %dma_wait3A_348 = tpu.memref_slice %arg8[%dma_wait3A_346, %dma_wait3A_347] : memref<1024x32xf32, #tpu.memory_space<vmem>> -> memref<256x32xf32, #tpu.memory_space<vmem>>
        tpu.wait_dma2 semaphore(%arg12 : memref<!tpu.dma_semaphore, #tpu.memory_space<semaphore_mem>>) src(%dma_wait3A_348 : memref<256x32xf32, #tpu.memory_space<vmem>>) dst(%dma_wait3A_345 : memref<256x32xf32, #tpu.memory_space<hbm>>)
        %dma_wait3A_349 = arith.constant 512 : i32
        %dma_wait3A_350 = arith.constant 0 : i32
        %dma_wait3A_351 = tpu.memref_slice %arg8[%dma_wait3A_349, %dma_wait3A_350] : memref<1024x32xf32, #tpu.memory_space<vmem>> -> memref<256x32xf32, #tpu.memory_space<vmem>>
        %dma_wait3A_352 = arith.constant 64 : i32
        %dma_wait3A_353 = tpu.memref_slice %arg4[%select_n3A_328, %dma_wait3A_352] : memref<81920x128xf32, #tpu.memory_space<hbm>> -> memref<256x32xf32, #tpu.memory_space<hbm>>
        %dma_wait3A_354 = arith.constant 64 : i32
        %dma_wait3A_355 = tpu.memref_slice %arg4[%select_n3A_328, %dma_wait3A_354] : memref<81920x128xf32, #tpu.memory_space<hbm>> -> memref<256x32xf32, #tpu.memory_space<hbm>>
        %dma_wait3A_356 = arith.constant 512 : i32
        %dma_wait3A_357 = arith.constant 0 : i32
        %dma_wait3A_358 = tpu.memref_slice %arg8[%dma_wait3A_356, %dma_wait3A_357] : memref<1024x32xf32, #tpu.memory_space<vmem>> -> memref<256x32xf32, #tpu.memory_space<vmem>>
        tpu.wait_dma2 semaphore(%arg12 : memref<!tpu.dma_semaphore, #tpu.memory_space<semaphore_mem>>) src(%dma_wait3A_358 : memref<256x32xf32, #tpu.memory_space<vmem>>) dst(%dma_wait3A_355 : memref<256x32xf32, #tpu.memory_space<hbm>>)
        %dma_wait3A_359 = arith.constant 768 : i32
        %dma_wait3A_360 = arith.constant 0 : i32
        %dma_wait3A_361 = tpu.memref_slice %arg8[%dma_wait3A_359, %dma_wait3A_360] : memref<1024x32xf32, #tpu.memory_space<vmem>> -> memref<256x32xf32, #tpu.memory_space<vmem>>
        %dma_wait3A_362 = arith.constant 96 : i32
        %dma_wait3A_363 = tpu.memref_slice %arg4[%select_n3A_328, %dma_wait3A_362] : memref<81920x128xf32, #tpu.memory_space<hbm>> -> memref<256x32xf32, #tpu.memory_space<hbm>>
        %dma_wait3A_364 = arith.constant 96 : i32
        %dma_wait3A_365 = tpu.memref_slice %arg4[%select_n3A_328, %dma_wait3A_364] : memref<81920x128xf32, #tpu.memory_space<hbm>> -> memref<256x32xf32, #tpu.memory_space<hbm>>
        %dma_wait3A_366 = arith.constant 768 : i32
        %dma_wait3A_367 = arith.constant 0 : i32
        %dma_wait3A_368 = tpu.memref_slice %arg8[%dma_wait3A_366, %dma_wait3A_367] : memref<1024x32xf32, #tpu.memory_space<vmem>> -> memref<256x32xf32, #tpu.memory_space<vmem>>
        tpu.wait_dma2 semaphore(%arg12 : memref<!tpu.dma_semaphore, #tpu.memory_space<semaphore_mem>>) src(%dma_wait3A_368 : memref<256x32xf32, #tpu.memory_space<vmem>>) dst(%dma_wait3A_365 : memref<256x32xf32, #tpu.memory_space<hbm>>)
      } else {
      }
      %mul3A_210 = arith.constant 2 : i32
      %mul3A_211 = arith.muli %mul3A_210, %scan3A_135 : i32
      %add3A_212 = arith.constant 1 : i32
      %add3A_213 = arith.addi %mul3A_211, %add3A_212 : i32
      %mul3A_214 = arith.constant 1024 : i32
      %mul3A_215 = arith.muli %add3A_213, %mul3A_214 : i32
      %add3A_216 = arith.addi %mul3A_2, %mul3A_215 : i32
      "tpu.region"() ({
        %run_scoped3A = tpu.sem_alloc : memref<!tpu.dma_semaphore, #tpu.memory_space<semaphore_mem>>
        %dma_start3A_298 = tpu.memref_slice %arg2[%add3A_216] : memref<327680xi32, #tpu.memory_space<hbm>> -> memref<1024xi32, #tpu.memory_space<hbm>>
        %dma_start3A_299 = tpu.memref_slice %arg2[%add3A_216] : memref<327680xi32, #tpu.memory_space<hbm>> -> memref<1024xi32, #tpu.memory_space<hbm>>
        tpu.enqueue_dma source(%dma_start3A_299 : memref<1024xi32, #tpu.memory_space<hbm>>) target(%arg6 : memref<1024xi32, #tpu.memory_space<vmem>>) target_semaphore(%run_scoped3A : memref<!tpu.dma_semaphore, #tpu.memory_space<semaphore_mem>>)
        %dma_wait3A_300 = tpu.memref_slice %arg2[%add3A_216] : memref<327680xi32, #tpu.memory_space<hbm>> -> memref<1024xi32, #tpu.memory_space<hbm>>
        %dma_wait3A_301 = tpu.memref_slice %arg2[%add3A_216] : memref<327680xi32, #tpu.memory_space<hbm>> -> memref<1024xi32, #tpu.memory_space<hbm>>
        tpu.wait_dma2 semaphore(%run_scoped3A : memref<!tpu.dma_semaphore, #tpu.memory_space<semaphore_mem>>) src(%dma_wait3A_301 : memref<1024xi32, #tpu.memory_space<hbm>>) dst(%arg6 : memref<1024xi32, #tpu.memory_space<vmem>>)
        tpu.yield
      }) : () -> ()
      %dma_start3A_217 = arith.constant 0 : i32
      %dma_start3A_218 = arith.constant 0 : i32
      %dma_start3A_219 = tpu.memref_slice %arg3[%dma_start3A_217, %dma_start3A_218] : memref<100000x32xf32, #tpu.memory_space<hbm>> -> memref<100000x32xf32, #tpu.memory_space<hbm>>
      tpu.enqueue_indirect_dma source(%dma_start3A_219 : memref<100000x32xf32, #tpu.memory_space<hbm>>) target(%arg8 : memref<1024x32xf32, #tpu.memory_space<vmem>>) offsets(%arg6 : memref<1024xi32, #tpu.memory_space<vmem>>) semaphore(%arg10 : memref<!tpu.dma_semaphore, #tpu.memory_space<semaphore_mem>>)
      %dma_wait3A_220 = arith.constant 0 : i32
      %dma_wait3A_221 = arith.constant 0 : i32
      %dma_wait3A_222 = tpu.memref_slice %arg3[%dma_wait3A_220, %dma_wait3A_221] : memref<100000x32xf32, #tpu.memory_space<hbm>> -> memref<100000x32xf32, #tpu.memory_space<hbm>>
      tpu.wait_indirect_dma semaphore(%arg10 : memref<!tpu.dma_semaphore, #tpu.memory_space<semaphore_mem>>) src(%dma_wait3A_222 : memref<100000x32xf32, #tpu.memory_space<hbm>>) dst(%arg8 : memref<1024x32xf32, #tpu.memory_space<vmem>>)
      %mul3A_223 = arith.constant 2 : i32
      %mul3A_224 = arith.muli %mul3A_223, %scan3A_135 : i32
      %add3A_225 = arith.constant 1 : i32
      %add3A_226 = arith.addi %mul3A_224, %add3A_225 : i32
      %mul3A_227 = arith.constant 1024 : i32
      %mul3A_228 = arith.muli %add3A_226, %mul3A_227 : i32
      %add3A_229 = arith.addi %mul3A_2, %mul3A_228 : i32
      %jit3A_230 = arith.constant 4 : i32
      %div3A_231 = arith.divsi %add3A_229, %jit3A_230 : i32
      %sign3A_232 = arith.constant 0 : i32
      %sign3A_233 = arith.cmpi sgt, %add3A_229, %sign3A_232 : i32
      %sign3A_234 = arith.extui %sign3A_233 : i1 to i32
      %sign3A_235 = arith.constant 0 : i32
      %sign3A_236 = arith.cmpi slt, %add3A_229, %sign3A_235 : i32
      %sign3A_237 = arith.extui %sign3A_236 : i1 to i32
      %sign3A_238 = arith.subi %sign3A_234, %sign3A_237 : i32
      %sign3A_239 = arith.constant 0 : i32
      %sign3A_240 = arith.cmpi sgt, %jit3A_230, %sign3A_239 : i32
      %sign3A_241 = arith.extui %sign3A_240 : i1 to i32
      %sign3A_242 = arith.constant 0 : i32
      %sign3A_243 = arith.cmpi slt, %jit3A_230, %sign3A_242 : i32
      %sign3A_244 = arith.extui %sign3A_243 : i1 to i32
      %sign3A_245 = arith.subi %sign3A_241, %sign3A_244 : i32
      %ne3A_246 = arith.cmpi ne, %sign3A_238, %sign3A_245 : i32
      %rem3A_247 = arith.remsi %add3A_229, %jit3A_230 : i32
      %ne3A_248 = arith.constant 0 : i32
      %ne3A_249 = arith.cmpi ne, %rem3A_247, %ne3A_248 : i32
      %and3A_250 = arith.andi %ne3A_246, %ne3A_249 : i1
      %sub3A_251 = arith.constant 1 : i32
      %sub3A_252 = arith.subi %div3A_231, %sub3A_251 : i32
      %select_n3A_253 = arith.select %and3A_250, %sub3A_252, %div3A_231 : i32
      %dma_start3A_254 = arith.constant 0 : i32
      %dma_start3A_255 = arith.constant 0 : i32
      %dma_start3A_256 = tpu.memref_slice %arg8[%dma_start3A_254, %dma_start3A_255] : memref<1024x32xf32, #tpu.memory_space<vmem>> -> memref<256x32xf32, #tpu.memory_space<vmem>>
      %dma_start3A_257 = arith.constant 0 : i32
      %dma_start3A_258 = tpu.memref_slice %arg4[%select_n3A_253, %dma_start3A_257] : memref<81920x128xf32, #tpu.memory_space<hbm>> -> memref<256x32xf32, #tpu.memory_space<hbm>>
      %dma_start3A_259 = arith.constant 0 : i32
      %dma_start3A_260 = tpu.memref_slice %arg4[%select_n3A_253, %dma_start3A_259] : memref<81920x128xf32, #tpu.memory_space<hbm>> -> memref<256x32xf32, #tpu.memory_space<hbm>>
      %dma_start3A_261 = arith.constant 0 : i32
      %dma_start3A_262 = arith.constant 0 : i32
      %dma_start3A_263 = tpu.memref_slice %arg8[%dma_start3A_261, %dma_start3A_262] : memref<1024x32xf32, #tpu.memory_space<vmem>> -> memref<256x32xf32, #tpu.memory_space<vmem>>
      tpu.enqueue_dma source(%dma_start3A_263 : memref<256x32xf32, #tpu.memory_space<vmem>>) target(%dma_start3A_260 : memref<256x32xf32, #tpu.memory_space<hbm>>) target_semaphore(%arg12 : memref<!tpu.dma_semaphore, #tpu.memory_space<semaphore_mem>>)
      %dma_start3A_264 = arith.constant 256 : i32
      %dma_start3A_265 = arith.constant 0 : i32
      %dma_start3A_266 = tpu.memref_slice %arg8[%dma_start3A_264, %dma_start3A_265] : memref<1024x32xf32, #tpu.memory_space<vmem>> -> memref<256x32xf32, #tpu.memory_space<vmem>>
      %dma_start3A_267 = arith.constant 32 : i32
      %dma_start3A_268 = tpu.memref_slice %arg4[%select_n3A_253, %dma_start3A_267] : memref<81920x128xf32, #tpu.memory_space<hbm>> -> memref<256x32xf32, #tpu.memory_space<hbm>>
      %dma_start3A_269 = arith.constant 32 : i32
      %dma_start3A_270 = tpu.memref_slice %arg4[%select_n3A_253, %dma_start3A_269] : memref<81920x128xf32, #tpu.memory_space<hbm>> -> memref<256x32xf32, #tpu.memory_space<hbm>>
      %dma_start3A_271 = arith.constant 256 : i32
      %dma_start3A_272 = arith.constant 0 : i32
      %dma_start3A_273 = tpu.memref_slice %arg8[%dma_start3A_271, %dma_start3A_272] : memref<1024x32xf32, #tpu.memory_space<vmem>> -> memref<256x32xf32, #tpu.memory_space<vmem>>
      tpu.enqueue_dma source(%dma_start3A_273 : memref<256x32xf32, #tpu.memory_space<vmem>>) target(%dma_start3A_270 : memref<256x32xf32, #tpu.memory_space<hbm>>) target_semaphore(%arg12 : memref<!tpu.dma_semaphore, #tpu.memory_space<semaphore_mem>>)
      %dma_start3A_274 = arith.constant 512 : i32
      %dma_start3A_275 = arith.constant 0 : i32
      %dma_start3A_276 = tpu.memref_slice %arg8[%dma_start3A_274, %dma_start3A_275] : memref<1024x32xf32, #tpu.memory_space<vmem>> -> memref<256x32xf32, #tpu.memory_space<vmem>>
      %dma_start3A_277 = arith.constant 64 : i32
      %dma_start3A_278 = tpu.memref_slice %arg4[%select_n3A_253, %dma_start3A_277] : memref<81920x128xf32, #tpu.memory_space<hbm>> -> memref<256x32xf32, #tpu.memory_space<hbm>>
      %dma_start3A_279 = arith.constant 64 : i32
      %dma_start3A_280 = tpu.memref_slice %arg4[%select_n3A_253, %dma_start3A_279] : memref<81920x128xf32, #tpu.memory_space<hbm>> -> memref<256x32xf32, #tpu.memory_space<hbm>>
      %dma_start3A_281 = arith.constant 512 : i32
      %dma_start3A_282 = arith.constant 0 : i32
      %dma_start3A_283 = tpu.memref_slice %arg8[%dma_start3A_281, %dma_start3A_282] : memref<1024x32xf32, #tpu.memory_space<vmem>> -> memref<256x32xf32, #tpu.memory_space<vmem>>
      tpu.enqueue_dma source(%dma_start3A_283 : memref<256x32xf32, #tpu.memory_space<vmem>>) target(%dma_start3A_280 : memref<256x32xf32, #tpu.memory_space<hbm>>) target_semaphore(%arg12 : memref<!tpu.dma_semaphore, #tpu.memory_space<semaphore_mem>>)
      %dma_start3A_284 = arith.constant 768 : i32
      %dma_start3A_285 = arith.constant 0 : i32
      %dma_start3A_286 = tpu.memref_slice %arg8[%dma_start3A_284, %dma_start3A_285] : memref<1024x32xf32, #tpu.memory_space<vmem>> -> memref<256x32xf32, #tpu.memory_space<vmem>>
      %dma_start3A_287 = arith.constant 96 : i32
      %dma_start3A_288 = tpu.memref_slice %arg4[%select_n3A_253, %dma_start3A_287] : memref<81920x128xf32, #tpu.memory_space<hbm>> -> memref<256x32xf32, #tpu.memory_space<hbm>>
      %dma_start3A_289 = arith.constant 96 : i32
      %dma_start3A_290 = tpu.memref_slice %arg4[%select_n3A_253, %dma_start3A_289] : memref<81920x128xf32, #tpu.memory_space<hbm>> -> memref<256x32xf32, #tpu.memory_space<hbm>>
      %dma_start3A_291 = arith.constant 768 : i32
      %dma_start3A_292 = arith.constant 0 : i32
      %dma_start3A_293 = tpu.memref_slice %arg8[%dma_start3A_291, %dma_start3A_292] : memref<1024x32xf32, #tpu.memory_space<vmem>> -> memref<256x32xf32, #tpu.memory_space<vmem>>
      tpu.enqueue_dma source(%dma_start3A_293 : memref<256x32xf32, #tpu.memory_space<vmem>>) target(%dma_start3A_290 : memref<256x32xf32, #tpu.memory_space<hbm>>) target_semaphore(%arg12 : memref<!tpu.dma_semaphore, #tpu.memory_space<semaphore_mem>>)
      %lt3A = arith.constant 4 : i32
      %lt3A_294 = arith.cmpi slt, %scan3A_135, %lt3A : i32
      %convert_element_type3A_295 = arith.extui %lt3A_294 : i1 to i32
      %cond3A_296 = arith.constant 0 : i32
      %cond3A_297 = arith.cmpi ne, %convert_element_type3A_295, %cond3A_296 : i32
      scf.if %cond3A_297 {
        %mul3A_298 = arith.constant 2 : i32
        %mul3A_299 = arith.muli %mul3A_298, %scan3A_135 : i32
        %mul3A_300 = arith.constant 1024 : i32
        %mul3A_301 = arith.muli %mul3A_299, %mul3A_300 : i32
        %add3A_302 = arith.addi %mul3A_2, %mul3A_301 : i32
        %jit3A_303 = arith.constant 4 : i32
        %div3A_304 = arith.divsi %add3A_302, %jit3A_303 : i32
        %sign3A_305 = arith.constant 0 : i32
        %sign3A_306 = arith.cmpi sgt, %add3A_302, %sign3A_305 : i32
        %sign3A_307 = arith.extui %sign3A_306 : i1 to i32
        %sign3A_308 = arith.constant 0 : i32
        %sign3A_309 = arith.cmpi slt, %add3A_302, %sign3A_308 : i32
        %sign3A_310 = arith.extui %sign3A_309 : i1 to i32
        %sign3A_311 = arith.subi %sign3A_307, %sign3A_310 : i32
        %sign3A_312 = arith.constant 0 : i32
        %sign3A_313 = arith.cmpi sgt, %jit3A_303, %sign3A_312 : i32
        %sign3A_314 = arith.extui %sign3A_313 : i1 to i32
        %sign3A_315 = arith.constant 0 : i32
        %sign3A_316 = arith.cmpi slt, %jit3A_303, %sign3A_315 : i32
        %sign3A_317 = arith.extui %sign3A_316 : i1 to i32
        %sign3A_318 = arith.subi %sign3A_314, %sign3A_317 : i32
        %ne3A_319 = arith.cmpi ne, %sign3A_311, %sign3A_318 : i32
        %rem3A_320 = arith.remsi %add3A_302, %jit3A_303 : i32
        %ne3A_321 = arith.constant 0 : i32
        %ne3A_322 = arith.cmpi ne, %rem3A_320, %ne3A_321 : i32
        %and3A_323 = arith.andi %ne3A_319, %ne3A_322 : i1
        %sub3A_324 = arith.constant 1 : i32
        %sub3A_325 = arith.subi %div3A_304, %sub3A_324 : i32
        %select_n3A_326 = arith.select %and3A_323, %sub3A_325, %div3A_304 : i32
        %dma_wait3A_327 = arith.constant 0 : i32
        %dma_wait3A_328 = arith.constant 0 : i32
        %dma_wait3A_329 = tpu.memref_slice %arg7[%dma_wait3A_327, %dma_wait3A_328] : memref<1024x32xf32, #tpu.memory_space<vmem>> -> memref<256x32xf32, #tpu.memory_space<vmem>>
        %dma_wait3A_330 = arith.constant 0 : i32
        %dma_wait3A_331 = tpu.memref_slice %arg4[%select_n3A_326, %dma_wait3A_330] : memref<81920x128xf32, #tpu.memory_space<hbm>> -> memref<256x32xf32, #tpu.memory_space<hbm>>
        %dma_wait3A_332 = arith.constant 0 : i32
        %dma_wait3A_333 = tpu.memref_slice %arg4[%select_n3A_326, %dma_wait3A_332] : memref<81920x128xf32, #tpu.memory_space<hbm>> -> memref<256x32xf32, #tpu.memory_space<hbm>>
        %dma_wait3A_334 = arith.constant 0 : i32
        %dma_wait3A_335 = arith.constant 0 : i32
        %dma_wait3A_336 = tpu.memref_slice %arg7[%dma_wait3A_334, %dma_wait3A_335] : memref<1024x32xf32, #tpu.memory_space<vmem>> -> memref<256x32xf32, #tpu.memory_space<vmem>>
        tpu.wait_dma2 semaphore(%arg11 : memref<!tpu.dma_semaphore, #tpu.memory_space<semaphore_mem>>) src(%dma_wait3A_336 : memref<256x32xf32, #tpu.memory_space<vmem>>) dst(%dma_wait3A_333 : memref<256x32xf32, #tpu.memory_space<hbm>>)
        %dma_wait3A_337 = arith.constant 256 : i32
        %dma_wait3A_338 = arith.constant 0 : i32
        %dma_wait3A_339 = tpu.memref_slice %arg7[%dma_wait3A_337, %dma_wait3A_338] : memref<1024x32xf32, #tpu.memory_space<vmem>> -> memref<256x32xf32, #tpu.memory_space<vmem>>
        %dma_wait3A_340 = arith.constant 32 : i32
        %dma_wait3A_341 = tpu.memref_slice %arg4[%select_n3A_326, %dma_wait3A_340] : memref<81920x128xf32, #tpu.memory_space<hbm>> -> memref<256x32xf32, #tpu.memory_space<hbm>>
        %dma_wait3A_342 = arith.constant 32 : i32
        %dma_wait3A_343 = tpu.memref_slice %arg4[%select_n3A_326, %dma_wait3A_342] : memref<81920x128xf32, #tpu.memory_space<hbm>> -> memref<256x32xf32, #tpu.memory_space<hbm>>
        %dma_wait3A_344 = arith.constant 256 : i32
        %dma_wait3A_345 = arith.constant 0 : i32
        %dma_wait3A_346 = tpu.memref_slice %arg7[%dma_wait3A_344, %dma_wait3A_345] : memref<1024x32xf32, #tpu.memory_space<vmem>> -> memref<256x32xf32, #tpu.memory_space<vmem>>
        tpu.wait_dma2 semaphore(%arg11 : memref<!tpu.dma_semaphore, #tpu.memory_space<semaphore_mem>>) src(%dma_wait3A_346 : memref<256x32xf32, #tpu.memory_space<vmem>>) dst(%dma_wait3A_343 : memref<256x32xf32, #tpu.memory_space<hbm>>)
        %dma_wait3A_347 = arith.constant 512 : i32
        %dma_wait3A_348 = arith.constant 0 : i32
        %dma_wait3A_349 = tpu.memref_slice %arg7[%dma_wait3A_347, %dma_wait3A_348] : memref<1024x32xf32, #tpu.memory_space<vmem>> -> memref<256x32xf32, #tpu.memory_space<vmem>>
        %dma_wait3A_350 = arith.constant 64 : i32
        %dma_wait3A_351 = tpu.memref_slice %arg4[%select_n3A_326, %dma_wait3A_350] : memref<81920x128xf32, #tpu.memory_space<hbm>> -> memref<256x32xf32, #tpu.memory_space<hbm>>
        %dma_wait3A_352 = arith.constant 64 : i32
        %dma_wait3A_353 = tpu.memref_slice %arg4[%select_n3A_326, %dma_wait3A_352] : memref<81920x128xf32, #tpu.memory_space<hbm>> -> memref<256x32xf32, #tpu.memory_space<hbm>>
        %dma_wait3A_354 = arith.constant 512 : i32
        %dma_wait3A_355 = arith.constant 0 : i32
        %dma_wait3A_356 = tpu.memref_slice %arg7[%dma_wait3A_354, %dma_wait3A_355] : memref<1024x32xf32, #tpu.memory_space<vmem>> -> memref<256x32xf32, #tpu.memory_space<vmem>>
        tpu.wait_dma2 semaphore(%arg11 : memref<!tpu.dma_semaphore, #tpu.memory_space<semaphore_mem>>) src(%dma_wait3A_356 : memref<256x32xf32, #tpu.memory_space<vmem>>) dst(%dma_wait3A_353 : memref<256x32xf32, #tpu.memory_space<hbm>>)
        %dma_wait3A_357 = arith.constant 768 : i32
        %dma_wait3A_358 = arith.constant 0 : i32
        %dma_wait3A_359 = tpu.memref_slice %arg7[%dma_wait3A_357, %dma_wait3A_358] : memref<1024x32xf32, #tpu.memory_space<vmem>> -> memref<256x32xf32, #tpu.memory_space<vmem>>
        %dma_wait3A_360 = arith.constant 96 : i32
        %dma_wait3A_361 = tpu.memref_slice %arg4[%select_n3A_326, %dma_wait3A_360] : memref<81920x128xf32, #tpu.memory_space<hbm>> -> memref<256x32xf32, #tpu.memory_space<hbm>>
        %dma_wait3A_362 = arith.constant 96 : i32
        %dma_wait3A_363 = tpu.memref_slice %arg4[%select_n3A_326, %dma_wait3A_362] : memref<81920x128xf32, #tpu.memory_space<hbm>> -> memref<256x32xf32, #tpu.memory_space<hbm>>
        %dma_wait3A_364 = arith.constant 768 : i32
        %dma_wait3A_365 = arith.constant 0 : i32
        %dma_wait3A_366 = tpu.memref_slice %arg7[%dma_wait3A_364, %dma_wait3A_365] : memref<1024x32xf32, #tpu.memory_space<vmem>> -> memref<256x32xf32, #tpu.memory_space<vmem>>
        tpu.wait_dma2 semaphore(%arg11 : memref<!tpu.dma_semaphore, #tpu.memory_space<semaphore_mem>>) src(%dma_wait3A_366 : memref<256x32xf32, #tpu.memory_space<vmem>>) dst(%dma_wait3A_363 : memref<256x32xf32, #tpu.memory_space<hbm>>)
        %mul3A_367 = arith.constant 2 : i32
        %mul3A_368 = arith.muli %mul3A_367, %scan3A_135 : i32
        %add3A_369 = arith.constant 2 : i32
        %add3A_370 = arith.addi %mul3A_368, %add3A_369 : i32
        %mul3A_371 = arith.constant 1024 : i32
        %mul3A_372 = arith.muli %add3A_370, %mul3A_371 : i32
        %add3A_373 = arith.addi %mul3A_2, %mul3A_372 : i32
        "tpu.region"() ({
          %run_scoped3A = tpu.sem_alloc : memref<!tpu.dma_semaphore, #tpu.memory_space<semaphore_mem>>
          %dma_start3A_377 = tpu.memref_slice %arg2[%add3A_373] : memref<327680xi32, #tpu.memory_space<hbm>> -> memref<1024xi32, #tpu.memory_space<hbm>>
          %dma_start3A_378 = tpu.memref_slice %arg2[%add3A_373] : memref<327680xi32, #tpu.memory_space<hbm>> -> memref<1024xi32, #tpu.memory_space<hbm>>
          tpu.enqueue_dma source(%dma_start3A_378 : memref<1024xi32, #tpu.memory_space<hbm>>) target(%arg5 : memref<1024xi32, #tpu.memory_space<vmem>>) target_semaphore(%run_scoped3A : memref<!tpu.dma_semaphore, #tpu.memory_space<semaphore_mem>>)
          %dma_wait3A_379 = tpu.memref_slice %arg2[%add3A_373] : memref<327680xi32, #tpu.memory_space<hbm>> -> memref<1024xi32, #tpu.memory_space<hbm>>
          %dma_wait3A_380 = tpu.memref_slice %arg2[%add3A_373] : memref<327680xi32, #tpu.memory_space<hbm>> -> memref<1024xi32, #tpu.memory_space<hbm>>
          tpu.wait_dma2 semaphore(%run_scoped3A : memref<!tpu.dma_semaphore, #tpu.memory_space<semaphore_mem>>) src(%dma_wait3A_380 : memref<1024xi32, #tpu.memory_space<hbm>>) dst(%arg5 : memref<1024xi32, #tpu.memory_space<vmem>>)
          tpu.yield
        }) : () -> ()
        %dma_start3A_374 = arith.constant 0 : i32
        %dma_start3A_375 = arith.constant 0 : i32
        %dma_start3A_376 = tpu.memref_slice %arg3[%dma_start3A_374, %dma_start3A_375] : memref<100000x32xf32, #tpu.memory_space<hbm>> -> memref<100000x32xf32, #tpu.memory_space<hbm>>
        tpu.enqueue_indirect_dma source(%dma_start3A_376 : memref<100000x32xf32, #tpu.memory_space<hbm>>) target(%arg7 : memref<1024x32xf32, #tpu.memory_space<vmem>>) offsets(%arg5 : memref<1024xi32, #tpu.memory_space<vmem>>) semaphore(%arg9 : memref<!tpu.dma_semaphore, #tpu.memory_space<semaphore_mem>>)
      } else {
      }
    }
    %scan3A_11 = arith.constant 5 : i32
    %add3A_12 = arith.constant 8192 : i32
    %add3A_13 = arith.addi %mul3A_2, %add3A_12 : i32
    %jit3A = arith.constant 4 : i32
    %div3A = arith.divsi %add3A_13, %jit3A : i32
    %sign3A = arith.constant 0 : i32
    %sign3A_14 = arith.cmpi sgt, %add3A_13, %sign3A : i32
    %sign3A_15 = arith.extui %sign3A_14 : i1 to i32
    %sign3A_16 = arith.constant 0 : i32
    %sign3A_17 = arith.cmpi slt, %add3A_13, %sign3A_16 : i32
    %sign3A_18 = arith.extui %sign3A_17 : i1 to i32
    %sign3A_19 = arith.subi %sign3A_15, %sign3A_18 : i32
    %sign3A_20 = arith.constant 0 : i32
    %sign3A_21 = arith.cmpi sgt, %jit3A, %sign3A_20 : i32
    %sign3A_22 = arith.extui %sign3A_21 : i1 to i32
    %sign3A_23 = arith.constant 0 : i32
    %sign3A_24 = arith.cmpi slt, %jit3A, %sign3A_23 : i32
    %sign3A_25 = arith.extui %sign3A_24 : i1 to i32
    %sign3A_26 = arith.subi %sign3A_22, %sign3A_25 : i32
    %ne3A = arith.cmpi ne, %sign3A_19, %sign3A_26 : i32
    %rem3A = arith.remsi %add3A_13, %jit3A : i32
    %ne3A_27 = arith.constant 0 : i32
    %ne3A_28 = arith.cmpi ne, %rem3A, %ne3A_27 : i32
    %and3A = arith.andi %ne3A, %ne3A_28 : i1
    %sub3A = arith.constant 1 : i32
    %sub3A_29 = arith.subi %div3A, %sub3A : i32
    %select_n3A = arith.select %and3A, %sub3A_29, %div3A : i32
    %dma_wait3A = arith.constant 0 : i32
    %dma_wait3A_30 = arith.constant 0 : i32
    %dma_wait3A_31 = tpu.memref_slice %arg7[%dma_wait3A, %dma_wait3A_30] : memref<1024x32xf32, #tpu.memory_space<vmem>> -> memref<256x32xf32, #tpu.memory_space<vmem>>
    %dma_wait3A_32 = arith.constant 0 : i32
    %dma_wait3A_33 = tpu.memref_slice %arg4[%select_n3A, %dma_wait3A_32] : memref<81920x128xf32, #tpu.memory_space<hbm>> -> memref<256x32xf32, #tpu.memory_space<hbm>>
    %dma_wait3A_34 = arith.constant 0 : i32
    %dma_wait3A_35 = tpu.memref_slice %arg4[%select_n3A, %dma_wait3A_34] : memref<81920x128xf32, #tpu.memory_space<hbm>> -> memref<256x32xf32, #tpu.memory_space<hbm>>
    %dma_wait3A_36 = arith.constant 0 : i32
    %dma_wait3A_37 = arith.constant 0 : i32
    %dma_wait3A_38 = tpu.memref_slice %arg7[%dma_wait3A_36, %dma_wait3A_37] : memref<1024x32xf32, #tpu.memory_space<vmem>> -> memref<256x32xf32, #tpu.memory_space<vmem>>
    tpu.wait_dma2 semaphore(%arg11 : memref<!tpu.dma_semaphore, #tpu.memory_space<semaphore_mem>>) src(%dma_wait3A_38 : memref<256x32xf32, #tpu.memory_space<vmem>>) dst(%dma_wait3A_35 : memref<256x32xf32, #tpu.memory_space<hbm>>)
    %dma_wait3A_39 = arith.constant 256 : i32
    %dma_wait3A_40 = arith.constant 0 : i32
    %dma_wait3A_41 = tpu.memref_slice %arg7[%dma_wait3A_39, %dma_wait3A_40] : memref<1024x32xf32, #tpu.memory_space<vmem>> -> memref<256x32xf32, #tpu.memory_space<vmem>>
    %dma_wait3A_42 = arith.constant 32 : i32
    %dma_wait3A_43 = tpu.memref_slice %arg4[%select_n3A, %dma_wait3A_42] : memref<81920x128xf32, #tpu.memory_space<hbm>> -> memref<256x32xf32, #tpu.memory_space<hbm>>
    %dma_wait3A_44 = arith.constant 32 : i32
    %dma_wait3A_45 = tpu.memref_slice %arg4[%select_n3A, %dma_wait3A_44] : memref<81920x128xf32, #tpu.memory_space<hbm>> -> memref<256x32xf32, #tpu.memory_space<hbm>>
    %dma_wait3A_46 = arith.constant 256 : i32
    %dma_wait3A_47 = arith.constant 0 : i32
    %dma_wait3A_48 = tpu.memref_slice %arg7[%dma_wait3A_46, %dma_wait3A_47] : memref<1024x32xf32, #tpu.memory_space<vmem>> -> memref<256x32xf32, #tpu.memory_space<vmem>>
    tpu.wait_dma2 semaphore(%arg11 : memref<!tpu.dma_semaphore, #tpu.memory_space<semaphore_mem>>) src(%dma_wait3A_48 : memref<256x32xf32, #tpu.memory_space<vmem>>) dst(%dma_wait3A_45 : memref<256x32xf32, #tpu.memory_space<hbm>>)
    %dma_wait3A_49 = arith.constant 512 : i32
    %dma_wait3A_50 = arith.constant 0 : i32
    %dma_wait3A_51 = tpu.memref_slice %arg7[%dma_wait3A_49, %dma_wait3A_50] : memref<1024x32xf32, #tpu.memory_space<vmem>> -> memref<256x32xf32, #tpu.memory_space<vmem>>
    %dma_wait3A_52 = arith.constant 64 : i32
    %dma_wait3A_53 = tpu.memref_slice %arg4[%select_n3A, %dma_wait3A_52] : memref<81920x128xf32, #tpu.memory_space<hbm>> -> memref<256x32xf32, #tpu.memory_space<hbm>>
    %dma_wait3A_54 = arith.constant 64 : i32
    %dma_wait3A_55 = tpu.memref_slice %arg4[%select_n3A, %dma_wait3A_54] : memref<81920x128xf32, #tpu.memory_space<hbm>> -> memref<256x32xf32, #tpu.memory_space<hbm>>
    %dma_wait3A_56 = arith.constant 512 : i32
    %dma_wait3A_57 = arith.constant 0 : i32
    %dma_wait3A_58 = tpu.memref_slice %arg7[%dma_wait3A_56, %dma_wait3A_57] : memref<1024x32xf32, #tpu.memory_space<vmem>> -> memref<256x32xf32, #tpu.memory_space<vmem>>
    tpu.wait_dma2 semaphore(%arg11 : memref<!tpu.dma_semaphore, #tpu.memory_space<semaphore_mem>>) src(%dma_wait3A_58 : memref<256x32xf32, #tpu.memory_space<vmem>>) dst(%dma_wait3A_55 : memref<256x32xf32, #tpu.memory_space<hbm>>)
    %dma_wait3A_59 = arith.constant 768 : i32
    %dma_wait3A_60 = arith.constant 0 : i32
    %dma_wait3A_61 = tpu.memref_slice %arg7[%dma_wait3A_59, %dma_wait3A_60] : memref<1024x32xf32, #tpu.memory_space<vmem>> -> memref<256x32xf32, #tpu.memory_space<vmem>>
    %dma_wait3A_62 = arith.constant 96 : i32
    %dma_wait3A_63 = tpu.memref_slice %arg4[%select_n3A, %dma_wait3A_62] : memref<81920x128xf32, #tpu.memory_space<hbm>> -> memref<256x32xf32, #tpu.memory_space<hbm>>
    %dma_wait3A_64 = arith.constant 96 : i32
    %dma_wait3A_65 = tpu.memref_slice %arg4[%select_n3A, %dma_wait3A_64] : memref<81920x128xf32, #tpu.memory_space<hbm>> -> memref<256x32xf32, #tpu.memory_space<hbm>>
    %dma_wait3A_66 = arith.constant 768 : i32
    %dma_wait3A_67 = arith.constant 0 : i32
    %dma_wait3A_68 = tpu.memref_slice %arg7[%dma_wait3A_66, %dma_wait3A_67] : memref<1024x32xf32, #tpu.memory_space<vmem>> -> memref<256x32xf32, #tpu.memory_space<vmem>>
    tpu.wait_dma2 semaphore(%arg11 : memref<!tpu.dma_semaphore, #tpu.memory_space<semaphore_mem>>) src(%dma_wait3A_68 : memref<256x32xf32, #tpu.memory_space<vmem>>) dst(%dma_wait3A_65 : memref<256x32xf32, #tpu.memory_space<hbm>>)
    %add3A_69 = arith.constant 9216 : i32
    %add3A_70 = arith.addi %mul3A_2, %add3A_69 : i32
    %jit3A_71 = arith.constant 4 : i32
    %div3A_72 = arith.divsi %add3A_70, %jit3A_71 : i32
    %sign3A_73 = arith.constant 0 : i32
    %sign3A_74 = arith.cmpi sgt, %add3A_70, %sign3A_73 : i32
    %sign3A_75 = arith.extui %sign3A_74 : i1 to i32
    %sign3A_76 = arith.constant 0 : i32
    %sign3A_77 = arith.cmpi slt, %add3A_70, %sign3A_76 : i32
    %sign3A_78 = arith.extui %sign3A_77 : i1 to i32
    %sign3A_79 = arith.subi %sign3A_75, %sign3A_78 : i32
    %sign3A_80 = arith.constant 0 : i32
    %sign3A_81 = arith.cmpi sgt, %jit3A_71, %sign3A_80 : i32
    %sign3A_82 = arith.extui %sign3A_81 : i1 to i32
    %sign3A_83 = arith.constant 0 : i32
    %sign3A_84 = arith.cmpi slt, %jit3A_71, %sign3A_83 : i32
    %sign3A_85 = arith.extui %sign3A_84 : i1 to i32
    %sign3A_86 = arith.subi %sign3A_82, %sign3A_85 : i32
    %ne3A_87 = arith.cmpi ne, %sign3A_79, %sign3A_86 : i32
    %rem3A_88 = arith.remsi %add3A_70, %jit3A_71 : i32
    %ne3A_89 = arith.constant 0 : i32
    %ne3A_90 = arith.cmpi ne, %rem3A_88, %ne3A_89 : i32
    %and3A_91 = arith.andi %ne3A_87, %ne3A_90 : i1
    %sub3A_92 = arith.constant 1 : i32
    %sub3A_93 = arith.subi %div3A_72, %sub3A_92 : i32
    %select_n3A_94 = arith.select %and3A_91, %sub3A_93, %div3A_72 : i32
    %dma_wait3A_95 = arith.constant 0 : i32
    %dma_wait3A_96 = arith.constant 0 : i32
    %dma_wait3A_97 = tpu.memref_slice %arg8[%dma_wait3A_95, %dma_wait3A_96] : memref<1024x32xf32, #tpu.memory_space<vmem>> -> memref<256x32xf32, #tpu.memory_space<vmem>>
    %dma_wait3A_98 = arith.constant 0 : i32
    %dma_wait3A_99 = tpu.memref_slice %arg4[%select_n3A_94, %dma_wait3A_98] : memref<81920x128xf32, #tpu.memory_space<hbm>> -> memref<256x32xf32, #tpu.memory_space<hbm>>
    %dma_wait3A_100 = arith.constant 0 : i32
    %dma_wait3A_101 = tpu.memref_slice %arg4[%select_n3A_94, %dma_wait3A_100] : memref<81920x128xf32, #tpu.memory_space<hbm>> -> memref<256x32xf32, #tpu.memory_space<hbm>>
    %dma_wait3A_102 = arith.constant 0 : i32
    %dma_wait3A_103 = arith.constant 0 : i32
    %dma_wait3A_104 = tpu.memref_slice %arg8[%dma_wait3A_102, %dma_wait3A_103] : memref<1024x32xf32, #tpu.memory_space<vmem>> -> memref<256x32xf32, #tpu.memory_space<vmem>>
    tpu.wait_dma2 semaphore(%arg12 : memref<!tpu.dma_semaphore, #tpu.memory_space<semaphore_mem>>) src(%dma_wait3A_104 : memref<256x32xf32, #tpu.memory_space<vmem>>) dst(%dma_wait3A_101 : memref<256x32xf32, #tpu.memory_space<hbm>>)
    %dma_wait3A_105 = arith.constant 256 : i32
    %dma_wait3A_106 = arith.constant 0 : i32
    %dma_wait3A_107 = tpu.memref_slice %arg8[%dma_wait3A_105, %dma_wait3A_106] : memref<1024x32xf32, #tpu.memory_space<vmem>> -> memref<256x32xf32, #tpu.memory_space<vmem>>
    %dma_wait3A_108 = arith.constant 32 : i32
    %dma_wait3A_109 = tpu.memref_slice %arg4[%select_n3A_94, %dma_wait3A_108] : memref<81920x128xf32, #tpu.memory_space<hbm>> -> memref<256x32xf32, #tpu.memory_space<hbm>>
    %dma_wait3A_110 = arith.constant 32 : i32
    %dma_wait3A_111 = tpu.memref_slice %arg4[%select_n3A_94, %dma_wait3A_110] : memref<81920x128xf32, #tpu.memory_space<hbm>> -> memref<256x32xf32, #tpu.memory_space<hbm>>
    %dma_wait3A_112 = arith.constant 256 : i32
    %dma_wait3A_113 = arith.constant 0 : i32
    %dma_wait3A_114 = tpu.memref_slice %arg8[%dma_wait3A_112, %dma_wait3A_113] : memref<1024x32xf32, #tpu.memory_space<vmem>> -> memref<256x32xf32, #tpu.memory_space<vmem>>
    tpu.wait_dma2 semaphore(%arg12 : memref<!tpu.dma_semaphore, #tpu.memory_space<semaphore_mem>>) src(%dma_wait3A_114 : memref<256x32xf32, #tpu.memory_space<vmem>>) dst(%dma_wait3A_111 : memref<256x32xf32, #tpu.memory_space<hbm>>)
    %dma_wait3A_115 = arith.constant 512 : i32
    %dma_wait3A_116 = arith.constant 0 : i32
    %dma_wait3A_117 = tpu.memref_slice %arg8[%dma_wait3A_115, %dma_wait3A_116] : memref<1024x32xf32, #tpu.memory_space<vmem>> -> memref<256x32xf32, #tpu.memory_space<vmem>>
    %dma_wait3A_118 = arith.constant 64 : i32
    %dma_wait3A_119 = tpu.memref_slice %arg4[%select_n3A_94, %dma_wait3A_118] : memref<81920x128xf32, #tpu.memory_space<hbm>> -> memref<256x32xf32, #tpu.memory_space<hbm>>
    %dma_wait3A_120 = arith.constant 64 : i32
    %dma_wait3A_121 = tpu.memref_slice %arg4[%select_n3A_94, %dma_wait3A_120] : memref<81920x128xf32, #tpu.memory_space<hbm>> -> memref<256x32xf32, #tpu.memory_space<hbm>>
    %dma_wait3A_122 = arith.constant 512 : i32
    %dma_wait3A_123 = arith.constant 0 : i32
    %dma_wait3A_124 = tpu.memref_slice %arg8[%dma_wait3A_122, %dma_wait3A_123] : memref<1024x32xf32, #tpu.memory_space<vmem>> -> memref<256x32xf32, #tpu.memory_space<vmem>>
    tpu.wait_dma2 semaphore(%arg12 : memref<!tpu.dma_semaphore, #tpu.memory_space<semaphore_mem>>) src(%dma_wait3A_124 : memref<256x32xf32, #tpu.memory_space<vmem>>) dst(%dma_wait3A_121 : memref<256x32xf32, #tpu.memory_space<hbm>>)
    %dma_wait3A_125 = arith.constant 768 : i32
    %dma_wait3A_126 = arith.constant 0 : i32
    %dma_wait3A_127 = tpu.memref_slice %arg8[%dma_wait3A_125, %dma_wait3A_126] : memref<1024x32xf32, #tpu.memory_space<vmem>> -> memref<256x32xf32, #tpu.memory_space<vmem>>
    %dma_wait3A_128 = arith.constant 96 : i32
    %dma_wait3A_129 = tpu.memref_slice %arg4[%select_n3A_94, %dma_wait3A_128] : memref<81920x128xf32, #tpu.memory_space<hbm>> -> memref<256x32xf32, #tpu.memory_space<hbm>>
    %dma_wait3A_130 = arith.constant 96 : i32
    %dma_wait3A_131 = tpu.memref_slice %arg4[%select_n3A_94, %dma_wait3A_130] : memref<81920x128xf32, #tpu.memory_space<hbm>> -> memref<256x32xf32, #tpu.memory_space<hbm>>
    %dma_wait3A_132 = arith.constant 768 : i32
    %dma_wait3A_133 = arith.constant 0 : i32
    %dma_wait3A_134 = tpu.memref_slice %arg8[%dma_wait3A_132, %dma_wait3A_133] : memref<1024x32xf32, #tpu.memory_space<vmem>> -> memref<256x32xf32, #tpu.memory_space<vmem>>
    tpu.wait_dma2 semaphore(%arg12 : memref<!tpu.dma_semaphore, #tpu.memory_space<semaphore_mem>>) src(%dma_wait3A_134 : memref<256x32xf32, #tpu.memory_space<vmem>>) dst(%dma_wait3A_131 : memref<256x32xf32, #tpu.memory_space<hbm>>)
    return
  }
}

#map = affine_map<(d0, d1) -> (0)>
#map1 = affine_map<(d0, d1) -> (0, 0)>
module attributes {stable_mosaic.version = 14 : i64} {
  func.func @_gather_body(%arg0: i32, %arg1: i32, %arg2: memref<327680xi32, #tpu.memory_space<hbm>>, %arg3: memref<100000x32xf32, #tpu.memory_space<hbm>>, %arg4: memref<81920x128xf32, #tpu.memory_space<hbm>>, %arg5: memref<1024xi32, #tpu.memory_space<vmem>>, %arg6: memref<1024xi32, #tpu.memory_space<vmem>>, %arg7: memref<1024x32xf32, #tpu.memory_space<vmem>>, %arg8: memref<1024x32xf32, #tpu.memory_space<vmem>>, %arg9: memref<!tpu.dma_semaphore, #tpu.memory_space<semaphore_mem>>, %arg10: memref<!tpu.dma_semaphore, #tpu.memory_space<semaphore_mem>>, %arg11: memref<!tpu.dma_semaphore, #tpu.memory_space<semaphore_mem>>, %arg12: memref<!tpu.dma_semaphore, #tpu.memory_space<semaphore_mem>>) attributes {dimension_semantics = [#tpu.dimension_semantics<core_parallel>, #tpu.dimension_semantics<subcore_parallel>], iteration_bounds = array<i64: 2, 16>, scalar_prefetch = 0 : i64, scratch_operands = 8 : i64, tpu.core_type = #tpu.core_type<sc_vector_subcore>, window_params = [{transform_indices = #map}, {transform_indices = #map1}, {transform_indices = #map1}]} {
    %mul3A = arith.constant 2 : i32
    %mul3A_0 = arith.muli %arg1, %mul3A : i32
    %add3A = arith.addi %mul3A_0, %arg0 : i32
    %mul3A_1 = arith.constant 10240 : i32
    %mul3A_2 = arith.muli %add3A, %mul3A_1 : i32
    %add3A_3 = arith.constant 0 : i32
    %add3A_4 = arith.addi %mul3A_2, %add3A_3 : i32
    "tpu.region"() ({
      %run_scoped3A = tpu.sem_alloc : memref<!tpu.dma_semaphore, #tpu.memory_space<semaphore_mem>>
      %dma_start3A_135 = tpu.memref_slice %arg2[%add3A_4] : memref<327680xi32, #tpu.memory_space<hbm>> -> memref<1024xi32, #tpu.memory_space<hbm>>
      %dma_start3A_136 = tpu.memref_slice %arg2[%add3A_4] : memref<327680xi32, #tpu.memory_space<hbm>> -> memref<1024xi32, #tpu.memory_space<hbm>>
      tpu.enqueue_dma source(%dma_start3A_136 : memref<1024xi32, #tpu.memory_space<hbm>>) target(%arg5 : memref<1024xi32, #tpu.memory_space<vmem>>) target_semaphore(%run_scoped3A : memref<!tpu.dma_semaphore, #tpu.memory_space<semaphore_mem>>)
      %dma_wait3A_137 = tpu.memref_slice %arg2[%add3A_4] : memref<327680xi32, #tpu.memory_space<hbm>> -> memref<1024xi32, #tpu.memory_space<hbm>>
      %dma_wait3A_138 = tpu.memref_slice %arg2[%add3A_4] : memref<327680xi32, #tpu.memory_space<hbm>> -> memref<1024xi32, #tpu.memory_space<hbm>>
      tpu.wait_dma2 semaphore(%run_scoped3A : memref<!tpu.dma_semaphore, #tpu.memory_space<semaphore_mem>>) src(%dma_wait3A_138 : memref<1024xi32, #tpu.memory_space<hbm>>) dst(%arg5 : memref<1024xi32, #tpu.memory_space<vmem>>)
      tpu.yield
    }) : () -> ()
    %dma_start3A = arith.constant 0 : i32
    %dma_start3A_5 = arith.constant 0 : i32
    %dma_start3A_6 = tpu.memref_slice %arg3[%dma_start3A, %dma_start3A_5] : memref<100000x32xf32, #tpu.memory_space<hbm>> -> memref<100000x32xf32, #tpu.memory_space<hbm>>
    tpu.enqueue_indirect_dma source(%dma_start3A_6 : memref<100000x32xf32, #tpu.memory_space<hbm>>) target(%arg7 : memref<1024x32xf32, #tpu.memory_space<vmem>>) offsets(%arg5 : memref<1024xi32, #tpu.memory_space<vmem>>) semaphore(%arg9 : memref<!tpu.dma_semaphore, #tpu.memory_space<semaphore_mem>>)
    %scan3A = arith.constant 0 : i32
    %scan3A_7 = arith.constant 0 : i32
    %scan3A_8 = arith.constant 5 : i32
    %scan3A_9 = arith.addi %scan3A_7, %scan3A_8 : i32
    %scan3A_10 = arith.constant 1 : i32
    scf.for %scan3A_135 = %scan3A_7 to %scan3A_9 step %scan3A_10  : i32 {
      %dma_wait3A_136 = arith.constant 0 : i32
      %dma_wait3A_137 = arith.constant 0 : i32
      %dma_wait3A_138 = tpu.memref_slice %arg3[%dma_wait3A_136, %dma_wait3A_137] : memref<100000x32xf32, #tpu.memory_space<hbm>> -> memref<100000x32xf32, #tpu.memory_space<hbm>>
      tpu.wait_indirect_dma semaphore(%arg9 : memref<!tpu.dma_semaphore, #tpu.memory_space<semaphore_mem>>) src(%dma_wait3A_138 : memref<100000x32xf32, #tpu.memory_space<hbm>>) dst(%arg7 : memref<1024x32xf32, #tpu.memory_space<vmem>>)
      %mul3A_139 = arith.constant 2 : i32
      %mul3A_140 = arith.muli %mul3A_139, %scan3A_135 : i32
      %mul3A_141 = arith.constant 1024 : i32
      %mul3A_142 = arith.muli %mul3A_140, %mul3A_141 : i32
      %add3A_143 = arith.addi %mul3A_2, %mul3A_142 : i32
      %jit3A_144 = arith.constant 4 : i32
      %div3A_145 = arith.divsi %add3A_143, %jit3A_144 : i32
      %sign3A_146 = arith.constant 0 : i32
      %sign3A_147 = arith.cmpi sgt, %add3A_143, %sign3A_146 : i32
      %sign3A_148 = arith.extui %sign3A_147 : i1 to i32
      %sign3A_149 = arith.constant 0 : i32
      %sign3A_150 = arith.cmpi slt, %add3A_143, %sign3A_149 : i32
      %sign3A_151 = arith.extui %sign3A_150 : i1 to i32
      %sign3A_152 = arith.subi %sign3A_148, %sign3A_151 : i32
      %sign3A_153 = arith.constant 0 : i32
      %sign3A_154 = arith.cmpi sgt, %jit3A_144, %sign3A_153 : i32
      %sign3A_155 = arith.extui %sign3A_154 : i1 to i32
      %sign3A_156 = arith.constant 0 : i32
      %sign3A_157 = arith.cmpi slt, %jit3A_144, %sign3A_156 : i32
      %sign3A_158 = arith.extui %sign3A_157 : i1 to i32
      %sign3A_159 = arith.subi %sign3A_155, %sign3A_158 : i32
      %ne3A_160 = arith.cmpi ne, %sign3A_152, %sign3A_159 : i32
      %rem3A_161 = arith.remsi %add3A_143, %jit3A_144 : i32
      %ne3A_162 = arith.constant 0 : i32
      %ne3A_163 = arith.cmpi ne, %rem3A_161, %ne3A_162 : i32
      %and3A_164 = arith.andi %ne3A_160, %ne3A_163 : i1
      %sub3A_165 = arith.constant 1 : i32
      %sub3A_166 = arith.subi %div3A_145, %sub3A_165 : i32
      %select_n3A_167 = arith.select %and3A_164, %sub3A_166, %div3A_145 : i32
      %dma_start3A_168 = arith.constant 0 : i32
      %dma_start3A_169 = arith.constant 0 : i32
      %dma_start3A_170 = tpu.memref_slice %arg7[%dma_start3A_168, %dma_start3A_169] : memref<1024x32xf32, #tpu.memory_space<vmem>> -> memref<256x32xf32, #tpu.memory_space<vmem>>
      %dma_start3A_171 = arith.constant 0 : i32
      %dma_start3A_172 = tpu.memref_slice %arg4[%select_n3A_167, %dma_start3A_171] : memref<81920x128xf32, #tpu.memory_space<hbm>> -> memref<256x32xf32, #tpu.memory_space<hbm>>
      %dma_start3A_173 = arith.constant 0 : i32
      %dma_start3A_174 = tpu.memref_slice %arg4[%select_n3A_167, %dma_start3A_173] : memref<81920x128xf32, #tpu.memory_space<hbm>> -> memref<256x32xf32, #tpu.memory_space<hbm>>
      %dma_start3A_175 = arith.constant 0 : i32
      %dma_start3A_176 = arith.constant 0 : i32
      %dma_start3A_177 = tpu.memref_slice %arg7[%dma_start3A_175, %dma_start3A_176] : memref<1024x32xf32, #tpu.memory_space<vmem>> -> memref<256x32xf32, #tpu.memory_space<vmem>>
      tpu.enqueue_dma source(%dma_start3A_177 : memref<256x32xf32, #tpu.memory_space<vmem>>) target(%dma_start3A_174 : memref<256x32xf32, #tpu.memory_space<hbm>>) target_semaphore(%arg11 : memref<!tpu.dma_semaphore, #tpu.memory_space<semaphore_mem>>)
      %dma_start3A_178 = arith.constant 256 : i32
      %dma_start3A_179 = arith.constant 0 : i32
      %dma_start3A_180 = tpu.memref_slice %arg7[%dma_start3A_178, %dma_start3A_179] : memref<1024x32xf32, #tpu.memory_space<vmem>> -> memref<256x32xf32, #tpu.memory_space<vmem>>
      %dma_start3A_181 = arith.constant 32 : i32
      %dma_start3A_182 = tpu.memref_slice %arg4[%select_n3A_167, %dma_start3A_181] : memref<81920x128xf32, #tpu.memory_space<hbm>> -> memref<256x32xf32, #tpu.memory_space<hbm>>
      %dma_start3A_183 = arith.constant 32 : i32
      %dma_start3A_184 = tpu.memref_slice %arg4[%select_n3A_167, %dma_start3A_183] : memref<81920x128xf32, #tpu.memory_space<hbm>> -> memref<256x32xf32, #tpu.memory_space<hbm>>
      %dma_start3A_185 = arith.constant 256 : i32
      %dma_start3A_186 = arith.constant 0 : i32
      %dma_start3A_187 = tpu.memref_slice %arg7[%dma_start3A_185, %dma_start3A_186] : memref<1024x32xf32, #tpu.memory_space<vmem>> -> memref<256x32xf32, #tpu.memory_space<vmem>>
      tpu.enqueue_dma source(%dma_start3A_187 : memref<256x32xf32, #tpu.memory_space<vmem>>) target(%dma_start3A_184 : memref<256x32xf32, #tpu.memory_space<hbm>>) target_semaphore(%arg11 : memref<!tpu.dma_semaphore, #tpu.memory_space<semaphore_mem>>)
      %dma_start3A_188 = arith.constant 512 : i32
      %dma_start3A_189 = arith.constant 0 : i32
      %dma_start3A_190 = tpu.memref_slice %arg7[%dma_start3A_188, %dma_start3A_189] : memref<1024x32xf32, #tpu.memory_space<vmem>> -> memref<256x32xf32, #tpu.memory_space<vmem>>
      %dma_start3A_191 = arith.constant 64 : i32
      %dma_start3A_192 = tpu.memref_slice %arg4[%select_n3A_167, %dma_start3A_191] : memref<81920x128xf32, #tpu.memory_space<hbm>> -> memref<256x32xf32, #tpu.memory_space<hbm>>
      %dma_start3A_193 = arith.constant 64 : i32
      %dma_start3A_194 = tpu.memref_slice %arg4[%select_n3A_167, %dma_start3A_193] : memref<81920x128xf32, #tpu.memory_space<hbm>> -> memref<256x32xf32, #tpu.memory_space<hbm>>
      %dma_start3A_195 = arith.constant 512 : i32
      %dma_start3A_196 = arith.constant 0 : i32
      %dma_start3A_197 = tpu.memref_slice %arg7[%dma_start3A_195, %dma_start3A_196] : memref<1024x32xf32, #tpu.memory_space<vmem>> -> memref<256x32xf32, #tpu.memory_space<vmem>>
      tpu.enqueue_dma source(%dma_start3A_197 : memref<256x32xf32, #tpu.memory_space<vmem>>) target(%dma_start3A_194 : memref<256x32xf32, #tpu.memory_space<hbm>>) target_semaphore(%arg11 : memref<!tpu.dma_semaphore, #tpu.memory_space<semaphore_mem>>)
      %dma_start3A_198 = arith.constant 768 : i32
      %dma_start3A_199 = arith.constant 0 : i32
      %dma_start3A_200 = tpu.memref_slice %arg7[%dma_start3A_198, %dma_start3A_199] : memref<1024x32xf32, #tpu.memory_space<vmem>> -> memref<256x32xf32, #tpu.memory_space<vmem>>
      %dma_start3A_201 = arith.constant 96 : i32
      %dma_start3A_202 = tpu.memref_slice %arg4[%select_n3A_167, %dma_start3A_201] : memref<81920x128xf32, #tpu.memory_space<hbm>> -> memref<256x32xf32, #tpu.memory_space<hbm>>
      %dma_start3A_203 = arith.constant 96 : i32
      %dma_start3A_204 = tpu.memref_slice %arg4[%select_n3A_167, %dma_start3A_203] : memref<81920x128xf32, #tpu.memory_space<hbm>> -> memref<256x32xf32, #tpu.memory_space<hbm>>
      %dma_start3A_205 = arith.constant 768 : i32
      %dma_start3A_206 = arith.constant 0 : i32
      %dma_start3A_207 = tpu.memref_slice %arg7[%dma_start3A_205, %dma_start3A_206] : memref<1024x32xf32, #tpu.memory_space<vmem>> -> memref<256x32xf32, #tpu.memory_space<vmem>>
      tpu.enqueue_dma source(%dma_start3A_207 : memref<256x32xf32, #tpu.memory_space<vmem>>) target(%dma_start3A_204 : memref<256x32xf32, #tpu.memory_space<hbm>>) target_semaphore(%arg11 : memref<!tpu.dma_semaphore, #tpu.memory_space<semaphore_mem>>)
      %gt3A = arith.constant 0 : i32
      %gt3A_208 = arith.cmpi sgt, %scan3A_135, %gt3A : i32
      %convert_element_type3A = arith.extui %gt3A_208 : i1 to i32
      %cond3A = arith.constant 0 : i32
      %cond3A_209 = arith.cmpi ne, %convert_element_type3A, %cond3A : i32
      scf.if %cond3A_209 {
        %mul3A_298 = arith.constant 2 : i32
        %mul3A_299 = arith.muli %mul3A_298, %scan3A_135 : i32
        %sub3A_300 = arith.constant 1 : i32
        %sub3A_301 = arith.subi %mul3A_299, %sub3A_300 : i32
        %mul3A_302 = arith.constant 1024 : i32
        %mul3A_303 = arith.muli %sub3A_301, %mul3A_302 : i32
        %add3A_304 = arith.addi %mul3A_2, %mul3A_303 : i32
        %jit3A_305 = arith.constant 4 : i32
        %div3A_306 = arith.divsi %add3A_304, %jit3A_305 : i32
        %sign3A_307 = arith.constant 0 : i32
        %sign3A_308 = arith.cmpi sgt, %add3A_304, %sign3A_307 : i32
        %sign3A_309 = arith.extui %sign3A_308 : i1 to i32
        %sign3A_310 = arith.constant 0 : i32
        %sign3A_311 = arith.cmpi slt, %add3A_304, %sign3A_310 : i32
        %sign3A_312 = arith.extui %sign3A_311 : i1 to i32
        %sign3A_313 = arith.subi %sign3A_309, %sign3A_312 : i32
        %sign3A_314 = arith.constant 0 : i32
        %sign3A_315 = arith.cmpi sgt, %jit3A_305, %sign3A_314 : i32
        %sign3A_316 = arith.extui %sign3A_315 : i1 to i32
        %sign3A_317 = arith.constant 0 : i32
        %sign3A_318 = arith.cmpi slt, %jit3A_305, %sign3A_317 : i32
        %sign3A_319 = arith.extui %sign3A_318 : i1 to i32
        %sign3A_320 = arith.subi %sign3A_316, %sign3A_319 : i32
        %ne3A_321 = arith.cmpi ne, %sign3A_313, %sign3A_320 : i32
        %rem3A_322 = arith.remsi %add3A_304, %jit3A_305 : i32
        %ne3A_323 = arith.constant 0 : i32
        %ne3A_324 = arith.cmpi ne, %rem3A_322, %ne3A_323 : i32
        %and3A_325 = arith.andi %ne3A_321, %ne3A_324 : i1
        %sub3A_326 = arith.constant 1 : i32
        %sub3A_327 = arith.subi %div3A_306, %sub3A_326 : i32
        %select_n3A_328 = arith.select %and3A_325, %sub3A_327, %div3A_306 : i32
        %dma_wait3A_329 = arith.constant 0 : i32
        %dma_wait3A_330 = arith.constant 0 : i32
        %dma_wait3A_331 = tpu.memref_slice %arg8[%dma_wait3A_329, %dma_wait3A_330] : memref<1024x32xf32, #tpu.memory_space<vmem>> -> memref<256x32xf32, #tpu.memory_space<vmem>>
        %dma_wait3A_332 = arith.constant 0 : i32
        %dma_wait3A_333 = tpu.memref_slice %arg4[%select_n3A_328, %dma_wait3A_332] : memref<81920x128xf32, #tpu.memory_space<hbm>> -> memref<256x32xf32, #tpu.memory_space<hbm>>
        %dma_wait3A_334 = arith.constant 0 : i32
        %dma_wait3A_335 = tpu.memref_slice %arg4[%select_n3A_328, %dma_wait3A_334] : memref<81920x128xf32, #tpu.memory_space<hbm>> -> memref<256x32xf32, #tpu.memory_space<hbm>>
        %dma_wait3A_336 = arith.constant 0 : i32
        %dma_wait3A_337 = arith.constant 0 : i32
        %dma_wait3A_338 = tpu.memref_slice %arg8[%dma_wait3A_336, %dma_wait3A_337] : memref<1024x32xf32, #tpu.memory_space<vmem>> -> memref<256x32xf32, #tpu.memory_space<vmem>>
        tpu.wait_dma2 semaphore(%arg12 : memref<!tpu.dma_semaphore, #tpu.memory_space<semaphore_mem>>) src(%dma_wait3A_338 : memref<256x32xf32, #tpu.memory_space<vmem>>) dst(%dma_wait3A_335 : memref<256x32xf32, #tpu.memory_space<hbm>>)
        %dma_wait3A_339 = arith.constant 256 : i32
        %dma_wait3A_340 = arith.constant 0 : i32
        %dma_wait3A_341 = tpu.memref_slice %arg8[%dma_wait3A_339, %dma_wait3A_340] : memref<1024x32xf32, #tpu.memory_space<vmem>> -> memref<256x32xf32, #tpu.memory_space<vmem>>
        %dma_wait3A_342 = arith.constant 32 : i32
        %dma_wait3A_343 = tpu.memref_slice %arg4[%select_n3A_328, %dma_wait3A_342] : memref<81920x128xf32, #tpu.memory_space<hbm>> -> memref<256x32xf32, #tpu.memory_space<hbm>>
        %dma_wait3A_344 = arith.constant 32 : i32
        %dma_wait3A_345 = tpu.memref_slice %arg4[%select_n3A_328, %dma_wait3A_344] : memref<81920x128xf32, #tpu.memory_space<hbm>> -> memref<256x32xf32, #tpu.memory_space<hbm>>
        %dma_wait3A_346 = arith.constant 256 : i32
        %dma_wait3A_347 = arith.constant 0 : i32
        %dma_wait3A_348 = tpu.memref_slice %arg8[%dma_wait3A_346, %dma_wait3A_347] : memref<1024x32xf32, #tpu.memory_space<vmem>> -> memref<256x32xf32, #tpu.memory_space<vmem>>
        tpu.wait_dma2 semaphore(%arg12 : memref<!tpu.dma_semaphore, #tpu.memory_space<semaphore_mem>>) src(%dma_wait3A_348 : memref<256x32xf32, #tpu.memory_space<vmem>>) dst(%dma_wait3A_345 : memref<256x32xf32, #tpu.memory_space<hbm>>)
        %dma_wait3A_349 = arith.constant 512 : i32
        %dma_wait3A_350 = arith.constant 0 : i32
        %dma_wait3A_351 = tpu.memref_slice %arg8[%dma_wait3A_349, %dma_wait3A_350] : memref<1024x32xf32, #tpu.memory_space<vmem>> -> memref<256x32xf32, #tpu.memory_space<vmem>>
        %dma_wait3A_352 = arith.constant 64 : i32
        %dma_wait3A_353 = tpu.memref_slice %arg4[%select_n3A_328, %dma_wait3A_352] : memref<81920x128xf32, #tpu.memory_space<hbm>> -> memref<256x32xf32, #tpu.memory_space<hbm>>
        %dma_wait3A_354 = arith.constant 64 : i32
        %dma_wait3A_355 = tpu.memref_slice %arg4[%select_n3A_328, %dma_wait3A_354] : memref<81920x128xf32, #tpu.memory_space<hbm>> -> memref<256x32xf32, #tpu.memory_space<hbm>>
        %dma_wait3A_356 = arith.constant 512 : i32
        %dma_wait3A_357 = arith.constant 0 : i32
        %dma_wait3A_358 = tpu.memref_slice %arg8[%dma_wait3A_356, %dma_wait3A_357] : memref<1024x32xf32, #tpu.memory_space<vmem>> -> memref<256x32xf32, #tpu.memory_space<vmem>>
        tpu.wait_dma2 semaphore(%arg12 : memref<!tpu.dma_semaphore, #tpu.memory_space<semaphore_mem>>) src(%dma_wait3A_358 : memref<256x32xf32, #tpu.memory_space<vmem>>) dst(%dma_wait3A_355 : memref<256x32xf32, #tpu.memory_space<hbm>>)
        %dma_wait3A_359 = arith.constant 768 : i32
        %dma_wait3A_360 = arith.constant 0 : i32
        %dma_wait3A_361 = tpu.memref_slice %arg8[%dma_wait3A_359, %dma_wait3A_360] : memref<1024x32xf32, #tpu.memory_space<vmem>> -> memref<256x32xf32, #tpu.memory_space<vmem>>
        %dma_wait3A_362 = arith.constant 96 : i32
        %dma_wait3A_363 = tpu.memref_slice %arg4[%select_n3A_328, %dma_wait3A_362] : memref<81920x128xf32, #tpu.memory_space<hbm>> -> memref<256x32xf32, #tpu.memory_space<hbm>>
        %dma_wait3A_364 = arith.constant 96 : i32
        %dma_wait3A_365 = tpu.memref_slice %arg4[%select_n3A_328, %dma_wait3A_364] : memref<81920x128xf32, #tpu.memory_space<hbm>> -> memref<256x32xf32, #tpu.memory_space<hbm>>
        %dma_wait3A_366 = arith.constant 768 : i32
        %dma_wait3A_367 = arith.constant 0 : i32
        %dma_wait3A_368 = tpu.memref_slice %arg8[%dma_wait3A_366, %dma_wait3A_367] : memref<1024x32xf32, #tpu.memory_space<vmem>> -> memref<256x32xf32, #tpu.memory_space<vmem>>
        tpu.wait_dma2 semaphore(%arg12 : memref<!tpu.dma_semaphore, #tpu.memory_space<semaphore_mem>>) src(%dma_wait3A_368 : memref<256x32xf32, #tpu.memory_space<vmem>>) dst(%dma_wait3A_365 : memref<256x32xf32, #tpu.memory_space<hbm>>)
      } else {
      }
      %mul3A_210 = arith.constant 2 : i32
      %mul3A_211 = arith.muli %mul3A_210, %scan3A_135 : i32
      %add3A_212 = arith.constant 1 : i32
      %add3A_213 = arith.addi %mul3A_211, %add3A_212 : i32
      %mul3A_214 = arith.constant 1024 : i32
      %mul3A_215 = arith.muli %add3A_213, %mul3A_214 : i32
      %add3A_216 = arith.addi %mul3A_2, %mul3A_215 : i32
      "tpu.region"() ({
        %run_scoped3A = tpu.sem_alloc : memref<!tpu.dma_semaphore, #tpu.memory_space<semaphore_mem>>
        %dma_start3A_298 = tpu.memref_slice %arg2[%add3A_216] : memref<327680xi32, #tpu.memory_space<hbm>> -> memref<1024xi32, #tpu.memory_space<hbm>>
        %dma_start3A_299 = tpu.memref_slice %arg2[%add3A_216] : memref<327680xi32, #tpu.memory_space<hbm>> -> memref<1024xi32, #tpu.memory_space<hbm>>
        tpu.enqueue_dma source(%dma_start3A_299 : memref<1024xi32, #tpu.memory_space<hbm>>) target(%arg6 : memref<1024xi32, #tpu.memory_space<vmem>>) target_semaphore(%run_scoped3A : memref<!tpu.dma_semaphore, #tpu.memory_space<semaphore_mem>>)
        %dma_wait3A_300 = tpu.memref_slice %arg2[%add3A_216] : memref<327680xi32, #tpu.memory_space<hbm>> -> memref<1024xi32, #tpu.memory_space<hbm>>
        %dma_wait3A_301 = tpu.memref_slice %arg2[%add3A_216] : memref<327680xi32, #tpu.memory_space<hbm>> -> memref<1024xi32, #tpu.memory_space<hbm>>
        tpu.wait_dma2 semaphore(%run_scoped3A : memref<!tpu.dma_semaphore, #tpu.memory_space<semaphore_mem>>) src(%dma_wait3A_301 : memref<1024xi32, #tpu.memory_space<hbm>>) dst(%arg6 : memref<1024xi32, #tpu.memory_space<vmem>>)
        tpu.yield
      }) : () -> ()
      %dma_start3A_217 = arith.constant 0 : i32
      %dma_start3A_218 = arith.constant 0 : i32
      %dma_start3A_219 = tpu.memref_slice %arg3[%dma_start3A_217, %dma_start3A_218] : memref<100000x32xf32, #tpu.memory_space<hbm>> -> memref<100000x32xf32, #tpu.memory_space<hbm>>
      tpu.enqueue_indirect_dma source(%dma_start3A_219 : memref<100000x32xf32, #tpu.memory_space<hbm>>) target(%arg8 : memref<1024x32xf32, #tpu.memory_space<vmem>>) offsets(%arg6 : memref<1024xi32, #tpu.memory_space<vmem>>) semaphore(%arg10 : memref<!tpu.dma_semaphore, #tpu.memory_space<semaphore_mem>>)
      %dma_wait3A_220 = arith.constant 0 : i32
      %dma_wait3A_221 = arith.constant 0 : i32
      %dma_wait3A_222 = tpu.memref_slice %arg3[%dma_wait3A_220, %dma_wait3A_221] : memref<100000x32xf32, #tpu.memory_space<hbm>> -> memref<100000x32xf32, #tpu.memory_space<hbm>>
      tpu.wait_indirect_dma semaphore(%arg10 : memref<!tpu.dma_semaphore, #tpu.memory_space<semaphore_mem>>) src(%dma_wait3A_222 : memref<100000x32xf32, #tpu.memory_space<hbm>>) dst(%arg8 : memref<1024x32xf32, #tpu.memory_space<vmem>>)
      %mul3A_223 = arith.constant 2 : i32
      %mul3A_224 = arith.muli %mul3A_223, %scan3A_135 : i32
      %add3A_225 = arith.constant 1 : i32
      %add3A_226 = arith.addi %mul3A_224, %add3A_225 : i32
      %mul3A_227 = arith.constant 1024 : i32
      %mul3A_228 = arith.muli %add3A_226, %mul3A_227 : i32
      %add3A_229 = arith.addi %mul3A_2, %mul3A_228 : i32
      %jit3A_230 = arith.constant 4 : i32
      %div3A_231 = arith.divsi %add3A_229, %jit3A_230 : i32
      %sign3A_232 = arith.constant 0 : i32
      %sign3A_233 = arith.cmpi sgt, %add3A_229, %sign3A_232 : i32
      %sign3A_234 = arith.extui %sign3A_233 : i1 to i32
      %sign3A_235 = arith.constant 0 : i32
      %sign3A_236 = arith.cmpi slt, %add3A_229, %sign3A_235 : i32
      %sign3A_237 = arith.extui %sign3A_236 : i1 to i32
      %sign3A_238 = arith.subi %sign3A_234, %sign3A_237 : i32
      %sign3A_239 = arith.constant 0 : i32
      %sign3A_240 = arith.cmpi sgt, %jit3A_230, %sign3A_239 : i32
      %sign3A_241 = arith.extui %sign3A_240 : i1 to i32
      %sign3A_242 = arith.constant 0 : i32
      %sign3A_243 = arith.cmpi slt, %jit3A_230, %sign3A_242 : i32
      %sign3A_244 = arith.extui %sign3A_243 : i1 to i32
      %sign3A_245 = arith.subi %sign3A_241, %sign3A_244 : i32
      %ne3A_246 = arith.cmpi ne, %sign3A_238, %sign3A_245 : i32
      %rem3A_247 = arith.remsi %add3A_229, %jit3A_230 : i32
      %ne3A_248 = arith.constant 0 : i32
      %ne3A_249 = arith.cmpi ne, %rem3A_247, %ne3A_248 : i32
      %and3A_250 = arith.andi %ne3A_246, %ne3A_249 : i1
      %sub3A_251 = arith.constant 1 : i32
      %sub3A_252 = arith.subi %div3A_231, %sub3A_251 : i32
      %select_n3A_253 = arith.select %and3A_250, %sub3A_252, %div3A_231 : i32
      %dma_start3A_254 = arith.constant 0 : i32
      %dma_start3A_255 = arith.constant 0 : i32
      %dma_start3A_256 = tpu.memref_slice %arg8[%dma_start3A_254, %dma_start3A_255] : memref<1024x32xf32, #tpu.memory_space<vmem>> -> memref<256x32xf32, #tpu.memory_space<vmem>>
      %dma_start3A_257 = arith.constant 0 : i32
      %dma_start3A_258 = tpu.memref_slice %arg4[%select_n3A_253, %dma_start3A_257] : memref<81920x128xf32, #tpu.memory_space<hbm>> -> memref<256x32xf32, #tpu.memory_space<hbm>>
      %dma_start3A_259 = arith.constant 0 : i32
      %dma_start3A_260 = tpu.memref_slice %arg4[%select_n3A_253, %dma_start3A_259] : memref<81920x128xf32, #tpu.memory_space<hbm>> -> memref<256x32xf32, #tpu.memory_space<hbm>>
      %dma_start3A_261 = arith.constant 0 : i32
      %dma_start3A_262 = arith.constant 0 : i32
      %dma_start3A_263 = tpu.memref_slice %arg8[%dma_start3A_261, %dma_start3A_262] : memref<1024x32xf32, #tpu.memory_space<vmem>> -> memref<256x32xf32, #tpu.memory_space<vmem>>
      tpu.enqueue_dma source(%dma_start3A_263 : memref<256x32xf32, #tpu.memory_space<vmem>>) target(%dma_start3A_260 : memref<256x32xf32, #tpu.memory_space<hbm>>) target_semaphore(%arg12 : memref<!tpu.dma_semaphore, #tpu.memory_space<semaphore_mem>>)
      %dma_start3A_264 = arith.constant 256 : i32
      %dma_start3A_265 = arith.constant 0 : i32
      %dma_start3A_266 = tpu.memref_slice %arg8[%dma_start3A_264, %dma_start3A_265] : memref<1024x32xf32, #tpu.memory_space<vmem>> -> memref<256x32xf32, #tpu.memory_space<vmem>>
      %dma_start3A_267 = arith.constant 32 : i32
      %dma_start3A_268 = tpu.memref_slice %arg4[%select_n3A_253, %dma_start3A_267] : memref<81920x128xf32, #tpu.memory_space<hbm>> -> memref<256x32xf32, #tpu.memory_space<hbm>>
      %dma_start3A_269 = arith.constant 32 : i32
      %dma_start3A_270 = tpu.memref_slice %arg4[%select_n3A_253, %dma_start3A_269] : memref<81920x128xf32, #tpu.memory_space<hbm>> -> memref<256x32xf32, #tpu.memory_space<hbm>>
      %dma_start3A_271 = arith.constant 256 : i32
      %dma_start3A_272 = arith.constant 0 : i32
      %dma_start3A_273 = tpu.memref_slice %arg8[%dma_start3A_271, %dma_start3A_272] : memref<1024x32xf32, #tpu.memory_space<vmem>> -> memref<256x32xf32, #tpu.memory_space<vmem>>
      tpu.enqueue_dma source(%dma_start3A_273 : memref<256x32xf32, #tpu.memory_space<vmem>>) target(%dma_start3A_270 : memref<256x32xf32, #tpu.memory_space<hbm>>) target_semaphore(%arg12 : memref<!tpu.dma_semaphore, #tpu.memory_space<semaphore_mem>>)
      %dma_start3A_274 = arith.constant 512 : i32
      %dma_start3A_275 = arith.constant 0 : i32
      %dma_start3A_276 = tpu.memref_slice %arg8[%dma_start3A_274, %dma_start3A_275] : memref<1024x32xf32, #tpu.memory_space<vmem>> -> memref<256x32xf32, #tpu.memory_space<vmem>>
      %dma_start3A_277 = arith.constant 64 : i32
      %dma_start3A_278 = tpu.memref_slice %arg4[%select_n3A_253, %dma_start3A_277] : memref<81920x128xf32, #tpu.memory_space<hbm>> -> memref<256x32xf32, #tpu.memory_space<hbm>>
      %dma_start3A_279 = arith.constant 64 : i32
      %dma_start3A_280 = tpu.memref_slice %arg4[%select_n3A_253, %dma_start3A_279] : memref<81920x128xf32, #tpu.memory_space<hbm>> -> memref<256x32xf32, #tpu.memory_space<hbm>>
      %dma_start3A_281 = arith.constant 512 : i32
      %dma_start3A_282 = arith.constant 0 : i32
      %dma_start3A_283 = tpu.memref_slice %arg8[%dma_start3A_281, %dma_start3A_282] : memref<1024x32xf32, #tpu.memory_space<vmem>> -> memref<256x32xf32, #tpu.memory_space<vmem>>
      tpu.enqueue_dma source(%dma_start3A_283 : memref<256x32xf32, #tpu.memory_space<vmem>>) target(%dma_start3A_280 : memref<256x32xf32, #tpu.memory_space<hbm>>) target_semaphore(%arg12 : memref<!tpu.dma_semaphore, #tpu.memory_space<semaphore_mem>>)
      %dma_start3A_284 = arith.constant 768 : i32
      %dma_start3A_285 = arith.constant 0 : i32
      %dma_start3A_286 = tpu.memref_slice %arg8[%dma_start3A_284, %dma_start3A_285] : memref<1024x32xf32, #tpu.memory_space<vmem>> -> memref<256x32xf32, #tpu.memory_space<vmem>>
      %dma_start3A_287 = arith.constant 96 : i32
      %dma_start3A_288 = tpu.memref_slice %arg4[%select_n3A_253, %dma_start3A_287] : memref<81920x128xf32, #tpu.memory_space<hbm>> -> memref<256x32xf32, #tpu.memory_space<hbm>>
      %dma_start3A_289 = arith.constant 96 : i32
      %dma_start3A_290 = tpu.memref_slice %arg4[%select_n3A_253, %dma_start3A_289] : memref<81920x128xf32, #tpu.memory_space<hbm>> -> memref<256x32xf32, #tpu.memory_space<hbm>>
      %dma_start3A_291 = arith.constant 768 : i32
      %dma_start3A_292 = arith.constant 0 : i32
      %dma_start3A_293 = tpu.memref_slice %arg8[%dma_start3A_291, %dma_start3A_292] : memref<1024x32xf32, #tpu.memory_space<vmem>> -> memref<256x32xf32, #tpu.memory_space<vmem>>
      tpu.enqueue_dma source(%dma_start3A_293 : memref<256x32xf32, #tpu.memory_space<vmem>>) target(%dma_start3A_290 : memref<256x32xf32, #tpu.memory_space<hbm>>) target_semaphore(%arg12 : memref<!tpu.dma_semaphore, #tpu.memory_space<semaphore_mem>>)
      %lt3A = arith.constant 4 : i32
      %lt3A_294 = arith.cmpi slt, %scan3A_135, %lt3A : i32
      %convert_element_type3A_295 = arith.extui %lt3A_294 : i1 to i32
      %cond3A_296 = arith.constant 0 : i32
      %cond3A_297 = arith.cmpi ne, %convert_element_type3A_295, %cond3A_296 : i32
      scf.if %cond3A_297 {
        %mul3A_298 = arith.constant 2 : i32
        %mul3A_299 = arith.muli %mul3A_298, %scan3A_135 : i32
        %mul3A_300 = arith.constant 1024 : i32
        %mul3A_301 = arith.muli %mul3A_299, %mul3A_300 : i32
        %add3A_302 = arith.addi %mul3A_2, %mul3A_301 : i32
        %jit3A_303 = arith.constant 4 : i32
        %div3A_304 = arith.divsi %add3A_302, %jit3A_303 : i32
        %sign3A_305 = arith.constant 0 : i32
        %sign3A_306 = arith.cmpi sgt, %add3A_302, %sign3A_305 : i32
        %sign3A_307 = arith.extui %sign3A_306 : i1 to i32
        %sign3A_308 = arith.constant 0 : i32
        %sign3A_309 = arith.cmpi slt, %add3A_302, %sign3A_308 : i32
        %sign3A_310 = arith.extui %sign3A_309 : i1 to i32
        %sign3A_311 = arith.subi %sign3A_307, %sign3A_310 : i32
        %sign3A_312 = arith.constant 0 : i32
        %sign3A_313 = arith.cmpi sgt, %jit3A_303, %sign3A_312 : i32
        %sign3A_314 = arith.extui %sign3A_313 : i1 to i32
        %sign3A_315 = arith.constant 0 : i32
        %sign3A_316 = arith.cmpi slt, %jit3A_303, %sign3A_315 : i32
        %sign3A_317 = arith.extui %sign3A_316 : i1 to i32
        %sign3A_318 = arith.subi %sign3A_314, %sign3A_317 : i32
        %ne3A_319 = arith.cmpi ne, %sign3A_311, %sign3A_318 : i32
        %rem3A_320 = arith.remsi %add3A_302, %jit3A_303 : i32
        %ne3A_321 = arith.constant 0 : i32
        %ne3A_322 = arith.cmpi ne, %rem3A_320, %ne3A_321 : i32
        %and3A_323 = arith.andi %ne3A_319, %ne3A_322 : i1
        %sub3A_324 = arith.constant 1 : i32
        %sub3A_325 = arith.subi %div3A_304, %sub3A_324 : i32
        %select_n3A_326 = arith.select %and3A_323, %sub3A_325, %div3A_304 : i32
        %dma_wait3A_327 = arith.constant 0 : i32
        %dma_wait3A_328 = arith.constant 0 : i32
        %dma_wait3A_329 = tpu.memref_slice %arg7[%dma_wait3A_327, %dma_wait3A_328] : memref<1024x32xf32, #tpu.memory_space<vmem>> -> memref<256x32xf32, #tpu.memory_space<vmem>>
        %dma_wait3A_330 = arith.constant 0 : i32
        %dma_wait3A_331 = tpu.memref_slice %arg4[%select_n3A_326, %dma_wait3A_330] : memref<81920x128xf32, #tpu.memory_space<hbm>> -> memref<256x32xf32, #tpu.memory_space<hbm>>
        %dma_wait3A_332 = arith.constant 0 : i32
        %dma_wait3A_333 = tpu.memref_slice %arg4[%select_n3A_326, %dma_wait3A_332] : memref<81920x128xf32, #tpu.memory_space<hbm>> -> memref<256x32xf32, #tpu.memory_space<hbm>>
        %dma_wait3A_334 = arith.constant 0 : i32
        %dma_wait3A_335 = arith.constant 0 : i32
        %dma_wait3A_336 = tpu.memref_slice %arg7[%dma_wait3A_334, %dma_wait3A_335] : memref<1024x32xf32, #tpu.memory_space<vmem>> -> memref<256x32xf32, #tpu.memory_space<vmem>>
        tpu.wait_dma2 semaphore(%arg11 : memref<!tpu.dma_semaphore, #tpu.memory_space<semaphore_mem>>) src(%dma_wait3A_336 : memref<256x32xf32, #tpu.memory_space<vmem>>) dst(%dma_wait3A_333 : memref<256x32xf32, #tpu.memory_space<hbm>>)
        %dma_wait3A_337 = arith.constant 256 : i32
        %dma_wait3A_338 = arith.constant 0 : i32
        %dma_wait3A_339 = tpu.memref_slice %arg7[%dma_wait3A_337, %dma_wait3A_338] : memref<1024x32xf32, #tpu.memory_space<vmem>> -> memref<256x32xf32, #tpu.memory_space<vmem>>
        %dma_wait3A_340 = arith.constant 32 : i32
        %dma_wait3A_341 = tpu.memref_slice %arg4[%select_n3A_326, %dma_wait3A_340] : memref<81920x128xf32, #tpu.memory_space<hbm>> -> memref<256x32xf32, #tpu.memory_space<hbm>>
        %dma_wait3A_342 = arith.constant 32 : i32
        %dma_wait3A_343 = tpu.memref_slice %arg4[%select_n3A_326, %dma_wait3A_342] : memref<81920x128xf32, #tpu.memory_space<hbm>> -> memref<256x32xf32, #tpu.memory_space<hbm>>
        %dma_wait3A_344 = arith.constant 256 : i32
        %dma_wait3A_345 = arith.constant 0 : i32
        %dma_wait3A_346 = tpu.memref_slice %arg7[%dma_wait3A_344, %dma_wait3A_345] : memref<1024x32xf32, #tpu.memory_space<vmem>> -> memref<256x32xf32, #tpu.memory_space<vmem>>
        tpu.wait_dma2 semaphore(%arg11 : memref<!tpu.dma_semaphore, #tpu.memory_space<semaphore_mem>>) src(%dma_wait3A_346 : memref<256x32xf32, #tpu.memory_space<vmem>>) dst(%dma_wait3A_343 : memref<256x32xf32, #tpu.memory_space<hbm>>)
        %dma_wait3A_347 = arith.constant 512 : i32
        %dma_wait3A_348 = arith.constant 0 : i32
        %dma_wait3A_349 = tpu.memref_slice %arg7[%dma_wait3A_347, %dma_wait3A_348] : memref<1024x32xf32, #tpu.memory_space<vmem>> -> memref<256x32xf32, #tpu.memory_space<vmem>>
        %dma_wait3A_350 = arith.constant 64 : i32
        %dma_wait3A_351 = tpu.memref_slice %arg4[%select_n3A_326, %dma_wait3A_350] : memref<81920x128xf32, #tpu.memory_space<hbm>> -> memref<256x32xf32, #tpu.memory_space<hbm>>
        %dma_wait3A_352 = arith.constant 64 : i32
        %dma_wait3A_353 = tpu.memref_slice %arg4[%select_n3A_326, %dma_wait3A_352] : memref<81920x128xf32, #tpu.memory_space<hbm>> -> memref<256x32xf32, #tpu.memory_space<hbm>>
        %dma_wait3A_354 = arith.constant 512 : i32
        %dma_wait3A_355 = arith.constant 0 : i32
        %dma_wait3A_356 = tpu.memref_slice %arg7[%dma_wait3A_354, %dma_wait3A_355] : memref<1024x32xf32, #tpu.memory_space<vmem>> -> memref<256x32xf32, #tpu.memory_space<vmem>>
        tpu.wait_dma2 semaphore(%arg11 : memref<!tpu.dma_semaphore, #tpu.memory_space<semaphore_mem>>) src(%dma_wait3A_356 : memref<256x32xf32, #tpu.memory_space<vmem>>) dst(%dma_wait3A_353 : memref<256x32xf32, #tpu.memory_space<hbm>>)
        %dma_wait3A_357 = arith.constant 768 : i32
        %dma_wait3A_358 = arith.constant 0 : i32
        %dma_wait3A_359 = tpu.memref_slice %arg7[%dma_wait3A_357, %dma_wait3A_358] : memref<1024x32xf32, #tpu.memory_space<vmem>> -> memref<256x32xf32, #tpu.memory_space<vmem>>
        %dma_wait3A_360 = arith.constant 96 : i32
        %dma_wait3A_361 = tpu.memref_slice %arg4[%select_n3A_326, %dma_wait3A_360] : memref<81920x128xf32, #tpu.memory_space<hbm>> -> memref<256x32xf32, #tpu.memory_space<hbm>>
        %dma_wait3A_362 = arith.constant 96 : i32
        %dma_wait3A_363 = tpu.memref_slice %arg4[%select_n3A_326, %dma_wait3A_362] : memref<81920x128xf32, #tpu.memory_space<hbm>> -> memref<256x32xf32, #tpu.memory_space<hbm>>
        %dma_wait3A_364 = arith.constant 768 : i32
        %dma_wait3A_365 = arith.constant 0 : i32
        %dma_wait3A_366 = tpu.memref_slice %arg7[%dma_wait3A_364, %dma_wait3A_365] : memref<1024x32xf32, #tpu.memory_space<vmem>> -> memref<256x32xf32, #tpu.memory_space<vmem>>
        tpu.wait_dma2 semaphore(%arg11 : memref<!tpu.dma_semaphore, #tpu.memory_space<semaphore_mem>>) src(%dma_wait3A_366 : memref<256x32xf32, #tpu.memory_space<vmem>>) dst(%dma_wait3A_363 : memref<256x32xf32, #tpu.memory_space<hbm>>)
        %mul3A_367 = arith.constant 2 : i32
        %mul3A_368 = arith.muli %mul3A_367, %scan3A_135 : i32
        %add3A_369 = arith.constant 2 : i32
        %add3A_370 = arith.addi %mul3A_368, %add3A_369 : i32
        %mul3A_371 = arith.constant 1024 : i32
        %mul3A_372 = arith.muli %add3A_370, %mul3A_371 : i32
        %add3A_373 = arith.addi %mul3A_2, %mul3A_372 : i32
        "tpu.region"() ({
          %run_scoped3A = tpu.sem_alloc : memref<!tpu.dma_semaphore, #tpu.memory_space<semaphore_mem>>
          %dma_start3A_377 = tpu.memref_slice %arg2[%add3A_373] : memref<327680xi32, #tpu.memory_space<hbm>> -> memref<1024xi32, #tpu.memory_space<hbm>>
          %dma_start3A_378 = tpu.memref_slice %arg2[%add3A_373] : memref<327680xi32, #tpu.memory_space<hbm>> -> memref<1024xi32, #tpu.memory_space<hbm>>
          tpu.enqueue_dma source(%dma_start3A_378 : memref<1024xi32, #tpu.memory_space<hbm>>) target(%arg5 : memref<1024xi32, #tpu.memory_space<vmem>>) target_semaphore(%run_scoped3A : memref<!tpu.dma_semaphore, #tpu.memory_space<semaphore_mem>>)
          %dma_wait3A_379 = tpu.memref_slice %arg2[%add3A_373] : memref<327680xi32, #tpu.memory_space<hbm>> -> memref<1024xi32, #tpu.memory_space<hbm>>
          %dma_wait3A_380 = tpu.memref_slice %arg2[%add3A_373] : memref<327680xi32, #tpu.memory_space<hbm>> -> memref<1024xi32, #tpu.memory_space<hbm>>
          tpu.wait_dma2 semaphore(%run_scoped3A : memref<!tpu.dma_semaphore, #tpu.memory_space<semaphore_mem>>) src(%dma_wait3A_380 : memref<1024xi32, #tpu.memory_space<hbm>>) dst(%arg5 : memref<1024xi32, #tpu.memory_space<vmem>>)
          tpu.yield
        }) : () -> ()
        %dma_start3A_374 = arith.constant 0 : i32
        %dma_start3A_375 = arith.constant 0 : i32
        %dma_start3A_376 = tpu.memref_slice %arg3[%dma_start3A_374, %dma_start3A_375] : memref<100000x32xf32, #tpu.memory_space<hbm>> -> memref<100000x32xf32, #tpu.memory_space<hbm>>
        tpu.enqueue_indirect_dma source(%dma_start3A_376 : memref<100000x32xf32, #tpu.memory_space<hbm>>) target(%arg7 : memref<1024x32xf32, #tpu.memory_space<vmem>>) offsets(%arg5 : memref<1024xi32, #tpu.memory_space<vmem>>) semaphore(%arg9 : memref<!tpu.dma_semaphore, #tpu.memory_space<semaphore_mem>>)
      } else {
      }
    }
    %scan3A_11 = arith.constant 5 : i32
    %add3A_12 = arith.constant 8192 : i32
    %add3A_13 = arith.addi %mul3A_2, %add3A_12 : i32
    %jit3A = arith.constant 4 : i32
    %div3A = arith.divsi %add3A_13, %jit3A : i32
    %sign3A = arith.constant 0 : i32
    %sign3A_14 = arith.cmpi sgt, %add3A_13, %sign3A : i32
    %sign3A_15 = arith.extui %sign3A_14 : i1 to i32
    %sign3A_16 = arith.constant 0 : i32
    %sign3A_17 = arith.cmpi slt, %add3A_13, %sign3A_16 : i32
    %sign3A_18 = arith.extui %sign3A_17 : i1 to i32
    %sign3A_19 = arith.subi %sign3A_15, %sign3A_18 : i32
    %sign3A_20 = arith.constant 0 : i32
    %sign3A_21 = arith.cmpi sgt, %jit3A, %sign3A_20 : i32
    %sign3A_22 = arith.extui %sign3A_21 : i1 to i32
    %sign3A_23 = arith.constant 0 : i32
    %sign3A_24 = arith.cmpi slt, %jit3A, %sign3A_23 : i32
    %sign3A_25 = arith.extui %sign3A_24 : i1 to i32
    %sign3A_26 = arith.subi %sign3A_22, %sign3A_25 : i32
    %ne3A = arith.cmpi ne, %sign3A_19, %sign3A_26 : i32
    %rem3A = arith.remsi %add3A_13, %jit3A : i32
    %ne3A_27 = arith.constant 0 : i32
    %ne3A_28 = arith.cmpi ne, %rem3A, %ne3A_27 : i32
    %and3A = arith.andi %ne3A, %ne3A_28 : i1
    %sub3A = arith.constant 1 : i32
    %sub3A_29 = arith.subi %div3A, %sub3A : i32
    %select_n3A = arith.select %and3A, %sub3A_29, %div3A : i32
    %dma_wait3A = arith.constant 0 : i32
    %dma_wait3A_30 = arith.constant 0 : i32
    %dma_wait3A_31 = tpu.memref_slice %arg7[%dma_wait3A, %dma_wait3A_30] : memref<1024x32xf32, #tpu.memory_space<vmem>> -> memref<256x32xf32, #tpu.memory_space<vmem>>
    %dma_wait3A_32 = arith.constant 0 : i32
    %dma_wait3A_33 = tpu.memref_slice %arg4[%select_n3A, %dma_wait3A_32] : memref<81920x128xf32, #tpu.memory_space<hbm>> -> memref<256x32xf32, #tpu.memory_space<hbm>>
    %dma_wait3A_34 = arith.constant 0 : i32
    %dma_wait3A_35 = tpu.memref_slice %arg4[%select_n3A, %dma_wait3A_34] : memref<81920x128xf32, #tpu.memory_space<hbm>> -> memref<256x32xf32, #tpu.memory_space<hbm>>
    %dma_wait3A_36 = arith.constant 0 : i32
    %dma_wait3A_37 = arith.constant 0 : i32
    %dma_wait3A_38 = tpu.memref_slice %arg7[%dma_wait3A_36, %dma_wait3A_37] : memref<1024x32xf32, #tpu.memory_space<vmem>> -> memref<256x32xf32, #tpu.memory_space<vmem>>
    tpu.wait_dma2 semaphore(%arg11 : memref<!tpu.dma_semaphore, #tpu.memory_space<semaphore_mem>>) src(%dma_wait3A_38 : memref<256x32xf32, #tpu.memory_space<vmem>>) dst(%dma_wait3A_35 : memref<256x32xf32, #tpu.memory_space<hbm>>)
    %dma_wait3A_39 = arith.constant 256 : i32
    %dma_wait3A_40 = arith.constant 0 : i32
    %dma_wait3A_41 = tpu.memref_slice %arg7[%dma_wait3A_39, %dma_wait3A_40] : memref<1024x32xf32, #tpu.memory_space<vmem>> -> memref<256x32xf32, #tpu.memory_space<vmem>>
    %dma_wait3A_42 = arith.constant 32 : i32
    %dma_wait3A_43 = tpu.memref_slice %arg4[%select_n3A, %dma_wait3A_42] : memref<81920x128xf32, #tpu.memory_space<hbm>> -> memref<256x32xf32, #tpu.memory_space<hbm>>
    %dma_wait3A_44 = arith.constant 32 : i32
    %dma_wait3A_45 = tpu.memref_slice %arg4[%select_n3A, %dma_wait3A_44] : memref<81920x128xf32, #tpu.memory_space<hbm>> -> memref<256x32xf32, #tpu.memory_space<hbm>>
    %dma_wait3A_46 = arith.constant 256 : i32
    %dma_wait3A_47 = arith.constant 0 : i32
    %dma_wait3A_48 = tpu.memref_slice %arg7[%dma_wait3A_46, %dma_wait3A_47] : memref<1024x32xf32, #tpu.memory_space<vmem>> -> memref<256x32xf32, #tpu.memory_space<vmem>>
    tpu.wait_dma2 semaphore(%arg11 : memref<!tpu.dma_semaphore, #tpu.memory_space<semaphore_mem>>) src(%dma_wait3A_48 : memref<256x32xf32, #tpu.memory_space<vmem>>) dst(%dma_wait3A_45 : memref<256x32xf32, #tpu.memory_space<hbm>>)
    %dma_wait3A_49 = arith.constant 512 : i32
    %dma_wait3A_50 = arith.constant 0 : i32
    %dma_wait3A_51 = tpu.memref_slice %arg7[%dma_wait3A_49, %dma_wait3A_50] : memref<1024x32xf32, #tpu.memory_space<vmem>> -> memref<256x32xf32, #tpu.memory_space<vmem>>
    %dma_wait3A_52 = arith.constant 64 : i32
    %dma_wait3A_53 = tpu.memref_slice %arg4[%select_n3A, %dma_wait3A_52] : memref<81920x128xf32, #tpu.memory_space<hbm>> -> memref<256x32xf32, #tpu.memory_space<hbm>>
    %dma_wait3A_54 = arith.constant 64 : i32
    %dma_wait3A_55 = tpu.memref_slice %arg4[%select_n3A, %dma_wait3A_54] : memref<81920x128xf32, #tpu.memory_space<hbm>> -> memref<256x32xf32, #tpu.memory_space<hbm>>
    %dma_wait3A_56 = arith.constant 512 : i32
    %dma_wait3A_57 = arith.constant 0 : i32
    %dma_wait3A_58 = tpu.memref_slice %arg7[%dma_wait3A_56, %dma_wait3A_57] : memref<1024x32xf32, #tpu.memory_space<vmem>> -> memref<256x32xf32, #tpu.memory_space<vmem>>
    tpu.wait_dma2 semaphore(%arg11 : memref<!tpu.dma_semaphore, #tpu.memory_space<semaphore_mem>>) src(%dma_wait3A_58 : memref<256x32xf32, #tpu.memory_space<vmem>>) dst(%dma_wait3A_55 : memref<256x32xf32, #tpu.memory_space<hbm>>)
    %dma_wait3A_59 = arith.constant 768 : i32
    %dma_wait3A_60 = arith.constant 0 : i32
    %dma_wait3A_61 = tpu.memref_slice %arg7[%dma_wait3A_59, %dma_wait3A_60] : memref<1024x32xf32, #tpu.memory_space<vmem>> -> memref<256x32xf32, #tpu.memory_space<vmem>>
    %dma_wait3A_62 = arith.constant 96 : i32
    %dma_wait3A_63 = tpu.memref_slice %arg4[%select_n3A, %dma_wait3A_62] : memref<81920x128xf32, #tpu.memory_space<hbm>> -> memref<256x32xf32, #tpu.memory_space<hbm>>
    %dma_wait3A_64 = arith.constant 96 : i32
    %dma_wait3A_65 = tpu.memref_slice %arg4[%select_n3A, %dma_wait3A_64] : memref<81920x128xf32, #tpu.memory_space<hbm>> -> memref<256x32xf32, #tpu.memory_space<hbm>>
    %dma_wait3A_66 = arith.constant 768 : i32
    %dma_wait3A_67 = arith.constant 0 : i32
    %dma_wait3A_68 = tpu.memref_slice %arg7[%dma_wait3A_66, %dma_wait3A_67] : memref<1024x32xf32, #tpu.memory_space<vmem>> -> memref<256x32xf32, #tpu.memory_space<vmem>>
    tpu.wait_dma2 semaphore(%arg11 : memref<!tpu.dma_semaphore, #tpu.memory_space<semaphore_mem>>) src(%dma_wait3A_68 : memref<256x32xf32, #tpu.memory_space<vmem>>) dst(%dma_wait3A_65 : memref<256x32xf32, #tpu.memory_space<hbm>>)
    %add3A_69 = arith.constant 9216 : i32
    %add3A_70 = arith.addi %mul3A_2, %add3A_69 : i32
    %jit3A_71 = arith.constant 4 : i32
    %div3A_72 = arith.divsi %add3A_70, %jit3A_71 : i32
    %sign3A_73 = arith.constant 0 : i32
    %sign3A_74 = arith.cmpi sgt, %add3A_70, %sign3A_73 : i32
    %sign3A_75 = arith.extui %sign3A_74 : i1 to i32
    %sign3A_76 = arith.constant 0 : i32
    %sign3A_77 = arith.cmpi slt, %add3A_70, %sign3A_76 : i32
    %sign3A_78 = arith.extui %sign3A_77 : i1 to i32
    %sign3A_79 = arith.subi %sign3A_75, %sign3A_78 : i32
    %sign3A_80 = arith.constant 0 : i32
    %sign3A_81 = arith.cmpi sgt, %jit3A_71, %sign3A_80 : i32
    %sign3A_82 = arith.extui %sign3A_81 : i1 to i32
    %sign3A_83 = arith.constant 0 : i32
    %sign3A_84 = arith.cmpi slt, %jit3A_71, %sign3A_83 : i32
    %sign3A_85 = arith.extui %sign3A_84 : i1 to i32
    %sign3A_86 = arith.subi %sign3A_82, %sign3A_85 : i32
    %ne3A_87 = arith.cmpi ne, %sign3A_79, %sign3A_86 : i32
    %rem3A_88 = arith.remsi %add3A_70, %jit3A_71 : i32
    %ne3A_89 = arith.constant 0 : i32
    %ne3A_90 = arith.cmpi ne, %rem3A_88, %ne3A_89 : i32
    %and3A_91 = arith.andi %ne3A_87, %ne3A_90 : i1
    %sub3A_92 = arith.constant 1 : i32
    %sub3A_93 = arith.subi %div3A_72, %sub3A_92 : i32
    %select_n3A_94 = arith.select %and3A_91, %sub3A_93, %div3A_72 : i32
    %dma_wait3A_95 = arith.constant 0 : i32
    %dma_wait3A_96 = arith.constant 0 : i32
    %dma_wait3A_97 = tpu.memref_slice %arg8[%dma_wait3A_95, %dma_wait3A_96] : memref<1024x32xf32, #tpu.memory_space<vmem>> -> memref<256x32xf32, #tpu.memory_space<vmem>>
    %dma_wait3A_98 = arith.constant 0 : i32
    %dma_wait3A_99 = tpu.memref_slice %arg4[%select_n3A_94, %dma_wait3A_98] : memref<81920x128xf32, #tpu.memory_space<hbm>> -> memref<256x32xf32, #tpu.memory_space<hbm>>
    %dma_wait3A_100 = arith.constant 0 : i32
    %dma_wait3A_101 = tpu.memref_slice %arg4[%select_n3A_94, %dma_wait3A_100] : memref<81920x128xf32, #tpu.memory_space<hbm>> -> memref<256x32xf32, #tpu.memory_space<hbm>>
    %dma_wait3A_102 = arith.constant 0 : i32
    %dma_wait3A_103 = arith.constant 0 : i32
    %dma_wait3A_104 = tpu.memref_slice %arg8[%dma_wait3A_102, %dma_wait3A_103] : memref<1024x32xf32, #tpu.memory_space<vmem>> -> memref<256x32xf32, #tpu.memory_space<vmem>>
    tpu.wait_dma2 semaphore(%arg12 : memref<!tpu.dma_semaphore, #tpu.memory_space<semaphore_mem>>) src(%dma_wait3A_104 : memref<256x32xf32, #tpu.memory_space<vmem>>) dst(%dma_wait3A_101 : memref<256x32xf32, #tpu.memory_space<hbm>>)
    %dma_wait3A_105 = arith.constant 256 : i32
    %dma_wait3A_106 = arith.constant 0 : i32
    %dma_wait3A_107 = tpu.memref_slice %arg8[%dma_wait3A_105, %dma_wait3A_106] : memref<1024x32xf32, #tpu.memory_space<vmem>> -> memref<256x32xf32, #tpu.memory_space<vmem>>
    %dma_wait3A_108 = arith.constant 32 : i32
    %dma_wait3A_109 = tpu.memref_slice %arg4[%select_n3A_94, %dma_wait3A_108] : memref<81920x128xf32, #tpu.memory_space<hbm>> -> memref<256x32xf32, #tpu.memory_space<hbm>>
    %dma_wait3A_110 = arith.constant 32 : i32
    %dma_wait3A_111 = tpu.memref_slice %arg4[%select_n3A_94, %dma_wait3A_110] : memref<81920x128xf32, #tpu.memory_space<hbm>> -> memref<256x32xf32, #tpu.memory_space<hbm>>
    %dma_wait3A_112 = arith.constant 256 : i32
    %dma_wait3A_113 = arith.constant 0 : i32
    %dma_wait3A_114 = tpu.memref_slice %arg8[%dma_wait3A_112, %dma_wait3A_113] : memref<1024x32xf32, #tpu.memory_space<vmem>> -> memref<256x32xf32, #tpu.memory_space<vmem>>
    tpu.wait_dma2 semaphore(%arg12 : memref<!tpu.dma_semaphore, #tpu.memory_space<semaphore_mem>>) src(%dma_wait3A_114 : memref<256x32xf32, #tpu.memory_space<vmem>>) dst(%dma_wait3A_111 : memref<256x32xf32, #tpu.memory_space<hbm>>)
    %dma_wait3A_115 = arith.constant 512 : i32
    %dma_wait3A_116 = arith.constant 0 : i32
    %dma_wait3A_117 = tpu.memref_slice %arg8[%dma_wait3A_115, %dma_wait3A_116] : memref<1024x32xf32, #tpu.memory_space<vmem>> -> memref<256x32xf32, #tpu.memory_space<vmem>>
    %dma_wait3A_118 = arith.constant 64 : i32
    %dma_wait3A_119 = tpu.memref_slice %arg4[%select_n3A_94, %dma_wait3A_118] : memref<81920x128xf32, #tpu.memory_space<hbm>> -> memref<256x32xf32, #tpu.memory_space<hbm>>
    %dma_wait3A_120 = arith.constant 64 : i32
    %dma_wait3A_121 = tpu.memref_slice %arg4[%select_n3A_94, %dma_wait3A_120] : memref<81920x128xf32, #tpu.memory_space<hbm>> -> memref<256x32xf32, #tpu.memory_space<hbm>>
    %dma_wait3A_122 = arith.constant 512 : i32
    %dma_wait3A_123 = arith.constant 0 : i32
    %dma_wait3A_124 = tpu.memref_slice %arg8[%dma_wait3A_122, %dma_wait3A_123] : memref<1024x32xf32, #tpu.memory_space<vmem>> -> memref<256x32xf32, #tpu.memory_space<vmem>>
    tpu.wait_dma2 semaphore(%arg12 : memref<!tpu.dma_semaphore, #tpu.memory_space<semaphore_mem>>) src(%dma_wait3A_124 : memref<256x32xf32, #tpu.memory_space<vmem>>) dst(%dma_wait3A_121 : memref<256x32xf32, #tpu.memory_space<hbm>>)
    %dma_wait3A_125 = arith.constant 768 : i32
    %dma_wait3A_126 = arith.constant 0 : i32
    %dma_wait3A_127 = tpu.memref_slice %arg8[%dma_wait3A_125, %dma_wait3A_126] : memref<1024x32xf32, #tpu.memory_space<vmem>> -> memref<256x32xf32, #tpu.memory_space<vmem>>
    %dma_wait3A_128 = arith.constant 96 : i32
    %dma_wait3A_129 = tpu.memref_slice %arg4[%select_n3A_94, %dma_wait3A_128] : memref<81920x128xf32, #tpu.memory_space<hbm>> -> memref<256x32xf32, #tpu.memory_space<hbm>>
    %dma_wait3A_130 = arith.constant 96 : i32
    %dma_wait3A_131 = tpu.memref_slice %arg4[%select_n3A_94, %dma_wait3A_130] : memref<81920x128xf32, #tpu.memory_space<hbm>> -> memref<256x32xf32, #tpu.memory_space<hbm>>
    %dma_wait3A_132 = arith.constant 768 : i32
    %dma_wait3A_133 = arith.constant 0 : i32
    %dma_wait3A_134 = tpu.memref_slice %arg8[%dma_wait3A_132, %dma_wait3A_133] : memref<1024x32xf32, #tpu.memory_space<vmem>> -> memref<256x32xf32, #tpu.memory_space<vmem>>
    tpu.wait_dma2 semaphore(%arg12 : memref<!tpu.dma_semaphore, #tpu.memory_space<semaphore_mem>>) src(%dma_wait3A_134 : memref<256x32xf32, #tpu.memory_space<vmem>>) dst(%dma_wait3A_131 : memref<256x32xf32, #tpu.memory_space<hbm>>)
    return
  }
}

#map = affine_map<(d0, d1) -> (0)>
#map1 = affine_map<(d0, d1) -> (0, 0)>
module attributes {stable_mosaic.version = 14 : i64} {
  func.func @_gather_body(%arg0: i32, %arg1: i32, %arg2: memref<327680xi32, #tpu.memory_space<hbm>>, %arg3: memref<100000x32xf32, #tpu.memory_space<hbm>>, %arg4: memref<81920x128xf32, #tpu.memory_space<hbm>>, %arg5: memref<1024xi32, #tpu.memory_space<vmem>>, %arg6: memref<1024xi32, #tpu.memory_space<vmem>>, %arg7: memref<1024x32xf32, #tpu.memory_space<vmem>>, %arg8: memref<1024x32xf32, #tpu.memory_space<vmem>>, %arg9: memref<!tpu.dma_semaphore, #tpu.memory_space<semaphore_mem>>, %arg10: memref<!tpu.dma_semaphore, #tpu.memory_space<semaphore_mem>>, %arg11: memref<!tpu.dma_semaphore, #tpu.memory_space<semaphore_mem>>, %arg12: memref<!tpu.dma_semaphore, #tpu.memory_space<semaphore_mem>>) attributes {dimension_semantics = [#tpu.dimension_semantics<core_parallel>, #tpu.dimension_semantics<subcore_parallel>], iteration_bounds = array<i64: 2, 16>, scalar_prefetch = 0 : i64, scratch_operands = 8 : i64, tpu.core_type = #tpu.core_type<sc_vector_subcore>, window_params = [{transform_indices = #map}, {transform_indices = #map1}, {transform_indices = #map1}]} {
    %mul3A = arith.constant 2 : i32
    %mul3A_0 = arith.muli %arg1, %mul3A : i32
    %add3A = arith.addi %mul3A_0, %arg0 : i32
    %mul3A_1 = arith.constant 10240 : i32
    %mul3A_2 = arith.muli %add3A, %mul3A_1 : i32
    %add3A_3 = arith.constant 0 : i32
    %add3A_4 = arith.addi %mul3A_2, %add3A_3 : i32
    "tpu.region"() ({
      %run_scoped3A = tpu.sem_alloc : memref<!tpu.dma_semaphore, #tpu.memory_space<semaphore_mem>>
      %dma_start3A_135 = tpu.memref_slice %arg2[%add3A_4] : memref<327680xi32, #tpu.memory_space<hbm>> -> memref<1024xi32, #tpu.memory_space<hbm>>
      %dma_start3A_136 = tpu.memref_slice %arg2[%add3A_4] : memref<327680xi32, #tpu.memory_space<hbm>> -> memref<1024xi32, #tpu.memory_space<hbm>>
      tpu.enqueue_dma source(%dma_start3A_136 : memref<1024xi32, #tpu.memory_space<hbm>>) target(%arg5 : memref<1024xi32, #tpu.memory_space<vmem>>) target_semaphore(%run_scoped3A : memref<!tpu.dma_semaphore, #tpu.memory_space<semaphore_mem>>)
      %dma_wait3A_137 = tpu.memref_slice %arg2[%add3A_4] : memref<327680xi32, #tpu.memory_space<hbm>> -> memref<1024xi32, #tpu.memory_space<hbm>>
      %dma_wait3A_138 = tpu.memref_slice %arg2[%add3A_4] : memref<327680xi32, #tpu.memory_space<hbm>> -> memref<1024xi32, #tpu.memory_space<hbm>>
      tpu.wait_dma2 semaphore(%run_scoped3A : memref<!tpu.dma_semaphore, #tpu.memory_space<semaphore_mem>>) src(%dma_wait3A_138 : memref<1024xi32, #tpu.memory_space<hbm>>) dst(%arg5 : memref<1024xi32, #tpu.memory_space<vmem>>)
      tpu.yield
    }) : () -> ()
    %dma_start3A = arith.constant 0 : i32
    %dma_start3A_5 = arith.constant 0 : i32
    %dma_start3A_6 = tpu.memref_slice %arg3[%dma_start3A, %dma_start3A_5] : memref<100000x32xf32, #tpu.memory_space<hbm>> -> memref<100000x32xf32, #tpu.memory_space<hbm>>
    tpu.enqueue_indirect_dma source(%dma_start3A_6 : memref<100000x32xf32, #tpu.memory_space<hbm>>) target(%arg7 : memref<1024x32xf32, #tpu.memory_space<vmem>>) offsets(%arg5 : memref<1024xi32, #tpu.memory_space<vmem>>) semaphore(%arg9 : memref<!tpu.dma_semaphore, #tpu.memory_space<semaphore_mem>>)
    %scan3A = arith.constant 0 : i32
    %scan3A_7 = arith.constant 0 : i32
    %scan3A_8 = arith.constant 5 : i32
    %scan3A_9 = arith.addi %scan3A_7, %scan3A_8 : i32
    %scan3A_10 = arith.constant 1 : i32
    scf.for %scan3A_135 = %scan3A_7 to %scan3A_9 step %scan3A_10  : i32 {
      %dma_wait3A_136 = arith.constant 0 : i32
      %dma_wait3A_137 = arith.constant 0 : i32
      %dma_wait3A_138 = tpu.memref_slice %arg3[%dma_wait3A_136, %dma_wait3A_137] : memref<100000x32xf32, #tpu.memory_space<hbm>> -> memref<100000x32xf32, #tpu.memory_space<hbm>>
      tpu.wait_indirect_dma semaphore(%arg9 : memref<!tpu.dma_semaphore, #tpu.memory_space<semaphore_mem>>) src(%dma_wait3A_138 : memref<100000x32xf32, #tpu.memory_space<hbm>>) dst(%arg7 : memref<1024x32xf32, #tpu.memory_space<vmem>>)
      %mul3A_139 = arith.constant 2 : i32
      %mul3A_140 = arith.muli %mul3A_139, %scan3A_135 : i32
      %mul3A_141 = arith.constant 1024 : i32
      %mul3A_142 = arith.muli %mul3A_140, %mul3A_141 : i32
      %add3A_143 = arith.addi %mul3A_2, %mul3A_142 : i32
      %jit3A_144 = arith.constant 4 : i32
      %div3A_145 = arith.divsi %add3A_143, %jit3A_144 : i32
      %sign3A_146 = arith.constant 0 : i32
      %sign3A_147 = arith.cmpi sgt, %add3A_143, %sign3A_146 : i32
      %sign3A_148 = arith.extui %sign3A_147 : i1 to i32
      %sign3A_149 = arith.constant 0 : i32
      %sign3A_150 = arith.cmpi slt, %add3A_143, %sign3A_149 : i32
      %sign3A_151 = arith.extui %sign3A_150 : i1 to i32
      %sign3A_152 = arith.subi %sign3A_148, %sign3A_151 : i32
      %sign3A_153 = arith.constant 0 : i32
      %sign3A_154 = arith.cmpi sgt, %jit3A_144, %sign3A_153 : i32
      %sign3A_155 = arith.extui %sign3A_154 : i1 to i32
      %sign3A_156 = arith.constant 0 : i32
      %sign3A_157 = arith.cmpi slt, %jit3A_144, %sign3A_156 : i32
      %sign3A_158 = arith.extui %sign3A_157 : i1 to i32
      %sign3A_159 = arith.subi %sign3A_155, %sign3A_158 : i32
      %ne3A_160 = arith.cmpi ne, %sign3A_152, %sign3A_159 : i32
      %rem3A_161 = arith.remsi %add3A_143, %jit3A_144 : i32
      %ne3A_162 = arith.constant 0 : i32
      %ne3A_163 = arith.cmpi ne, %rem3A_161, %ne3A_162 : i32
      %and3A_164 = arith.andi %ne3A_160, %ne3A_163 : i1
      %sub3A_165 = arith.constant 1 : i32
      %sub3A_166 = arith.subi %div3A_145, %sub3A_165 : i32
      %select_n3A_167 = arith.select %and3A_164, %sub3A_166, %div3A_145 : i32
      %dma_start3A_168 = arith.constant 0 : i32
      %dma_start3A_169 = arith.constant 0 : i32
      %dma_start3A_170 = tpu.memref_slice %arg7[%dma_start3A_168, %dma_start3A_169] : memref<1024x32xf32, #tpu.memory_space<vmem>> -> memref<256x32xf32, #tpu.memory_space<vmem>>
      %dma_start3A_171 = arith.constant 0 : i32
      %dma_start3A_172 = tpu.memref_slice %arg4[%select_n3A_167, %dma_start3A_171] : memref<81920x128xf32, #tpu.memory_space<hbm>> -> memref<256x32xf32, #tpu.memory_space<hbm>>
      %dma_start3A_173 = arith.constant 0 : i32
      %dma_start3A_174 = tpu.memref_slice %arg4[%select_n3A_167, %dma_start3A_173] : memref<81920x128xf32, #tpu.memory_space<hbm>> -> memref<256x32xf32, #tpu.memory_space<hbm>>
      %dma_start3A_175 = arith.constant 0 : i32
      %dma_start3A_176 = arith.constant 0 : i32
      %dma_start3A_177 = tpu.memref_slice %arg7[%dma_start3A_175, %dma_start3A_176] : memref<1024x32xf32, #tpu.memory_space<vmem>> -> memref<256x32xf32, #tpu.memory_space<vmem>>
      tpu.enqueue_dma source(%dma_start3A_177 : memref<256x32xf32, #tpu.memory_space<vmem>>) target(%dma_start3A_174 : memref<256x32xf32, #tpu.memory_space<hbm>>) target_semaphore(%arg11 : memref<!tpu.dma_semaphore, #tpu.memory_space<semaphore_mem>>)
      %dma_start3A_178 = arith.constant 256 : i32
      %dma_start3A_179 = arith.constant 0 : i32
      %dma_start3A_180 = tpu.memref_slice %arg7[%dma_start3A_178, %dma_start3A_179] : memref<1024x32xf32, #tpu.memory_space<vmem>> -> memref<256x32xf32, #tpu.memory_space<vmem>>
      %dma_start3A_181 = arith.constant 32 : i32
      %dma_start3A_182 = tpu.memref_slice %arg4[%select_n3A_167, %dma_start3A_181] : memref<81920x128xf32, #tpu.memory_space<hbm>> -> memref<256x32xf32, #tpu.memory_space<hbm>>
      %dma_start3A_183 = arith.constant 32 : i32
      %dma_start3A_184 = tpu.memref_slice %arg4[%select_n3A_167, %dma_start3A_183] : memref<81920x128xf32, #tpu.memory_space<hbm>> -> memref<256x32xf32, #tpu.memory_space<hbm>>
      %dma_start3A_185 = arith.constant 256 : i32
      %dma_start3A_186 = arith.constant 0 : i32
      %dma_start3A_187 = tpu.memref_slice %arg7[%dma_start3A_185, %dma_start3A_186] : memref<1024x32xf32, #tpu.memory_space<vmem>> -> memref<256x32xf32, #tpu.memory_space<vmem>>
      tpu.enqueue_dma source(%dma_start3A_187 : memref<256x32xf32, #tpu.memory_space<vmem>>) target(%dma_start3A_184 : memref<256x32xf32, #tpu.memory_space<hbm>>) target_semaphore(%arg11 : memref<!tpu.dma_semaphore, #tpu.memory_space<semaphore_mem>>)
      %dma_start3A_188 = arith.constant 512 : i32
      %dma_start3A_189 = arith.constant 0 : i32
      %dma_start3A_190 = tpu.memref_slice %arg7[%dma_start3A_188, %dma_start3A_189] : memref<1024x32xf32, #tpu.memory_space<vmem>> -> memref<256x32xf32, #tpu.memory_space<vmem>>
      %dma_start3A_191 = arith.constant 64 : i32
      %dma_start3A_192 = tpu.memref_slice %arg4[%select_n3A_167, %dma_start3A_191] : memref<81920x128xf32, #tpu.memory_space<hbm>> -> memref<256x32xf32, #tpu.memory_space<hbm>>
      %dma_start3A_193 = arith.constant 64 : i32
      %dma_start3A_194 = tpu.memref_slice %arg4[%select_n3A_167, %dma_start3A_193] : memref<81920x128xf32, #tpu.memory_space<hbm>> -> memref<256x32xf32, #tpu.memory_space<hbm>>
      %dma_start3A_195 = arith.constant 512 : i32
      %dma_start3A_196 = arith.constant 0 : i32
      %dma_start3A_197 = tpu.memref_slice %arg7[%dma_start3A_195, %dma_start3A_196] : memref<1024x32xf32, #tpu.memory_space<vmem>> -> memref<256x32xf32, #tpu.memory_space<vmem>>
      tpu.enqueue_dma source(%dma_start3A_197 : memref<256x32xf32, #tpu.memory_space<vmem>>) target(%dma_start3A_194 : memref<256x32xf32, #tpu.memory_space<hbm>>) target_semaphore(%arg11 : memref<!tpu.dma_semaphore, #tpu.memory_space<semaphore_mem>>)
      %dma_start3A_198 = arith.constant 768 : i32
      %dma_start3A_199 = arith.constant 0 : i32
      %dma_start3A_200 = tpu.memref_slice %arg7[%dma_start3A_198, %dma_start3A_199] : memref<1024x32xf32, #tpu.memory_space<vmem>> -> memref<256x32xf32, #tpu.memory_space<vmem>>
      %dma_start3A_201 = arith.constant 96 : i32
      %dma_start3A_202 = tpu.memref_slice %arg4[%select_n3A_167, %dma_start3A_201] : memref<81920x128xf32, #tpu.memory_space<hbm>> -> memref<256x32xf32, #tpu.memory_space<hbm>>
      %dma_start3A_203 = arith.constant 96 : i32
      %dma_start3A_204 = tpu.memref_slice %arg4[%select_n3A_167, %dma_start3A_203] : memref<81920x128xf32, #tpu.memory_space<hbm>> -> memref<256x32xf32, #tpu.memory_space<hbm>>
      %dma_start3A_205 = arith.constant 768 : i32
      %dma_start3A_206 = arith.constant 0 : i32
      %dma_start3A_207 = tpu.memref_slice %arg7[%dma_start3A_205, %dma_start3A_206] : memref<1024x32xf32, #tpu.memory_space<vmem>> -> memref<256x32xf32, #tpu.memory_space<vmem>>
      tpu.enqueue_dma source(%dma_start3A_207 : memref<256x32xf32, #tpu.memory_space<vmem>>) target(%dma_start3A_204 : memref<256x32xf32, #tpu.memory_space<hbm>>) target_semaphore(%arg11 : memref<!tpu.dma_semaphore, #tpu.memory_space<semaphore_mem>>)
      %gt3A = arith.constant 0 : i32
      %gt3A_208 = arith.cmpi sgt, %scan3A_135, %gt3A : i32
      %convert_element_type3A = arith.extui %gt3A_208 : i1 to i32
      %cond3A = arith.constant 0 : i32
      %cond3A_209 = arith.cmpi ne, %convert_element_type3A, %cond3A : i32
      scf.if %cond3A_209 {
        %mul3A_298 = arith.constant 2 : i32
        %mul3A_299 = arith.muli %mul3A_298, %scan3A_135 : i32
        %sub3A_300 = arith.constant 1 : i32
        %sub3A_301 = arith.subi %mul3A_299, %sub3A_300 : i32
        %mul3A_302 = arith.constant 1024 : i32
        %mul3A_303 = arith.muli %sub3A_301, %mul3A_302 : i32
        %add3A_304 = arith.addi %mul3A_2, %mul3A_303 : i32
        %jit3A_305 = arith.constant 4 : i32
        %div3A_306 = arith.divsi %add3A_304, %jit3A_305 : i32
        %sign3A_307 = arith.constant 0 : i32
        %sign3A_308 = arith.cmpi sgt, %add3A_304, %sign3A_307 : i32
        %sign3A_309 = arith.extui %sign3A_308 : i1 to i32
        %sign3A_310 = arith.constant 0 : i32
        %sign3A_311 = arith.cmpi slt, %add3A_304, %sign3A_310 : i32
        %sign3A_312 = arith.extui %sign3A_311 : i1 to i32
        %sign3A_313 = arith.subi %sign3A_309, %sign3A_312 : i32
        %sign3A_314 = arith.constant 0 : i32
        %sign3A_315 = arith.cmpi sgt, %jit3A_305, %sign3A_314 : i32
        %sign3A_316 = arith.extui %sign3A_315 : i1 to i32
        %sign3A_317 = arith.constant 0 : i32
        %sign3A_318 = arith.cmpi slt, %jit3A_305, %sign3A_317 : i32
        %sign3A_319 = arith.extui %sign3A_318 : i1 to i32
        %sign3A_320 = arith.subi %sign3A_316, %sign3A_319 : i32
        %ne3A_321 = arith.cmpi ne, %sign3A_313, %sign3A_320 : i32
        %rem3A_322 = arith.remsi %add3A_304, %jit3A_305 : i32
        %ne3A_323 = arith.constant 0 : i32
        %ne3A_324 = arith.cmpi ne, %rem3A_322, %ne3A_323 : i32
        %and3A_325 = arith.andi %ne3A_321, %ne3A_324 : i1
        %sub3A_326 = arith.constant 1 : i32
        %sub3A_327 = arith.subi %div3A_306, %sub3A_326 : i32
        %select_n3A_328 = arith.select %and3A_325, %sub3A_327, %div3A_306 : i32
        %dma_wait3A_329 = arith.constant 0 : i32
        %dma_wait3A_330 = arith.constant 0 : i32
        %dma_wait3A_331 = tpu.memref_slice %arg8[%dma_wait3A_329, %dma_wait3A_330] : memref<1024x32xf32, #tpu.memory_space<vmem>> -> memref<256x32xf32, #tpu.memory_space<vmem>>
        %dma_wait3A_332 = arith.constant 0 : i32
        %dma_wait3A_333 = tpu.memref_slice %arg4[%select_n3A_328, %dma_wait3A_332] : memref<81920x128xf32, #tpu.memory_space<hbm>> -> memref<256x32xf32, #tpu.memory_space<hbm>>
        %dma_wait3A_334 = arith.constant 0 : i32
        %dma_wait3A_335 = tpu.memref_slice %arg4[%select_n3A_328, %dma_wait3A_334] : memref<81920x128xf32, #tpu.memory_space<hbm>> -> memref<256x32xf32, #tpu.memory_space<hbm>>
        %dma_wait3A_336 = arith.constant 0 : i32
        %dma_wait3A_337 = arith.constant 0 : i32
        %dma_wait3A_338 = tpu.memref_slice %arg8[%dma_wait3A_336, %dma_wait3A_337] : memref<1024x32xf32, #tpu.memory_space<vmem>> -> memref<256x32xf32, #tpu.memory_space<vmem>>
        tpu.wait_dma2 semaphore(%arg12 : memref<!tpu.dma_semaphore, #tpu.memory_space<semaphore_mem>>) src(%dma_wait3A_338 : memref<256x32xf32, #tpu.memory_space<vmem>>) dst(%dma_wait3A_335 : memref<256x32xf32, #tpu.memory_space<hbm>>)
        %dma_wait3A_339 = arith.constant 256 : i32
        %dma_wait3A_340 = arith.constant 0 : i32
        %dma_wait3A_341 = tpu.memref_slice %arg8[%dma_wait3A_339, %dma_wait3A_340] : memref<1024x32xf32, #tpu.memory_space<vmem>> -> memref<256x32xf32, #tpu.memory_space<vmem>>
        %dma_wait3A_342 = arith.constant 32 : i32
        %dma_wait3A_343 = tpu.memref_slice %arg4[%select_n3A_328, %dma_wait3A_342] : memref<81920x128xf32, #tpu.memory_space<hbm>> -> memref<256x32xf32, #tpu.memory_space<hbm>>
        %dma_wait3A_344 = arith.constant 32 : i32
        %dma_wait3A_345 = tpu.memref_slice %arg4[%select_n3A_328, %dma_wait3A_344] : memref<81920x128xf32, #tpu.memory_space<hbm>> -> memref<256x32xf32, #tpu.memory_space<hbm>>
        %dma_wait3A_346 = arith.constant 256 : i32
        %dma_wait3A_347 = arith.constant 0 : i32
        %dma_wait3A_348 = tpu.memref_slice %arg8[%dma_wait3A_346, %dma_wait3A_347] : memref<1024x32xf32, #tpu.memory_space<vmem>> -> memref<256x32xf32, #tpu.memory_space<vmem>>
        tpu.wait_dma2 semaphore(%arg12 : memref<!tpu.dma_semaphore, #tpu.memory_space<semaphore_mem>>) src(%dma_wait3A_348 : memref<256x32xf32, #tpu.memory_space<vmem>>) dst(%dma_wait3A_345 : memref<256x32xf32, #tpu.memory_space<hbm>>)
        %dma_wait3A_349 = arith.constant 512 : i32
        %dma_wait3A_350 = arith.constant 0 : i32
        %dma_wait3A_351 = tpu.memref_slice %arg8[%dma_wait3A_349, %dma_wait3A_350] : memref<1024x32xf32, #tpu.memory_space<vmem>> -> memref<256x32xf32, #tpu.memory_space<vmem>>
        %dma_wait3A_352 = arith.constant 64 : i32
        %dma_wait3A_353 = tpu.memref_slice %arg4[%select_n3A_328, %dma_wait3A_352] : memref<81920x128xf32, #tpu.memory_space<hbm>> -> memref<256x32xf32, #tpu.memory_space<hbm>>
        %dma_wait3A_354 = arith.constant 64 : i32
        %dma_wait3A_355 = tpu.memref_slice %arg4[%select_n3A_328, %dma_wait3A_354] : memref<81920x128xf32, #tpu.memory_space<hbm>> -> memref<256x32xf32, #tpu.memory_space<hbm>>
        %dma_wait3A_356 = arith.constant 512 : i32
        %dma_wait3A_357 = arith.constant 0 : i32
        %dma_wait3A_358 = tpu.memref_slice %arg8[%dma_wait3A_356, %dma_wait3A_357] : memref<1024x32xf32, #tpu.memory_space<vmem>> -> memref<256x32xf32, #tpu.memory_space<vmem>>
        tpu.wait_dma2 semaphore(%arg12 : memref<!tpu.dma_semaphore, #tpu.memory_space<semaphore_mem>>) src(%dma_wait3A_358 : memref<256x32xf32, #tpu.memory_space<vmem>>) dst(%dma_wait3A_355 : memref<256x32xf32, #tpu.memory_space<hbm>>)
        %dma_wait3A_359 = arith.constant 768 : i32
        %dma_wait3A_360 = arith.constant 0 : i32
        %dma_wait3A_361 = tpu.memref_slice %arg8[%dma_wait3A_359, %dma_wait3A_360] : memref<1024x32xf32, #tpu.memory_space<vmem>> -> memref<256x32xf32, #tpu.memory_space<vmem>>
        %dma_wait3A_362 = arith.constant 96 : i32
        %dma_wait3A_363 = tpu.memref_slice %arg4[%select_n3A_328, %dma_wait3A_362] : memref<81920x128xf32, #tpu.memory_space<hbm>> -> memref<256x32xf32, #tpu.memory_space<hbm>>
        %dma_wait3A_364 = arith.constant 96 : i32
        %dma_wait3A_365 = tpu.memref_slice %arg4[%select_n3A_328, %dma_wait3A_364] : memref<81920x128xf32, #tpu.memory_space<hbm>> -> memref<256x32xf32, #tpu.memory_space<hbm>>
        %dma_wait3A_366 = arith.constant 768 : i32
        %dma_wait3A_367 = arith.constant 0 : i32
        %dma_wait3A_368 = tpu.memref_slice %arg8[%dma_wait3A_366, %dma_wait3A_367] : memref<1024x32xf32, #tpu.memory_space<vmem>> -> memref<256x32xf32, #tpu.memory_space<vmem>>
        tpu.wait_dma2 semaphore(%arg12 : memref<!tpu.dma_semaphore, #tpu.memory_space<semaphore_mem>>) src(%dma_wait3A_368 : memref<256x32xf32, #tpu.memory_space<vmem>>) dst(%dma_wait3A_365 : memref<256x32xf32, #tpu.memory_space<hbm>>)
      } else {
      }
      %mul3A_210 = arith.constant 2 : i32
      %mul3A_211 = arith.muli %mul3A_210, %scan3A_135 : i32
      %add3A_212 = arith.constant 1 : i32
      %add3A_213 = arith.addi %mul3A_211, %add3A_212 : i32
      %mul3A_214 = arith.constant 1024 : i32
      %mul3A_215 = arith.muli %add3A_213, %mul3A_214 : i32
      %add3A_216 = arith.addi %mul3A_2, %mul3A_215 : i32
      "tpu.region"() ({
        %run_scoped3A = tpu.sem_alloc : memref<!tpu.dma_semaphore, #tpu.memory_space<semaphore_mem>>
        %dma_start3A_298 = tpu.memref_slice %arg2[%add3A_216] : memref<327680xi32, #tpu.memory_space<hbm>> -> memref<1024xi32, #tpu.memory_space<hbm>>
        %dma_start3A_299 = tpu.memref_slice %arg2[%add3A_216] : memref<327680xi32, #tpu.memory_space<hbm>> -> memref<1024xi32, #tpu.memory_space<hbm>>
        tpu.enqueue_dma source(%dma_start3A_299 : memref<1024xi32, #tpu.memory_space<hbm>>) target(%arg6 : memref<1024xi32, #tpu.memory_space<vmem>>) target_semaphore(%run_scoped3A : memref<!tpu.dma_semaphore, #tpu.memory_space<semaphore_mem>>)
        %dma_wait3A_300 = tpu.memref_slice %arg2[%add3A_216] : memref<327680xi32, #tpu.memory_space<hbm>> -> memref<1024xi32, #tpu.memory_space<hbm>>
        %dma_wait3A_301 = tpu.memref_slice %arg2[%add3A_216] : memref<327680xi32, #tpu.memory_space<hbm>> -> memref<1024xi32, #tpu.memory_space<hbm>>
        tpu.wait_dma2 semaphore(%run_scoped3A : memref<!tpu.dma_semaphore, #tpu.memory_space<semaphore_mem>>) src(%dma_wait3A_301 : memref<1024xi32, #tpu.memory_space<hbm>>) dst(%arg6 : memref<1024xi32, #tpu.memory_space<vmem>>)
        tpu.yield
      }) : () -> ()
      %dma_start3A_217 = arith.constant 0 : i32
      %dma_start3A_218 = arith.constant 0 : i32
      %dma_start3A_219 = tpu.memref_slice %arg3[%dma_start3A_217, %dma_start3A_218] : memref<100000x32xf32, #tpu.memory_space<hbm>> -> memref<100000x32xf32, #tpu.memory_space<hbm>>
      tpu.enqueue_indirect_dma source(%dma_start3A_219 : memref<100000x32xf32, #tpu.memory_space<hbm>>) target(%arg8 : memref<1024x32xf32, #tpu.memory_space<vmem>>) offsets(%arg6 : memref<1024xi32, #tpu.memory_space<vmem>>) semaphore(%arg10 : memref<!tpu.dma_semaphore, #tpu.memory_space<semaphore_mem>>)
      %dma_wait3A_220 = arith.constant 0 : i32
      %dma_wait3A_221 = arith.constant 0 : i32
      %dma_wait3A_222 = tpu.memref_slice %arg3[%dma_wait3A_220, %dma_wait3A_221] : memref<100000x32xf32, #tpu.memory_space<hbm>> -> memref<100000x32xf32, #tpu.memory_space<hbm>>
      tpu.wait_indirect_dma semaphore(%arg10 : memref<!tpu.dma_semaphore, #tpu.memory_space<semaphore_mem>>) src(%dma_wait3A_222 : memref<100000x32xf32, #tpu.memory_space<hbm>>) dst(%arg8 : memref<1024x32xf32, #tpu.memory_space<vmem>>)
      %mul3A_223 = arith.constant 2 : i32
      %mul3A_224 = arith.muli %mul3A_223, %scan3A_135 : i32
      %add3A_225 = arith.constant 1 : i32
      %add3A_226 = arith.addi %mul3A_224, %add3A_225 : i32
      %mul3A_227 = arith.constant 1024 : i32
      %mul3A_228 = arith.muli %add3A_226, %mul3A_227 : i32
      %add3A_229 = arith.addi %mul3A_2, %mul3A_228 : i32
      %jit3A_230 = arith.constant 4 : i32
      %div3A_231 = arith.divsi %add3A_229, %jit3A_230 : i32
      %sign3A_232 = arith.constant 0 : i32
      %sign3A_233 = arith.cmpi sgt, %add3A_229, %sign3A_232 : i32
      %sign3A_234 = arith.extui %sign3A_233 : i1 to i32
      %sign3A_235 = arith.constant 0 : i32
      %sign3A_236 = arith.cmpi slt, %add3A_229, %sign3A_235 : i32
      %sign3A_237 = arith.extui %sign3A_236 : i1 to i32
      %sign3A_238 = arith.subi %sign3A_234, %sign3A_237 : i32
      %sign3A_239 = arith.constant 0 : i32
      %sign3A_240 = arith.cmpi sgt, %jit3A_230, %sign3A_239 : i32
      %sign3A_241 = arith.extui %sign3A_240 : i1 to i32
      %sign3A_242 = arith.constant 0 : i32
      %sign3A_243 = arith.cmpi slt, %jit3A_230, %sign3A_242 : i32
      %sign3A_244 = arith.extui %sign3A_243 : i1 to i32
      %sign3A_245 = arith.subi %sign3A_241, %sign3A_244 : i32
      %ne3A_246 = arith.cmpi ne, %sign3A_238, %sign3A_245 : i32
      %rem3A_247 = arith.remsi %add3A_229, %jit3A_230 : i32
      %ne3A_248 = arith.constant 0 : i32
      %ne3A_249 = arith.cmpi ne, %rem3A_247, %ne3A_248 : i32
      %and3A_250 = arith.andi %ne3A_246, %ne3A_249 : i1
      %sub3A_251 = arith.constant 1 : i32
      %sub3A_252 = arith.subi %div3A_231, %sub3A_251 : i32
      %select_n3A_253 = arith.select %and3A_250, %sub3A_252, %div3A_231 : i32
      %dma_start3A_254 = arith.constant 0 : i32
      %dma_start3A_255 = arith.constant 0 : i32
      %dma_start3A_256 = tpu.memref_slice %arg8[%dma_start3A_254, %dma_start3A_255] : memref<1024x32xf32, #tpu.memory_space<vmem>> -> memref<256x32xf32, #tpu.memory_space<vmem>>
      %dma_start3A_257 = arith.constant 0 : i32
      %dma_start3A_258 = tpu.memref_slice %arg4[%select_n3A_253, %dma_start3A_257] : memref<81920x128xf32, #tpu.memory_space<hbm>> -> memref<256x32xf32, #tpu.memory_space<hbm>>
      %dma_start3A_259 = arith.constant 0 : i32
      %dma_start3A_260 = tpu.memref_slice %arg4[%select_n3A_253, %dma_start3A_259] : memref<81920x128xf32, #tpu.memory_space<hbm>> -> memref<256x32xf32, #tpu.memory_space<hbm>>
      %dma_start3A_261 = arith.constant 0 : i32
      %dma_start3A_262 = arith.constant 0 : i32
      %dma_start3A_263 = tpu.memref_slice %arg8[%dma_start3A_261, %dma_start3A_262] : memref<1024x32xf32, #tpu.memory_space<vmem>> -> memref<256x32xf32, #tpu.memory_space<vmem>>
      tpu.enqueue_dma source(%dma_start3A_263 : memref<256x32xf32, #tpu.memory_space<vmem>>) target(%dma_start3A_260 : memref<256x32xf32, #tpu.memory_space<hbm>>) target_semaphore(%arg12 : memref<!tpu.dma_semaphore, #tpu.memory_space<semaphore_mem>>)
      %dma_start3A_264 = arith.constant 256 : i32
      %dma_start3A_265 = arith.constant 0 : i32
      %dma_start3A_266 = tpu.memref_slice %arg8[%dma_start3A_264, %dma_start3A_265] : memref<1024x32xf32, #tpu.memory_space<vmem>> -> memref<256x32xf32, #tpu.memory_space<vmem>>
      %dma_start3A_267 = arith.constant 32 : i32
      %dma_start3A_268 = tpu.memref_slice %arg4[%select_n3A_253, %dma_start3A_267] : memref<81920x128xf32, #tpu.memory_space<hbm>> -> memref<256x32xf32, #tpu.memory_space<hbm>>
      %dma_start3A_269 = arith.constant 32 : i32
      %dma_start3A_270 = tpu.memref_slice %arg4[%select_n3A_253, %dma_start3A_269] : memref<81920x128xf32, #tpu.memory_space<hbm>> -> memref<256x32xf32, #tpu.memory_space<hbm>>
      %dma_start3A_271 = arith.constant 256 : i32
      %dma_start3A_272 = arith.constant 0 : i32
      %dma_start3A_273 = tpu.memref_slice %arg8[%dma_start3A_271, %dma_start3A_272] : memref<1024x32xf32, #tpu.memory_space<vmem>> -> memref<256x32xf32, #tpu.memory_space<vmem>>
      tpu.enqueue_dma source(%dma_start3A_273 : memref<256x32xf32, #tpu.memory_space<vmem>>) target(%dma_start3A_270 : memref<256x32xf32, #tpu.memory_space<hbm>>) target_semaphore(%arg12 : memref<!tpu.dma_semaphore, #tpu.memory_space<semaphore_mem>>)
      %dma_start3A_274 = arith.constant 512 : i32
      %dma_start3A_275 = arith.constant 0 : i32
      %dma_start3A_276 = tpu.memref_slice %arg8[%dma_start3A_274, %dma_start3A_275] : memref<1024x32xf32, #tpu.memory_space<vmem>> -> memref<256x32xf32, #tpu.memory_space<vmem>>
      %dma_start3A_277 = arith.constant 64 : i32
      %dma_start3A_278 = tpu.memref_slice %arg4[%select_n3A_253, %dma_start3A_277] : memref<81920x128xf32, #tpu.memory_space<hbm>> -> memref<256x32xf32, #tpu.memory_space<hbm>>
      %dma_start3A_279 = arith.constant 64 : i32
      %dma_start3A_280 = tpu.memref_slice %arg4[%select_n3A_253, %dma_start3A_279] : memref<81920x128xf32, #tpu.memory_space<hbm>> -> memref<256x32xf32, #tpu.memory_space<hbm>>
      %dma_start3A_281 = arith.constant 512 : i32
      %dma_start3A_282 = arith.constant 0 : i32
      %dma_start3A_283 = tpu.memref_slice %arg8[%dma_start3A_281, %dma_start3A_282] : memref<1024x32xf32, #tpu.memory_space<vmem>> -> memref<256x32xf32, #tpu.memory_space<vmem>>
      tpu.enqueue_dma source(%dma_start3A_283 : memref<256x32xf32, #tpu.memory_space<vmem>>) target(%dma_start3A_280 : memref<256x32xf32, #tpu.memory_space<hbm>>) target_semaphore(%arg12 : memref<!tpu.dma_semaphore, #tpu.memory_space<semaphore_mem>>)
      %dma_start3A_284 = arith.constant 768 : i32
      %dma_start3A_285 = arith.constant 0 : i32
      %dma_start3A_286 = tpu.memref_slice %arg8[%dma_start3A_284, %dma_start3A_285] : memref<1024x32xf32, #tpu.memory_space<vmem>> -> memref<256x32xf32, #tpu.memory_space<vmem>>
      %dma_start3A_287 = arith.constant 96 : i32
      %dma_start3A_288 = tpu.memref_slice %arg4[%select_n3A_253, %dma_start3A_287] : memref<81920x128xf32, #tpu.memory_space<hbm>> -> memref<256x32xf32, #tpu.memory_space<hbm>>
      %dma_start3A_289 = arith.constant 96 : i32
      %dma_start3A_290 = tpu.memref_slice %arg4[%select_n3A_253, %dma_start3A_289] : memref<81920x128xf32, #tpu.memory_space<hbm>> -> memref<256x32xf32, #tpu.memory_space<hbm>>
      %dma_start3A_291 = arith.constant 768 : i32
      %dma_start3A_292 = arith.constant 0 : i32
      %dma_start3A_293 = tpu.memref_slice %arg8[%dma_start3A_291, %dma_start3A_292] : memref<1024x32xf32, #tpu.memory_space<vmem>> -> memref<256x32xf32, #tpu.memory_space<vmem>>
      tpu.enqueue_dma source(%dma_start3A_293 : memref<256x32xf32, #tpu.memory_space<vmem>>) target(%dma_start3A_290 : memref<256x32xf32, #tpu.memory_space<hbm>>) target_semaphore(%arg12 : memref<!tpu.dma_semaphore, #tpu.memory_space<semaphore_mem>>)
      %lt3A = arith.constant 4 : i32
      %lt3A_294 = arith.cmpi slt, %scan3A_135, %lt3A : i32
      %convert_element_type3A_295 = arith.extui %lt3A_294 : i1 to i32
      %cond3A_296 = arith.constant 0 : i32
      %cond3A_297 = arith.cmpi ne, %convert_element_type3A_295, %cond3A_296 : i32
      scf.if %cond3A_297 {
        %mul3A_298 = arith.constant 2 : i32
        %mul3A_299 = arith.muli %mul3A_298, %scan3A_135 : i32
        %mul3A_300 = arith.constant 1024 : i32
        %mul3A_301 = arith.muli %mul3A_299, %mul3A_300 : i32
        %add3A_302 = arith.addi %mul3A_2, %mul3A_301 : i32
        %jit3A_303 = arith.constant 4 : i32
        %div3A_304 = arith.divsi %add3A_302, %jit3A_303 : i32
        %sign3A_305 = arith.constant 0 : i32
        %sign3A_306 = arith.cmpi sgt, %add3A_302, %sign3A_305 : i32
        %sign3A_307 = arith.extui %sign3A_306 : i1 to i32
        %sign3A_308 = arith.constant 0 : i32
        %sign3A_309 = arith.cmpi slt, %add3A_302, %sign3A_308 : i32
        %sign3A_310 = arith.extui %sign3A_309 : i1 to i32
        %sign3A_311 = arith.subi %sign3A_307, %sign3A_310 : i32
        %sign3A_312 = arith.constant 0 : i32
        %sign3A_313 = arith.cmpi sgt, %jit3A_303, %sign3A_312 : i32
        %sign3A_314 = arith.extui %sign3A_313 : i1 to i32
        %sign3A_315 = arith.constant 0 : i32
        %sign3A_316 = arith.cmpi slt, %jit3A_303, %sign3A_315 : i32
        %sign3A_317 = arith.extui %sign3A_316 : i1 to i32
        %sign3A_318 = arith.subi %sign3A_314, %sign3A_317 : i32
        %ne3A_319 = arith.cmpi ne, %sign3A_311, %sign3A_318 : i32
        %rem3A_320 = arith.remsi %add3A_302, %jit3A_303 : i32
        %ne3A_321 = arith.constant 0 : i32
        %ne3A_322 = arith.cmpi ne, %rem3A_320, %ne3A_321 : i32
        %and3A_323 = arith.andi %ne3A_319, %ne3A_322 : i1
        %sub3A_324 = arith.constant 1 : i32
        %sub3A_325 = arith.subi %div3A_304, %sub3A_324 : i32
        %select_n3A_326 = arith.select %and3A_323, %sub3A_325, %div3A_304 : i32
        %dma_wait3A_327 = arith.constant 0 : i32
        %dma_wait3A_328 = arith.constant 0 : i32
        %dma_wait3A_329 = tpu.memref_slice %arg7[%dma_wait3A_327, %dma_wait3A_328] : memref<1024x32xf32, #tpu.memory_space<vmem>> -> memref<256x32xf32, #tpu.memory_space<vmem>>
        %dma_wait3A_330 = arith.constant 0 : i32
        %dma_wait3A_331 = tpu.memref_slice %arg4[%select_n3A_326, %dma_wait3A_330] : memref<81920x128xf32, #tpu.memory_space<hbm>> -> memref<256x32xf32, #tpu.memory_space<hbm>>
        %dma_wait3A_332 = arith.constant 0 : i32
        %dma_wait3A_333 = tpu.memref_slice %arg4[%select_n3A_326, %dma_wait3A_332] : memref<81920x128xf32, #tpu.memory_space<hbm>> -> memref<256x32xf32, #tpu.memory_space<hbm>>
        %dma_wait3A_334 = arith.constant 0 : i32
        %dma_wait3A_335 = arith.constant 0 : i32
        %dma_wait3A_336 = tpu.memref_slice %arg7[%dma_wait3A_334, %dma_wait3A_335] : memref<1024x32xf32, #tpu.memory_space<vmem>> -> memref<256x32xf32, #tpu.memory_space<vmem>>
        tpu.wait_dma2 semaphore(%arg11 : memref<!tpu.dma_semaphore, #tpu.memory_space<semaphore_mem>>) src(%dma_wait3A_336 : memref<256x32xf32, #tpu.memory_space<vmem>>) dst(%dma_wait3A_333 : memref<256x32xf32, #tpu.memory_space<hbm>>)
        %dma_wait3A_337 = arith.constant 256 : i32
        %dma_wait3A_338 = arith.constant 0 : i32
        %dma_wait3A_339 = tpu.memref_slice %arg7[%dma_wait3A_337, %dma_wait3A_338] : memref<1024x32xf32, #tpu.memory_space<vmem>> -> memref<256x32xf32, #tpu.memory_space<vmem>>
        %dma_wait3A_340 = arith.constant 32 : i32
        %dma_wait3A_341 = tpu.memref_slice %arg4[%select_n3A_326, %dma_wait3A_340] : memref<81920x128xf32, #tpu.memory_space<hbm>> -> memref<256x32xf32, #tpu.memory_space<hbm>>
        %dma_wait3A_342 = arith.constant 32 : i32
        %dma_wait3A_343 = tpu.memref_slice %arg4[%select_n3A_326, %dma_wait3A_342] : memref<81920x128xf32, #tpu.memory_space<hbm>> -> memref<256x32xf32, #tpu.memory_space<hbm>>
        %dma_wait3A_344 = arith.constant 256 : i32
        %dma_wait3A_345 = arith.constant 0 : i32
        %dma_wait3A_346 = tpu.memref_slice %arg7[%dma_wait3A_344, %dma_wait3A_345] : memref<1024x32xf32, #tpu.memory_space<vmem>> -> memref<256x32xf32, #tpu.memory_space<vmem>>
        tpu.wait_dma2 semaphore(%arg11 : memref<!tpu.dma_semaphore, #tpu.memory_space<semaphore_mem>>) src(%dma_wait3A_346 : memref<256x32xf32, #tpu.memory_space<vmem>>) dst(%dma_wait3A_343 : memref<256x32xf32, #tpu.memory_space<hbm>>)
        %dma_wait3A_347 = arith.constant 512 : i32
        %dma_wait3A_348 = arith.constant 0 : i32
        %dma_wait3A_349 = tpu.memref_slice %arg7[%dma_wait3A_347, %dma_wait3A_348] : memref<1024x32xf32, #tpu.memory_space<vmem>> -> memref<256x32xf32, #tpu.memory_space<vmem>>
        %dma_wait3A_350 = arith.constant 64 : i32
        %dma_wait3A_351 = tpu.memref_slice %arg4[%select_n3A_326, %dma_wait3A_350] : memref<81920x128xf32, #tpu.memory_space<hbm>> -> memref<256x32xf32, #tpu.memory_space<hbm>>
        %dma_wait3A_352 = arith.constant 64 : i32
        %dma_wait3A_353 = tpu.memref_slice %arg4[%select_n3A_326, %dma_wait3A_352] : memref<81920x128xf32, #tpu.memory_space<hbm>> -> memref<256x32xf32, #tpu.memory_space<hbm>>
        %dma_wait3A_354 = arith.constant 512 : i32
        %dma_wait3A_355 = arith.constant 0 : i32
        %dma_wait3A_356 = tpu.memref_slice %arg7[%dma_wait3A_354, %dma_wait3A_355] : memref<1024x32xf32, #tpu.memory_space<vmem>> -> memref<256x32xf32, #tpu.memory_space<vmem>>
        tpu.wait_dma2 semaphore(%arg11 : memref<!tpu.dma_semaphore, #tpu.memory_space<semaphore_mem>>) src(%dma_wait3A_356 : memref<256x32xf32, #tpu.memory_space<vmem>>) dst(%dma_wait3A_353 : memref<256x32xf32, #tpu.memory_space<hbm>>)
        %dma_wait3A_357 = arith.constant 768 : i32
        %dma_wait3A_358 = arith.constant 0 : i32
        %dma_wait3A_359 = tpu.memref_slice %arg7[%dma_wait3A_357, %dma_wait3A_358] : memref<1024x32xf32, #tpu.memory_space<vmem>> -> memref<256x32xf32, #tpu.memory_space<vmem>>
        %dma_wait3A_360 = arith.constant 96 : i32
        %dma_wait3A_361 = tpu.memref_slice %arg4[%select_n3A_326, %dma_wait3A_360] : memref<81920x128xf32, #tpu.memory_space<hbm>> -> memref<256x32xf32, #tpu.memory_space<hbm>>
        %dma_wait3A_362 = arith.constant 96 : i32
        %dma_wait3A_363 = tpu.memref_slice %arg4[%select_n3A_326, %dma_wait3A_362] : memref<81920x128xf32, #tpu.memory_space<hbm>> -> memref<256x32xf32, #tpu.memory_space<hbm>>
        %dma_wait3A_364 = arith.constant 768 : i32
        %dma_wait3A_365 = arith.constant 0 : i32
        %dma_wait3A_366 = tpu.memref_slice %arg7[%dma_wait3A_364, %dma_wait3A_365] : memref<1024x32xf32, #tpu.memory_space<vmem>> -> memref<256x32xf32, #tpu.memory_space<vmem>>
        tpu.wait_dma2 semaphore(%arg11 : memref<!tpu.dma_semaphore, #tpu.memory_space<semaphore_mem>>) src(%dma_wait3A_366 : memref<256x32xf32, #tpu.memory_space<vmem>>) dst(%dma_wait3A_363 : memref<256x32xf32, #tpu.memory_space<hbm>>)
        %mul3A_367 = arith.constant 2 : i32
        %mul3A_368 = arith.muli %mul3A_367, %scan3A_135 : i32
        %add3A_369 = arith.constant 2 : i32
        %add3A_370 = arith.addi %mul3A_368, %add3A_369 : i32
        %mul3A_371 = arith.constant 1024 : i32
        %mul3A_372 = arith.muli %add3A_370, %mul3A_371 : i32
        %add3A_373 = arith.addi %mul3A_2, %mul3A_372 : i32
        "tpu.region"() ({
          %run_scoped3A = tpu.sem_alloc : memref<!tpu.dma_semaphore, #tpu.memory_space<semaphore_mem>>
          %dma_start3A_377 = tpu.memref_slice %arg2[%add3A_373] : memref<327680xi32, #tpu.memory_space<hbm>> -> memref<1024xi32, #tpu.memory_space<hbm>>
          %dma_start3A_378 = tpu.memref_slice %arg2[%add3A_373] : memref<327680xi32, #tpu.memory_space<hbm>> -> memref<1024xi32, #tpu.memory_space<hbm>>
          tpu.enqueue_dma source(%dma_start3A_378 : memref<1024xi32, #tpu.memory_space<hbm>>) target(%arg5 : memref<1024xi32, #tpu.memory_space<vmem>>) target_semaphore(%run_scoped3A : memref<!tpu.dma_semaphore, #tpu.memory_space<semaphore_mem>>)
          %dma_wait3A_379 = tpu.memref_slice %arg2[%add3A_373] : memref<327680xi32, #tpu.memory_space<hbm>> -> memref<1024xi32, #tpu.memory_space<hbm>>
          %dma_wait3A_380 = tpu.memref_slice %arg2[%add3A_373] : memref<327680xi32, #tpu.memory_space<hbm>> -> memref<1024xi32, #tpu.memory_space<hbm>>
          tpu.wait_dma2 semaphore(%run_scoped3A : memref<!tpu.dma_semaphore, #tpu.memory_space<semaphore_mem>>) src(%dma_wait3A_380 : memref<1024xi32, #tpu.memory_space<hbm>>) dst(%arg5 : memref<1024xi32, #tpu.memory_space<vmem>>)
          tpu.yield
        }) : () -> ()
        %dma_start3A_374 = arith.constant 0 : i32
        %dma_start3A_375 = arith.constant 0 : i32
        %dma_start3A_376 = tpu.memref_slice %arg3[%dma_start3A_374, %dma_start3A_375] : memref<100000x32xf32, #tpu.memory_space<hbm>> -> memref<100000x32xf32, #tpu.memory_space<hbm>>
        tpu.enqueue_indirect_dma source(%dma_start3A_376 : memref<100000x32xf32, #tpu.memory_space<hbm>>) target(%arg7 : memref<1024x32xf32, #tpu.memory_space<vmem>>) offsets(%arg5 : memref<1024xi32, #tpu.memory_space<vmem>>) semaphore(%arg9 : memref<!tpu.dma_semaphore, #tpu.memory_space<semaphore_mem>>)
      } else {
      }
    }
    %scan3A_11 = arith.constant 5 : i32
    %add3A_12 = arith.constant 8192 : i32
    %add3A_13 = arith.addi %mul3A_2, %add3A_12 : i32
    %jit3A = arith.constant 4 : i32
    %div3A = arith.divsi %add3A_13, %jit3A : i32
    %sign3A = arith.constant 0 : i32
    %sign3A_14 = arith.cmpi sgt, %add3A_13, %sign3A : i32
    %sign3A_15 = arith.extui %sign3A_14 : i1 to i32
    %sign3A_16 = arith.constant 0 : i32
    %sign3A_17 = arith.cmpi slt, %add3A_13, %sign3A_16 : i32
    %sign3A_18 = arith.extui %sign3A_17 : i1 to i32
    %sign3A_19 = arith.subi %sign3A_15, %sign3A_18 : i32
    %sign3A_20 = arith.constant 0 : i32
    %sign3A_21 = arith.cmpi sgt, %jit3A, %sign3A_20 : i32
    %sign3A_22 = arith.extui %sign3A_21 : i1 to i32
    %sign3A_23 = arith.constant 0 : i32
    %sign3A_24 = arith.cmpi slt, %jit3A, %sign3A_23 : i32
    %sign3A_25 = arith.extui %sign3A_24 : i1 to i32
    %sign3A_26 = arith.subi %sign3A_22, %sign3A_25 : i32
    %ne3A = arith.cmpi ne, %sign3A_19, %sign3A_26 : i32
    %rem3A = arith.remsi %add3A_13, %jit3A : i32
    %ne3A_27 = arith.constant 0 : i32
    %ne3A_28 = arith.cmpi ne, %rem3A, %ne3A_27 : i32
    %and3A = arith.andi %ne3A, %ne3A_28 : i1
    %sub3A = arith.constant 1 : i32
    %sub3A_29 = arith.subi %div3A, %sub3A : i32
    %select_n3A = arith.select %and3A, %sub3A_29, %div3A : i32
    %dma_wait3A = arith.constant 0 : i32
    %dma_wait3A_30 = arith.constant 0 : i32
    %dma_wait3A_31 = tpu.memref_slice %arg7[%dma_wait3A, %dma_wait3A_30] : memref<1024x32xf32, #tpu.memory_space<vmem>> -> memref<256x32xf32, #tpu.memory_space<vmem>>
    %dma_wait3A_32 = arith.constant 0 : i32
    %dma_wait3A_33 = tpu.memref_slice %arg4[%select_n3A, %dma_wait3A_32] : memref<81920x128xf32, #tpu.memory_space<hbm>> -> memref<256x32xf32, #tpu.memory_space<hbm>>
    %dma_wait3A_34 = arith.constant 0 : i32
    %dma_wait3A_35 = tpu.memref_slice %arg4[%select_n3A, %dma_wait3A_34] : memref<81920x128xf32, #tpu.memory_space<hbm>> -> memref<256x32xf32, #tpu.memory_space<hbm>>
    %dma_wait3A_36 = arith.constant 0 : i32
    %dma_wait3A_37 = arith.constant 0 : i32
    %dma_wait3A_38 = tpu.memref_slice %arg7[%dma_wait3A_36, %dma_wait3A_37] : memref<1024x32xf32, #tpu.memory_space<vmem>> -> memref<256x32xf32, #tpu.memory_space<vmem>>
    tpu.wait_dma2 semaphore(%arg11 : memref<!tpu.dma_semaphore, #tpu.memory_space<semaphore_mem>>) src(%dma_wait3A_38 : memref<256x32xf32, #tpu.memory_space<vmem>>) dst(%dma_wait3A_35 : memref<256x32xf32, #tpu.memory_space<hbm>>)
    %dma_wait3A_39 = arith.constant 256 : i32
    %dma_wait3A_40 = arith.constant 0 : i32
    %dma_wait3A_41 = tpu.memref_slice %arg7[%dma_wait3A_39, %dma_wait3A_40] : memref<1024x32xf32, #tpu.memory_space<vmem>> -> memref<256x32xf32, #tpu.memory_space<vmem>>
    %dma_wait3A_42 = arith.constant 32 : i32
    %dma_wait3A_43 = tpu.memref_slice %arg4[%select_n3A, %dma_wait3A_42] : memref<81920x128xf32, #tpu.memory_space<hbm>> -> memref<256x32xf32, #tpu.memory_space<hbm>>
    %dma_wait3A_44 = arith.constant 32 : i32
    %dma_wait3A_45 = tpu.memref_slice %arg4[%select_n3A, %dma_wait3A_44] : memref<81920x128xf32, #tpu.memory_space<hbm>> -> memref<256x32xf32, #tpu.memory_space<hbm>>
    %dma_wait3A_46 = arith.constant 256 : i32
    %dma_wait3A_47 = arith.constant 0 : i32
    %dma_wait3A_48 = tpu.memref_slice %arg7[%dma_wait3A_46, %dma_wait3A_47] : memref<1024x32xf32, #tpu.memory_space<vmem>> -> memref<256x32xf32, #tpu.memory_space<vmem>>
    tpu.wait_dma2 semaphore(%arg11 : memref<!tpu.dma_semaphore, #tpu.memory_space<semaphore_mem>>) src(%dma_wait3A_48 : memref<256x32xf32, #tpu.memory_space<vmem>>) dst(%dma_wait3A_45 : memref<256x32xf32, #tpu.memory_space<hbm>>)
    %dma_wait3A_49 = arith.constant 512 : i32
    %dma_wait3A_50 = arith.constant 0 : i32
    %dma_wait3A_51 = tpu.memref_slice %arg7[%dma_wait3A_49, %dma_wait3A_50] : memref<1024x32xf32, #tpu.memory_space<vmem>> -> memref<256x32xf32, #tpu.memory_space<vmem>>
    %dma_wait3A_52 = arith.constant 64 : i32
    %dma_wait3A_53 = tpu.memref_slice %arg4[%select_n3A, %dma_wait3A_52] : memref<81920x128xf32, #tpu.memory_space<hbm>> -> memref<256x32xf32, #tpu.memory_space<hbm>>
    %dma_wait3A_54 = arith.constant 64 : i32
    %dma_wait3A_55 = tpu.memref_slice %arg4[%select_n3A, %dma_wait3A_54] : memref<81920x128xf32, #tpu.memory_space<hbm>> -> memref<256x32xf32, #tpu.memory_space<hbm>>
    %dma_wait3A_56 = arith.constant 512 : i32
    %dma_wait3A_57 = arith.constant 0 : i32
    %dma_wait3A_58 = tpu.memref_slice %arg7[%dma_wait3A_56, %dma_wait3A_57] : memref<1024x32xf32, #tpu.memory_space<vmem>> -> memref<256x32xf32, #tpu.memory_space<vmem>>
    tpu.wait_dma2 semaphore(%arg11 : memref<!tpu.dma_semaphore, #tpu.memory_space<semaphore_mem>>) src(%dma_wait3A_58 : memref<256x32xf32, #tpu.memory_space<vmem>>) dst(%dma_wait3A_55 : memref<256x32xf32, #tpu.memory_space<hbm>>)
    %dma_wait3A_59 = arith.constant 768 : i32
    %dma_wait3A_60 = arith.constant 0 : i32
    %dma_wait3A_61 = tpu.memref_slice %arg7[%dma_wait3A_59, %dma_wait3A_60] : memref<1024x32xf32, #tpu.memory_space<vmem>> -> memref<256x32xf32, #tpu.memory_space<vmem>>
    %dma_wait3A_62 = arith.constant 96 : i32
    %dma_wait3A_63 = tpu.memref_slice %arg4[%select_n3A, %dma_wait3A_62] : memref<81920x128xf32, #tpu.memory_space<hbm>> -> memref<256x32xf32, #tpu.memory_space<hbm>>
    %dma_wait3A_64 = arith.constant 96 : i32
    %dma_wait3A_65 = tpu.memref_slice %arg4[%select_n3A, %dma_wait3A_64] : memref<81920x128xf32, #tpu.memory_space<hbm>> -> memref<256x32xf32, #tpu.memory_space<hbm>>
    %dma_wait3A_66 = arith.constant 768 : i32
    %dma_wait3A_67 = arith.constant 0 : i32
    %dma_wait3A_68 = tpu.memref_slice %arg7[%dma_wait3A_66, %dma_wait3A_67] : memref<1024x32xf32, #tpu.memory_space<vmem>> -> memref<256x32xf32, #tpu.memory_space<vmem>>
    tpu.wait_dma2 semaphore(%arg11 : memref<!tpu.dma_semaphore, #tpu.memory_space<semaphore_mem>>) src(%dma_wait3A_68 : memref<256x32xf32, #tpu.memory_space<vmem>>) dst(%dma_wait3A_65 : memref<256x32xf32, #tpu.memory_space<hbm>>)
    %add3A_69 = arith.constant 9216 : i32
    %add3A_70 = arith.addi %mul3A_2, %add3A_69 : i32
    %jit3A_71 = arith.constant 4 : i32
    %div3A_72 = arith.divsi %add3A_70, %jit3A_71 : i32
    %sign3A_73 = arith.constant 0 : i32
    %sign3A_74 = arith.cmpi sgt, %add3A_70, %sign3A_73 : i32
    %sign3A_75 = arith.extui %sign3A_74 : i1 to i32
    %sign3A_76 = arith.constant 0 : i32
    %sign3A_77 = arith.cmpi slt, %add3A_70, %sign3A_76 : i32
    %sign3A_78 = arith.extui %sign3A_77 : i1 to i32
    %sign3A_79 = arith.subi %sign3A_75, %sign3A_78 : i32
    %sign3A_80 = arith.constant 0 : i32
    %sign3A_81 = arith.cmpi sgt, %jit3A_71, %sign3A_80 : i32
    %sign3A_82 = arith.extui %sign3A_81 : i1 to i32
    %sign3A_83 = arith.constant 0 : i32
    %sign3A_84 = arith.cmpi slt, %jit3A_71, %sign3A_83 : i32
    %sign3A_85 = arith.extui %sign3A_84 : i1 to i32
    %sign3A_86 = arith.subi %sign3A_82, %sign3A_85 : i32
    %ne3A_87 = arith.cmpi ne, %sign3A_79, %sign3A_86 : i32
    %rem3A_88 = arith.remsi %add3A_70, %jit3A_71 : i32
    %ne3A_89 = arith.constant 0 : i32
    %ne3A_90 = arith.cmpi ne, %rem3A_88, %ne3A_89 : i32
    %and3A_91 = arith.andi %ne3A_87, %ne3A_90 : i1
    %sub3A_92 = arith.constant 1 : i32
    %sub3A_93 = arith.subi %div3A_72, %sub3A_92 : i32
    %select_n3A_94 = arith.select %and3A_91, %sub3A_93, %div3A_72 : i32
    %dma_wait3A_95 = arith.constant 0 : i32
    %dma_wait3A_96 = arith.constant 0 : i32
    %dma_wait3A_97 = tpu.memref_slice %arg8[%dma_wait3A_95, %dma_wait3A_96] : memref<1024x32xf32, #tpu.memory_space<vmem>> -> memref<256x32xf32, #tpu.memory_space<vmem>>
    %dma_wait3A_98 = arith.constant 0 : i32
    %dma_wait3A_99 = tpu.memref_slice %arg4[%select_n3A_94, %dma_wait3A_98] : memref<81920x128xf32, #tpu.memory_space<hbm>> -> memref<256x32xf32, #tpu.memory_space<hbm>>
    %dma_wait3A_100 = arith.constant 0 : i32
    %dma_wait3A_101 = tpu.memref_slice %arg4[%select_n3A_94, %dma_wait3A_100] : memref<81920x128xf32, #tpu.memory_space<hbm>> -> memref<256x32xf32, #tpu.memory_space<hbm>>
    %dma_wait3A_102 = arith.constant 0 : i32
    %dma_wait3A_103 = arith.constant 0 : i32
    %dma_wait3A_104 = tpu.memref_slice %arg8[%dma_wait3A_102, %dma_wait3A_103] : memref<1024x32xf32, #tpu.memory_space<vmem>> -> memref<256x32xf32, #tpu.memory_space<vmem>>
    tpu.wait_dma2 semaphore(%arg12 : memref<!tpu.dma_semaphore, #tpu.memory_space<semaphore_mem>>) src(%dma_wait3A_104 : memref<256x32xf32, #tpu.memory_space<vmem>>) dst(%dma_wait3A_101 : memref<256x32xf32, #tpu.memory_space<hbm>>)
    %dma_wait3A_105 = arith.constant 256 : i32
    %dma_wait3A_106 = arith.constant 0 : i32
    %dma_wait3A_107 = tpu.memref_slice %arg8[%dma_wait3A_105, %dma_wait3A_106] : memref<1024x32xf32, #tpu.memory_space<vmem>> -> memref<256x32xf32, #tpu.memory_space<vmem>>
    %dma_wait3A_108 = arith.constant 32 : i32
    %dma_wait3A_109 = tpu.memref_slice %arg4[%select_n3A_94, %dma_wait3A_108] : memref<81920x128xf32, #tpu.memory_space<hbm>> -> memref<256x32xf32, #tpu.memory_space<hbm>>
    %dma_wait3A_110 = arith.constant 32 : i32
    %dma_wait3A_111 = tpu.memref_slice %arg4[%select_n3A_94, %dma_wait3A_110] : memref<81920x128xf32, #tpu.memory_space<hbm>> -> memref<256x32xf32, #tpu.memory_space<hbm>>
    %dma_wait3A_112 = arith.constant 256 : i32
    %dma_wait3A_113 = arith.constant 0 : i32
    %dma_wait3A_114 = tpu.memref_slice %arg8[%dma_wait3A_112, %dma_wait3A_113] : memref<1024x32xf32, #tpu.memory_space<vmem>> -> memref<256x32xf32, #tpu.memory_space<vmem>>
    tpu.wait_dma2 semaphore(%arg12 : memref<!tpu.dma_semaphore, #tpu.memory_space<semaphore_mem>>) src(%dma_wait3A_114 : memref<256x32xf32, #tpu.memory_space<vmem>>) dst(%dma_wait3A_111 : memref<256x32xf32, #tpu.memory_space<hbm>>)
    %dma_wait3A_115 = arith.constant 512 : i32
    %dma_wait3A_116 = arith.constant 0 : i32
    %dma_wait3A_117 = tpu.memref_slice %arg8[%dma_wait3A_115, %dma_wait3A_116] : memref<1024x32xf32, #tpu.memory_space<vmem>> -> memref<256x32xf32, #tpu.memory_space<vmem>>
    %dma_wait3A_118 = arith.constant 64 : i32
    %dma_wait3A_119 = tpu.memref_slice %arg4[%select_n3A_94, %dma_wait3A_118] : memref<81920x128xf32, #tpu.memory_space<hbm>> -> memref<256x32xf32, #tpu.memory_space<hbm>>
    %dma_wait3A_120 = arith.constant 64 : i32
    %dma_wait3A_121 = tpu.memref_slice %arg4[%select_n3A_94, %dma_wait3A_120] : memref<81920x128xf32, #tpu.memory_space<hbm>> -> memref<256x32xf32, #tpu.memory_space<hbm>>
    %dma_wait3A_122 = arith.constant 512 : i32
    %dma_wait3A_123 = arith.constant 0 : i32
    %dma_wait3A_124 = tpu.memref_slice %arg8[%dma_wait3A_122, %dma_wait3A_123] : memref<1024x32xf32, #tpu.memory_space<vmem>> -> memref<256x32xf32, #tpu.memory_space<vmem>>
    tpu.wait_dma2 semaphore(%arg12 : memref<!tpu.dma_semaphore, #tpu.memory_space<semaphore_mem>>) src(%dma_wait3A_124 : memref<256x32xf32, #tpu.memory_space<vmem>>) dst(%dma_wait3A_121 : memref<256x32xf32, #tpu.memory_space<hbm>>)
    %dma_wait3A_125 = arith.constant 768 : i32
    %dma_wait3A_126 = arith.constant 0 : i32
    %dma_wait3A_127 = tpu.memref_slice %arg8[%dma_wait3A_125, %dma_wait3A_126] : memref<1024x32xf32, #tpu.memory_space<vmem>> -> memref<256x32xf32, #tpu.memory_space<vmem>>
    %dma_wait3A_128 = arith.constant 96 : i32
    %dma_wait3A_129 = tpu.memref_slice %arg4[%select_n3A_94, %dma_wait3A_128] : memref<81920x128xf32, #tpu.memory_space<hbm>> -> memref<256x32xf32, #tpu.memory_space<hbm>>
    %dma_wait3A_130 = arith.constant 96 : i32
    %dma_wait3A_131 = tpu.memref_slice %arg4[%select_n3A_94, %dma_wait3A_130] : memref<81920x128xf32, #tpu.memory_space<hbm>> -> memref<256x32xf32, #tpu.memory_space<hbm>>
    %dma_wait3A_132 = arith.constant 768 : i32
    %dma_wait3A_133 = arith.constant 0 : i32
    %dma_wait3A_134 = tpu.memref_slice %arg8[%dma_wait3A_132, %dma_wait3A_133] : memref<1024x32xf32, #tpu.memory_space<vmem>> -> memref<256x32xf32, #tpu.memory_space<vmem>>
    tpu.wait_dma2 semaphore(%arg12 : memref<!tpu.dma_semaphore, #tpu.memory_space<semaphore_mem>>) src(%dma_wait3A_134 : memref<256x32xf32, #tpu.memory_space<vmem>>) dst(%dma_wait3A_131 : memref<256x32xf32, #tpu.memory_space<hbm>>)
    return
  }
}

#map = affine_map<(d0, d1) -> (0)>
#map1 = affine_map<(d0, d1) -> (0, 0)>
module attributes {stable_mosaic.version = 14 : i64} {
  func.func @_gather_body(%arg0: i32, %arg1: i32, %arg2: memref<327680xi32, #tpu.memory_space<hbm>>, %arg3: memref<100000x32xf32, #tpu.memory_space<hbm>>, %arg4: memref<81920x128xf32, #tpu.memory_space<hbm>>, %arg5: memref<1024xi32, #tpu.memory_space<vmem>>, %arg6: memref<1024xi32, #tpu.memory_space<vmem>>, %arg7: memref<1024x32xf32, #tpu.memory_space<vmem>>, %arg8: memref<1024x32xf32, #tpu.memory_space<vmem>>, %arg9: memref<!tpu.dma_semaphore, #tpu.memory_space<semaphore_mem>>, %arg10: memref<!tpu.dma_semaphore, #tpu.memory_space<semaphore_mem>>, %arg11: memref<!tpu.dma_semaphore, #tpu.memory_space<semaphore_mem>>, %arg12: memref<!tpu.dma_semaphore, #tpu.memory_space<semaphore_mem>>) attributes {dimension_semantics = [#tpu.dimension_semantics<core_parallel>, #tpu.dimension_semantics<subcore_parallel>], iteration_bounds = array<i64: 2, 16>, scalar_prefetch = 0 : i64, scratch_operands = 8 : i64, tpu.core_type = #tpu.core_type<sc_vector_subcore>, window_params = [{transform_indices = #map}, {transform_indices = #map1}, {transform_indices = #map1}]} {
    %mul3A = arith.constant 2 : i32
    %mul3A_0 = arith.muli %arg1, %mul3A : i32
    %add3A = arith.addi %mul3A_0, %arg0 : i32
    %mul3A_1 = arith.constant 10240 : i32
    %mul3A_2 = arith.muli %add3A, %mul3A_1 : i32
    %add3A_3 = arith.constant 0 : i32
    %add3A_4 = arith.addi %mul3A_2, %add3A_3 : i32
    "tpu.region"() ({
      %run_scoped3A = tpu.sem_alloc : memref<!tpu.dma_semaphore, #tpu.memory_space<semaphore_mem>>
      %dma_start3A_135 = tpu.memref_slice %arg2[%add3A_4] : memref<327680xi32, #tpu.memory_space<hbm>> -> memref<1024xi32, #tpu.memory_space<hbm>>
      %dma_start3A_136 = tpu.memref_slice %arg2[%add3A_4] : memref<327680xi32, #tpu.memory_space<hbm>> -> memref<1024xi32, #tpu.memory_space<hbm>>
      tpu.enqueue_dma source(%dma_start3A_136 : memref<1024xi32, #tpu.memory_space<hbm>>) target(%arg5 : memref<1024xi32, #tpu.memory_space<vmem>>) target_semaphore(%run_scoped3A : memref<!tpu.dma_semaphore, #tpu.memory_space<semaphore_mem>>)
      %dma_wait3A_137 = tpu.memref_slice %arg2[%add3A_4] : memref<327680xi32, #tpu.memory_space<hbm>> -> memref<1024xi32, #tpu.memory_space<hbm>>
      %dma_wait3A_138 = tpu.memref_slice %arg2[%add3A_4] : memref<327680xi32, #tpu.memory_space<hbm>> -> memref<1024xi32, #tpu.memory_space<hbm>>
      tpu.wait_dma2 semaphore(%run_scoped3A : memref<!tpu.dma_semaphore, #tpu.memory_space<semaphore_mem>>) src(%dma_wait3A_138 : memref<1024xi32, #tpu.memory_space<hbm>>) dst(%arg5 : memref<1024xi32, #tpu.memory_space<vmem>>)
      tpu.yield
    }) : () -> ()
    %dma_start3A = arith.constant 0 : i32
    %dma_start3A_5 = arith.constant 0 : i32
    %dma_start3A_6 = tpu.memref_slice %arg3[%dma_start3A, %dma_start3A_5] : memref<100000x32xf32, #tpu.memory_space<hbm>> -> memref<100000x32xf32, #tpu.memory_space<hbm>>
    tpu.enqueue_indirect_dma source(%dma_start3A_6 : memref<100000x32xf32, #tpu.memory_space<hbm>>) target(%arg7 : memref<1024x32xf32, #tpu.memory_space<vmem>>) offsets(%arg5 : memref<1024xi32, #tpu.memory_space<vmem>>) semaphore(%arg9 : memref<!tpu.dma_semaphore, #tpu.memory_space<semaphore_mem>>)
    %scan3A = arith.constant 0 : i32
    %scan3A_7 = arith.constant 0 : i32
    %scan3A_8 = arith.constant 5 : i32
    %scan3A_9 = arith.addi %scan3A_7, %scan3A_8 : i32
    %scan3A_10 = arith.constant 1 : i32
    scf.for %scan3A_135 = %scan3A_7 to %scan3A_9 step %scan3A_10  : i32 {
      %dma_wait3A_136 = arith.constant 0 : i32
      %dma_wait3A_137 = arith.constant 0 : i32
      %dma_wait3A_138 = tpu.memref_slice %arg3[%dma_wait3A_136, %dma_wait3A_137] : memref<100000x32xf32, #tpu.memory_space<hbm>> -> memref<100000x32xf32, #tpu.memory_space<hbm>>
      tpu.wait_indirect_dma semaphore(%arg9 : memref<!tpu.dma_semaphore, #tpu.memory_space<semaphore_mem>>) src(%dma_wait3A_138 : memref<100000x32xf32, #tpu.memory_space<hbm>>) dst(%arg7 : memref<1024x32xf32, #tpu.memory_space<vmem>>)
      %mul3A_139 = arith.constant 2 : i32
      %mul3A_140 = arith.muli %mul3A_139, %scan3A_135 : i32
      %mul3A_141 = arith.constant 1024 : i32
      %mul3A_142 = arith.muli %mul3A_140, %mul3A_141 : i32
      %add3A_143 = arith.addi %mul3A_2, %mul3A_142 : i32
      %jit3A_144 = arith.constant 4 : i32
      %div3A_145 = arith.divsi %add3A_143, %jit3A_144 : i32
      %sign3A_146 = arith.constant 0 : i32
      %sign3A_147 = arith.cmpi sgt, %add3A_143, %sign3A_146 : i32
      %sign3A_148 = arith.extui %sign3A_147 : i1 to i32
      %sign3A_149 = arith.constant 0 : i32
      %sign3A_150 = arith.cmpi slt, %add3A_143, %sign3A_149 : i32
      %sign3A_151 = arith.extui %sign3A_150 : i1 to i32
      %sign3A_152 = arith.subi %sign3A_148, %sign3A_151 : i32
      %sign3A_153 = arith.constant 0 : i32
      %sign3A_154 = arith.cmpi sgt, %jit3A_144, %sign3A_153 : i32
      %sign3A_155 = arith.extui %sign3A_154 : i1 to i32
      %sign3A_156 = arith.constant 0 : i32
      %sign3A_157 = arith.cmpi slt, %jit3A_144, %sign3A_156 : i32
      %sign3A_158 = arith.extui %sign3A_157 : i1 to i32
      %sign3A_159 = arith.subi %sign3A_155, %sign3A_158 : i32
      %ne3A_160 = arith.cmpi ne, %sign3A_152, %sign3A_159 : i32
      %rem3A_161 = arith.remsi %add3A_143, %jit3A_144 : i32
      %ne3A_162 = arith.constant 0 : i32
      %ne3A_163 = arith.cmpi ne, %rem3A_161, %ne3A_162 : i32
      %and3A_164 = arith.andi %ne3A_160, %ne3A_163 : i1
      %sub3A_165 = arith.constant 1 : i32
      %sub3A_166 = arith.subi %div3A_145, %sub3A_165 : i32
      %select_n3A_167 = arith.select %and3A_164, %sub3A_166, %div3A_145 : i32
      %dma_start3A_168 = arith.constant 0 : i32
      %dma_start3A_169 = arith.constant 0 : i32
      %dma_start3A_170 = tpu.memref_slice %arg7[%dma_start3A_168, %dma_start3A_169] : memref<1024x32xf32, #tpu.memory_space<vmem>> -> memref<256x32xf32, #tpu.memory_space<vmem>>
      %dma_start3A_171 = arith.constant 0 : i32
      %dma_start3A_172 = tpu.memref_slice %arg4[%select_n3A_167, %dma_start3A_171] : memref<81920x128xf32, #tpu.memory_space<hbm>> -> memref<256x32xf32, #tpu.memory_space<hbm>>
      %dma_start3A_173 = arith.constant 0 : i32
      %dma_start3A_174 = tpu.memref_slice %arg4[%select_n3A_167, %dma_start3A_173] : memref<81920x128xf32, #tpu.memory_space<hbm>> -> memref<256x32xf32, #tpu.memory_space<hbm>>
      %dma_start3A_175 = arith.constant 0 : i32
      %dma_start3A_176 = arith.constant 0 : i32
      %dma_start3A_177 = tpu.memref_slice %arg7[%dma_start3A_175, %dma_start3A_176] : memref<1024x32xf32, #tpu.memory_space<vmem>> -> memref<256x32xf32, #tpu.memory_space<vmem>>
      tpu.enqueue_dma source(%dma_start3A_177 : memref<256x32xf32, #tpu.memory_space<vmem>>) target(%dma_start3A_174 : memref<256x32xf32, #tpu.memory_space<hbm>>) target_semaphore(%arg11 : memref<!tpu.dma_semaphore, #tpu.memory_space<semaphore_mem>>)
      %dma_start3A_178 = arith.constant 256 : i32
      %dma_start3A_179 = arith.constant 0 : i32
      %dma_start3A_180 = tpu.memref_slice %arg7[%dma_start3A_178, %dma_start3A_179] : memref<1024x32xf32, #tpu.memory_space<vmem>> -> memref<256x32xf32, #tpu.memory_space<vmem>>
      %dma_start3A_181 = arith.constant 32 : i32
      %dma_start3A_182 = tpu.memref_slice %arg4[%select_n3A_167, %dma_start3A_181] : memref<81920x128xf32, #tpu.memory_space<hbm>> -> memref<256x32xf32, #tpu.memory_space<hbm>>
      %dma_start3A_183 = arith.constant 32 : i32
      %dma_start3A_184 = tpu.memref_slice %arg4[%select_n3A_167, %dma_start3A_183] : memref<81920x128xf32, #tpu.memory_space<hbm>> -> memref<256x32xf32, #tpu.memory_space<hbm>>
      %dma_start3A_185 = arith.constant 256 : i32
      %dma_start3A_186 = arith.constant 0 : i32
      %dma_start3A_187 = tpu.memref_slice %arg7[%dma_start3A_185, %dma_start3A_186] : memref<1024x32xf32, #tpu.memory_space<vmem>> -> memref<256x32xf32, #tpu.memory_space<vmem>>
      tpu.enqueue_dma source(%dma_start3A_187 : memref<256x32xf32, #tpu.memory_space<vmem>>) target(%dma_start3A_184 : memref<256x32xf32, #tpu.memory_space<hbm>>) target_semaphore(%arg11 : memref<!tpu.dma_semaphore, #tpu.memory_space<semaphore_mem>>)
      %dma_start3A_188 = arith.constant 512 : i32
      %dma_start3A_189 = arith.constant 0 : i32
      %dma_start3A_190 = tpu.memref_slice %arg7[%dma_start3A_188, %dma_start3A_189] : memref<1024x32xf32, #tpu.memory_space<vmem>> -> memref<256x32xf32, #tpu.memory_space<vmem>>
      %dma_start3A_191 = arith.constant 64 : i32
      %dma_start3A_192 = tpu.memref_slice %arg4[%select_n3A_167, %dma_start3A_191] : memref<81920x128xf32, #tpu.memory_space<hbm>> -> memref<256x32xf32, #tpu.memory_space<hbm>>
      %dma_start3A_193 = arith.constant 64 : i32
      %dma_start3A_194 = tpu.memref_slice %arg4[%select_n3A_167, %dma_start3A_193] : memref<81920x128xf32, #tpu.memory_space<hbm>> -> memref<256x32xf32, #tpu.memory_space<hbm>>
      %dma_start3A_195 = arith.constant 512 : i32
      %dma_start3A_196 = arith.constant 0 : i32
      %dma_start3A_197 = tpu.memref_slice %arg7[%dma_start3A_195, %dma_start3A_196] : memref<1024x32xf32, #tpu.memory_space<vmem>> -> memref<256x32xf32, #tpu.memory_space<vmem>>
      tpu.enqueue_dma source(%dma_start3A_197 : memref<256x32xf32, #tpu.memory_space<vmem>>) target(%dma_start3A_194 : memref<256x32xf32, #tpu.memory_space<hbm>>) target_semaphore(%arg11 : memref<!tpu.dma_semaphore, #tpu.memory_space<semaphore_mem>>)
      %dma_start3A_198 = arith.constant 768 : i32
      %dma_start3A_199 = arith.constant 0 : i32
      %dma_start3A_200 = tpu.memref_slice %arg7[%dma_start3A_198, %dma_start3A_199] : memref<1024x32xf32, #tpu.memory_space<vmem>> -> memref<256x32xf32, #tpu.memory_space<vmem>>
      %dma_start3A_201 = arith.constant 96 : i32
      %dma_start3A_202 = tpu.memref_slice %arg4[%select_n3A_167, %dma_start3A_201] : memref<81920x128xf32, #tpu.memory_space<hbm>> -> memref<256x32xf32, #tpu.memory_space<hbm>>
      %dma_start3A_203 = arith.constant 96 : i32
      %dma_start3A_204 = tpu.memref_slice %arg4[%select_n3A_167, %dma_start3A_203] : memref<81920x128xf32, #tpu.memory_space<hbm>> -> memref<256x32xf32, #tpu.memory_space<hbm>>
      %dma_start3A_205 = arith.constant 768 : i32
      %dma_start3A_206 = arith.constant 0 : i32
      %dma_start3A_207 = tpu.memref_slice %arg7[%dma_start3A_205, %dma_start3A_206] : memref<1024x32xf32, #tpu.memory_space<vmem>> -> memref<256x32xf32, #tpu.memory_space<vmem>>
      tpu.enqueue_dma source(%dma_start3A_207 : memref<256x32xf32, #tpu.memory_space<vmem>>) target(%dma_start3A_204 : memref<256x32xf32, #tpu.memory_space<hbm>>) target_semaphore(%arg11 : memref<!tpu.dma_semaphore, #tpu.memory_space<semaphore_mem>>)
      %gt3A = arith.constant 0 : i32
      %gt3A_208 = arith.cmpi sgt, %scan3A_135, %gt3A : i32
      %convert_element_type3A = arith.extui %gt3A_208 : i1 to i32
      %cond3A = arith.constant 0 : i32
      %cond3A_209 = arith.cmpi ne, %convert_element_type3A, %cond3A : i32
      scf.if %cond3A_209 {
        %mul3A_298 = arith.constant 2 : i32
        %mul3A_299 = arith.muli %mul3A_298, %scan3A_135 : i32
        %sub3A_300 = arith.constant 1 : i32
        %sub3A_301 = arith.subi %mul3A_299, %sub3A_300 : i32
        %mul3A_302 = arith.constant 1024 : i32
        %mul3A_303 = arith.muli %sub3A_301, %mul3A_302 : i32
        %add3A_304 = arith.addi %mul3A_2, %mul3A_303 : i32
        %jit3A_305 = arith.constant 4 : i32
        %div3A_306 = arith.divsi %add3A_304, %jit3A_305 : i32
        %sign3A_307 = arith.constant 0 : i32
        %sign3A_308 = arith.cmpi sgt, %add3A_304, %sign3A_307 : i32
        %sign3A_309 = arith.extui %sign3A_308 : i1 to i32
        %sign3A_310 = arith.constant 0 : i32
        %sign3A_311 = arith.cmpi slt, %add3A_304, %sign3A_310 : i32
        %sign3A_312 = arith.extui %sign3A_311 : i1 to i32
        %sign3A_313 = arith.subi %sign3A_309, %sign3A_312 : i32
        %sign3A_314 = arith.constant 0 : i32
        %sign3A_315 = arith.cmpi sgt, %jit3A_305, %sign3A_314 : i32
        %sign3A_316 = arith.extui %sign3A_315 : i1 to i32
        %sign3A_317 = arith.constant 0 : i32
        %sign3A_318 = arith.cmpi slt, %jit3A_305, %sign3A_317 : i32
        %sign3A_319 = arith.extui %sign3A_318 : i1 to i32
        %sign3A_320 = arith.subi %sign3A_316, %sign3A_319 : i32
        %ne3A_321 = arith.cmpi ne, %sign3A_313, %sign3A_320 : i32
        %rem3A_322 = arith.remsi %add3A_304, %jit3A_305 : i32
        %ne3A_323 = arith.constant 0 : i32
        %ne3A_324 = arith.cmpi ne, %rem3A_322, %ne3A_323 : i32
        %and3A_325 = arith.andi %ne3A_321, %ne3A_324 : i1
        %sub3A_326 = arith.constant 1 : i32
        %sub3A_327 = arith.subi %div3A_306, %sub3A_326 : i32
        %select_n3A_328 = arith.select %and3A_325, %sub3A_327, %div3A_306 : i32
        %dma_wait3A_329 = arith.constant 0 : i32
        %dma_wait3A_330 = arith.constant 0 : i32
        %dma_wait3A_331 = tpu.memref_slice %arg8[%dma_wait3A_329, %dma_wait3A_330] : memref<1024x32xf32, #tpu.memory_space<vmem>> -> memref<256x32xf32, #tpu.memory_space<vmem>>
        %dma_wait3A_332 = arith.constant 0 : i32
        %dma_wait3A_333 = tpu.memref_slice %arg4[%select_n3A_328, %dma_wait3A_332] : memref<81920x128xf32, #tpu.memory_space<hbm>> -> memref<256x32xf32, #tpu.memory_space<hbm>>
        %dma_wait3A_334 = arith.constant 0 : i32
        %dma_wait3A_335 = tpu.memref_slice %arg4[%select_n3A_328, %dma_wait3A_334] : memref<81920x128xf32, #tpu.memory_space<hbm>> -> memref<256x32xf32, #tpu.memory_space<hbm>>
        %dma_wait3A_336 = arith.constant 0 : i32
        %dma_wait3A_337 = arith.constant 0 : i32
        %dma_wait3A_338 = tpu.memref_slice %arg8[%dma_wait3A_336, %dma_wait3A_337] : memref<1024x32xf32, #tpu.memory_space<vmem>> -> memref<256x32xf32, #tpu.memory_space<vmem>>
        tpu.wait_dma2 semaphore(%arg12 : memref<!tpu.dma_semaphore, #tpu.memory_space<semaphore_mem>>) src(%dma_wait3A_338 : memref<256x32xf32, #tpu.memory_space<vmem>>) dst(%dma_wait3A_335 : memref<256x32xf32, #tpu.memory_space<hbm>>)
        %dma_wait3A_339 = arith.constant 256 : i32
        %dma_wait3A_340 = arith.constant 0 : i32
        %dma_wait3A_341 = tpu.memref_slice %arg8[%dma_wait3A_339, %dma_wait3A_340] : memref<1024x32xf32, #tpu.memory_space<vmem>> -> memref<256x32xf32, #tpu.memory_space<vmem>>
        %dma_wait3A_342 = arith.constant 32 : i32
        %dma_wait3A_343 = tpu.memref_slice %arg4[%select_n3A_328, %dma_wait3A_342] : memref<81920x128xf32, #tpu.memory_space<hbm>> -> memref<256x32xf32, #tpu.memory_space<hbm>>
        %dma_wait3A_344 = arith.constant 32 : i32
        %dma_wait3A_345 = tpu.memref_slice %arg4[%select_n3A_328, %dma_wait3A_344] : memref<81920x128xf32, #tpu.memory_space<hbm>> -> memref<256x32xf32, #tpu.memory_space<hbm>>
        %dma_wait3A_346 = arith.constant 256 : i32
        %dma_wait3A_347 = arith.constant 0 : i32
        %dma_wait3A_348 = tpu.memref_slice %arg8[%dma_wait3A_346, %dma_wait3A_347] : memref<1024x32xf32, #tpu.memory_space<vmem>> -> memref<256x32xf32, #tpu.memory_space<vmem>>
        tpu.wait_dma2 semaphore(%arg12 : memref<!tpu.dma_semaphore, #tpu.memory_space<semaphore_mem>>) src(%dma_wait3A_348 : memref<256x32xf32, #tpu.memory_space<vmem>>) dst(%dma_wait3A_345 : memref<256x32xf32, #tpu.memory_space<hbm>>)
        %dma_wait3A_349 = arith.constant 512 : i32
        %dma_wait3A_350 = arith.constant 0 : i32
        %dma_wait3A_351 = tpu.memref_slice %arg8[%dma_wait3A_349, %dma_wait3A_350] : memref<1024x32xf32, #tpu.memory_space<vmem>> -> memref<256x32xf32, #tpu.memory_space<vmem>>
        %dma_wait3A_352 = arith.constant 64 : i32
        %dma_wait3A_353 = tpu.memref_slice %arg4[%select_n3A_328, %dma_wait3A_352] : memref<81920x128xf32, #tpu.memory_space<hbm>> -> memref<256x32xf32, #tpu.memory_space<hbm>>
        %dma_wait3A_354 = arith.constant 64 : i32
        %dma_wait3A_355 = tpu.memref_slice %arg4[%select_n3A_328, %dma_wait3A_354] : memref<81920x128xf32, #tpu.memory_space<hbm>> -> memref<256x32xf32, #tpu.memory_space<hbm>>
        %dma_wait3A_356 = arith.constant 512 : i32
        %dma_wait3A_357 = arith.constant 0 : i32
        %dma_wait3A_358 = tpu.memref_slice %arg8[%dma_wait3A_356, %dma_wait3A_357] : memref<1024x32xf32, #tpu.memory_space<vmem>> -> memref<256x32xf32, #tpu.memory_space<vmem>>
        tpu.wait_dma2 semaphore(%arg12 : memref<!tpu.dma_semaphore, #tpu.memory_space<semaphore_mem>>) src(%dma_wait3A_358 : memref<256x32xf32, #tpu.memory_space<vmem>>) dst(%dma_wait3A_355 : memref<256x32xf32, #tpu.memory_space<hbm>>)
        %dma_wait3A_359 = arith.constant 768 : i32
        %dma_wait3A_360 = arith.constant 0 : i32
        %dma_wait3A_361 = tpu.memref_slice %arg8[%dma_wait3A_359, %dma_wait3A_360] : memref<1024x32xf32, #tpu.memory_space<vmem>> -> memref<256x32xf32, #tpu.memory_space<vmem>>
        %dma_wait3A_362 = arith.constant 96 : i32
        %dma_wait3A_363 = tpu.memref_slice %arg4[%select_n3A_328, %dma_wait3A_362] : memref<81920x128xf32, #tpu.memory_space<hbm>> -> memref<256x32xf32, #tpu.memory_space<hbm>>
        %dma_wait3A_364 = arith.constant 96 : i32
        %dma_wait3A_365 = tpu.memref_slice %arg4[%select_n3A_328, %dma_wait3A_364] : memref<81920x128xf32, #tpu.memory_space<hbm>> -> memref<256x32xf32, #tpu.memory_space<hbm>>
        %dma_wait3A_366 = arith.constant 768 : i32
        %dma_wait3A_367 = arith.constant 0 : i32
        %dma_wait3A_368 = tpu.memref_slice %arg8[%dma_wait3A_366, %dma_wait3A_367] : memref<1024x32xf32, #tpu.memory_space<vmem>> -> memref<256x32xf32, #tpu.memory_space<vmem>>
        tpu.wait_dma2 semaphore(%arg12 : memref<!tpu.dma_semaphore, #tpu.memory_space<semaphore_mem>>) src(%dma_wait3A_368 : memref<256x32xf32, #tpu.memory_space<vmem>>) dst(%dma_wait3A_365 : memref<256x32xf32, #tpu.memory_space<hbm>>)
      } else {
      }
      %mul3A_210 = arith.constant 2 : i32
      %mul3A_211 = arith.muli %mul3A_210, %scan3A_135 : i32
      %add3A_212 = arith.constant 1 : i32
      %add3A_213 = arith.addi %mul3A_211, %add3A_212 : i32
      %mul3A_214 = arith.constant 1024 : i32
      %mul3A_215 = arith.muli %add3A_213, %mul3A_214 : i32
      %add3A_216 = arith.addi %mul3A_2, %mul3A_215 : i32
      "tpu.region"() ({
        %run_scoped3A = tpu.sem_alloc : memref<!tpu.dma_semaphore, #tpu.memory_space<semaphore_mem>>
        %dma_start3A_298 = tpu.memref_slice %arg2[%add3A_216] : memref<327680xi32, #tpu.memory_space<hbm>> -> memref<1024xi32, #tpu.memory_space<hbm>>
        %dma_start3A_299 = tpu.memref_slice %arg2[%add3A_216] : memref<327680xi32, #tpu.memory_space<hbm>> -> memref<1024xi32, #tpu.memory_space<hbm>>
        tpu.enqueue_dma source(%dma_start3A_299 : memref<1024xi32, #tpu.memory_space<hbm>>) target(%arg6 : memref<1024xi32, #tpu.memory_space<vmem>>) target_semaphore(%run_scoped3A : memref<!tpu.dma_semaphore, #tpu.memory_space<semaphore_mem>>)
        %dma_wait3A_300 = tpu.memref_slice %arg2[%add3A_216] : memref<327680xi32, #tpu.memory_space<hbm>> -> memref<1024xi32, #tpu.memory_space<hbm>>
        %dma_wait3A_301 = tpu.memref_slice %arg2[%add3A_216] : memref<327680xi32, #tpu.memory_space<hbm>> -> memref<1024xi32, #tpu.memory_space<hbm>>
        tpu.wait_dma2 semaphore(%run_scoped3A : memref<!tpu.dma_semaphore, #tpu.memory_space<semaphore_mem>>) src(%dma_wait3A_301 : memref<1024xi32, #tpu.memory_space<hbm>>) dst(%arg6 : memref<1024xi32, #tpu.memory_space<vmem>>)
        tpu.yield
      }) : () -> ()
      %dma_start3A_217 = arith.constant 0 : i32
      %dma_start3A_218 = arith.constant 0 : i32
      %dma_start3A_219 = tpu.memref_slice %arg3[%dma_start3A_217, %dma_start3A_218] : memref<100000x32xf32, #tpu.memory_space<hbm>> -> memref<100000x32xf32, #tpu.memory_space<hbm>>
      tpu.enqueue_indirect_dma source(%dma_start3A_219 : memref<100000x32xf32, #tpu.memory_space<hbm>>) target(%arg8 : memref<1024x32xf32, #tpu.memory_space<vmem>>) offsets(%arg6 : memref<1024xi32, #tpu.memory_space<vmem>>) semaphore(%arg10 : memref<!tpu.dma_semaphore, #tpu.memory_space<semaphore_mem>>)
      %dma_wait3A_220 = arith.constant 0 : i32
      %dma_wait3A_221 = arith.constant 0 : i32
      %dma_wait3A_222 = tpu.memref_slice %arg3[%dma_wait3A_220, %dma_wait3A_221] : memref<100000x32xf32, #tpu.memory_space<hbm>> -> memref<100000x32xf32, #tpu.memory_space<hbm>>
      tpu.wait_indirect_dma semaphore(%arg10 : memref<!tpu.dma_semaphore, #tpu.memory_space<semaphore_mem>>) src(%dma_wait3A_222 : memref<100000x32xf32, #tpu.memory_space<hbm>>) dst(%arg8 : memref<1024x32xf32, #tpu.memory_space<vmem>>)
      %mul3A_223 = arith.constant 2 : i32
      %mul3A_224 = arith.muli %mul3A_223, %scan3A_135 : i32
      %add3A_225 = arith.constant 1 : i32
      %add3A_226 = arith.addi %mul3A_224, %add3A_225 : i32
      %mul3A_227 = arith.constant 1024 : i32
      %mul3A_228 = arith.muli %add3A_226, %mul3A_227 : i32
      %add3A_229 = arith.addi %mul3A_2, %mul3A_228 : i32
      %jit3A_230 = arith.constant 4 : i32
      %div3A_231 = arith.divsi %add3A_229, %jit3A_230 : i32
      %sign3A_232 = arith.constant 0 : i32
      %sign3A_233 = arith.cmpi sgt, %add3A_229, %sign3A_232 : i32
      %sign3A_234 = arith.extui %sign3A_233 : i1 to i32
      %sign3A_235 = arith.constant 0 : i32
      %sign3A_236 = arith.cmpi slt, %add3A_229, %sign3A_235 : i32
      %sign3A_237 = arith.extui %sign3A_236 : i1 to i32
      %sign3A_238 = arith.subi %sign3A_234, %sign3A_237 : i32
      %sign3A_239 = arith.constant 0 : i32
      %sign3A_240 = arith.cmpi sgt, %jit3A_230, %sign3A_239 : i32
      %sign3A_241 = arith.extui %sign3A_240 : i1 to i32
      %sign3A_242 = arith.constant 0 : i32
      %sign3A_243 = arith.cmpi slt, %jit3A_230, %sign3A_242 : i32
      %sign3A_244 = arith.extui %sign3A_243 : i1 to i32
      %sign3A_245 = arith.subi %sign3A_241, %sign3A_244 : i32
      %ne3A_246 = arith.cmpi ne, %sign3A_238, %sign3A_245 : i32
      %rem3A_247 = arith.remsi %add3A_229, %jit3A_230 : i32
      %ne3A_248 = arith.constant 0 : i32
      %ne3A_249 = arith.cmpi ne, %rem3A_247, %ne3A_248 : i32
      %and3A_250 = arith.andi %ne3A_246, %ne3A_249 : i1
      %sub3A_251 = arith.constant 1 : i32
      %sub3A_252 = arith.subi %div3A_231, %sub3A_251 : i32
      %select_n3A_253 = arith.select %and3A_250, %sub3A_252, %div3A_231 : i32
      %dma_start3A_254 = arith.constant 0 : i32
      %dma_start3A_255 = arith.constant 0 : i32
      %dma_start3A_256 = tpu.memref_slice %arg8[%dma_start3A_254, %dma_start3A_255] : memref<1024x32xf32, #tpu.memory_space<vmem>> -> memref<256x32xf32, #tpu.memory_space<vmem>>
      %dma_start3A_257 = arith.constant 0 : i32
      %dma_start3A_258 = tpu.memref_slice %arg4[%select_n3A_253, %dma_start3A_257] : memref<81920x128xf32, #tpu.memory_space<hbm>> -> memref<256x32xf32, #tpu.memory_space<hbm>>
      %dma_start3A_259 = arith.constant 0 : i32
      %dma_start3A_260 = tpu.memref_slice %arg4[%select_n3A_253, %dma_start3A_259] : memref<81920x128xf32, #tpu.memory_space<hbm>> -> memref<256x32xf32, #tpu.memory_space<hbm>>
      %dma_start3A_261 = arith.constant 0 : i32
      %dma_start3A_262 = arith.constant 0 : i32
      %dma_start3A_263 = tpu.memref_slice %arg8[%dma_start3A_261, %dma_start3A_262] : memref<1024x32xf32, #tpu.memory_space<vmem>> -> memref<256x32xf32, #tpu.memory_space<vmem>>
      tpu.enqueue_dma source(%dma_start3A_263 : memref<256x32xf32, #tpu.memory_space<vmem>>) target(%dma_start3A_260 : memref<256x32xf32, #tpu.memory_space<hbm>>) target_semaphore(%arg12 : memref<!tpu.dma_semaphore, #tpu.memory_space<semaphore_mem>>)
      %dma_start3A_264 = arith.constant 256 : i32
      %dma_start3A_265 = arith.constant 0 : i32
      %dma_start3A_266 = tpu.memref_slice %arg8[%dma_start3A_264, %dma_start3A_265] : memref<1024x32xf32, #tpu.memory_space<vmem>> -> memref<256x32xf32, #tpu.memory_space<vmem>>
      %dma_start3A_267 = arith.constant 32 : i32
      %dma_start3A_268 = tpu.memref_slice %arg4[%select_n3A_253, %dma_start3A_267] : memref<81920x128xf32, #tpu.memory_space<hbm>> -> memref<256x32xf32, #tpu.memory_space<hbm>>
      %dma_start3A_269 = arith.constant 32 : i32
      %dma_start3A_270 = tpu.memref_slice %arg4[%select_n3A_253, %dma_start3A_269] : memref<81920x128xf32, #tpu.memory_space<hbm>> -> memref<256x32xf32, #tpu.memory_space<hbm>>
      %dma_start3A_271 = arith.constant 256 : i32
      %dma_start3A_272 = arith.constant 0 : i32
      %dma_start3A_273 = tpu.memref_slice %arg8[%dma_start3A_271, %dma_start3A_272] : memref<1024x32xf32, #tpu.memory_space<vmem>> -> memref<256x32xf32, #tpu.memory_space<vmem>>
      tpu.enqueue_dma source(%dma_start3A_273 : memref<256x32xf32, #tpu.memory_space<vmem>>) target(%dma_start3A_270 : memref<256x32xf32, #tpu.memory_space<hbm>>) target_semaphore(%arg12 : memref<!tpu.dma_semaphore, #tpu.memory_space<semaphore_mem>>)
      %dma_start3A_274 = arith.constant 512 : i32
      %dma_start3A_275 = arith.constant 0 : i32
      %dma_start3A_276 = tpu.memref_slice %arg8[%dma_start3A_274, %dma_start3A_275] : memref<1024x32xf32, #tpu.memory_space<vmem>> -> memref<256x32xf32, #tpu.memory_space<vmem>>
      %dma_start3A_277 = arith.constant 64 : i32
      %dma_start3A_278 = tpu.memref_slice %arg4[%select_n3A_253, %dma_start3A_277] : memref<81920x128xf32, #tpu.memory_space<hbm>> -> memref<256x32xf32, #tpu.memory_space<hbm>>
      %dma_start3A_279 = arith.constant 64 : i32
      %dma_start3A_280 = tpu.memref_slice %arg4[%select_n3A_253, %dma_start3A_279] : memref<81920x128xf32, #tpu.memory_space<hbm>> -> memref<256x32xf32, #tpu.memory_space<hbm>>
      %dma_start3A_281 = arith.constant 512 : i32
      %dma_start3A_282 = arith.constant 0 : i32
      %dma_start3A_283 = tpu.memref_slice %arg8[%dma_start3A_281, %dma_start3A_282] : memref<1024x32xf32, #tpu.memory_space<vmem>> -> memref<256x32xf32, #tpu.memory_space<vmem>>
      tpu.enqueue_dma source(%dma_start3A_283 : memref<256x32xf32, #tpu.memory_space<vmem>>) target(%dma_start3A_280 : memref<256x32xf32, #tpu.memory_space<hbm>>) target_semaphore(%arg12 : memref<!tpu.dma_semaphore, #tpu.memory_space<semaphore_mem>>)
      %dma_start3A_284 = arith.constant 768 : i32
      %dma_start3A_285 = arith.constant 0 : i32
      %dma_start3A_286 = tpu.memref_slice %arg8[%dma_start3A_284, %dma_start3A_285] : memref<1024x32xf32, #tpu.memory_space<vmem>> -> memref<256x32xf32, #tpu.memory_space<vmem>>
      %dma_start3A_287 = arith.constant 96 : i32
      %dma_start3A_288 = tpu.memref_slice %arg4[%select_n3A_253, %dma_start3A_287] : memref<81920x128xf32, #tpu.memory_space<hbm>> -> memref<256x32xf32, #tpu.memory_space<hbm>>
      %dma_start3A_289 = arith.constant 96 : i32
      %dma_start3A_290 = tpu.memref_slice %arg4[%select_n3A_253, %dma_start3A_289] : memref<81920x128xf32, #tpu.memory_space<hbm>> -> memref<256x32xf32, #tpu.memory_space<hbm>>
      %dma_start3A_291 = arith.constant 768 : i32
      %dma_start3A_292 = arith.constant 0 : i32
      %dma_start3A_293 = tpu.memref_slice %arg8[%dma_start3A_291, %dma_start3A_292] : memref<1024x32xf32, #tpu.memory_space<vmem>> -> memref<256x32xf32, #tpu.memory_space<vmem>>
      tpu.enqueue_dma source(%dma_start3A_293 : memref<256x32xf32, #tpu.memory_space<vmem>>) target(%dma_start3A_290 : memref<256x32xf32, #tpu.memory_space<hbm>>) target_semaphore(%arg12 : memref<!tpu.dma_semaphore, #tpu.memory_space<semaphore_mem>>)
      %lt3A = arith.constant 4 : i32
      %lt3A_294 = arith.cmpi slt, %scan3A_135, %lt3A : i32
      %convert_element_type3A_295 = arith.extui %lt3A_294 : i1 to i32
      %cond3A_296 = arith.constant 0 : i32
      %cond3A_297 = arith.cmpi ne, %convert_element_type3A_295, %cond3A_296 : i32
      scf.if %cond3A_297 {
        %mul3A_298 = arith.constant 2 : i32
        %mul3A_299 = arith.muli %mul3A_298, %scan3A_135 : i32
        %mul3A_300 = arith.constant 1024 : i32
        %mul3A_301 = arith.muli %mul3A_299, %mul3A_300 : i32
        %add3A_302 = arith.addi %mul3A_2, %mul3A_301 : i32
        %jit3A_303 = arith.constant 4 : i32
        %div3A_304 = arith.divsi %add3A_302, %jit3A_303 : i32
        %sign3A_305 = arith.constant 0 : i32
        %sign3A_306 = arith.cmpi sgt, %add3A_302, %sign3A_305 : i32
        %sign3A_307 = arith.extui %sign3A_306 : i1 to i32
        %sign3A_308 = arith.constant 0 : i32
        %sign3A_309 = arith.cmpi slt, %add3A_302, %sign3A_308 : i32
        %sign3A_310 = arith.extui %sign3A_309 : i1 to i32
        %sign3A_311 = arith.subi %sign3A_307, %sign3A_310 : i32
        %sign3A_312 = arith.constant 0 : i32
        %sign3A_313 = arith.cmpi sgt, %jit3A_303, %sign3A_312 : i32
        %sign3A_314 = arith.extui %sign3A_313 : i1 to i32
        %sign3A_315 = arith.constant 0 : i32
        %sign3A_316 = arith.cmpi slt, %jit3A_303, %sign3A_315 : i32
        %sign3A_317 = arith.extui %sign3A_316 : i1 to i32
        %sign3A_318 = arith.subi %sign3A_314, %sign3A_317 : i32
        %ne3A_319 = arith.cmpi ne, %sign3A_311, %sign3A_318 : i32
        %rem3A_320 = arith.remsi %add3A_302, %jit3A_303 : i32
        %ne3A_321 = arith.constant 0 : i32
        %ne3A_322 = arith.cmpi ne, %rem3A_320, %ne3A_321 : i32
        %and3A_323 = arith.andi %ne3A_319, %ne3A_322 : i1
        %sub3A_324 = arith.constant 1 : i32
        %sub3A_325 = arith.subi %div3A_304, %sub3A_324 : i32
        %select_n3A_326 = arith.select %and3A_323, %sub3A_325, %div3A_304 : i32
        %dma_wait3A_327 = arith.constant 0 : i32
        %dma_wait3A_328 = arith.constant 0 : i32
        %dma_wait3A_329 = tpu.memref_slice %arg7[%dma_wait3A_327, %dma_wait3A_328] : memref<1024x32xf32, #tpu.memory_space<vmem>> -> memref<256x32xf32, #tpu.memory_space<vmem>>
        %dma_wait3A_330 = arith.constant 0 : i32
        %dma_wait3A_331 = tpu.memref_slice %arg4[%select_n3A_326, %dma_wait3A_330] : memref<81920x128xf32, #tpu.memory_space<hbm>> -> memref<256x32xf32, #tpu.memory_space<hbm>>
        %dma_wait3A_332 = arith.constant 0 : i32
        %dma_wait3A_333 = tpu.memref_slice %arg4[%select_n3A_326, %dma_wait3A_332] : memref<81920x128xf32, #tpu.memory_space<hbm>> -> memref<256x32xf32, #tpu.memory_space<hbm>>
        %dma_wait3A_334 = arith.constant 0 : i32
        %dma_wait3A_335 = arith.constant 0 : i32
        %dma_wait3A_336 = tpu.memref_slice %arg7[%dma_wait3A_334, %dma_wait3A_335] : memref<1024x32xf32, #tpu.memory_space<vmem>> -> memref<256x32xf32, #tpu.memory_space<vmem>>
        tpu.wait_dma2 semaphore(%arg11 : memref<!tpu.dma_semaphore, #tpu.memory_space<semaphore_mem>>) src(%dma_wait3A_336 : memref<256x32xf32, #tpu.memory_space<vmem>>) dst(%dma_wait3A_333 : memref<256x32xf32, #tpu.memory_space<hbm>>)
        %dma_wait3A_337 = arith.constant 256 : i32
        %dma_wait3A_338 = arith.constant 0 : i32
        %dma_wait3A_339 = tpu.memref_slice %arg7[%dma_wait3A_337, %dma_wait3A_338] : memref<1024x32xf32, #tpu.memory_space<vmem>> -> memref<256x32xf32, #tpu.memory_space<vmem>>
        %dma_wait3A_340 = arith.constant 32 : i32
        %dma_wait3A_341 = tpu.memref_slice %arg4[%select_n3A_326, %dma_wait3A_340] : memref<81920x128xf32, #tpu.memory_space<hbm>> -> memref<256x32xf32, #tpu.memory_space<hbm>>
        %dma_wait3A_342 = arith.constant 32 : i32
        %dma_wait3A_343 = tpu.memref_slice %arg4[%select_n3A_326, %dma_wait3A_342] : memref<81920x128xf32, #tpu.memory_space<hbm>> -> memref<256x32xf32, #tpu.memory_space<hbm>>
        %dma_wait3A_344 = arith.constant 256 : i32
        %dma_wait3A_345 = arith.constant 0 : i32
        %dma_wait3A_346 = tpu.memref_slice %arg7[%dma_wait3A_344, %dma_wait3A_345] : memref<1024x32xf32, #tpu.memory_space<vmem>> -> memref<256x32xf32, #tpu.memory_space<vmem>>
        tpu.wait_dma2 semaphore(%arg11 : memref<!tpu.dma_semaphore, #tpu.memory_space<semaphore_mem>>) src(%dma_wait3A_346 : memref<256x32xf32, #tpu.memory_space<vmem>>) dst(%dma_wait3A_343 : memref<256x32xf32, #tpu.memory_space<hbm>>)
        %dma_wait3A_347 = arith.constant 512 : i32
        %dma_wait3A_348 = arith.constant 0 : i32
        %dma_wait3A_349 = tpu.memref_slice %arg7[%dma_wait3A_347, %dma_wait3A_348] : memref<1024x32xf32, #tpu.memory_space<vmem>> -> memref<256x32xf32, #tpu.memory_space<vmem>>
        %dma_wait3A_350 = arith.constant 64 : i32
        %dma_wait3A_351 = tpu.memref_slice %arg4[%select_n3A_326, %dma_wait3A_350] : memref<81920x128xf32, #tpu.memory_space<hbm>> -> memref<256x32xf32, #tpu.memory_space<hbm>>
        %dma_wait3A_352 = arith.constant 64 : i32
        %dma_wait3A_353 = tpu.memref_slice %arg4[%select_n3A_326, %dma_wait3A_352] : memref<81920x128xf32, #tpu.memory_space<hbm>> -> memref<256x32xf32, #tpu.memory_space<hbm>>
        %dma_wait3A_354 = arith.constant 512 : i32
        %dma_wait3A_355 = arith.constant 0 : i32
        %dma_wait3A_356 = tpu.memref_slice %arg7[%dma_wait3A_354, %dma_wait3A_355] : memref<1024x32xf32, #tpu.memory_space<vmem>> -> memref<256x32xf32, #tpu.memory_space<vmem>>
        tpu.wait_dma2 semaphore(%arg11 : memref<!tpu.dma_semaphore, #tpu.memory_space<semaphore_mem>>) src(%dma_wait3A_356 : memref<256x32xf32, #tpu.memory_space<vmem>>) dst(%dma_wait3A_353 : memref<256x32xf32, #tpu.memory_space<hbm>>)
        %dma_wait3A_357 = arith.constant 768 : i32
        %dma_wait3A_358 = arith.constant 0 : i32
        %dma_wait3A_359 = tpu.memref_slice %arg7[%dma_wait3A_357, %dma_wait3A_358] : memref<1024x32xf32, #tpu.memory_space<vmem>> -> memref<256x32xf32, #tpu.memory_space<vmem>>
        %dma_wait3A_360 = arith.constant 96 : i32
        %dma_wait3A_361 = tpu.memref_slice %arg4[%select_n3A_326, %dma_wait3A_360] : memref<81920x128xf32, #tpu.memory_space<hbm>> -> memref<256x32xf32, #tpu.memory_space<hbm>>
        %dma_wait3A_362 = arith.constant 96 : i32
        %dma_wait3A_363 = tpu.memref_slice %arg4[%select_n3A_326, %dma_wait3A_362] : memref<81920x128xf32, #tpu.memory_space<hbm>> -> memref<256x32xf32, #tpu.memory_space<hbm>>
        %dma_wait3A_364 = arith.constant 768 : i32
        %dma_wait3A_365 = arith.constant 0 : i32
        %dma_wait3A_366 = tpu.memref_slice %arg7[%dma_wait3A_364, %dma_wait3A_365] : memref<1024x32xf32, #tpu.memory_space<vmem>> -> memref<256x32xf32, #tpu.memory_space<vmem>>
        tpu.wait_dma2 semaphore(%arg11 : memref<!tpu.dma_semaphore, #tpu.memory_space<semaphore_mem>>) src(%dma_wait3A_366 : memref<256x32xf32, #tpu.memory_space<vmem>>) dst(%dma_wait3A_363 : memref<256x32xf32, #tpu.memory_space<hbm>>)
        %mul3A_367 = arith.constant 2 : i32
        %mul3A_368 = arith.muli %mul3A_367, %scan3A_135 : i32
        %add3A_369 = arith.constant 2 : i32
        %add3A_370 = arith.addi %mul3A_368, %add3A_369 : i32
        %mul3A_371 = arith.constant 1024 : i32
        %mul3A_372 = arith.muli %add3A_370, %mul3A_371 : i32
        %add3A_373 = arith.addi %mul3A_2, %mul3A_372 : i32
        "tpu.region"() ({
          %run_scoped3A = tpu.sem_alloc : memref<!tpu.dma_semaphore, #tpu.memory_space<semaphore_mem>>
          %dma_start3A_377 = tpu.memref_slice %arg2[%add3A_373] : memref<327680xi32, #tpu.memory_space<hbm>> -> memref<1024xi32, #tpu.memory_space<hbm>>
          %dma_start3A_378 = tpu.memref_slice %arg2[%add3A_373] : memref<327680xi32, #tpu.memory_space<hbm>> -> memref<1024xi32, #tpu.memory_space<hbm>>
          tpu.enqueue_dma source(%dma_start3A_378 : memref<1024xi32, #tpu.memory_space<hbm>>) target(%arg5 : memref<1024xi32, #tpu.memory_space<vmem>>) target_semaphore(%run_scoped3A : memref<!tpu.dma_semaphore, #tpu.memory_space<semaphore_mem>>)
          %dma_wait3A_379 = tpu.memref_slice %arg2[%add3A_373] : memref<327680xi32, #tpu.memory_space<hbm>> -> memref<1024xi32, #tpu.memory_space<hbm>>
          %dma_wait3A_380 = tpu.memref_slice %arg2[%add3A_373] : memref<327680xi32, #tpu.memory_space<hbm>> -> memref<1024xi32, #tpu.memory_space<hbm>>
          tpu.wait_dma2 semaphore(%run_scoped3A : memref<!tpu.dma_semaphore, #tpu.memory_space<semaphore_mem>>) src(%dma_wait3A_380 : memref<1024xi32, #tpu.memory_space<hbm>>) dst(%arg5 : memref<1024xi32, #tpu.memory_space<vmem>>)
          tpu.yield
        }) : () -> ()
        %dma_start3A_374 = arith.constant 0 : i32
        %dma_start3A_375 = arith.constant 0 : i32
        %dma_start3A_376 = tpu.memref_slice %arg3[%dma_start3A_374, %dma_start3A_375] : memref<100000x32xf32, #tpu.memory_space<hbm>> -> memref<100000x32xf32, #tpu.memory_space<hbm>>
        tpu.enqueue_indirect_dma source(%dma_start3A_376 : memref<100000x32xf32, #tpu.memory_space<hbm>>) target(%arg7 : memref<1024x32xf32, #tpu.memory_space<vmem>>) offsets(%arg5 : memref<1024xi32, #tpu.memory_space<vmem>>) semaphore(%arg9 : memref<!tpu.dma_semaphore, #tpu.memory_space<semaphore_mem>>)
      } else {
      }
    }
    %scan3A_11 = arith.constant 5 : i32
    %add3A_12 = arith.constant 8192 : i32
    %add3A_13 = arith.addi %mul3A_2, %add3A_12 : i32
    %jit3A = arith.constant 4 : i32
    %div3A = arith.divsi %add3A_13, %jit3A : i32
    %sign3A = arith.constant 0 : i32
    %sign3A_14 = arith.cmpi sgt, %add3A_13, %sign3A : i32
    %sign3A_15 = arith.extui %sign3A_14 : i1 to i32
    %sign3A_16 = arith.constant 0 : i32
    %sign3A_17 = arith.cmpi slt, %add3A_13, %sign3A_16 : i32
    %sign3A_18 = arith.extui %sign3A_17 : i1 to i32
    %sign3A_19 = arith.subi %sign3A_15, %sign3A_18 : i32
    %sign3A_20 = arith.constant 0 : i32
    %sign3A_21 = arith.cmpi sgt, %jit3A, %sign3A_20 : i32
    %sign3A_22 = arith.extui %sign3A_21 : i1 to i32
    %sign3A_23 = arith.constant 0 : i32
    %sign3A_24 = arith.cmpi slt, %jit3A, %sign3A_23 : i32
    %sign3A_25 = arith.extui %sign3A_24 : i1 to i32
    %sign3A_26 = arith.subi %sign3A_22, %sign3A_25 : i32
    %ne3A = arith.cmpi ne, %sign3A_19, %sign3A_26 : i32
    %rem3A = arith.remsi %add3A_13, %jit3A : i32
    %ne3A_27 = arith.constant 0 : i32
    %ne3A_28 = arith.cmpi ne, %rem3A, %ne3A_27 : i32
    %and3A = arith.andi %ne3A, %ne3A_28 : i1
    %sub3A = arith.constant 1 : i32
    %sub3A_29 = arith.subi %div3A, %sub3A : i32
    %select_n3A = arith.select %and3A, %sub3A_29, %div3A : i32
    %dma_wait3A = arith.constant 0 : i32
    %dma_wait3A_30 = arith.constant 0 : i32
    %dma_wait3A_31 = tpu.memref_slice %arg7[%dma_wait3A, %dma_wait3A_30] : memref<1024x32xf32, #tpu.memory_space<vmem>> -> memref<256x32xf32, #tpu.memory_space<vmem>>
    %dma_wait3A_32 = arith.constant 0 : i32
    %dma_wait3A_33 = tpu.memref_slice %arg4[%select_n3A, %dma_wait3A_32] : memref<81920x128xf32, #tpu.memory_space<hbm>> -> memref<256x32xf32, #tpu.memory_space<hbm>>
    %dma_wait3A_34 = arith.constant 0 : i32
    %dma_wait3A_35 = tpu.memref_slice %arg4[%select_n3A, %dma_wait3A_34] : memref<81920x128xf32, #tpu.memory_space<hbm>> -> memref<256x32xf32, #tpu.memory_space<hbm>>
    %dma_wait3A_36 = arith.constant 0 : i32
    %dma_wait3A_37 = arith.constant 0 : i32
    %dma_wait3A_38 = tpu.memref_slice %arg7[%dma_wait3A_36, %dma_wait3A_37] : memref<1024x32xf32, #tpu.memory_space<vmem>> -> memref<256x32xf32, #tpu.memory_space<vmem>>
    tpu.wait_dma2 semaphore(%arg11 : memref<!tpu.dma_semaphore, #tpu.memory_space<semaphore_mem>>) src(%dma_wait3A_38 : memref<256x32xf32, #tpu.memory_space<vmem>>) dst(%dma_wait3A_35 : memref<256x32xf32, #tpu.memory_space<hbm>>)
    %dma_wait3A_39 = arith.constant 256 : i32
    %dma_wait3A_40 = arith.constant 0 : i32
    %dma_wait3A_41 = tpu.memref_slice %arg7[%dma_wait3A_39, %dma_wait3A_40] : memref<1024x32xf32, #tpu.memory_space<vmem>> -> memref<256x32xf32, #tpu.memory_space<vmem>>
    %dma_wait3A_42 = arith.constant 32 : i32
    %dma_wait3A_43 = tpu.memref_slice %arg4[%select_n3A, %dma_wait3A_42] : memref<81920x128xf32, #tpu.memory_space<hbm>> -> memref<256x32xf32, #tpu.memory_space<hbm>>
    %dma_wait3A_44 = arith.constant 32 : i32
    %dma_wait3A_45 = tpu.memref_slice %arg4[%select_n3A, %dma_wait3A_44] : memref<81920x128xf32, #tpu.memory_space<hbm>> -> memref<256x32xf32, #tpu.memory_space<hbm>>
    %dma_wait3A_46 = arith.constant 256 : i32
    %dma_wait3A_47 = arith.constant 0 : i32
    %dma_wait3A_48 = tpu.memref_slice %arg7[%dma_wait3A_46, %dma_wait3A_47] : memref<1024x32xf32, #tpu.memory_space<vmem>> -> memref<256x32xf32, #tpu.memory_space<vmem>>
    tpu.wait_dma2 semaphore(%arg11 : memref<!tpu.dma_semaphore, #tpu.memory_space<semaphore_mem>>) src(%dma_wait3A_48 : memref<256x32xf32, #tpu.memory_space<vmem>>) dst(%dma_wait3A_45 : memref<256x32xf32, #tpu.memory_space<hbm>>)
    %dma_wait3A_49 = arith.constant 512 : i32
    %dma_wait3A_50 = arith.constant 0 : i32
    %dma_wait3A_51 = tpu.memref_slice %arg7[%dma_wait3A_49, %dma_wait3A_50] : memref<1024x32xf32, #tpu.memory_space<vmem>> -> memref<256x32xf32, #tpu.memory_space<vmem>>
    %dma_wait3A_52 = arith.constant 64 : i32
    %dma_wait3A_53 = tpu.memref_slice %arg4[%select_n3A, %dma_wait3A_52] : memref<81920x128xf32, #tpu.memory_space<hbm>> -> memref<256x32xf32, #tpu.memory_space<hbm>>
    %dma_wait3A_54 = arith.constant 64 : i32
    %dma_wait3A_55 = tpu.memref_slice %arg4[%select_n3A, %dma_wait3A_54] : memref<81920x128xf32, #tpu.memory_space<hbm>> -> memref<256x32xf32, #tpu.memory_space<hbm>>
    %dma_wait3A_56 = arith.constant 512 : i32
    %dma_wait3A_57 = arith.constant 0 : i32
    %dma_wait3A_58 = tpu.memref_slice %arg7[%dma_wait3A_56, %dma_wait3A_57] : memref<1024x32xf32, #tpu.memory_space<vmem>> -> memref<256x32xf32, #tpu.memory_space<vmem>>
    tpu.wait_dma2 semaphore(%arg11 : memref<!tpu.dma_semaphore, #tpu.memory_space<semaphore_mem>>) src(%dma_wait3A_58 : memref<256x32xf32, #tpu.memory_space<vmem>>) dst(%dma_wait3A_55 : memref<256x32xf32, #tpu.memory_space<hbm>>)
    %dma_wait3A_59 = arith.constant 768 : i32
    %dma_wait3A_60 = arith.constant 0 : i32
    %dma_wait3A_61 = tpu.memref_slice %arg7[%dma_wait3A_59, %dma_wait3A_60] : memref<1024x32xf32, #tpu.memory_space<vmem>> -> memref<256x32xf32, #tpu.memory_space<vmem>>
    %dma_wait3A_62 = arith.constant 96 : i32
    %dma_wait3A_63 = tpu.memref_slice %arg4[%select_n3A, %dma_wait3A_62] : memref<81920x128xf32, #tpu.memory_space<hbm>> -> memref<256x32xf32, #tpu.memory_space<hbm>>
    %dma_wait3A_64 = arith.constant 96 : i32
    %dma_wait3A_65 = tpu.memref_slice %arg4[%select_n3A, %dma_wait3A_64] : memref<81920x128xf32, #tpu.memory_space<hbm>> -> memref<256x32xf32, #tpu.memory_space<hbm>>
    %dma_wait3A_66 = arith.constant 768 : i32
    %dma_wait3A_67 = arith.constant 0 : i32
    %dma_wait3A_68 = tpu.memref_slice %arg7[%dma_wait3A_66, %dma_wait3A_67] : memref<1024x32xf32, #tpu.memory_space<vmem>> -> memref<256x32xf32, #tpu.memory_space<vmem>>
    tpu.wait_dma2 semaphore(%arg11 : memref<!tpu.dma_semaphore, #tpu.memory_space<semaphore_mem>>) src(%dma_wait3A_68 : memref<256x32xf32, #tpu.memory_space<vmem>>) dst(%dma_wait3A_65 : memref<256x32xf32, #tpu.memory_space<hbm>>)
    %add3A_69 = arith.constant 9216 : i32
    %add3A_70 = arith.addi %mul3A_2, %add3A_69 : i32
    %jit3A_71 = arith.constant 4 : i32
    %div3A_72 = arith.divsi %add3A_70, %jit3A_71 : i32
    %sign3A_73 = arith.constant 0 : i32
    %sign3A_74 = arith.cmpi sgt, %add3A_70, %sign3A_73 : i32
    %sign3A_75 = arith.extui %sign3A_74 : i1 to i32
    %sign3A_76 = arith.constant 0 : i32
    %sign3A_77 = arith.cmpi slt, %add3A_70, %sign3A_76 : i32
    %sign3A_78 = arith.extui %sign3A_77 : i1 to i32
    %sign3A_79 = arith.subi %sign3A_75, %sign3A_78 : i32
    %sign3A_80 = arith.constant 0 : i32
    %sign3A_81 = arith.cmpi sgt, %jit3A_71, %sign3A_80 : i32
    %sign3A_82 = arith.extui %sign3A_81 : i1 to i32
    %sign3A_83 = arith.constant 0 : i32
    %sign3A_84 = arith.cmpi slt, %jit3A_71, %sign3A_83 : i32
    %sign3A_85 = arith.extui %sign3A_84 : i1 to i32
    %sign3A_86 = arith.subi %sign3A_82, %sign3A_85 : i32
    %ne3A_87 = arith.cmpi ne, %sign3A_79, %sign3A_86 : i32
    %rem3A_88 = arith.remsi %add3A_70, %jit3A_71 : i32
    %ne3A_89 = arith.constant 0 : i32
    %ne3A_90 = arith.cmpi ne, %rem3A_88, %ne3A_89 : i32
    %and3A_91 = arith.andi %ne3A_87, %ne3A_90 : i1
    %sub3A_92 = arith.constant 1 : i32
    %sub3A_93 = arith.subi %div3A_72, %sub3A_92 : i32
    %select_n3A_94 = arith.select %and3A_91, %sub3A_93, %div3A_72 : i32
    %dma_wait3A_95 = arith.constant 0 : i32
    %dma_wait3A_96 = arith.constant 0 : i32
    %dma_wait3A_97 = tpu.memref_slice %arg8[%dma_wait3A_95, %dma_wait3A_96] : memref<1024x32xf32, #tpu.memory_space<vmem>> -> memref<256x32xf32, #tpu.memory_space<vmem>>
    %dma_wait3A_98 = arith.constant 0 : i32
    %dma_wait3A_99 = tpu.memref_slice %arg4[%select_n3A_94, %dma_wait3A_98] : memref<81920x128xf32, #tpu.memory_space<hbm>> -> memref<256x32xf32, #tpu.memory_space<hbm>>
    %dma_wait3A_100 = arith.constant 0 : i32
    %dma_wait3A_101 = tpu.memref_slice %arg4[%select_n3A_94, %dma_wait3A_100] : memref<81920x128xf32, #tpu.memory_space<hbm>> -> memref<256x32xf32, #tpu.memory_space<hbm>>
    %dma_wait3A_102 = arith.constant 0 : i32
    %dma_wait3A_103 = arith.constant 0 : i32
    %dma_wait3A_104 = tpu.memref_slice %arg8[%dma_wait3A_102, %dma_wait3A_103] : memref<1024x32xf32, #tpu.memory_space<vmem>> -> memref<256x32xf32, #tpu.memory_space<vmem>>
    tpu.wait_dma2 semaphore(%arg12 : memref<!tpu.dma_semaphore, #tpu.memory_space<semaphore_mem>>) src(%dma_wait3A_104 : memref<256x32xf32, #tpu.memory_space<vmem>>) dst(%dma_wait3A_101 : memref<256x32xf32, #tpu.memory_space<hbm>>)
    %dma_wait3A_105 = arith.constant 256 : i32
    %dma_wait3A_106 = arith.constant 0 : i32
    %dma_wait3A_107 = tpu.memref_slice %arg8[%dma_wait3A_105, %dma_wait3A_106] : memref<1024x32xf32, #tpu.memory_space<vmem>> -> memref<256x32xf32, #tpu.memory_space<vmem>>
    %dma_wait3A_108 = arith.constant 32 : i32
    %dma_wait3A_109 = tpu.memref_slice %arg4[%select_n3A_94, %dma_wait3A_108] : memref<81920x128xf32, #tpu.memory_space<hbm>> -> memref<256x32xf32, #tpu.memory_space<hbm>>
    %dma_wait3A_110 = arith.constant 32 : i32
    %dma_wait3A_111 = tpu.memref_slice %arg4[%select_n3A_94, %dma_wait3A_110] : memref<81920x128xf32, #tpu.memory_space<hbm>> -> memref<256x32xf32, #tpu.memory_space<hbm>>
    %dma_wait3A_112 = arith.constant 256 : i32
    %dma_wait3A_113 = arith.constant 0 : i32
    %dma_wait3A_114 = tpu.memref_slice %arg8[%dma_wait3A_112, %dma_wait3A_113] : memref<1024x32xf32, #tpu.memory_space<vmem>> -> memref<256x32xf32, #tpu.memory_space<vmem>>
    tpu.wait_dma2 semaphore(%arg12 : memref<!tpu.dma_semaphore, #tpu.memory_space<semaphore_mem>>) src(%dma_wait3A_114 : memref<256x32xf32, #tpu.memory_space<vmem>>) dst(%dma_wait3A_111 : memref<256x32xf32, #tpu.memory_space<hbm>>)
    %dma_wait3A_115 = arith.constant 512 : i32
    %dma_wait3A_116 = arith.constant 0 : i32
    %dma_wait3A_117 = tpu.memref_slice %arg8[%dma_wait3A_115, %dma_wait3A_116] : memref<1024x32xf32, #tpu.memory_space<vmem>> -> memref<256x32xf32, #tpu.memory_space<vmem>>
    %dma_wait3A_118 = arith.constant 64 : i32
    %dma_wait3A_119 = tpu.memref_slice %arg4[%select_n3A_94, %dma_wait3A_118] : memref<81920x128xf32, #tpu.memory_space<hbm>> -> memref<256x32xf32, #tpu.memory_space<hbm>>
    %dma_wait3A_120 = arith.constant 64 : i32
    %dma_wait3A_121 = tpu.memref_slice %arg4[%select_n3A_94, %dma_wait3A_120] : memref<81920x128xf32, #tpu.memory_space<hbm>> -> memref<256x32xf32, #tpu.memory_space<hbm>>
    %dma_wait3A_122 = arith.constant 512 : i32
    %dma_wait3A_123 = arith.constant 0 : i32
    %dma_wait3A_124 = tpu.memref_slice %arg8[%dma_wait3A_122, %dma_wait3A_123] : memref<1024x32xf32, #tpu.memory_space<vmem>> -> memref<256x32xf32, #tpu.memory_space<vmem>>
    tpu.wait_dma2 semaphore(%arg12 : memref<!tpu.dma_semaphore, #tpu.memory_space<semaphore_mem>>) src(%dma_wait3A_124 : memref<256x32xf32, #tpu.memory_space<vmem>>) dst(%dma_wait3A_121 : memref<256x32xf32, #tpu.memory_space<hbm>>)
    %dma_wait3A_125 = arith.constant 768 : i32
    %dma_wait3A_126 = arith.constant 0 : i32
    %dma_wait3A_127 = tpu.memref_slice %arg8[%dma_wait3A_125, %dma_wait3A_126] : memref<1024x32xf32, #tpu.memory_space<vmem>> -> memref<256x32xf32, #tpu.memory_space<vmem>>
    %dma_wait3A_128 = arith.constant 96 : i32
    %dma_wait3A_129 = tpu.memref_slice %arg4[%select_n3A_94, %dma_wait3A_128] : memref<81920x128xf32, #tpu.memory_space<hbm>> -> memref<256x32xf32, #tpu.memory_space<hbm>>
    %dma_wait3A_130 = arith.constant 96 : i32
    %dma_wait3A_131 = tpu.memref_slice %arg4[%select_n3A_94, %dma_wait3A_130] : memref<81920x128xf32, #tpu.memory_space<hbm>> -> memref<256x32xf32, #tpu.memory_space<hbm>>
    %dma_wait3A_132 = arith.constant 768 : i32
    %dma_wait3A_133 = arith.constant 0 : i32
    %dma_wait3A_134 = tpu.memref_slice %arg8[%dma_wait3A_132, %dma_wait3A_133] : memref<1024x32xf32, #tpu.memory_space<vmem>> -> memref<256x32xf32, #tpu.memory_space<vmem>>
    tpu.wait_dma2 semaphore(%arg12 : memref<!tpu.dma_semaphore, #tpu.memory_space<semaphore_mem>>) src(%dma_wait3A_134 : memref<256x32xf32, #tpu.memory_space<vmem>>) dst(%dma_wait3A_131 : memref<256x32xf32, #tpu.memory_space<hbm>>)
    return
  }
}

module attributes {stable_mosaic.version = 14 : i64} {
  func.func @_mm_body_first(%arg0: i32, %arg1: memref<10240x128xf32, #tpu.memory_space<vmem>>, %arg2: memref<256x128xf32, #tpu.memory_space<vmem>>, %arg3: memref<1x128xf32, #tpu.memory_space<vmem>>, %arg4: memref<5120x128xf32, #tpu.memory_space<vmem>>) attributes {dimension_semantics = [#tpu.dimension_semantics<arbitrary>], iteration_bounds = array<i64: 8>, scalar_prefetch = 0 : i64, scratch_operands = 0 : i64, tpu.core_type = #tpu.core_type<tc>, window_params = [{transform_indices = @transform_0, window_bounds = array<i64: 10240, 128>}, {pipeline_mode = #tpu.pipeline_mode<synchronous>, transform_indices = @transform_1, window_bounds = array<i64: 256, 128>}, {pipeline_mode = #tpu.pipeline_mode<synchronous>, transform_indices = @transform_2, window_bounds = array<i64: 1, 128>}, {transform_indices = @transform_3, window_bounds = array<i64: 5120, 128>}]} {
    %get3A = arith.constant 0 : index
    %get3A_0 = arith.constant 0 : index
    %get3A_1 = vector.load %arg1[%get3A, %get3A_0] : memref<10240x128xf32, #tpu.memory_space<vmem>>, vector<1024x128xf32>
    %get3A_2 = arith.constant 1024 : index
    %get3A_3 = arith.constant 0 : index
    %get3A_4 = vector.load %arg1[%get3A_2, %get3A_3] : memref<10240x128xf32, #tpu.memory_space<vmem>>, vector<1024x128xf32>
    %concatenate3A = tpu.concatenate %get3A_1, %get3A_4 in 1 : vector<1024x128xf32>, vector<1024x128xf32> -> vector<1024x256xf32>
    %get3A_5 = arith.constant 0 : index
    %get3A_6 = arith.constant 0 : index
    %get3A_7 = vector.load %arg2[%get3A_5, %get3A_6] : memref<256x128xf32, #tpu.memory_space<vmem>>, vector<256x128xf32>
    %dot_general3A = arith.constant dense<0.000000e+00> : vector<1024x128xf32>
    %dot_general3A_8 = tpu.matmul %concatenate3A, %get3A_7, %dot_general3A {dimension_numbers = #tpu.dot_dimension_numbers<[1], [0], [0], [1], [0, 0, 1, 1], [], []>, transpose_lhs_hint = false} : vector<1024x256xf32>, vector<256x128xf32>, vector<1024x128xf32> -> vector<1024x128xf32>
    %get3A_9 = arith.constant 0 : index
    %get3A_10 = arith.constant 0 : index
    %get3A_11 = vector.load %arg3[%get3A_9, %get3A_10] : memref<1x128xf32, #tpu.memory_space<vmem>>, vector<1x128xf32>
    %get3A_12 = vector.shape_cast %get3A_11 : vector<1x128xf32> to vector<128xf32>
    %broadcast_in_dim3A = vector.shape_cast %get3A_12 : vector<128xf32> to vector<1x128xf32>
    %add3A = vector.broadcast %broadcast_in_dim3A : vector<1x128xf32> to vector<1024x128xf32>
    %add3A_13 = arith.addf %dot_general3A_8, %add3A : vector<1024x128xf32>
    %swap3A = arith.constant 0 : index
    %swap3A_14 = arith.constant 0 : index
    %swap3A_15 = vector.load %arg4[%swap3A, %swap3A_14] : memref<5120x128xf32, #tpu.memory_space<vmem>>, vector<1024x128xf32>
    tpu.vector_store %arg4[%swap3A, %swap3A_14], %add3A_13 {strides = array<i32>} : memref<5120x128xf32, #tpu.memory_space<vmem>>, vector<1024x128xf32>,
    %get3A_16 = arith.constant 2048 : index
    %get3A_17 = arith.constant 0 : index
    %get3A_18 = vector.load %arg1[%get3A_16, %get3A_17] : memref<10240x128xf32, #tpu.memory_space<vmem>>, vector<1024x128xf32>
    %get3A_19 = arith.constant 3072 : index
    %get3A_20 = arith.constant 0 : index
    %get3A_21 = vector.load %arg1[%get3A_19, %get3A_20] : memref<10240x128xf32, #tpu.memory_space<vmem>>, vector<1024x128xf32>
    %concatenate3A_22 = tpu.concatenate %get3A_18, %get3A_21 in 1 : vector<1024x128xf32>, vector<1024x128xf32> -> vector<1024x256xf32>
    %get3A_23 = arith.constant 0 : index
    %get3A_24 = arith.constant 0 : index
    %get3A_25 = vector.load %arg2[%get3A_23, %get3A_24] : memref<256x128xf32, #tpu.memory_space<vmem>>, vector<256x128xf32>
    %dot_general3A_26 = arith.constant dense<0.000000e+00> : vector<1024x128xf32>
    %dot_general3A_27 = tpu.matmul %concatenate3A_22, %get3A_25, %dot_general3A_26 {dimension_numbers = #tpu.dot_dimension_numbers<[1], [0], [0], [1], [0, 0, 1, 1], [], []>, transpose_lhs_hint = false} : vector<1024x256xf32>, vector<256x128xf32>, vector<1024x128xf32> -> vector<1024x128xf32>
    %get3A_28 = arith.constant 0 : index
    %get3A_29 = arith.constant 0 : index
    %get3A_30 = vector.load %arg3[%get3A_28, %get3A_29] : memref<1x128xf32, #tpu.memory_space<vmem>>, vector<1x128xf32>
    %get3A_31 = vector.shape_cast %get3A_30 : vector<1x128xf32> to vector<128xf32>
    %broadcast_in_dim3A_32 = vector.shape_cast %get3A_31 : vector<128xf32> to vector<1x128xf32>
    %add3A_33 = vector.broadcast %broadcast_in_dim3A_32 : vector<1x128xf32> to vector<1024x128xf32>
    %add3A_34 = arith.addf %dot_general3A_27, %add3A_33 : vector<1024x128xf32>
    %swap3A_35 = arith.constant 1024 : index
    %swap3A_36 = arith.constant 0 : index
    %swap3A_37 = vector.load %arg4[%swap3A_35, %swap3A_36] : memref<5120x128xf32, #tpu.memory_space<vmem>>, vector<1024x128xf32>
    tpu.vector_store %arg4[%swap3A_35, %swap3A_36], %add3A_34 {strides = array<i32>} : memref<5120x128xf32, #tpu.memory_space<vmem>>, vector<1024x128xf32>,
    %get3A_38 = arith.constant 4096 : index
    %get3A_39 = arith.constant 0 : index
    %get3A_40 = vector.load %arg1[%get3A_38, %get3A_39] : memref<10240x128xf32, #tpu.memory_space<vmem>>, vector<1024x128xf32>
    %get3A_41 = arith.constant 5120 : index
    %get3A_42 = arith.constant 0 : index
    %get3A_43 = vector.load %arg1[%get3A_41, %get3A_42] : memref<10240x128xf32, #tpu.memory_space<vmem>>, vector<1024x128xf32>
    %concatenate3A_44 = tpu.concatenate %get3A_40, %get3A_43 in 1 : vector<1024x128xf32>, vector<1024x128xf32> -> vector<1024x256xf32>
    %get3A_45 = arith.constant 0 : index
    %get3A_46 = arith.constant 0 : index
    %get3A_47 = vector.load %arg2[%get3A_45, %get3A_46] : memref<256x128xf32, #tpu.memory_space<vmem>>, vector<256x128xf32>
    %dot_general3A_48 = arith.constant dense<0.000000e+00> : vector<1024x128xf32>
    %dot_general3A_49 = tpu.matmul %concatenate3A_44, %get3A_47, %dot_general3A_48 {dimension_numbers = #tpu.dot_dimension_numbers<[1], [0], [0], [1], [0, 0, 1, 1], [], []>, transpose_lhs_hint = false} : vector<1024x256xf32>, vector<256x128xf32>, vector<1024x128xf32> -> vector<1024x128xf32>
    %get3A_50 = arith.constant 0 : index
    %get3A_51 = arith.constant 0 : index
    %get3A_52 = vector.load %arg3[%get3A_50, %get3A_51] : memref<1x128xf32, #tpu.memory_space<vmem>>, vector<1x128xf32>
    %get3A_53 = vector.shape_cast %get3A_52 : vector<1x128xf32> to vector<128xf32>
    %broadcast_in_dim3A_54 = vector.shape_cast %get3A_53 : vector<128xf32> to vector<1x128xf32>
    %add3A_55 = vector.broadcast %broadcast_in_dim3A_54 : vector<1x128xf32> to vector<1024x128xf32>
    %add3A_56 = arith.addf %dot_general3A_49, %add3A_55 : vector<1024x128xf32>
    %swap3A_57 = arith.constant 2048 : index
    %swap3A_58 = arith.constant 0 : index
    %swap3A_59 = vector.load %arg4[%swap3A_57, %swap3A_58] : memref<5120x128xf32, #tpu.memory_space<vmem>>, vector<1024x128xf32>
    tpu.vector_store %arg4[%swap3A_57, %swap3A_58], %add3A_56 {strides = array<i32>} : memref<5120x128xf32, #tpu.memory_space<vmem>>, vector<1024x128xf32>,
    %get3A_60 = arith.constant 6144 : index
    %get3A_61 = arith.constant 0 : index
    %get3A_62 = vector.load %arg1[%get3A_60, %get3A_61] : memref<10240x128xf32, #tpu.memory_space<vmem>>, vector<1024x128xf32>
    %get3A_63 = arith.constant 7168 : index
    %get3A_64 = arith.constant 0 : index
    %get3A_65 = vector.load %arg1[%get3A_63, %get3A_64] : memref<10240x128xf32, #tpu.memory_space<vmem>>, vector<1024x128xf32>
    %concatenate3A_66 = tpu.concatenate %get3A_62, %get3A_65 in 1 : vector<1024x128xf32>, vector<1024x128xf32> -> vector<1024x256xf32>
    %get3A_67 = arith.constant 0 : index
    %get3A_68 = arith.constant 0 : index
    %get3A_69 = vector.load %arg2[%get3A_67, %get3A_68] : memref<256x128xf32, #tpu.memory_space<vmem>>, vector<256x128xf32>
    %dot_general3A_70 = arith.constant dense<0.000000e+00> : vector<1024x128xf32>
    %dot_general3A_71 = tpu.matmul %concatenate3A_66, %get3A_69, %dot_general3A_70 {dimension_numbers = #tpu.dot_dimension_numbers<[1], [0], [0], [1], [0, 0, 1, 1], [], []>, transpose_lhs_hint = false} : vector<1024x256xf32>, vector<256x128xf32>, vector<1024x128xf32> -> vector<1024x128xf32>
    %get3A_72 = arith.constant 0 : index
    %get3A_73 = arith.constant 0 : index
    %get3A_74 = vector.load %arg3[%get3A_72, %get3A_73] : memref<1x128xf32, #tpu.memory_space<vmem>>, vector<1x128xf32>
    %get3A_75 = vector.shape_cast %get3A_74 : vector<1x128xf32> to vector<128xf32>
    %broadcast_in_dim3A_76 = vector.shape_cast %get3A_75 : vector<128xf32> to vector<1x128xf32>
    %add3A_77 = vector.broadcast %broadcast_in_dim3A_76 : vector<1x128xf32> to vector<1024x128xf32>
    %add3A_78 = arith.addf %dot_general3A_71, %add3A_77 : vector<1024x128xf32>
    %swap3A_79 = arith.constant 3072 : index
    %swap3A_80 = arith.constant 0 : index
    %swap3A_81 = vector.load %arg4[%swap3A_79, %swap3A_80] : memref<5120x128xf32, #tpu.memory_space<vmem>>, vector<1024x128xf32>
    tpu.vector_store %arg4[%swap3A_79, %swap3A_80], %add3A_78 {strides = array<i32>} : memref<5120x128xf32, #tpu.memory_space<vmem>>, vector<1024x128xf32>,
    %get3A_82 = arith.constant 8192 : index
    %get3A_83 = arith.constant 0 : index
    %get3A_84 = vector.load %arg1[%get3A_82, %get3A_83] : memref<10240x128xf32, #tpu.memory_space<vmem>>, vector<1024x128xf32>
    %get3A_85 = arith.constant 9216 : index
    %get3A_86 = arith.constant 0 : index
    %get3A_87 = vector.load %arg1[%get3A_85, %get3A_86] : memref<10240x128xf32, #tpu.memory_space<vmem>>, vector<1024x128xf32>
    %concatenate3A_88 = tpu.concatenate %get3A_84, %get3A_87 in 1 : vector<1024x128xf32>, vector<1024x128xf32> -> vector<1024x256xf32>
    %get3A_89 = arith.constant 0 : index
    %get3A_90 = arith.constant 0 : index
    %get3A_91 = vector.load %arg2[%get3A_89, %get3A_90] : memref<256x128xf32, #tpu.memory_space<vmem>>, vector<256x128xf32>
    %dot_general3A_92 = arith.constant dense<0.000000e+00> : vector<1024x128xf32>
    %dot_general3A_93 = tpu.matmul %concatenate3A_88, %get3A_91, %dot_general3A_92 {dimension_numbers = #tpu.dot_dimension_numbers<[1], [0], [0], [1], [0, 0, 1, 1], [], []>, transpose_lhs_hint = false} : vector<1024x256xf32>, vector<256x128xf32>, vector<1024x128xf32> -> vector<1024x128xf32>
    %get3A_94 = arith.constant 0 : index
    %get3A_95 = arith.constant 0 : index
    %get3A_96 = vector.load %arg3[%get3A_94, %get3A_95] : memref<1x128xf32, #tpu.memory_space<vmem>>, vector<1x128xf32>
    %get3A_97 = vector.shape_cast %get3A_96 : vector<1x128xf32> to vector<128xf32>
    %broadcast_in_dim3A_98 = vector.shape_cast %get3A_97 : vector<128xf32> to vector<1x128xf32>
    %add3A_99 = vector.broadcast %broadcast_in_dim3A_98 : vector<1x128xf32> to vector<1024x128xf32>
    %add3A_100 = arith.addf %dot_general3A_93, %add3A_99 : vector<1024x128xf32>
    %swap3A_101 = arith.constant 4096 : index
    %swap3A_102 = arith.constant 0 : index
    %swap3A_103 = vector.load %arg4[%swap3A_101, %swap3A_102] : memref<5120x128xf32, #tpu.memory_space<vmem>>, vector<1024x128xf32>
    tpu.vector_store %arg4[%swap3A_101, %swap3A_102], %add3A_100 {strides = array<i32>} : memref<5120x128xf32, #tpu.memory_space<vmem>>, vector<1024x128xf32>,
    return
  }
  func.func @transform_0(%arg0: i32) -> (i32, i32) {
    %c0_i32 = arith.constant 0 : i32
    %c0_i32_0 = arith.constant 0 : i32
    return %arg0, %c0_i32 : i32, i32
  }
  func.func @transform_1(%arg0: i32) -> (i32, i32) {
    %c0_i32 = arith.constant 0 : i32
    %c0_i32_0 = arith.constant 0 : i32
    %c0_i32_1 = arith.constant 0 : i32
    return %c0_i32, %c0_i32_0 : i32, i32
  }
  func.func @transform_2(%arg0: i32) -> (i32, i32) {
    %c0_i32 = arith.constant 0 : i32
    %c0_i32_0 = arith.constant 0 : i32
    %c0_i32_1 = arith.constant 0 : i32
    return %c0_i32, %c0_i32_0 : i32, i32
  }
  func.func @transform_3(%arg0: i32) -> (i32, i32) {
    %add3A = arith.constant 0 : i32
    %add3A_0 = arith.addi %add3A, %arg0 : i32
    %c0_i32 = arith.constant 0 : i32
    %c0_i32_1 = arith.constant 0 : i32
    return %add3A_0, %c0_i32 : i32, i32
  }
}

module attributes {stable_mosaic.version = 14 : i64} {
  func.func @_mm_body_chained(%arg0: i32, %arg1: memref<10240x128xf32, #tpu.memory_space<vmem>>, %arg2: memref<256x128xf32, #tpu.memory_space<vmem>>, %arg3: memref<1x128xf32, #tpu.memory_space<vmem>>, %arg4: memref<204800x128xf32, #tpu.memory_space<any>>, %arg5: memref<5120x128xf32, #tpu.memory_space<vmem>>) attributes {dimension_semantics = [#tpu.dimension_semantics<arbitrary>], iteration_bounds = array<i64: 8>, scalar_prefetch = 0 : i64, scratch_operands = 0 : i64, tpu.core_type = #tpu.core_type<tc>, window_params = [{transform_indices = @transform_0, window_bounds = array<i64: 10240, 128>}, {pipeline_mode = #tpu.pipeline_mode<synchronous>, transform_indices = @transform_1, window_bounds = array<i64: 256, 128>}, {pipeline_mode = #tpu.pipeline_mode<synchronous>, transform_indices = @transform_2, window_bounds = array<i64: 1, 128>}, {}, {transform_indices = @transform_4, window_bounds = array<i64: 5120, 128>}]} {
    %get3A = arith.constant 0 : index
    %get3A_0 = arith.constant 0 : index
    %get3A_1 = vector.load %arg1[%get3A, %get3A_0] : memref<10240x128xf32, #tpu.memory_space<vmem>>, vector<1024x128xf32>
    %get3A_2 = arith.constant 1024 : index
    %get3A_3 = arith.constant 0 : index
    %get3A_4 = vector.load %arg1[%get3A_2, %get3A_3] : memref<10240x128xf32, #tpu.memory_space<vmem>>, vector<1024x128xf32>
    %concatenate3A = tpu.concatenate %get3A_1, %get3A_4 in 1 : vector<1024x128xf32>, vector<1024x128xf32> -> vector<1024x256xf32>
    %get3A_5 = arith.constant 0 : index
    %get3A_6 = arith.constant 0 : index
    %get3A_7 = vector.load %arg2[%get3A_5, %get3A_6] : memref<256x128xf32, #tpu.memory_space<vmem>>, vector<256x128xf32>
    %dot_general3A = arith.constant dense<0.000000e+00> : vector<1024x128xf32>
    %dot_general3A_8 = tpu.matmul %concatenate3A, %get3A_7, %dot_general3A {dimension_numbers = #tpu.dot_dimension_numbers<[1], [0], [0], [1], [0, 0, 1, 1], [], []>, transpose_lhs_hint = false} : vector<1024x256xf32>, vector<256x128xf32>, vector<1024x128xf32> -> vector<1024x128xf32>
    %get3A_9 = arith.constant 0 : index
    %get3A_10 = arith.constant 0 : index
    %get3A_11 = vector.load %arg3[%get3A_9, %get3A_10] : memref<1x128xf32, #tpu.memory_space<vmem>>, vector<1x128xf32>
    %get3A_12 = vector.shape_cast %get3A_11 : vector<1x128xf32> to vector<128xf32>
    %broadcast_in_dim3A = vector.shape_cast %get3A_12 : vector<128xf32> to vector<1x128xf32>
    %add3A = vector.broadcast %broadcast_in_dim3A : vector<1x128xf32> to vector<1024x128xf32>
    %add3A_13 = arith.addf %dot_general3A_8, %add3A : vector<1024x128xf32>
    %swap3A = arith.constant 0 : index
    %swap3A_14 = arith.constant 0 : index
    %swap3A_15 = vector.load %arg5[%swap3A, %swap3A_14] : memref<5120x128xf32, #tpu.memory_space<vmem>>, vector<1024x128xf32>
    tpu.vector_store %arg5[%swap3A, %swap3A_14], %add3A_13 {strides = array<i32>} : memref<5120x128xf32, #tpu.memory_space<vmem>>, vector<1024x128xf32>,
    %get3A_16 = arith.constant 2048 : index
    %get3A_17 = arith.constant 0 : index
    %get3A_18 = vector.load %arg1[%get3A_16, %get3A_17] : memref<10240x128xf32, #tpu.memory_space<vmem>>, vector<1024x128xf32>
    %get3A_19 = arith.constant 3072 : index
    %get3A_20 = arith.constant 0 : index
    %get3A_21 = vector.load %arg1[%get3A_19, %get3A_20] : memref<10240x128xf32, #tpu.memory_space<vmem>>, vector<1024x128xf32>
    %concatenate3A_22 = tpu.concatenate %get3A_18, %get3A_21 in 1 : vector<1024x128xf32>, vector<1024x128xf32> -> vector<1024x256xf32>
    %get3A_23 = arith.constant 0 : index
    %get3A_24 = arith.constant 0 : index
    %get3A_25 = vector.load %arg2[%get3A_23, %get3A_24] : memref<256x128xf32, #tpu.memory_space<vmem>>, vector<256x128xf32>
    %dot_general3A_26 = arith.constant dense<0.000000e+00> : vector<1024x128xf32>
    %dot_general3A_27 = tpu.matmul %concatenate3A_22, %get3A_25, %dot_general3A_26 {dimension_numbers = #tpu.dot_dimension_numbers<[1], [0], [0], [1], [0, 0, 1, 1], [], []>, transpose_lhs_hint = false} : vector<1024x256xf32>, vector<256x128xf32>, vector<1024x128xf32> -> vector<1024x128xf32>
    %get3A_28 = arith.constant 0 : index
    %get3A_29 = arith.constant 0 : index
    %get3A_30 = vector.load %arg3[%get3A_28, %get3A_29] : memref<1x128xf32, #tpu.memory_space<vmem>>, vector<1x128xf32>
    %get3A_31 = vector.shape_cast %get3A_30 : vector<1x128xf32> to vector<128xf32>
    %broadcast_in_dim3A_32 = vector.shape_cast %get3A_31 : vector<128xf32> to vector<1x128xf32>
    %add3A_33 = vector.broadcast %broadcast_in_dim3A_32 : vector<1x128xf32> to vector<1024x128xf32>
    %add3A_34 = arith.addf %dot_general3A_27, %add3A_33 : vector<1024x128xf32>
    %swap3A_35 = arith.constant 1024 : index
    %swap3A_36 = arith.constant 0 : index
    %swap3A_37 = vector.load %arg5[%swap3A_35, %swap3A_36] : memref<5120x128xf32, #tpu.memory_space<vmem>>, vector<1024x128xf32>
    tpu.vector_store %arg5[%swap3A_35, %swap3A_36], %add3A_34 {strides = array<i32>} : memref<5120x128xf32, #tpu.memory_space<vmem>>, vector<1024x128xf32>,
    %get3A_38 = arith.constant 4096 : index
    %get3A_39 = arith.constant 0 : index
    %get3A_40 = vector.load %arg1[%get3A_38, %get3A_39] : memref<10240x128xf32, #tpu.memory_space<vmem>>, vector<1024x128xf32>
    %get3A_41 = arith.constant 5120 : index
    %get3A_42 = arith.constant 0 : index
    %get3A_43 = vector.load %arg1[%get3A_41, %get3A_42] : memref<10240x128xf32, #tpu.memory_space<vmem>>, vector<1024x128xf32>
    %concatenate3A_44 = tpu.concatenate %get3A_40, %get3A_43 in 1 : vector<1024x128xf32>, vector<1024x128xf32> -> vector<1024x256xf32>
    %get3A_45 = arith.constant 0 : index
    %get3A_46 = arith.constant 0 : index
    %get3A_47 = vector.load %arg2[%get3A_45, %get3A_46] : memref<256x128xf32, #tpu.memory_space<vmem>>, vector<256x128xf32>
    %dot_general3A_48 = arith.constant dense<0.000000e+00> : vector<1024x128xf32>
    %dot_general3A_49 = tpu.matmul %concatenate3A_44, %get3A_47, %dot_general3A_48 {dimension_numbers = #tpu.dot_dimension_numbers<[1], [0], [0], [1], [0, 0, 1, 1], [], []>, transpose_lhs_hint = false} : vector<1024x256xf32>, vector<256x128xf32>, vector<1024x128xf32> -> vector<1024x128xf32>
    %get3A_50 = arith.constant 0 : index
    %get3A_51 = arith.constant 0 : index
    %get3A_52 = vector.load %arg3[%get3A_50, %get3A_51] : memref<1x128xf32, #tpu.memory_space<vmem>>, vector<1x128xf32>
    %get3A_53 = vector.shape_cast %get3A_52 : vector<1x128xf32> to vector<128xf32>
    %broadcast_in_dim3A_54 = vector.shape_cast %get3A_53 : vector<128xf32> to vector<1x128xf32>
    %add3A_55 = vector.broadcast %broadcast_in_dim3A_54 : vector<1x128xf32> to vector<1024x128xf32>
    %add3A_56 = arith.addf %dot_general3A_49, %add3A_55 : vector<1024x128xf32>
    %swap3A_57 = arith.constant 2048 : index
    %swap3A_58 = arith.constant 0 : index
    %swap3A_59 = vector.load %arg5[%swap3A_57, %swap3A_58] : memref<5120x128xf32, #tpu.memory_space<vmem>>, vector<1024x128xf32>
    tpu.vector_store %arg5[%swap3A_57, %swap3A_58], %add3A_56 {strides = array<i32>} : memref<5120x128xf32, #tpu.memory_space<vmem>>, vector<1024x128xf32>,
    %get3A_60 = arith.constant 6144 : index
    %get3A_61 = arith.constant 0 : index
    %get3A_62 = vector.load %arg1[%get3A_60, %get3A_61] : memref<10240x128xf32, #tpu.memory_space<vmem>>, vector<1024x128xf32>
    %get3A_63 = arith.constant 7168 : index
    %get3A_64 = arith.constant 0 : index
    %get3A_65 = vector.load %arg1[%get3A_63, %get3A_64] : memref<10240x128xf32, #tpu.memory_space<vmem>>, vector<1024x128xf32>
    %concatenate3A_66 = tpu.concatenate %get3A_62, %get3A_65 in 1 : vector<1024x128xf32>, vector<1024x128xf32> -> vector<1024x256xf32>
    %get3A_67 = arith.constant 0 : index
    %get3A_68 = arith.constant 0 : index
    %get3A_69 = vector.load %arg2[%get3A_67, %get3A_68] : memref<256x128xf32, #tpu.memory_space<vmem>>, vector<256x128xf32>
    %dot_general3A_70 = arith.constant dense<0.000000e+00> : vector<1024x128xf32>
    %dot_general3A_71 = tpu.matmul %concatenate3A_66, %get3A_69, %dot_general3A_70 {dimension_numbers = #tpu.dot_dimension_numbers<[1], [0], [0], [1], [0, 0, 1, 1], [], []>, transpose_lhs_hint = false} : vector<1024x256xf32>, vector<256x128xf32>, vector<1024x128xf32> -> vector<1024x128xf32>
    %get3A_72 = arith.constant 0 : index
    %get3A_73 = arith.constant 0 : index
    %get3A_74 = vector.load %arg3[%get3A_72, %get3A_73] : memref<1x128xf32, #tpu.memory_space<vmem>>, vector<1x128xf32>
    %get3A_75 = vector.shape_cast %get3A_74 : vector<1x128xf32> to vector<128xf32>
    %broadcast_in_dim3A_76 = vector.shape_cast %get3A_75 : vector<128xf32> to vector<1x128xf32>
    %add3A_77 = vector.broadcast %broadcast_in_dim3A_76 : vector<1x128xf32> to vector<1024x128xf32>
    %add3A_78 = arith.addf %dot_general3A_71, %add3A_77 : vector<1024x128xf32>
    %swap3A_79 = arith.constant 3072 : index
    %swap3A_80 = arith.constant 0 : index
    %swap3A_81 = vector.load %arg5[%swap3A_79, %swap3A_80] : memref<5120x128xf32, #tpu.memory_space<vmem>>, vector<1024x128xf32>
    tpu.vector_store %arg5[%swap3A_79, %swap3A_80], %add3A_78 {strides = array<i32>} : memref<5120x128xf32, #tpu.memory_space<vmem>>, vector<1024x128xf32>,
    %get3A_82 = arith.constant 8192 : index
    %get3A_83 = arith.constant 0 : index
    %get3A_84 = vector.load %arg1[%get3A_82, %get3A_83] : memref<10240x128xf32, #tpu.memory_space<vmem>>, vector<1024x128xf32>
    %get3A_85 = arith.constant 9216 : index
    %get3A_86 = arith.constant 0 : index
    %get3A_87 = vector.load %arg1[%get3A_85, %get3A_86] : memref<10240x128xf32, #tpu.memory_space<vmem>>, vector<1024x128xf32>
    %concatenate3A_88 = tpu.concatenate %get3A_84, %get3A_87 in 1 : vector<1024x128xf32>, vector<1024x128xf32> -> vector<1024x256xf32>
    %get3A_89 = arith.constant 0 : index
    %get3A_90 = arith.constant 0 : index
    %get3A_91 = vector.load %arg2[%get3A_89, %get3A_90] : memref<256x128xf32, #tpu.memory_space<vmem>>, vector<256x128xf32>
    %dot_general3A_92 = arith.constant dense<0.000000e+00> : vector<1024x128xf32>
    %dot_general3A_93 = tpu.matmul %concatenate3A_88, %get3A_91, %dot_general3A_92 {dimension_numbers = #tpu.dot_dimension_numbers<[1], [0], [0], [1], [0, 0, 1, 1], [], []>, transpose_lhs_hint = false} : vector<1024x256xf32>, vector<256x128xf32>, vector<1024x128xf32> -> vector<1024x128xf32>
    %get3A_94 = arith.constant 0 : index
    %get3A_95 = arith.constant 0 : index
    %get3A_96 = vector.load %arg3[%get3A_94, %get3A_95] : memref<1x128xf32, #tpu.memory_space<vmem>>, vector<1x128xf32>
    %get3A_97 = vector.shape_cast %get3A_96 : vector<1x128xf32> to vector<128xf32>
    %broadcast_in_dim3A_98 = vector.shape_cast %get3A_97 : vector<128xf32> to vector<1x128xf32>
    %add3A_99 = vector.broadcast %broadcast_in_dim3A_98 : vector<1x128xf32> to vector<1024x128xf32>
    %add3A_100 = arith.addf %dot_general3A_93, %add3A_99 : vector<1024x128xf32>
    %swap3A_101 = arith.constant 4096 : index
    %swap3A_102 = arith.constant 0 : index
    %swap3A_103 = vector.load %arg5[%swap3A_101, %swap3A_102] : memref<5120x128xf32, #tpu.memory_space<vmem>>, vector<1024x128xf32>
    tpu.vector_store %arg5[%swap3A_101, %swap3A_102], %add3A_100 {strides = array<i32>} : memref<5120x128xf32, #tpu.memory_space<vmem>>, vector<1024x128xf32>,
    return
  }
  func.func @transform_0(%arg0: i32) -> (i32, i32) {
    %c0_i32 = arith.constant 0 : i32
    %c0_i32_0 = arith.constant 0 : i32
    return %arg0, %c0_i32 : i32, i32
  }
  func.func @transform_1(%arg0: i32) -> (i32, i32) {
    %c0_i32 = arith.constant 0 : i32
    %c0_i32_0 = arith.constant 0 : i32
    %c0_i32_1 = arith.constant 0 : i32
    return %c0_i32, %c0_i32_0 : i32, i32
  }
  func.func @transform_2(%arg0: i32) -> (i32, i32) {
    %c0_i32 = arith.constant 0 : i32
    %c0_i32_0 = arith.constant 0 : i32
    %c0_i32_1 = arith.constant 0 : i32
    return %c0_i32, %c0_i32_0 : i32, i32
  }
  func.func @transform_4(%arg0: i32) -> (i32, i32) {
    %add3A = arith.constant 8 : i32
    %add3A_0 = arith.addi %add3A, %arg0 : i32
    %c0_i32 = arith.constant 0 : i32
    %c0_i32_1 = arith.constant 0 : i32
    return %add3A_0, %c0_i32 : i32, i32
  }
}

module attributes {stable_mosaic.version = 14 : i64} {
  func.func @_mm_body_chained(%arg0: i32, %arg1: memref<10240x128xf32, #tpu.memory_space<vmem>>, %arg2: memref<256x128xf32, #tpu.memory_space<vmem>>, %arg3: memref<1x128xf32, #tpu.memory_space<vmem>>, %arg4: memref<204800x128xf32, #tpu.memory_space<any>>, %arg5: memref<5120x128xf32, #tpu.memory_space<vmem>>) attributes {dimension_semantics = [#tpu.dimension_semantics<arbitrary>], iteration_bounds = array<i64: 8>, scalar_prefetch = 0 : i64, scratch_operands = 0 : i64, tpu.core_type = #tpu.core_type<tc>, window_params = [{transform_indices = @transform_0, window_bounds = array<i64: 10240, 128>}, {pipeline_mode = #tpu.pipeline_mode<synchronous>, transform_indices = @transform_1, window_bounds = array<i64: 256, 128>}, {pipeline_mode = #tpu.pipeline_mode<synchronous>, transform_indices = @transform_2, window_bounds = array<i64: 1, 128>}, {}, {transform_indices = @transform_4, window_bounds = array<i64: 5120, 128>}]} {
    %get3A = arith.constant 0 : index
    %get3A_0 = arith.constant 0 : index
    %get3A_1 = vector.load %arg1[%get3A, %get3A_0] : memref<10240x128xf32, #tpu.memory_space<vmem>>, vector<1024x128xf32>
    %get3A_2 = arith.constant 1024 : index
    %get3A_3 = arith.constant 0 : index
    %get3A_4 = vector.load %arg1[%get3A_2, %get3A_3] : memref<10240x128xf32, #tpu.memory_space<vmem>>, vector<1024x128xf32>
    %concatenate3A = tpu.concatenate %get3A_1, %get3A_4 in 1 : vector<1024x128xf32>, vector<1024x128xf32> -> vector<1024x256xf32>
    %get3A_5 = arith.constant 0 : index
    %get3A_6 = arith.constant 0 : index
    %get3A_7 = vector.load %arg2[%get3A_5, %get3A_6] : memref<256x128xf32, #tpu.memory_space<vmem>>, vector<256x128xf32>
    %dot_general3A = arith.constant dense<0.000000e+00> : vector<1024x128xf32>
    %dot_general3A_8 = tpu.matmul %concatenate3A, %get3A_7, %dot_general3A {dimension_numbers = #tpu.dot_dimension_numbers<[1], [0], [0], [1], [0, 0, 1, 1], [], []>, transpose_lhs_hint = false} : vector<1024x256xf32>, vector<256x128xf32>, vector<1024x128xf32> -> vector<1024x128xf32>
    %get3A_9 = arith.constant 0 : index
    %get3A_10 = arith.constant 0 : index
    %get3A_11 = vector.load %arg3[%get3A_9, %get3A_10] : memref<1x128xf32, #tpu.memory_space<vmem>>, vector<1x128xf32>
    %get3A_12 = vector.shape_cast %get3A_11 : vector<1x128xf32> to vector<128xf32>
    %broadcast_in_dim3A = vector.shape_cast %get3A_12 : vector<128xf32> to vector<1x128xf32>
    %add3A = vector.broadcast %broadcast_in_dim3A : vector<1x128xf32> to vector<1024x128xf32>
    %add3A_13 = arith.addf %dot_general3A_8, %add3A : vector<1024x128xf32>
    %swap3A = arith.constant 0 : index
    %swap3A_14 = arith.constant 0 : index
    %swap3A_15 = vector.load %arg5[%swap3A, %swap3A_14] : memref<5120x128xf32, #tpu.memory_space<vmem>>, vector<1024x128xf32>
    tpu.vector_store %arg5[%swap3A, %swap3A_14], %add3A_13 {strides = array<i32>} : memref<5120x128xf32, #tpu.memory_space<vmem>>, vector<1024x128xf32>,
    %get3A_16 = arith.constant 2048 : index
    %get3A_17 = arith.constant 0 : index
    %get3A_18 = vector.load %arg1[%get3A_16, %get3A_17] : memref<10240x128xf32, #tpu.memory_space<vmem>>, vector<1024x128xf32>
    %get3A_19 = arith.constant 3072 : index
    %get3A_20 = arith.constant 0 : index
    %get3A_21 = vector.load %arg1[%get3A_19, %get3A_20] : memref<10240x128xf32, #tpu.memory_space<vmem>>, vector<1024x128xf32>
    %concatenate3A_22 = tpu.concatenate %get3A_18, %get3A_21 in 1 : vector<1024x128xf32>, vector<1024x128xf32> -> vector<1024x256xf32>
    %get3A_23 = arith.constant 0 : index
    %get3A_24 = arith.constant 0 : index
    %get3A_25 = vector.load %arg2[%get3A_23, %get3A_24] : memref<256x128xf32, #tpu.memory_space<vmem>>, vector<256x128xf32>
    %dot_general3A_26 = arith.constant dense<0.000000e+00> : vector<1024x128xf32>
    %dot_general3A_27 = tpu.matmul %concatenate3A_22, %get3A_25, %dot_general3A_26 {dimension_numbers = #tpu.dot_dimension_numbers<[1], [0], [0], [1], [0, 0, 1, 1], [], []>, transpose_lhs_hint = false} : vector<1024x256xf32>, vector<256x128xf32>, vector<1024x128xf32> -> vector<1024x128xf32>
    %get3A_28 = arith.constant 0 : index
    %get3A_29 = arith.constant 0 : index
    %get3A_30 = vector.load %arg3[%get3A_28, %get3A_29] : memref<1x128xf32, #tpu.memory_space<vmem>>, vector<1x128xf32>
    %get3A_31 = vector.shape_cast %get3A_30 : vector<1x128xf32> to vector<128xf32>
    %broadcast_in_dim3A_32 = vector.shape_cast %get3A_31 : vector<128xf32> to vector<1x128xf32>
    %add3A_33 = vector.broadcast %broadcast_in_dim3A_32 : vector<1x128xf32> to vector<1024x128xf32>
    %add3A_34 = arith.addf %dot_general3A_27, %add3A_33 : vector<1024x128xf32>
    %swap3A_35 = arith.constant 1024 : index
    %swap3A_36 = arith.constant 0 : index
    %swap3A_37 = vector.load %arg5[%swap3A_35, %swap3A_36] : memref<5120x128xf32, #tpu.memory_space<vmem>>, vector<1024x128xf32>
    tpu.vector_store %arg5[%swap3A_35, %swap3A_36], %add3A_34 {strides = array<i32>} : memref<5120x128xf32, #tpu.memory_space<vmem>>, vector<1024x128xf32>,
    %get3A_38 = arith.constant 4096 : index
    %get3A_39 = arith.constant 0 : index
    %get3A_40 = vector.load %arg1[%get3A_38, %get3A_39] : memref<10240x128xf32, #tpu.memory_space<vmem>>, vector<1024x128xf32>
    %get3A_41 = arith.constant 5120 : index
    %get3A_42 = arith.constant 0 : index
    %get3A_43 = vector.load %arg1[%get3A_41, %get3A_42] : memref<10240x128xf32, #tpu.memory_space<vmem>>, vector<1024x128xf32>
    %concatenate3A_44 = tpu.concatenate %get3A_40, %get3A_43 in 1 : vector<1024x128xf32>, vector<1024x128xf32> -> vector<1024x256xf32>
    %get3A_45 = arith.constant 0 : index
    %get3A_46 = arith.constant 0 : index
    %get3A_47 = vector.load %arg2[%get3A_45, %get3A_46] : memref<256x128xf32, #tpu.memory_space<vmem>>, vector<256x128xf32>
    %dot_general3A_48 = arith.constant dense<0.000000e+00> : vector<1024x128xf32>
    %dot_general3A_49 = tpu.matmul %concatenate3A_44, %get3A_47, %dot_general3A_48 {dimension_numbers = #tpu.dot_dimension_numbers<[1], [0], [0], [1], [0, 0, 1, 1], [], []>, transpose_lhs_hint = false} : vector<1024x256xf32>, vector<256x128xf32>, vector<1024x128xf32> -> vector<1024x128xf32>
    %get3A_50 = arith.constant 0 : index
    %get3A_51 = arith.constant 0 : index
    %get3A_52 = vector.load %arg3[%get3A_50, %get3A_51] : memref<1x128xf32, #tpu.memory_space<vmem>>, vector<1x128xf32>
    %get3A_53 = vector.shape_cast %get3A_52 : vector<1x128xf32> to vector<128xf32>
    %broadcast_in_dim3A_54 = vector.shape_cast %get3A_53 : vector<128xf32> to vector<1x128xf32>
    %add3A_55 = vector.broadcast %broadcast_in_dim3A_54 : vector<1x128xf32> to vector<1024x128xf32>
    %add3A_56 = arith.addf %dot_general3A_49, %add3A_55 : vector<1024x128xf32>
    %swap3A_57 = arith.constant 2048 : index
    %swap3A_58 = arith.constant 0 : index
    %swap3A_59 = vector.load %arg5[%swap3A_57, %swap3A_58] : memref<5120x128xf32, #tpu.memory_space<vmem>>, vector<1024x128xf32>
    tpu.vector_store %arg5[%swap3A_57, %swap3A_58], %add3A_56 {strides = array<i32>} : memref<5120x128xf32, #tpu.memory_space<vmem>>, vector<1024x128xf32>,
    %get3A_60 = arith.constant 6144 : index
    %get3A_61 = arith.constant 0 : index
    %get3A_62 = vector.load %arg1[%get3A_60, %get3A_61] : memref<10240x128xf32, #tpu.memory_space<vmem>>, vector<1024x128xf32>
    %get3A_63 = arith.constant 7168 : index
    %get3A_64 = arith.constant 0 : index
    %get3A_65 = vector.load %arg1[%get3A_63, %get3A_64] : memref<10240x128xf32, #tpu.memory_space<vmem>>, vector<1024x128xf32>
    %concatenate3A_66 = tpu.concatenate %get3A_62, %get3A_65 in 1 : vector<1024x128xf32>, vector<1024x128xf32> -> vector<1024x256xf32>
    %get3A_67 = arith.constant 0 : index
    %get3A_68 = arith.constant 0 : index
    %get3A_69 = vector.load %arg2[%get3A_67, %get3A_68] : memref<256x128xf32, #tpu.memory_space<vmem>>, vector<256x128xf32>
    %dot_general3A_70 = arith.constant dense<0.000000e+00> : vector<1024x128xf32>
    %dot_general3A_71 = tpu.matmul %concatenate3A_66, %get3A_69, %dot_general3A_70 {dimension_numbers = #tpu.dot_dimension_numbers<[1], [0], [0], [1], [0, 0, 1, 1], [], []>, transpose_lhs_hint = false} : vector<1024x256xf32>, vector<256x128xf32>, vector<1024x128xf32> -> vector<1024x128xf32>
    %get3A_72 = arith.constant 0 : index
    %get3A_73 = arith.constant 0 : index
    %get3A_74 = vector.load %arg3[%get3A_72, %get3A_73] : memref<1x128xf32, #tpu.memory_space<vmem>>, vector<1x128xf32>
    %get3A_75 = vector.shape_cast %get3A_74 : vector<1x128xf32> to vector<128xf32>
    %broadcast_in_dim3A_76 = vector.shape_cast %get3A_75 : vector<128xf32> to vector<1x128xf32>
    %add3A_77 = vector.broadcast %broadcast_in_dim3A_76 : vector<1x128xf32> to vector<1024x128xf32>
    %add3A_78 = arith.addf %dot_general3A_71, %add3A_77 : vector<1024x128xf32>
    %swap3A_79 = arith.constant 3072 : index
    %swap3A_80 = arith.constant 0 : index
    %swap3A_81 = vector.load %arg5[%swap3A_79, %swap3A_80] : memref<5120x128xf32, #tpu.memory_space<vmem>>, vector<1024x128xf32>
    tpu.vector_store %arg5[%swap3A_79, %swap3A_80], %add3A_78 {strides = array<i32>} : memref<5120x128xf32, #tpu.memory_space<vmem>>, vector<1024x128xf32>,
    %get3A_82 = arith.constant 8192 : index
    %get3A_83 = arith.constant 0 : index
    %get3A_84 = vector.load %arg1[%get3A_82, %get3A_83] : memref<10240x128xf32, #tpu.memory_space<vmem>>, vector<1024x128xf32>
    %get3A_85 = arith.constant 9216 : index
    %get3A_86 = arith.constant 0 : index
    %get3A_87 = vector.load %arg1[%get3A_85, %get3A_86] : memref<10240x128xf32, #tpu.memory_space<vmem>>, vector<1024x128xf32>
    %concatenate3A_88 = tpu.concatenate %get3A_84, %get3A_87 in 1 : vector<1024x128xf32>, vector<1024x128xf32> -> vector<1024x256xf32>
    %get3A_89 = arith.constant 0 : index
    %get3A_90 = arith.constant 0 : index
    %get3A_91 = vector.load %arg2[%get3A_89, %get3A_90] : memref<256x128xf32, #tpu.memory_space<vmem>>, vector<256x128xf32>
    %dot_general3A_92 = arith.constant dense<0.000000e+00> : vector<1024x128xf32>
    %dot_general3A_93 = tpu.matmul %concatenate3A_88, %get3A_91, %dot_general3A_92 {dimension_numbers = #tpu.dot_dimension_numbers<[1], [0], [0], [1], [0, 0, 1, 1], [], []>, transpose_lhs_hint = false} : vector<1024x256xf32>, vector<256x128xf32>, vector<1024x128xf32> -> vector<1024x128xf32>
    %get3A_94 = arith.constant 0 : index
    %get3A_95 = arith.constant 0 : index
    %get3A_96 = vector.load %arg3[%get3A_94, %get3A_95] : memref<1x128xf32, #tpu.memory_space<vmem>>, vector<1x128xf32>
    %get3A_97 = vector.shape_cast %get3A_96 : vector<1x128xf32> to vector<128xf32>
    %broadcast_in_dim3A_98 = vector.shape_cast %get3A_97 : vector<128xf32> to vector<1x128xf32>
    %add3A_99 = vector.broadcast %broadcast_in_dim3A_98 : vector<1x128xf32> to vector<1024x128xf32>
    %add3A_100 = arith.addf %dot_general3A_93, %add3A_99 : vector<1024x128xf32>
    %swap3A_101 = arith.constant 4096 : index
    %swap3A_102 = arith.constant 0 : index
    %swap3A_103 = vector.load %arg5[%swap3A_101, %swap3A_102] : memref<5120x128xf32, #tpu.memory_space<vmem>>, vector<1024x128xf32>
    tpu.vector_store %arg5[%swap3A_101, %swap3A_102], %add3A_100 {strides = array<i32>} : memref<5120x128xf32, #tpu.memory_space<vmem>>, vector<1024x128xf32>,
    return
  }
  func.func @transform_0(%arg0: i32) -> (i32, i32) {
    %c0_i32 = arith.constant 0 : i32
    %c0_i32_0 = arith.constant 0 : i32
    return %arg0, %c0_i32 : i32, i32
  }
  func.func @transform_1(%arg0: i32) -> (i32, i32) {
    %c0_i32 = arith.constant 0 : i32
    %c0_i32_0 = arith.constant 0 : i32
    %c0_i32_1 = arith.constant 0 : i32
    return %c0_i32, %c0_i32_0 : i32, i32
  }
  func.func @transform_2(%arg0: i32) -> (i32, i32) {
    %c0_i32 = arith.constant 0 : i32
    %c0_i32_0 = arith.constant 0 : i32
    %c0_i32_1 = arith.constant 0 : i32
    return %c0_i32, %c0_i32_0 : i32, i32
  }
  func.func @transform_4(%arg0: i32) -> (i32, i32) {
    %add3A = arith.constant 16 : i32
    %add3A_0 = arith.addi %add3A, %arg0 : i32
    %c0_i32 = arith.constant 0 : i32
    %c0_i32_1 = arith.constant 0 : i32
    return %add3A_0, %c0_i32 : i32, i32
  }
}

module attributes {stable_mosaic.version = 14 : i64} {
  func.func @_mm_body_chained(%arg0: i32, %arg1: memref<10240x128xf32, #tpu.memory_space<vmem>>, %arg2: memref<256x128xf32, #tpu.memory_space<vmem>>, %arg3: memref<1x128xf32, #tpu.memory_space<vmem>>, %arg4: memref<204800x128xf32, #tpu.memory_space<any>>, %arg5: memref<5120x128xf32, #tpu.memory_space<vmem>>) attributes {dimension_semantics = [#tpu.dimension_semantics<arbitrary>], iteration_bounds = array<i64: 8>, scalar_prefetch = 0 : i64, scratch_operands = 0 : i64, tpu.core_type = #tpu.core_type<tc>, window_params = [{transform_indices = @transform_0, window_bounds = array<i64: 10240, 128>}, {pipeline_mode = #tpu.pipeline_mode<synchronous>, transform_indices = @transform_1, window_bounds = array<i64: 256, 128>}, {pipeline_mode = #tpu.pipeline_mode<synchronous>, transform_indices = @transform_2, window_bounds = array<i64: 1, 128>}, {}, {transform_indices = @transform_4, window_bounds = array<i64: 5120, 128>}]} {
    %get3A = arith.constant 0 : index
    %get3A_0 = arith.constant 0 : index
    %get3A_1 = vector.load %arg1[%get3A, %get3A_0] : memref<10240x128xf32, #tpu.memory_space<vmem>>, vector<1024x128xf32>
    %get3A_2 = arith.constant 1024 : index
    %get3A_3 = arith.constant 0 : index
    %get3A_4 = vector.load %arg1[%get3A_2, %get3A_3] : memref<10240x128xf32, #tpu.memory_space<vmem>>, vector<1024x128xf32>
    %concatenate3A = tpu.concatenate %get3A_1, %get3A_4 in 1 : vector<1024x128xf32>, vector<1024x128xf32> -> vector<1024x256xf32>
    %get3A_5 = arith.constant 0 : index
    %get3A_6 = arith.constant 0 : index
    %get3A_7 = vector.load %arg2[%get3A_5, %get3A_6] : memref<256x128xf32, #tpu.memory_space<vmem>>, vector<256x128xf32>
    %dot_general3A = arith.constant dense<0.000000e+00> : vector<1024x128xf32>
    %dot_general3A_8 = tpu.matmul %concatenate3A, %get3A_7, %dot_general3A {dimension_numbers = #tpu.dot_dimension_numbers<[1], [0], [0], [1], [0, 0, 1, 1], [], []>, transpose_lhs_hint = false} : vector<1024x256xf32>, vector<256x128xf32>, vector<1024x128xf32> -> vector<1024x128xf32>
    %get3A_9 = arith.constant 0 : index
    %get3A_10 = arith.constant 0 : index
    %get3A_11 = vector.load %arg3[%get3A_9, %get3A_10] : memref<1x128xf32, #tpu.memory_space<vmem>>, vector<1x128xf32>
    %get3A_12 = vector.shape_cast %get3A_11 : vector<1x128xf32> to vector<128xf32>
    %broadcast_in_dim3A = vector.shape_cast %get3A_12 : vector<128xf32> to vector<1x128xf32>
    %add3A = vector.broadcast %broadcast_in_dim3A : vector<1x128xf32> to vector<1024x128xf32>
    %add3A_13 = arith.addf %dot_general3A_8, %add3A : vector<1024x128xf32>
    %swap3A = arith.constant 0 : index
    %swap3A_14 = arith.constant 0 : index
    %swap3A_15 = vector.load %arg5[%swap3A, %swap3A_14] : memref<5120x128xf32, #tpu.memory_space<vmem>>, vector<1024x128xf32>
    tpu.vector_store %arg5[%swap3A, %swap3A_14], %add3A_13 {strides = array<i32>} : memref<5120x128xf32, #tpu.memory_space<vmem>>, vector<1024x128xf32>,
    %get3A_16 = arith.constant 2048 : index
    %get3A_17 = arith.constant 0 : index
    %get3A_18 = vector.load %arg1[%get3A_16, %get3A_17] : memref<10240x128xf32, #tpu.memory_space<vmem>>, vector<1024x128xf32>
    %get3A_19 = arith.constant 3072 : index
    %get3A_20 = arith.constant 0 : index
    %get3A_21 = vector.load %arg1[%get3A_19, %get3A_20] : memref<10240x128xf32, #tpu.memory_space<vmem>>, vector<1024x128xf32>
    %concatenate3A_22 = tpu.concatenate %get3A_18, %get3A_21 in 1 : vector<1024x128xf32>, vector<1024x128xf32> -> vector<1024x256xf32>
    %get3A_23 = arith.constant 0 : index
    %get3A_24 = arith.constant 0 : index
    %get3A_25 = vector.load %arg2[%get3A_23, %get3A_24] : memref<256x128xf32, #tpu.memory_space<vmem>>, vector<256x128xf32>
    %dot_general3A_26 = arith.constant dense<0.000000e+00> : vector<1024x128xf32>
    %dot_general3A_27 = tpu.matmul %concatenate3A_22, %get3A_25, %dot_general3A_26 {dimension_numbers = #tpu.dot_dimension_numbers<[1], [0], [0], [1], [0, 0, 1, 1], [], []>, transpose_lhs_hint = false} : vector<1024x256xf32>, vector<256x128xf32>, vector<1024x128xf32> -> vector<1024x128xf32>
    %get3A_28 = arith.constant 0 : index
    %get3A_29 = arith.constant 0 : index
    %get3A_30 = vector.load %arg3[%get3A_28, %get3A_29] : memref<1x128xf32, #tpu.memory_space<vmem>>, vector<1x128xf32>
    %get3A_31 = vector.shape_cast %get3A_30 : vector<1x128xf32> to vector<128xf32>
    %broadcast_in_dim3A_32 = vector.shape_cast %get3A_31 : vector<128xf32> to vector<1x128xf32>
    %add3A_33 = vector.broadcast %broadcast_in_dim3A_32 : vector<1x128xf32> to vector<1024x128xf32>
    %add3A_34 = arith.addf %dot_general3A_27, %add3A_33 : vector<1024x128xf32>
    %swap3A_35 = arith.constant 1024 : index
    %swap3A_36 = arith.constant 0 : index
    %swap3A_37 = vector.load %arg5[%swap3A_35, %swap3A_36] : memref<5120x128xf32, #tpu.memory_space<vmem>>, vector<1024x128xf32>
    tpu.vector_store %arg5[%swap3A_35, %swap3A_36], %add3A_34 {strides = array<i32>} : memref<5120x128xf32, #tpu.memory_space<vmem>>, vector<1024x128xf32>,
    %get3A_38 = arith.constant 4096 : index
    %get3A_39 = arith.constant 0 : index
    %get3A_40 = vector.load %arg1[%get3A_38, %get3A_39] : memref<10240x128xf32, #tpu.memory_space<vmem>>, vector<1024x128xf32>
    %get3A_41 = arith.constant 5120 : index
    %get3A_42 = arith.constant 0 : index
    %get3A_43 = vector.load %arg1[%get3A_41, %get3A_42] : memref<10240x128xf32, #tpu.memory_space<vmem>>, vector<1024x128xf32>
    %concatenate3A_44 = tpu.concatenate %get3A_40, %get3A_43 in 1 : vector<1024x128xf32>, vector<1024x128xf32> -> vector<1024x256xf32>
    %get3A_45 = arith.constant 0 : index
    %get3A_46 = arith.constant 0 : index
    %get3A_47 = vector.load %arg2[%get3A_45, %get3A_46] : memref<256x128xf32, #tpu.memory_space<vmem>>, vector<256x128xf32>
    %dot_general3A_48 = arith.constant dense<0.000000e+00> : vector<1024x128xf32>
    %dot_general3A_49 = tpu.matmul %concatenate3A_44, %get3A_47, %dot_general3A_48 {dimension_numbers = #tpu.dot_dimension_numbers<[1], [0], [0], [1], [0, 0, 1, 1], [], []>, transpose_lhs_hint = false} : vector<1024x256xf32>, vector<256x128xf32>, vector<1024x128xf32> -> vector<1024x128xf32>
    %get3A_50 = arith.constant 0 : index
    %get3A_51 = arith.constant 0 : index
    %get3A_52 = vector.load %arg3[%get3A_50, %get3A_51] : memref<1x128xf32, #tpu.memory_space<vmem>>, vector<1x128xf32>
    %get3A_53 = vector.shape_cast %get3A_52 : vector<1x128xf32> to vector<128xf32>
    %broadcast_in_dim3A_54 = vector.shape_cast %get3A_53 : vector<128xf32> to vector<1x128xf32>
    %add3A_55 = vector.broadcast %broadcast_in_dim3A_54 : vector<1x128xf32> to vector<1024x128xf32>
    %add3A_56 = arith.addf %dot_general3A_49, %add3A_55 : vector<1024x128xf32>
    %swap3A_57 = arith.constant 2048 : index
    %swap3A_58 = arith.constant 0 : index
    %swap3A_59 = vector.load %arg5[%swap3A_57, %swap3A_58] : memref<5120x128xf32, #tpu.memory_space<vmem>>, vector<1024x128xf32>
    tpu.vector_store %arg5[%swap3A_57, %swap3A_58], %add3A_56 {strides = array<i32>} : memref<5120x128xf32, #tpu.memory_space<vmem>>, vector<1024x128xf32>,
    %get3A_60 = arith.constant 6144 : index
    %get3A_61 = arith.constant 0 : index
    %get3A_62 = vector.load %arg1[%get3A_60, %get3A_61] : memref<10240x128xf32, #tpu.memory_space<vmem>>, vector<1024x128xf32>
    %get3A_63 = arith.constant 7168 : index
    %get3A_64 = arith.constant 0 : index
    %get3A_65 = vector.load %arg1[%get3A_63, %get3A_64] : memref<10240x128xf32, #tpu.memory_space<vmem>>, vector<1024x128xf32>
    %concatenate3A_66 = tpu.concatenate %get3A_62, %get3A_65 in 1 : vector<1024x128xf32>, vector<1024x128xf32> -> vector<1024x256xf32>
    %get3A_67 = arith.constant 0 : index
    %get3A_68 = arith.constant 0 : index
    %get3A_69 = vector.load %arg2[%get3A_67, %get3A_68] : memref<256x128xf32, #tpu.memory_space<vmem>>, vector<256x128xf32>
    %dot_general3A_70 = arith.constant dense<0.000000e+00> : vector<1024x128xf32>
    %dot_general3A_71 = tpu.matmul %concatenate3A_66, %get3A_69, %dot_general3A_70 {dimension_numbers = #tpu.dot_dimension_numbers<[1], [0], [0], [1], [0, 0, 1, 1], [], []>, transpose_lhs_hint = false} : vector<1024x256xf32>, vector<256x128xf32>, vector<1024x128xf32> -> vector<1024x128xf32>
    %get3A_72 = arith.constant 0 : index
    %get3A_73 = arith.constant 0 : index
    %get3A_74 = vector.load %arg3[%get3A_72, %get3A_73] : memref<1x128xf32, #tpu.memory_space<vmem>>, vector<1x128xf32>
    %get3A_75 = vector.shape_cast %get3A_74 : vector<1x128xf32> to vector<128xf32>
    %broadcast_in_dim3A_76 = vector.shape_cast %get3A_75 : vector<128xf32> to vector<1x128xf32>
    %add3A_77 = vector.broadcast %broadcast_in_dim3A_76 : vector<1x128xf32> to vector<1024x128xf32>
    %add3A_78 = arith.addf %dot_general3A_71, %add3A_77 : vector<1024x128xf32>
    %swap3A_79 = arith.constant 3072 : index
    %swap3A_80 = arith.constant 0 : index
    %swap3A_81 = vector.load %arg5[%swap3A_79, %swap3A_80] : memref<5120x128xf32, #tpu.memory_space<vmem>>, vector<1024x128xf32>
    tpu.vector_store %arg5[%swap3A_79, %swap3A_80], %add3A_78 {strides = array<i32>} : memref<5120x128xf32, #tpu.memory_space<vmem>>, vector<1024x128xf32>,
    %get3A_82 = arith.constant 8192 : index
    %get3A_83 = arith.constant 0 : index
    %get3A_84 = vector.load %arg1[%get3A_82, %get3A_83] : memref<10240x128xf32, #tpu.memory_space<vmem>>, vector<1024x128xf32>
    %get3A_85 = arith.constant 9216 : index
    %get3A_86 = arith.constant 0 : index
    %get3A_87 = vector.load %arg1[%get3A_85, %get3A_86] : memref<10240x128xf32, #tpu.memory_space<vmem>>, vector<1024x128xf32>
    %concatenate3A_88 = tpu.concatenate %get3A_84, %get3A_87 in 1 : vector<1024x128xf32>, vector<1024x128xf32> -> vector<1024x256xf32>
    %get3A_89 = arith.constant 0 : index
    %get3A_90 = arith.constant 0 : index
    %get3A_91 = vector.load %arg2[%get3A_89, %get3A_90] : memref<256x128xf32, #tpu.memory_space<vmem>>, vector<256x128xf32>
    %dot_general3A_92 = arith.constant dense<0.000000e+00> : vector<1024x128xf32>
    %dot_general3A_93 = tpu.matmul %concatenate3A_88, %get3A_91, %dot_general3A_92 {dimension_numbers = #tpu.dot_dimension_numbers<[1], [0], [0], [1], [0, 0, 1, 1], [], []>, transpose_lhs_hint = false} : vector<1024x256xf32>, vector<256x128xf32>, vector<1024x128xf32> -> vector<1024x128xf32>
    %get3A_94 = arith.constant 0 : index
    %get3A_95 = arith.constant 0 : index
    %get3A_96 = vector.load %arg3[%get3A_94, %get3A_95] : memref<1x128xf32, #tpu.memory_space<vmem>>, vector<1x128xf32>
    %get3A_97 = vector.shape_cast %get3A_96 : vector<1x128xf32> to vector<128xf32>
    %broadcast_in_dim3A_98 = vector.shape_cast %get3A_97 : vector<128xf32> to vector<1x128xf32>
    %add3A_99 = vector.broadcast %broadcast_in_dim3A_98 : vector<1x128xf32> to vector<1024x128xf32>
    %add3A_100 = arith.addf %dot_general3A_93, %add3A_99 : vector<1024x128xf32>
    %swap3A_101 = arith.constant 4096 : index
    %swap3A_102 = arith.constant 0 : index
    %swap3A_103 = vector.load %arg5[%swap3A_101, %swap3A_102] : memref<5120x128xf32, #tpu.memory_space<vmem>>, vector<1024x128xf32>
    tpu.vector_store %arg5[%swap3A_101, %swap3A_102], %add3A_100 {strides = array<i32>} : memref<5120x128xf32, #tpu.memory_space<vmem>>, vector<1024x128xf32>,
    return
  }
  func.func @transform_0(%arg0: i32) -> (i32, i32) {
    %c0_i32 = arith.constant 0 : i32
    %c0_i32_0 = arith.constant 0 : i32
    return %arg0, %c0_i32 : i32, i32
  }
  func.func @transform_1(%arg0: i32) -> (i32, i32) {
    %c0_i32 = arith.constant 0 : i32
    %c0_i32_0 = arith.constant 0 : i32
    %c0_i32_1 = arith.constant 0 : i32
    return %c0_i32, %c0_i32_0 : i32, i32
  }
  func.func @transform_2(%arg0: i32) -> (i32, i32) {
    %c0_i32 = arith.constant 0 : i32
    %c0_i32_0 = arith.constant 0 : i32
    %c0_i32_1 = arith.constant 0 : i32
    return %c0_i32, %c0_i32_0 : i32, i32
  }
  func.func @transform_4(%arg0: i32) -> (i32, i32) {
    %add3A = arith.constant 24 : i32
    %add3A_0 = arith.addi %add3A, %arg0 : i32
    %c0_i32 = arith.constant 0 : i32
    %c0_i32_1 = arith.constant 0 : i32
    return %add3A_0, %c0_i32 : i32, i32
  }
}

module attributes {stable_mosaic.version = 14 : i64} {
  func.func @_mm_body_chained(%arg0: i32, %arg1: memref<10240x128xf32, #tpu.memory_space<vmem>>, %arg2: memref<256x128xf32, #tpu.memory_space<vmem>>, %arg3: memref<1x128xf32, #tpu.memory_space<vmem>>, %arg4: memref<204800x128xf32, #tpu.memory_space<any>>, %arg5: memref<5120x128xf32, #tpu.memory_space<vmem>>) attributes {dimension_semantics = [#tpu.dimension_semantics<arbitrary>], iteration_bounds = array<i64: 8>, scalar_prefetch = 0 : i64, scratch_operands = 0 : i64, tpu.core_type = #tpu.core_type<tc>, window_params = [{transform_indices = @transform_0, window_bounds = array<i64: 10240, 128>}, {pipeline_mode = #tpu.pipeline_mode<synchronous>, transform_indices = @transform_1, window_bounds = array<i64: 256, 128>}, {pipeline_mode = #tpu.pipeline_mode<synchronous>, transform_indices = @transform_2, window_bounds = array<i64: 1, 128>}, {}, {transform_indices = @transform_4, window_bounds = array<i64: 5120, 128>}]} {
    %get3A = arith.constant 0 : index
    %get3A_0 = arith.constant 0 : index
    %get3A_1 = vector.load %arg1[%get3A, %get3A_0] : memref<10240x128xf32, #tpu.memory_space<vmem>>, vector<1024x128xf32>
    %get3A_2 = arith.constant 1024 : index
    %get3A_3 = arith.constant 0 : index
    %get3A_4 = vector.load %arg1[%get3A_2, %get3A_3] : memref<10240x128xf32, #tpu.memory_space<vmem>>, vector<1024x128xf32>
    %concatenate3A = tpu.concatenate %get3A_1, %get3A_4 in 1 : vector<1024x128xf32>, vector<1024x128xf32> -> vector<1024x256xf32>
    %get3A_5 = arith.constant 0 : index
    %get3A_6 = arith.constant 0 : index
    %get3A_7 = vector.load %arg2[%get3A_5, %get3A_6] : memref<256x128xf32, #tpu.memory_space<vmem>>, vector<256x128xf32>
    %dot_general3A = arith.constant dense<0.000000e+00> : vector<1024x128xf32>
    %dot_general3A_8 = tpu.matmul %concatenate3A, %get3A_7, %dot_general3A {dimension_numbers = #tpu.dot_dimension_numbers<[1], [0], [0], [1], [0, 0, 1, 1], [], []>, transpose_lhs_hint = false} : vector<1024x256xf32>, vector<256x128xf32>, vector<1024x128xf32> -> vector<1024x128xf32>
    %get3A_9 = arith.constant 0 : index
    %get3A_10 = arith.constant 0 : index
    %get3A_11 = vector.load %arg3[%get3A_9, %get3A_10] : memref<1x128xf32, #tpu.memory_space<vmem>>, vector<1x128xf32>
    %get3A_12 = vector.shape_cast %get3A_11 : vector<1x128xf32> to vector<128xf32>
    %broadcast_in_dim3A = vector.shape_cast %get3A_12 : vector<128xf32> to vector<1x128xf32>
    %add3A = vector.broadcast %broadcast_in_dim3A : vector<1x128xf32> to vector<1024x128xf32>
    %add3A_13 = arith.addf %dot_general3A_8, %add3A : vector<1024x128xf32>
    %swap3A = arith.constant 0 : index
    %swap3A_14 = arith.constant 0 : index
    %swap3A_15 = vector.load %arg5[%swap3A, %swap3A_14] : memref<5120x128xf32, #tpu.memory_space<vmem>>, vector<1024x128xf32>
    tpu.vector_store %arg5[%swap3A, %swap3A_14], %add3A_13 {strides = array<i32>} : memref<5120x128xf32, #tpu.memory_space<vmem>>, vector<1024x128xf32>,
    %get3A_16 = arith.constant 2048 : index
    %get3A_17 = arith.constant 0 : index
    %get3A_18 = vector.load %arg1[%get3A_16, %get3A_17] : memref<10240x128xf32, #tpu.memory_space<vmem>>, vector<1024x128xf32>
    %get3A_19 = arith.constant 3072 : index
    %get3A_20 = arith.constant 0 : index
    %get3A_21 = vector.load %arg1[%get3A_19, %get3A_20] : memref<10240x128xf32, #tpu.memory_space<vmem>>, vector<1024x128xf32>
    %concatenate3A_22 = tpu.concatenate %get3A_18, %get3A_21 in 1 : vector<1024x128xf32>, vector<1024x128xf32> -> vector<1024x256xf32>
    %get3A_23 = arith.constant 0 : index
    %get3A_24 = arith.constant 0 : index
    %get3A_25 = vector.load %arg2[%get3A_23, %get3A_24] : memref<256x128xf32, #tpu.memory_space<vmem>>, vector<256x128xf32>
    %dot_general3A_26 = arith.constant dense<0.000000e+00> : vector<1024x128xf32>
    %dot_general3A_27 = tpu.matmul %concatenate3A_22, %get3A_25, %dot_general3A_26 {dimension_numbers = #tpu.dot_dimension_numbers<[1], [0], [0], [1], [0, 0, 1, 1], [], []>, transpose_lhs_hint = false} : vector<1024x256xf32>, vector<256x128xf32>, vector<1024x128xf32> -> vector<1024x128xf32>
    %get3A_28 = arith.constant 0 : index
    %get3A_29 = arith.constant 0 : index
    %get3A_30 = vector.load %arg3[%get3A_28, %get3A_29] : memref<1x128xf32, #tpu.memory_space<vmem>>, vector<1x128xf32>
    %get3A_31 = vector.shape_cast %get3A_30 : vector<1x128xf32> to vector<128xf32>
    %broadcast_in_dim3A_32 = vector.shape_cast %get3A_31 : vector<128xf32> to vector<1x128xf32>
    %add3A_33 = vector.broadcast %broadcast_in_dim3A_32 : vector<1x128xf32> to vector<1024x128xf32>
    %add3A_34 = arith.addf %dot_general3A_27, %add3A_33 : vector<1024x128xf32>
    %swap3A_35 = arith.constant 1024 : index
    %swap3A_36 = arith.constant 0 : index
    %swap3A_37 = vector.load %arg5[%swap3A_35, %swap3A_36] : memref<5120x128xf32, #tpu.memory_space<vmem>>, vector<1024x128xf32>
    tpu.vector_store %arg5[%swap3A_35, %swap3A_36], %add3A_34 {strides = array<i32>} : memref<5120x128xf32, #tpu.memory_space<vmem>>, vector<1024x128xf32>,
    %get3A_38 = arith.constant 4096 : index
    %get3A_39 = arith.constant 0 : index
    %get3A_40 = vector.load %arg1[%get3A_38, %get3A_39] : memref<10240x128xf32, #tpu.memory_space<vmem>>, vector<1024x128xf32>
    %get3A_41 = arith.constant 5120 : index
    %get3A_42 = arith.constant 0 : index
    %get3A_43 = vector.load %arg1[%get3A_41, %get3A_42] : memref<10240x128xf32, #tpu.memory_space<vmem>>, vector<1024x128xf32>
    %concatenate3A_44 = tpu.concatenate %get3A_40, %get3A_43 in 1 : vector<1024x128xf32>, vector<1024x128xf32> -> vector<1024x256xf32>
    %get3A_45 = arith.constant 0 : index
    %get3A_46 = arith.constant 0 : index
    %get3A_47 = vector.load %arg2[%get3A_45, %get3A_46] : memref<256x128xf32, #tpu.memory_space<vmem>>, vector<256x128xf32>
    %dot_general3A_48 = arith.constant dense<0.000000e+00> : vector<1024x128xf32>
    %dot_general3A_49 = tpu.matmul %concatenate3A_44, %get3A_47, %dot_general3A_48 {dimension_numbers = #tpu.dot_dimension_numbers<[1], [0], [0], [1], [0, 0, 1, 1], [], []>, transpose_lhs_hint = false} : vector<1024x256xf32>, vector<256x128xf32>, vector<1024x128xf32> -> vector<1024x128xf32>
    %get3A_50 = arith.constant 0 : index
    %get3A_51 = arith.constant 0 : index
    %get3A_52 = vector.load %arg3[%get3A_50, %get3A_51] : memref<1x128xf32, #tpu.memory_space<vmem>>, vector<1x128xf32>
    %get3A_53 = vector.shape_cast %get3A_52 : vector<1x128xf32> to vector<128xf32>
    %broadcast_in_dim3A_54 = vector.shape_cast %get3A_53 : vector<128xf32> to vector<1x128xf32>
    %add3A_55 = vector.broadcast %broadcast_in_dim3A_54 : vector<1x128xf32> to vector<1024x128xf32>
    %add3A_56 = arith.addf %dot_general3A_49, %add3A_55 : vector<1024x128xf32>
    %swap3A_57 = arith.constant 2048 : index
    %swap3A_58 = arith.constant 0 : index
    %swap3A_59 = vector.load %arg5[%swap3A_57, %swap3A_58] : memref<5120x128xf32, #tpu.memory_space<vmem>>, vector<1024x128xf32>
    tpu.vector_store %arg5[%swap3A_57, %swap3A_58], %add3A_56 {strides = array<i32>} : memref<5120x128xf32, #tpu.memory_space<vmem>>, vector<1024x128xf32>,
    %get3A_60 = arith.constant 6144 : index
    %get3A_61 = arith.constant 0 : index
    %get3A_62 = vector.load %arg1[%get3A_60, %get3A_61] : memref<10240x128xf32, #tpu.memory_space<vmem>>, vector<1024x128xf32>
    %get3A_63 = arith.constant 7168 : index
    %get3A_64 = arith.constant 0 : index
    %get3A_65 = vector.load %arg1[%get3A_63, %get3A_64] : memref<10240x128xf32, #tpu.memory_space<vmem>>, vector<1024x128xf32>
    %concatenate3A_66 = tpu.concatenate %get3A_62, %get3A_65 in 1 : vector<1024x128xf32>, vector<1024x128xf32> -> vector<1024x256xf32>
    %get3A_67 = arith.constant 0 : index
    %get3A_68 = arith.constant 0 : index
    %get3A_69 = vector.load %arg2[%get3A_67, %get3A_68] : memref<256x128xf32, #tpu.memory_space<vmem>>, vector<256x128xf32>
    %dot_general3A_70 = arith.constant dense<0.000000e+00> : vector<1024x128xf32>
    %dot_general3A_71 = tpu.matmul %concatenate3A_66, %get3A_69, %dot_general3A_70 {dimension_numbers = #tpu.dot_dimension_numbers<[1], [0], [0], [1], [0, 0, 1, 1], [], []>, transpose_lhs_hint = false} : vector<1024x256xf32>, vector<256x128xf32>, vector<1024x128xf32> -> vector<1024x128xf32>
    %get3A_72 = arith.constant 0 : index
    %get3A_73 = arith.constant 0 : index
    %get3A_74 = vector.load %arg3[%get3A_72, %get3A_73] : memref<1x128xf32, #tpu.memory_space<vmem>>, vector<1x128xf32>
    %get3A_75 = vector.shape_cast %get3A_74 : vector<1x128xf32> to vector<128xf32>
    %broadcast_in_dim3A_76 = vector.shape_cast %get3A_75 : vector<128xf32> to vector<1x128xf32>
    %add3A_77 = vector.broadcast %broadcast_in_dim3A_76 : vector<1x128xf32> to vector<1024x128xf32>
    %add3A_78 = arith.addf %dot_general3A_71, %add3A_77 : vector<1024x128xf32>
    %swap3A_79 = arith.constant 3072 : index
    %swap3A_80 = arith.constant 0 : index
    %swap3A_81 = vector.load %arg5[%swap3A_79, %swap3A_80] : memref<5120x128xf32, #tpu.memory_space<vmem>>, vector<1024x128xf32>
    tpu.vector_store %arg5[%swap3A_79, %swap3A_80], %add3A_78 {strides = array<i32>} : memref<5120x128xf32, #tpu.memory_space<vmem>>, vector<1024x128xf32>,
    %get3A_82 = arith.constant 8192 : index
    %get3A_83 = arith.constant 0 : index
    %get3A_84 = vector.load %arg1[%get3A_82, %get3A_83] : memref<10240x128xf32, #tpu.memory_space<vmem>>, vector<1024x128xf32>
    %get3A_85 = arith.constant 9216 : index
    %get3A_86 = arith.constant 0 : index
    %get3A_87 = vector.load %arg1[%get3A_85, %get3A_86] : memref<10240x128xf32, #tpu.memory_space<vmem>>, vector<1024x128xf32>
    %concatenate3A_88 = tpu.concatenate %get3A_84, %get3A_87 in 1 : vector<1024x128xf32>, vector<1024x128xf32> -> vector<1024x256xf32>
    %get3A_89 = arith.constant 0 : index
    %get3A_90 = arith.constant 0 : index
    %get3A_91 = vector.load %arg2[%get3A_89, %get3A_90] : memref<256x128xf32, #tpu.memory_space<vmem>>, vector<256x128xf32>
    %dot_general3A_92 = arith.constant dense<0.000000e+00> : vector<1024x128xf32>
    %dot_general3A_93 = tpu.matmul %concatenate3A_88, %get3A_91, %dot_general3A_92 {dimension_numbers = #tpu.dot_dimension_numbers<[1], [0], [0], [1], [0, 0, 1, 1], [], []>, transpose_lhs_hint = false} : vector<1024x256xf32>, vector<256x128xf32>, vector<1024x128xf32> -> vector<1024x128xf32>
    %get3A_94 = arith.constant 0 : index
    %get3A_95 = arith.constant 0 : index
    %get3A_96 = vector.load %arg3[%get3A_94, %get3A_95] : memref<1x128xf32, #tpu.memory_space<vmem>>, vector<1x128xf32>
    %get3A_97 = vector.shape_cast %get3A_96 : vector<1x128xf32> to vector<128xf32>
    %broadcast_in_dim3A_98 = vector.shape_cast %get3A_97 : vector<128xf32> to vector<1x128xf32>
    %add3A_99 = vector.broadcast %broadcast_in_dim3A_98 : vector<1x128xf32> to vector<1024x128xf32>
    %add3A_100 = arith.addf %dot_general3A_93, %add3A_99 : vector<1024x128xf32>
    %swap3A_101 = arith.constant 4096 : index
    %swap3A_102 = arith.constant 0 : index
    %swap3A_103 = vector.load %arg5[%swap3A_101, %swap3A_102] : memref<5120x128xf32, #tpu.memory_space<vmem>>, vector<1024x128xf32>
    tpu.vector_store %arg5[%swap3A_101, %swap3A_102], %add3A_100 {strides = array<i32>} : memref<5120x128xf32, #tpu.memory_space<vmem>>, vector<1024x128xf32>,
    return
  }
  func.func @transform_0(%arg0: i32) -> (i32, i32) {
    %c0_i32 = arith.constant 0 : i32
    %c0_i32_0 = arith.constant 0 : i32
    return %arg0, %c0_i32 : i32, i32
  }
  func.func @transform_1(%arg0: i32) -> (i32, i32) {
    %c0_i32 = arith.constant 0 : i32
    %c0_i32_0 = arith.constant 0 : i32
    %c0_i32_1 = arith.constant 0 : i32
    return %c0_i32, %c0_i32_0 : i32, i32
  }
  func.func @transform_2(%arg0: i32) -> (i32, i32) {
    %c0_i32 = arith.constant 0 : i32
    %c0_i32_0 = arith.constant 0 : i32
    %c0_i32_1 = arith.constant 0 : i32
    return %c0_i32, %c0_i32_0 : i32, i32
  }
  func.func @transform_4(%arg0: i32) -> (i32, i32) {
    %add3A = arith.constant 32 : i32
    %add3A_0 = arith.addi %add3A, %arg0 : i32
    %c0_i32 = arith.constant 0 : i32
    %c0_i32_1 = arith.constant 0 : i32
    return %add3A_0, %c0_i32 : i32, i32
  }
}

</mosaic_0001>

<sc_bundles>
// kernel: kernel.12.cloned.1.call-start
scs
__scs_entry_jumppad:
0x0: {  	(pc) =	sbr.rel $0x88, $3  }
0x1: {  	(tag) =	ssettag $0x0;
	lr =	simm.s32 $0x1  }
0x2: {  	[smem:$0x3F9D] =	sst lr;
	_ =	strace $0xD0000000  }
0x3: {  	_ = 	snop  }
0x4: {  	_ = 	snop  }
0x5: {  	_ = 	snop  }
0x6: {  	_ = 	snop  }
0x7: {  	_ = 	snop  }
__scs_overlays_trampoline_lowered:
0x8: {  	[smem:$0x3FAC] =	sst s0  }
0x9: {  	[smem:$0x3FAD] =	sst s1  }
0xa: {  	[smem:$0x3FAE] =	sst s2  }
0xb: {  	[smem:$0x3FAF] =	sst s3  }
0xc: {  	[smem:$0x3FB0] =	sst s4  }
0xd: {  	[smem:$0x3FB1] =	sst s5  }
0xe: {  	[smem:$0x3FB2] =	sst s6  }
0xf: {  	[smem:$0x3FB3] =	sst s7  }
0x10: {  	[smem:$0x3FB4] =	sst s8  }
0x11: {  	[smem:$0x3FB5] =	sst s9;
	s0 =	simm.s32 @!p0 $0x0  }
0x12: {  	s1 =	sld [smem:$0x3F9B];
	s0 =	simm.s32 @p0 $0x1  }
0x13: {  	[smem:$0x3FB6] =	sst s0;
	s0 =	simm.s32 @!p1 $0x0  }
0x14: {  	s2 =	sld [smem:$0x3F9A];
	s0 =	simm.s32 @p1 $0x1  }
0x15: {  	[smem:$0x3FB7] =	sst s0;
	s0 =	simm.s32 @!p2 $0x0  }
0x16: {  	s3 =	sld [smem:$0x3FDB];
	s0 =	simm.s32 @p2 $0x1  }
0x17: {  	s4 =	simm.s32 $0x1BF5;
	[smem:$0x3FB9] =	sst s0  }
0x18: {  	s0 =	sld [smem:$0x3F9C];
	_ =	swait.ge [sflag:s4], $0x0  }
0x19: {  	s7 =	sld [smem:$0x3F9D]  }
0x1a: {  	s8 =	sadd.s32 $0xFFFFE003, lr  }
0x1b: {  	s9 =	sadd.s32 $0xFFFFFEF7, lr;
	s5 =	simm.s32 $0xFFFFFFFF;
	p2 =	slt.u32 s8, $0xFFFFF086  }
0x1c: {  	p1 =	slt.u32 s9, $0xF7A;
	s5 =	simm.s32 @!p2 $0x0  }
0x1d: {  	s5 =	simm.s32 @p1 $0x1;
	p0 =	seq.s32 s7, s2  }
0x1e: {  	s7 =	smul.u32 @!p0 $0xF7A, s2;
	p2 =	seq.s32 @!p0 s5, $0x0  }
0x1f: {  	s9 =	smul.u32 $0xF7A, s1;
	s8 =	simm.s32 @!p0 $0x1BF5;
	p2 =	por !p2, p0  }
0x20: {  	[sflag:s8] =	ssyncset.s32 @!p0 $0xFFFFF086;
	s6 =	sadd.s32 @!p0 s3, s7;
	s7 =	simm.s32 @!p0 $0x108  }
0x21: {  	s3 =	sadd.s32 s3, s9;
	s6 =	sadd.s32 @!p0 $0x88, s6;
	s7 =	simm.s32 @p2 $0x1082  }
0x22: {  	[simem:s7], [sflag:s8] =	dma.local @!p0 [hbm:s6], $0xF7A  }
0x23: {  	s9 =	sor.u32 $0xD0000000, s2;
	s6 =	simm.s32 $0x108;
	_ =	swait.ge @!p0 [sflag:s8], $0x0  }
0x24: {  	s3 =	sadd.s32 $0x88, s3;
	s6 =	simm.s32 @!p1 $0x1082;
	[sflag:s4] =	ssyncset.s32 $0xFFFFF086  }
0x25: {  	[simem:s6], [sflag:s4] =	dma.local [hbm:s3], $0xF7A  }
0x26: {  	[smem:$0x3F9D] =	sst s1;
	(tag) =	ssettag s2;
	_ =	strace s9  }
0x27: {  	s1 =	sld [smem:$0x3FAD]  }
0x28: {  	s2 =	sld [smem:$0x3FAE]  }
0x29: {  	s4 =	sld [smem:$0x3FB0]  }
0x2a: {  	p0 =	seq.s32 s5, $0x0;
	s5 =	sld [smem:$0x3FB1]  }
0x2b: {  	s6 =	sld [smem:$0x3FB2]  }
0x2c: {  	s7 =	sld [smem:$0x3FB3]  }
0x2d: {  	s3 =	simm.s32 $0x108;
	s8 =	sld [smem:$0x3FB4]  }
0x2e: {  	s3 =	simm.s32 @!p0 $0x1082;
	s9 =	sld [smem:$0x3FB5]  }
0x2f: {  	lr =	sadd.s32 s0, s3;
	s0 =	sld [smem:$0x3FAC]  }
0x30: {  	s3 =	sld [smem:$0x3FAF]  }
0x31: {  	[smem:$0x3FB8] =	sst s10  }
0x32: {  	s10 =	sld [smem:$0x3FB6];
	_ =	sdelay $0x3  }
0x33: {  	p0 =	seq.s32 s10, $0x1;
	s10 =	sld [smem:$0x3FB8];
	_ =	sdelay $0x3  }
0x34: {  	[smem:$0x3FB8] =	sst s10  }
0x35: {  	s10 =	sld [smem:$0x3FB7];
	_ =	sdelay $0x3  }
0x36: {  	p1 =	seq.s32 s10, $0x1;
	s10 =	sld [smem:$0x3FB8];
	_ =	sdelay $0x3  }
0x37: {  	[smem:$0x3FB8] =	sst s10  }
0x38: {  	s10 =	sld [smem:$0x3FB9]  }
0x39: {  	_ = 	snop;
	(pc) =	sbr.ind lr, $3  }
0x3a: {  	_ = 	snop  }
0x3b: {  	_ = 	snop  }
0x3c: {  	p2 =	seq.s32 s10, $0x1;
	s10 =	sld [smem:$0x3FB8]  }
0x3d: {  	_ =	shalt  }
0x3e: {  	_ =	shalt  }
0x3f: {  	_ =	shalt  }
0x40: {  	_ =	shalt  }
0x41: {  	_ =	shalt  }
0x42: {  	_ =	shalt  }
0x43: {  	_ =	shalt  }
0x44: {  	_ =	shalt  }
0x45: {  	_ =	shalt  }
0x46: {  	_ =	shalt  }
0x47: {  	_ =	shalt  }
0x48: {  	_ =	shalt  }
0x49: {  	_ =	shalt  }
0x4a: {  	_ =	shalt  }
0x4b: {  	_ =	shalt  }
0x4c: {  	_ =	shalt  }
0x4d: {  	_ =	shalt  }
0x4e: {  	_ =	shalt  }
0x4f: {  	_ =	shalt  }
0x50: {  	_ =	shalt  }
0x51: {  	_ =	shalt  }
0x52: {  	_ =	shalt  }
0x53: {  	_ =	shalt  }
0x54: {  	_ =	shalt  }
0x55: {  	_ =	shalt  }
0x56: {  	_ =	shalt  }
0x57: {  	_ =	shalt  }
0x58: {  	_ =	shalt  }
0x59: {  	_ =	shalt  }
0x5a: {  	_ =	shalt  }
0x5b: {  	_ =	shalt  }
0x5c: {  	_ =	shalt  }
0x5d: {  	_ =	shalt  }
0x5e: {  	_ =	shalt  }
0x5f: {  	_ =	shalt  }
0x60: {  	_ =	shalt  }
0x61: {  	_ =	shalt  }
0x62: {  	_ =	shalt  }
0x63: {  	_ =	shalt  }
0x64: {  	_ =	shalt  }
0x65: {  	_ =	shalt  }
0x66: {  	_ =	shalt  }
0x67: {  	_ =	shalt  }
0x68: {  	_ =	shalt  }
0x69: {  	_ =	shalt  }
0x6a: {  	_ =	shalt  }
0x6b: {  	_ =	shalt  }
0x6c: {  	_ =	shalt  }
0x6d: {  	_ =	shalt  }
0x6e: {  	_ =	shalt  }
0x6f: {  	_ =	shalt  }
0x70: {  	_ =	shalt  }
0x71: {  	_ =	shalt  }
0x72: {  	_ =	shalt  }
0x73: {  	_ =	shalt  }
0x74: {  	_ =	shalt  }
0x75: {  	_ =	shalt  }
0x76: {  	_ =	shalt  }
0x77: {  	_ =	shalt  }
0x78: {  	_ =	shalt  }
0x79: {  	_ =	shalt  }
0x7a: {  	_ =	shalt  }
0x7b: {  	_ =	shalt  }
0x7c: {  	_ =	shalt  }
0x7d: {  	_ =	shalt  }
0x7e: {  	_ =	shalt  }
0x7f: {  	_ =	shalt  }
0x80: {  	_ =	shalt  }
0x81: {  	_ =	shalt  }
0x82: {  	_ =	shalt  }
0x83: {  	_ =	shalt  }
0x84: {  	_ =	shalt  }
0x85: {  	_ =	shalt  }
0x86: {  	_ =	shalt  }
0x87: {  	_ =	shalt  }
.Lfunc_end0:
.L_simem_size_0:
called_computation_lowered:
.L_overlay_start_0:
0x88: {  	s2 =	sld [smem:$0x3FD9]  }
0x89: {  	s3 =	sld [smem:$0x3FFE];
	_ =	sdelay $0x1  }
0x8a: {  	s1 =	srdreg.scid  }
0x8b: {  	s0 =	sand.u32 $0x1, s1  }
0x8c: {  	s16 =	sshll.u32 s0, $0xA;
	s2 =	sadd.s32 s3, s2  }
0x8d: {  	s2 =	sadd.s32 s2, s16  }
0x8e: {  	[smem:$0x3FC4] =	sst s2  }
0x8f: {  	_ = 	snop  }
0x90: {  	(tm) =	ssettm $0x1  }
0x91: {  	s17 =	sld [smem:$0x3FFB];
	_ =	sdelay $0x3  }
0x92: {  	_ =	strace s17  }
0x93: {  	s2 =	sld [smem:$0x3FFC];
	_ =	sdelay $0x3  }
0x94: {  	_ =	strace s2  }
0x95: {  	s2 =	sld [smem:$0x3FFD];
	_ =	sdelay $0x3  }
0x96: {  	_ =	strace s2  }
0x97: {  	_ =	strace $0x8FFFFFFF  }
0x98: {  	s18 =	sld [smem:$0x3FDB];
	_ =	sdelay $0x1  }
0x99: {  	s19 =	simm.s32 $_scs_section_size  }
0x9a: {  	s4 =	simm.s32 $_size__tile_overlayer_lowered;
	s5 =	simm.s32 $_tile_overlayer_lowered  }
0x9b: {  	s22 =	simm.s32 $0x1BFF;
	s21 =	sshll.u32 s5, $0x1;
	s2 =	sadd.s32 s19, s18  }
0x9c: {  	s6 =	simm.s32 $0x0;
	s20 =	sshll.u32 s4, $0x1;
	s4 =	sadd.s32 s21, s2  }
0x9d: {  	[timem:s6], [sflag:s22] =	dma.local [hbm:s4], s20  }
0x9e: {  	_ =	swait.ge [sflag:s22], s20  }
0x9f: {  	s3 =	ssub.s32 $0x0, s20;
	[sflag:s22] =	ssyncset.done $0x0  }
0xa0: {  	[sflag:s22] =	ssyncadd.s32 s3;
	_ =	sdelay $0x1  }
0xa1: {  	s23 =	simm.s32 $0x1B8B  }
0xa2: {  	_ =	swait.ge [sflag:s23], $0x1  }
0xa3: {  	[sflag:s23] =	ssyncset.done $0x0  }
0xa4: {  	s25 =	simm.s32 $0x1B8E;
	s24 =	sld [smem:$0x3FFE];
	[sflag:s23] =	ssyncadd.s32 $0xFFFFFFFF  }
0xa5: {  	s26 =	simm.s32 $execute0_lowered;
	[smem:$0x3FD2] =	sst s25  }
0xa6: {  	s4 =	sshll.u32 s26, $0x1;
	_ =	strace $0x80000046;
	[dreg:$0x1] =	wrdreg $0xFFFFFFFF  }
0xa7: {  	s28 =	simm.s32 $_size_execute0_lowered;
	s2 =	sadd.s32 s2, s4;
	[dreg:$0x0] =	wrdreg $0x0  }
0xa8: {  	s4 =	sshll.u32 s28, $0x1;
	[dreg:$0x2] =	wrdreg s2  }
0xa9: {  	[dreg:$0x3] =	wrdreg s4  }
0xaa: {  	[dreg:$0x4] =	wrdreg $0xC0  }
0xab: {  	_ =	task [dreg:s6], $0x5FFFF  }
0xac: {  	[dreg:$0x1] =	wrdreg $0xFFFFFFFF  }
0xad: {  	[dreg:$0x0] =	wrdreg $0x60  }
0xae: {  	[dreg:$0x2] =	wrdreg s24  }
0xaf: {  	[dreg:$0x3] =	wrdreg $0x9  }
0xb0: {  	_ =	task.clear_ibuf [dreg:s6], $0x4FFFF;
	_ =	strace $0x90000046  }
0xb1: {  	s29 =	simm.s32 $0x9;
	_ =	strace $0x80000048  }
0xb2: {  	_ =	swait.ge [sflag:s29], $0x1  }
0xb3: {  	[sflag:s29] =	ssyncadd.s32 $0xFFFFFFFF  }
0xb4: {  	_ =	strace $0x90000048  }
0xb5: {  	_ =	sfence  }
0xb6: {  	s30 =	sld [smem:$0x0];
	_ =	sdelay $0x2  }
0xb7: {  	s31 =	sshll.u32 s1, $0xD;
	s1 =	sshrl.u32 s1, $0x2  }
0xb8: {  	s3 =	sand.u32 $0x4000, s31;
	s1 =	sadd.s32 s1, s30  }
0xb9: {  	s0 =	sor.u32 s3, s0;
	s1 =	sshll.u32 s1, $0x11  }
0xba: {  	s0 =	sor.u32 s1, s0  }
0xbb: {  	s0 =	sadd.s32 $0x8F2B, s0  }
0xbc: {  	[sflag:s0] =	ssyncadd.remote.s32 $0x1  }
0xbd: {  	_ =	sfence.sel $0xFFFF  }
0xbe: {  	[dreg:$0x0] =	wrdreg $0xFFFFFFFF;
	(pc) =	sbr.abs _section_cstart, $3  }
0xbf: {  	[dreg:$0x1] =	wrdreg $0xFFFFFFFF  }
0xc0: {  	_ =	task.clear_ibuf [dreg:s6], $0x2FFFF;
	_ =	strace $0x9FFFFFFF  }
0xc1: {  	(tm) =	ssettm $0x7FFFFFFF  }
tec
execute0_lowered:
.L_overlay_start_1:
0x0: {  	(tag) =	ssettag $0x1  }
0x1: {  	s5 =	rddreg [dreg:$0x0];
	s3 =	srdreg.scid  }
0x2: {  	s0 =	stileid.u32;
	s2 =	simm.s32 $0x0;
	s14 =	simm.s32 $0x1  }
0x3: {  	s15 =	simm.s32 $0x20;
	s16 =	simm.s32 $0x80;
	s17 =	simm.s32 $0x2800  }
0x4: {  	s18 =	simm.s32 $0x4800;
	s19 =	simm.s32 $0x6800;
	s20 =	simm.s32 $0x8800  }
0x5: {  	s21 =	simm.s32 $0x2;
	s22 =	simm.s32 $0xA800;
	s8 =	smul.u32 $0xA0000, s0  }
0x6: {  	s23 =	simm.s32 $0xC800;
	s28 =	simm.s32 $0x0;
	s12 =	smul.u32 $0x5000, s0  }
0x7: {  	s7 =	sand.u32 $0x1, s3;
	s24 =	sshll.u32 s0, $0x1;
	s26 =	smul.u32 $0x14000, s0  }
0x8: {  	[smem:$0x7FF] =	sst s2;
	s4 =	sadd.s32 $0x2000, s5;
	s10 =	smul.u32 $0x50000, s7  }
0x9: {  	s9 =	sadd.s32 $0x77C00, s5;
	s3 =	sor.u32 s7, s24;
	s13 =	smul.u32 $0x2800, s7  }
0xa: {  	_ =	strace $0x80000047;
	s25 =	ssub.s32 $0x2, s7;
	s30 =	smul.u32 $0xA000, s7  }
0xb: {  	s24 =	simm.s32 $0xE800;
	s6 =	smul.u32 $0x2800, s3;
	s11 =	sshrl.u32 s25, $0x1  }
0xc: {  	s3 =	sadd.s32 $0x6DC00, s5;
	s11 =	ssub.s32 s25, s11;
	s8 =	sadd.s32 s10, s8  }
0xd: {  	s29 =	sadd.s32 s13, s12;
	s12 =	simm.s32 $0x400;
	s13 =	simm.s32 $0x800  }
.Ltmp0:
0xe: {  	s25 =	simm.s32 $0x3;
	s6 =	sshrl.u32 s6, $0x3;
	(pc) =	sbr.rel .LBB2_1-.Ltmp0, $4  }
0xf: {  	s8 =	sshrl.u32 s8, $0x3;
	s31 =	sor.u32 $0x400, s29;
	s5 =	sadd.s32 s3, s6  }
0x10: {  	s6 =	smax.u32 s11, $0x1;
	s7 =	sadd.s32 s8, s9;
	s9 =	sadd.s32 s26, s9  }
0x11: {  	s8 =	sadd.s32 $0x800, s29;
	s10 =	sshrl.u32 s31, $0x3;
	s11 =	simm.s32 $0x5  }
0x12: {  	s26 =	simm.s32 $0x4;
	s9 =	sadd.s32 s30, s9;
	s10 =	sadd.s32 s10, s3  }
.LBB2_4:
0x13: {  	_ =	swait.ge [sflag:s26], $0x2000  }
0x14: {  	[sflag:s26] =	ssyncset.done $0x0  }
0x15: {  	[sflag:s26] =	ssyncadd.s32 $0xFFFFE000  }
0x16: {  	_ =	swait.ge [sflag:s26], $0x2000  }
0x17: {  	[sflag:s26] =	ssyncset.done $0x0  }
0x18: {  	s28 =	sadd.s32 $0x1, s28;
	[sflag:s26] =	ssyncadd.s32 $0xFFFFE000  }
0x19: {  	p0 =	sne.s32 s28, s6;
	_ =	swait.ge [sflag:s26], $0x2000  }
.Ltmp1:
0x1a: {  	[sflag:s26] =	ssyncset.done $0x0;
	(pc) =	sbr.rel @!p0 .LBB2_5-.Ltmp1, $4  }
0x1b: {  	[sflag:s26] =	ssyncadd.s32 $0xFFFFE000  }
0x1c: {  	_ =	swait.ge [sflag:s26], $0x2000  }
0x1d: {  	[sflag:s26] =	ssyncset.done $0x0  }
0x1e: {  	[sflag:s26] =	ssyncadd.s32 $0xFFFFE000  }
.LBB2_1:
0x1f: {  	[tilespmem:s2], [sflag:$0x5] =	stream.linear.gather [hbm4b:s5+s2], $0x400, $0x38;
	[tilespmem:$0x10800] =	vst v63  }
0x20: {  	_ =	swait.ge [sflag:s11], $0x400  }
0x21: {  	s29 =	smov.u32 s10;
	[sflag:s11] =	ssyncset.done $0x0  }
0x22: {  	s30 =	smov.u32 s8;
	s31 =	simm.s32 $0x0;
	[sflag:s11] =	ssyncadd.s32 $0xFFFFFC00  }
0x23: {  	[tilespmem:s13], [sflag:$0x1] =	stream.indirect.gather [hbm4b:s4+s12], $0x20, s2, s12, $0xb8;
	[tilespmem:$0x10800] =	vst v63  }
.LBB2_2:
0x24: {  	_ =	swait.ge [sflag:s14], $0x8000  }
0x25: {  	[sflag:s14] =	ssyncset.done $0x0  }
0x26: {  	s0 =	sadd.s32 s31, s7;
	[sflag:s14] =	ssyncadd.s32 $0xFFFF8000  }
0x27: {  	[hbm4b:s0+s15] =	stream.strided.scatter [tilespmem:s13], [sflag:$0x3], $0x2000, s16, s15, $0x38;
	[tilespmem:$0x10800] =	vst v63  }
0x28: {  	s1 =	sadd.s32 $0x4, s0  }
0x29: {  	[hbm4b:s1+s15] =	stream.strided.scatter [tilespmem:s17], [sflag:$0x3], $0x2000, s16, s15, $0x38;
	[tilespmem:$0x10800] =	vst v63  }
0x2a: {  	s1 =	sadd.s32 $0x8, s0  }
0x2b: {  	[hbm4b:s1+s15] =	stream.strided.scatter [tilespmem:s18], [sflag:$0x3], $0x2000, s16, s15, $0x38;
	[tilespmem:$0x10800] =	vst v63  }
0x2c: {  	p0 =	seq.s32 s31, $0x0;
	s0 =	sadd.s32 $0xC, s0  }
0x2d: {  	[hbm4b:s0+s15] =	stream.strided.scatter [tilespmem:s19], [sflag:$0x3], $0x2000, s16, s15, $0x38;
	[tilespmem:$0x10800] =	vst v63  }
0x2e: {  	s0 =	simm.s32 @!p0 $0x4  }
0x2f: {  	_ =	swait.ge @!p0 [sflag:s0], $0x2000  }
0x30: {  	[sflag:s0] =	ssyncset.done @!p0 $0x0  }
0x31: {  	[sflag:s0] =	ssyncadd.s32 @!p0 $0xFFFFE000  }
0x32: {  	_ =	swait.ge @!p0 [sflag:s0], $0x2000  }
0x33: {  	[sflag:s0] =	ssyncset.done @!p0 $0x0  }
0x34: {  	[sflag:s0] =	ssyncadd.s32 @!p0 $0xFFFFE000  }
0x35: {  	_ =	swait.ge @!p0 [sflag:s0], $0x2000  }
0x36: {  	[sflag:s0] =	ssyncset.done @!p0 $0x0  }
0x37: {  	[sflag:s0] =	ssyncadd.s32 @!p0 $0xFFFFE000  }
0x38: {  	_ =	swait.ge @!p0 [sflag:s0], $0x2000  }
0x39: {  	[sflag:s0] =	ssyncset.done @!p0 $0x0  }
0x3a: {  	[sflag:s0] =	ssyncadd.s32 @!p0 $0xFFFFE000  }
0x3b: {  	[tilespmem:s12], [sflag:$0x5] =	stream.linear.gather [hbm4b:s29+s2], $0x400, $0x38;
	[tilespmem:$0x10800] =	vst v63  }
0x3c: {  	_ =	swait.ge [sflag:s11], $0x400  }
0x3d: {  	[sflag:s11] =	ssyncset.done $0x0  }
0x3e: {  	[sflag:s11] =	ssyncadd.s32 $0xFFFFFC00  }
0x3f: {  	[tilespmem:s20], [sflag:$0x2] =	stream.indirect.gather [hbm4b:s4+s12], $0x20, s12, s12, $0xb8;
	[tilespmem:$0x10800] =	vst v63  }
0x40: {  	_ =	swait.ge [sflag:s21], $0x8000  }
0x41: {  	s0 =	sadd.s32 s31, s9;
	[sflag:s21] =	ssyncset.done $0x0  }
0x42: {  	s1 =	sadd.s32 $0x1000, s0;
	[sflag:s21] =	ssyncadd.s32 $0xFFFF8000  }
0x43: {  	[hbm4b:s1+s15] =	stream.strided.scatter [tilespmem:s20], [sflag:$0x4], $0x2000, s16, s15, $0x38;
	[tilespmem:$0x10800] =	vst v63  }
0x44: {  	s1 =	sadd.s32 $0x1004, s0  }
0x45: {  	[hbm4b:s1+s15] =	stream.strided.scatter [tilespmem:s22], [sflag:$0x4], $0x2000, s16, s15, $0x38;
	[tilespmem:$0x10800] =	vst v63  }
0x46: {  	s1 =	sadd.s32 $0x1008, s0  }
0x47: {  	[hbm4b:s1+s15] =	stream.strided.scatter [tilespmem:s23], [sflag:$0x4], $0x2000, s16, s15, $0x38;
	[tilespmem:$0x10800] =	vst v63  }
0x48: {  	s0 =	sadd.s32 $0x100C, s0  }
0x49: {  	[hbm4b:s0+s15] =	stream.strided.scatter [tilespmem:s24], [sflag:$0x4], $0x2000, s16, s15, $0x38;
	[tilespmem:$0x10800] =	vst v63  }
0x4a: {  	_ =	swait.ge [sflag:s25], $0x2000  }
0x4b: {  	[sflag:s25] =	ssyncset.done $0x0  }
0x4c: {  	[sflag:s25] =	ssyncadd.s32 $0xFFFFE000  }
0x4d: {  	_ =	swait.ge [sflag:s25], $0x2000  }
0x4e: {  	[sflag:s25] =	ssyncset.done $0x0  }
0x4f: {  	[sflag:s25] =	ssyncadd.s32 $0xFFFFE000  }
0x50: {  	p0 =	seq.s32 s31, $0x8000;
	_ =	swait.ge [sflag:s25], $0x2000  }
.Ltmp2:
0x51: {  	[sflag:s25] =	ssyncset.done $0x0;
	(pc) =	sbr.rel @p0 .LBB2_4-.Ltmp2, $4  }
0x52: {  	[sflag:s25] =	ssyncadd.s32 $0xFFFFE000  }
0x53: {  	_ =	swait.ge [sflag:s25], $0x2000  }
0x54: {  	[sflag:s25] =	ssyncset.done $0x0  }
0x55: {  	[sflag:s25] =	ssyncadd.s32 $0xFFFFE000  }
0x56: {  	s0 =	sshrl.u32 s30, $0x3  }
0x57: {  	s0 =	sadd.s32 s3, s0  }
0x58: {  	[tilespmem:s2], [sflag:$0x5] =	stream.linear.gather [hbm4b:s0+s2], $0x400, $0x38;
	[tilespmem:$0x10800] =	vst v63  }
.Ltmp3:
0x59: {  	_ = 	snop;
	(pc) =	sbr.rel .LBB2_2-.Ltmp3, $4  }
0x5a: {  	_ =	swait.ge [sflag:s11], $0x400  }
0x5b: {  	s31 =	sadd.s32 $0x2000, s31;
	[sflag:s11] =	ssyncset.done $0x0  }
0x5c: {  	s30 =	sadd.s32 $0x800, s30;
	s29 =	sadd.s32 $0x100, s29;
	[sflag:s11] =	ssyncadd.s32 $0xFFFFFC00  }
0x5d: {  	[tilespmem:s13], [sflag:$0x1] =	stream.indirect.gather [hbm4b:s4+s12], $0x20, s2, s12, $0xb8;
	[tilespmem:$0x10800] =	vst v63  }
.LBB2_5:
0x5e: {  	_ =	sfence.sel $0x180000  }
0x5f: {  	[bflag:$0x0] =	sbarrier.arrive $0xFFFF  }
0x60: {  	_ =	strace $0x90000047  }
0x61: {  	s0 =	stileid.u32;
	[bflag:$0x2] =	sbarrier.arrive $0xFFFF  }
0x62: {  	p0 =	sne.s32 s0, $0x0;
	s0 =	rddreg [dreg:$0x1]  }
0x63: {  	s0 =	sadd.s32 @!p0 $0x100000, s0  }
0x64: {  	[sflag:s0] =	ssyncadd.tile.s32 @!p0 $0x1;
	_ =	shalt  }
.Lfunc_end2:
_tile_overlayer_lowered:
.L_overlay_start_2:
0x65: {  	(tag) =	ssettag $0x2  }
0x66: {  	s0 =	rddreg [dreg:$0x0];
	s2 =	stileid.u32  }
0x67: {  	s1 =	rddreg [dreg:$0x1];
	p0 =	sne.s32 s2, $0x0  }
0x68: {  	s3 =	rddreg [dreg:$0x2];
	[bflag:$0x3] =	sbarrier.arrive $0xFFFF;
	s2 =	simm.s32 @!p0 $0x1C05  }
0x69: {  	[timem:s3], [sflag:s2] =	dma.local @!p0 [hbm:s0], s1  }
0x6a: {  	s0 =	simm.s32 @!p0 $0x5  }
0x6b: {  	_ =	swait.ge @!p0 [sflag:s0], s1  }
0x6c: {  	s1 =	ssub.s32 @!p0 $0x0, s1;
	[sflag:s0] =	ssyncset.done @!p0 $0x0  }
0x6d: {  	[sflag:s0] =	ssyncadd.s32 @!p0 s1  }
0x6e: {  	[bflag:$0x3] =	sbarrier.arrive $0xFFFF  }
0x6f: {  	_ =	shalt  }

// kernel: kernel.15.cloned.1.call-start
scs
__scs_entry_jumppad:
0x0: {  	(pc) =	sbr.rel $0x88, $3  }
0x1: {  	(tag) =	ssettag $0x0;
	lr =	simm.s32 $0x1  }
0x2: {  	[smem:$0x3F9D] =	sst lr;
	_ =	strace $0xD0000000  }
0x3: {  	_ = 	snop  }
0x4: {  	_ = 	snop  }
0x5: {  	_ = 	snop  }
0x6: {  	_ = 	snop  }
0x7: {  	_ = 	snop  }
__scs_overlays_trampoline_lowered:
0x8: {  	[smem:$0x3FAC] =	sst s0  }
0x9: {  	[smem:$0x3FAD] =	sst s1  }
0xa: {  	[smem:$0x3FAE] =	sst s2  }
0xb: {  	[smem:$0x3FAF] =	sst s3  }
0xc: {  	[smem:$0x3FB0] =	sst s4  }
0xd: {  	[smem:$0x3FB1] =	sst s5  }
0xe: {  	[smem:$0x3FB2] =	sst s6  }
0xf: {  	[smem:$0x3FB3] =	sst s7  }
0x10: {  	[smem:$0x3FB4] =	sst s8  }
0x11: {  	[smem:$0x3FB5] =	sst s9;
	s0 =	simm.s32 @!p0 $0x0  }
0x12: {  	s1 =	sld [smem:$0x3F9B];
	s0 =	simm.s32 @p0 $0x1  }
0x13: {  	[smem:$0x3FB6] =	sst s0;
	s0 =	simm.s32 @!p1 $0x0  }
0x14: {  	s2 =	sld [smem:$0x3F9A];
	s0 =	simm.s32 @p1 $0x1  }
0x15: {  	[smem:$0x3FB7] =	sst s0;
	s0 =	simm.s32 @!p2 $0x0  }
0x16: {  	s3 =	sld [smem:$0x3FDB];
	s0 =	simm.s32 @p2 $0x1  }
0x17: {  	s4 =	simm.s32 $0x1BF5;
	[smem:$0x3FB9] =	sst s0  }
0x18: {  	s0 =	sld [smem:$0x3F9C];
	_ =	swait.ge [sflag:s4], $0x0  }
0x19: {  	s7 =	sld [smem:$0x3F9D]  }
0x1a: {  	s8 =	sadd.s32 $0xFFFFE003, lr  }
0x1b: {  	s9 =	sadd.s32 $0xFFFFFEF7, lr;
	s5 =	simm.s32 $0xFFFFFFFF;
	p2 =	slt.u32 s8, $0xFFFFF086  }
0x1c: {  	p1 =	slt.u32 s9, $0xF7A;
	s5 =	simm.s32 @!p2 $0x0  }
0x1d: {  	s5 =	simm.s32 @p1 $0x1;
	p0 =	seq.s32 s7, s2  }
0x1e: {  	s7 =	smul.u32 @!p0 $0xF7A, s2;
	p2 =	seq.s32 @!p0 s5, $0x0  }
0x1f: {  	s9 =	smul.u32 $0xF7A, s1;
	s8 =	simm.s32 @!p0 $0x1BF5;
	p2 =	por !p2, p0  }
0x20: {  	[sflag:s8] =	ssyncset.s32 @!p0 $0xFFFFF086;
	s6 =	sadd.s32 @!p0 s3, s7;
	s7 =	simm.s32 @!p0 $0x108  }
0x21: {  	s3 =	sadd.s32 s3, s9;
	s6 =	sadd.s32 @!p0 $0x88, s6;
	s7 =	simm.s32 @p2 $0x1082  }
0x22: {  	[simem:s7], [sflag:s8] =	dma.local @!p0 [hbm:s6], $0xF7A  }
0x23: {  	s9 =	sor.u32 $0xD0000000, s2;
	s6 =	simm.s32 $0x108;
	_ =	swait.ge @!p0 [sflag:s8], $0x0  }
0x24: {  	s3 =	sadd.s32 $0x88, s3;
	s6 =	simm.s32 @!p1 $0x1082;
	[sflag:s4] =	ssyncset.s32 $0xFFFFF086  }
0x25: {  	[simem:s6], [sflag:s4] =	dma.local [hbm:s3], $0xF7A  }
0x26: {  	[smem:$0x3F9D] =	sst s1;
	(tag) =	ssettag s2;
	_ =	strace s9  }
0x27: {  	s1 =	sld [smem:$0x3FAD]  }
0x28: {  	s2 =	sld [smem:$0x3FAE]  }
0x29: {  	s4 =	sld [smem:$0x3FB0]  }
0x2a: {  	p0 =	seq.s32 s5, $0x0;
	s5 =	sld [smem:$0x3FB1]  }
0x2b: {  	s6 =	sld [smem:$0x3FB2]  }
0x2c: {  	s7 =	sld [smem:$0x3FB3]  }
0x2d: {  	s3 =	simm.s32 $0x108;
	s8 =	sld [smem:$0x3FB4]  }
0x2e: {  	s3 =	simm.s32 @!p0 $0x1082;
	s9 =	sld [smem:$0x3FB5]  }
0x2f: {  	lr =	sadd.s32 s0, s3;
	s0 =	sld [smem:$0x3FAC]  }
0x30: {  	s3 =	sld [smem:$0x3FAF]  }
0x31: {  	[smem:$0x3FB8] =	sst s10  }
0x32: {  	s10 =	sld [smem:$0x3FB6];
	_ =	sdelay $0x3  }
0x33: {  	p0 =	seq.s32 s10, $0x1;
	s10 =	sld [smem:$0x3FB8];
	_ =	sdelay $0x3  }
0x34: {  	[smem:$0x3FB8] =	sst s10  }
0x35: {  	s10 =	sld [smem:$0x3FB7];
	_ =	sdelay $0x3  }
0x36: {  	p1 =	seq.s32 s10, $0x1;
	s10 =	sld [smem:$0x3FB8];
	_ =	sdelay $0x3  }
0x37: {  	[smem:$0x3FB8] =	sst s10  }
0x38: {  	s10 =	sld [smem:$0x3FB9]  }
0x39: {  	_ = 	snop;
	(pc) =	sbr.ind lr, $3  }
0x3a: {  	_ = 	snop  }
0x3b: {  	_ = 	snop  }
0x3c: {  	p2 =	seq.s32 s10, $0x1;
	s10 =	sld [smem:$0x3FB8]  }
0x3d: {  	_ =	shalt  }
0x3e: {  	_ =	shalt  }
0x3f: {  	_ =	shalt  }
0x40: {  	_ =	shalt  }
0x41: {  	_ =	shalt  }
0x42: {  	_ =	shalt  }
0x43: {  	_ =	shalt  }
0x44: {  	_ =	shalt  }
0x45: {  	_ =	shalt  }
0x46: {  	_ =	shalt  }
0x47: {  	_ =	shalt  }
0x48: {  	_ =	shalt  }
0x49: {  	_ =	shalt  }
0x4a: {  	_ =	shalt  }
0x4b: {  	_ =	shalt  }
0x4c: {  	_ =	shalt  }
0x4d: {  	_ =	shalt  }
0x4e: {  	_ =	shalt  }
0x4f: {  	_ =	shalt  }
0x50: {  	_ =	shalt  }
0x51: {  	_ =	shalt  }
0x52: {  	_ =	shalt  }
0x53: {  	_ =	shalt  }
0x54: {  	_ =	shalt  }
0x55: {  	_ =	shalt  }
0x56: {  	_ =	shalt  }
0x57: {  	_ =	shalt  }
0x58: {  	_ =	shalt  }
0x59: {  	_ =	shalt  }
0x5a: {  	_ =	shalt  }
0x5b: {  	_ =	shalt  }
0x5c: {  	_ =	shalt  }
0x5d: {  	_ =	shalt  }
0x5e: {  	_ =	shalt  }
0x5f: {  	_ =	shalt  }
0x60: {  	_ =	shalt  }
0x61: {  	_ =	shalt  }
0x62: {  	_ =	shalt  }
0x63: {  	_ =	shalt  }
0x64: {  	_ =	shalt  }
0x65: {  	_ =	shalt  }
0x66: {  	_ =	shalt  }
0x67: {  	_ =	shalt  }
0x68: {  	_ =	shalt  }
0x69: {  	_ =	shalt  }
0x6a: {  	_ =	shalt  }
0x6b: {  	_ =	shalt  }
0x6c: {  	_ =	shalt  }
0x6d: {  	_ =	shalt  }
0x6e: {  	_ =	shalt  }
0x6f: {  	_ =	shalt  }
0x70: {  	_ =	shalt  }
0x71: {  	_ =	shalt  }
0x72: {  	_ =	shalt  }
0x73: {  	_ =	shalt  }
0x74: {  	_ =	shalt  }
0x75: {  	_ =	shalt  }
0x76: {  	_ =	shalt  }
0x77: {  	_ =	shalt  }
0x78: {  	_ =	shalt  }
0x79: {  	_ =	shalt  }
0x7a: {  	_ =	shalt  }
0x7b: {  	_ =	shalt  }
0x7c: {  	_ =	shalt  }
0x7d: {  	_ =	shalt  }
0x7e: {  	_ =	shalt  }
0x7f: {  	_ =	shalt  }
0x80: {  	_ =	shalt  }
0x81: {  	_ =	shalt  }
0x82: {  	_ =	shalt  }
0x83: {  	_ =	shalt  }
0x84: {  	_ =	shalt  }
0x85: {  	_ =	shalt  }
0x86: {  	_ =	shalt  }
0x87: {  	_ =	shalt  }
.Lfunc_end0:
.L_simem_size_0:
called_computation.1_lowered:
.L_overlay_start_0:
0x88: {  	s2 =	sld [smem:$0x3FD9]  }
0x89: {  	s3 =	sld [smem:$0x3FFE];
	_ =	sdelay $0x1  }
0x8a: {  	s1 =	srdreg.scid  }
0x8b: {  	s0 =	sand.u32 $0x1, s1  }
0x8c: {  	s17 =	sshll.u32 s0, $0xA;
	s2 =	sadd.s32 s3, s2  }
0x8d: {  	s2 =	sadd.s32 s2, s17  }
0x8e: {  	[smem:$0x3FC4] =	sst s2  }
0x8f: {  	_ = 	snop  }
0x90: {  	(tm) =	ssettm $0x1  }
0x91: {  	s18 =	sld [smem:$0x3FFB];
	_ =	sdelay $0x3  }
0x92: {  	_ =	strace s18  }
0x93: {  	s2 =	sld [smem:$0x3FFC];
	_ =	sdelay $0x3  }
0x94: {  	_ =	strace s2  }
0x95: {  	s2 =	sld [smem:$0x3FFD];
	_ =	sdelay $0x3  }
0x96: {  	_ =	strace s2  }
0x97: {  	_ =	strace $0x8FFFFFFF  }
0x98: {  	s19 =	sld [smem:$0x3FDB];
	_ =	sdelay $0x1  }
0x99: {  	s20 =	simm.s32 $_scs_section_size  }
0x9a: {  	s4 =	simm.s32 $_size__tile_overlayer_lowered;
	s5 =	simm.s32 $_tile_overlayer_lowered  }
0x9b: {  	s6 =	simm.s32 $0x1BFF;
	s21 =	sshll.u32 s5, $0x1;
	s3 =	sadd.s32 s20, s19  }
0x9c: {  	s22 =	simm.s32 $0x0;
	s4 =	sshll.u32 s4, $0x1;
	s5 =	sadd.s32 s21, s3  }
0x9d: {  	[timem:s22], [sflag:s6] =	dma.local [hbm:s5], s4  }
0x9e: {  	_ =	swait.ge [sflag:s6], s4  }
0x9f: {  	s4 =	ssub.s32 $0x0, s4;
	[sflag:s6] =	ssyncset.done $0x0  }
0xa0: {  	[sflag:s6] =	ssyncadd.s32 s4;
	_ =	sdelay $0x1  }
0xa1: {  	s23 =	simm.s32 $0x1B8B  }
0xa2: {  	_ =	swait.ge [sflag:s23], $0x1  }
0xa3: {  	[sflag:s23] =	ssyncset.done $0x0  }
0xa4: {  	[sflag:s23] =	ssyncadd.s32 $0xFFFFFFFF  }
0xa5: {  	s4 =	sld [smem:$0x0]  }
0xa6: {  	s5 =	sand.u32 $0xFFFFFFFE, s1  }
0xa7: {  	p0 =	sne.s32 s1, s5  }
0xa8: {  	s5 =	sshll.u32 @p0 s5, $0xE  }
0xa9: {  	s5 =	sadd.s32 @p0 $0x11B8D, s5;
	s6 =	sshll.u32 @p0 s4, $0x11  }
0xaa: {  	s5 =	sor.u32 @p0 s6, s5  }
0xab: {  	[sflag:s5] =	ssyncadd.remote.s32 @p0 $0x1;
	_ =	sdelay $0x1  }
0xac: {  	s5 =	simm.s32 @p0 $0x1B8D  }
0xad: {  	_ =	swait.eq @p0 [sflag:s5], $0x1  }
0xae: {  	[sflag:s5] =	ssyncadd.s32 @p0 $0xFFFFFFFF  }
0xaf: {  	s6 =	sshll.u32 @!p0 s1, $0xE  }
0xb0: {  	s6 =	sor.u32 @!p0 $0x4000, s6;
	s5 =	simm.s32 @!p0 $0x1B8D  }
0xb1: {  	s4 =	sshll.u32 @!p0 s4, $0x11;
	s6 =	sadd.s32 @!p0 $0x11B8D, s6;
	_ =	swait.eq @!p0 [sflag:s5], $0x1  }
0xb2: {  	s4 =	sor.u32 @!p0 s4, s6;
	[sflag:s5] =	ssyncadd.s32 @!p0 $0xFFFFFFFF  }
0xb3: {  	s25 =	simm.s32 $0x1B8E;
	s24 =	sld [smem:$0x3FFE];
	[sflag:s4] =	ssyncadd.remote.s32 @!p0 $0x1  }
0xb4: {  	s26 =	simm.s32 $execute0_lowered;
	[smem:$0x3FD2] =	sst s25  }
0xb5: {  	s5 =	sshll.u32 s26, $0x1;
	_ =	strace $0x80000049;
	[dreg:$0x1] =	wrdreg $0xFFFFFFFF  }
0xb6: {  	s28 =	simm.s32 $_size_execute0_lowered;
	s3 =	sadd.s32 s3, s5;
	[dreg:$0x0] =	wrdreg $0x0  }
0xb7: {  	s5 =	sshll.u32 s28, $0x1;
	[dreg:$0x2] =	wrdreg s3  }
0xb8: {  	[dreg:$0x3] =	wrdreg s5  }
0xb9: {  	[dreg:$0x4] =	wrdreg $0xC0  }
0xba: {  	_ =	task [dreg:s22], $0x5FFFF  }
0xbb: {  	[dreg:$0x1] =	wrdreg $0xFFFFFFFF  }
0xbc: {  	[dreg:$0x0] =	wrdreg $0x60  }
0xbd: {  	[dreg:$0x2] =	wrdreg s24  }
0xbe: {  	[dreg:$0x3] =	wrdreg $0xA  }
0xbf: {  	_ =	task.clear_ibuf [dreg:s22], $0x4FFFF;
	_ =	strace $0x90000049  }
0xc0: {  	s29 =	simm.s32 $0xA;
	_ =	strace $0x8000004B  }
0xc1: {  	_ =	swait.ge [sflag:s29], $0x1  }
0xc2: {  	[sflag:s29] =	ssyncadd.s32 $0xFFFFFFFF  }
0xc3: {  	_ =	strace $0x9000004B  }
0xc4: {  	_ =	sfence  }
0xc5: {  	s30 =	sld [smem:$0x0];
	_ =	sdelay $0x2  }
0xc6: {  	s31 =	sshll.u32 s1, $0xD;
	s1 =	sshrl.u32 s1, $0x2  }
0xc7: {  	s4 =	sand.u32 $0x4000, s31;
	s1 =	sadd.s32 s1, s30  }
0xc8: {  	s0 =	sor.u32 s4, s0;
	s1 =	sshll.u32 s1, $0x11  }
0xc9: {  	s0 =	sor.u32 s1, s0  }
0xca: {  	s0 =	sadd.s32 $0x8F2B, s0  }
0xcb: {  	[sflag:s0] =	ssyncadd.remote.s32 $0x1  }
0xcc: {  	_ =	sfence.sel $0xFFFF  }
0xcd: {  	[dreg:$0x0] =	wrdreg $0xFFFFFFFF;
	(pc) =	sbr.abs _section_cstart, $3  }
0xce: {  	[dreg:$0x1] =	wrdreg $0xFFFFFFFF  }
0xcf: {  	_ =	task.clear_ibuf [dreg:s22], $0x2FFFF;
	_ =	strace $0x9FFFFFFF  }
0xd0: {  	(tm) =	ssettm $0x7FFFFFFF  }
0xd1: {  	_ =	shalt  }
tec
execute0_lowered:
.L_overlay_start_1:
0x0: {  	(tag) =	ssettag $0x1  }
0x1: {  	s5 =	rddreg [dreg:$0x0];
	s3 =	srdreg.scid  }
0x2: {  	s0 =	stileid.u32;
	s2 =	simm.s32 $0x0;
	s14 =	simm.s32 $0x1  }
0x3: {  	s15 =	simm.s32 $0x20;
	s16 =	simm.s32 $0x80;
	s17 =	simm.s32 $0x2800  }
0x4: {  	s18 =	simm.s32 $0x4800;
	s19 =	simm.s32 $0x6800;
	s20 =	simm.s32 $0x8800  }
0x5: {  	s21 =	simm.s32 $0x2;
	s22 =	simm.s32 $0xA800;
	s8 =	smul.u32 $0xA0000, s0  }
0x6: {  	s23 =	simm.s32 $0xC800;
	s28 =	simm.s32 $0x0;
	s12 =	smul.u32 $0x5000, s0  }
0x7: {  	s7 =	sand.u32 $0x1, s3;
	s24 =	sshll.u32 s0, $0x1;
	s26 =	smul.u32 $0x14000, s0  }
0x8: {  	[smem:$0x7FF] =	sst s2;
	s4 =	sadd.s32 $0x2000, s5;
	s10 =	smul.u32 $0x50000, s7  }
0x9: {  	s9 =	sadd.s32 $0x1C1C00, s5;
	s3 =	sor.u32 s7, s24;
	s13 =	smul.u32 $0x2800, s7  }
0xa: {  	_ =	strace $0x8000004A;
	s25 =	ssub.s32 $0x2, s7;
	s30 =	smul.u32 $0xA000, s7  }
0xb: {  	s24 =	simm.s32 $0xE800;
	s6 =	smul.u32 $0x2800, s3;
	s11 =	sshrl.u32 s25, $0x1  }
0xc: {  	s3 =	sadd.s32 $0x1B7C00, s5;
	s11 =	ssub.s32 s25, s11;
	s8 =	sadd.s32 s10, s8  }
0xd: {  	s29 =	sadd.s32 s13, s12;
	s12 =	simm.s32 $0x400;
	s13 =	simm.s32 $0x800  }
.Ltmp0:
0xe: {  	s25 =	simm.s32 $0x3;
	s6 =	sshrl.u32 s6, $0x3;
	(pc) =	sbr.rel .LBB2_1-.Ltmp0, $4  }
0xf: {  	s8 =	sshrl.u32 s8, $0x3;
	s31 =	sor.u32 $0x400, s29;
	s5 =	sadd.s32 s3, s6  }
0x10: {  	s6 =	smax.u32 s11, $0x1;
	s7 =	sadd.s32 s8, s9;
	s9 =	sadd.s32 s26, s9  }
0x11: {  	s8 =	sadd.s32 $0x800, s29;
	s10 =	sshrl.u32 s31, $0x3;
	s11 =	simm.s32 $0x5  }
0x12: {  	s26 =	simm.s32 $0x4;
	s9 =	sadd.s32 s30, s9;
	s10 =	sadd.s32 s10, s3  }
.LBB2_4:
0x13: {  	_ =	swait.ge [sflag:s26], $0x2000  }
0x14: {  	[sflag:s26] =	ssyncset.done $0x0  }
0x15: {  	[sflag:s26] =	ssyncadd.s32 $0xFFFFE000  }
0x16: {  	_ =	swait.ge [sflag:s26], $0x2000  }
0x17: {  	[sflag:s26] =	ssyncset.done $0x0  }
0x18: {  	s28 =	sadd.s32 $0x1, s28;
	[sflag:s26] =	ssyncadd.s32 $0xFFFFE000  }
0x19: {  	p0 =	sne.s32 s28, s6;
	_ =	swait.ge [sflag:s26], $0x2000  }
.Ltmp1:
0x1a: {  	[sflag:s26] =	ssyncset.done $0x0;
	(pc) =	sbr.rel @!p0 .LBB2_5-.Ltmp1, $4  }
0x1b: {  	[sflag:s26] =	ssyncadd.s32 $0xFFFFE000  }
0x1c: {  	_ =	swait.ge [sflag:s26], $0x2000  }
0x1d: {  	[sflag:s26] =	ssyncset.done $0x0  }
0x1e: {  	[sflag:s26] =	ssyncadd.s32 $0xFFFFE000  }
.LBB2_1:
0x1f: {  	[tilespmem:s2], [sflag:$0x5] =	stream.linear.gather [hbm4b:s5+s2], $0x400, $0x38;
	[tilespmem:$0x10800] =	vst v63  }
0x20: {  	_ =	swait.ge [sflag:s11], $0x400  }
0x21: {  	s29 =	smov.u32 s10;
	[sflag:s11] =	ssyncset.done $0x0  }
0x22: {  	s30 =	smov.u32 s8;
	s31 =	simm.s32 $0x0;
	[sflag:s11] =	ssyncadd.s32 $0xFFFFFC00  }
0x23: {  	[tilespmem:s13], [sflag:$0x1] =	stream.indirect.gather [hbm4b:s4+s12], $0x20, s2, s12, $0xb8;
	[tilespmem:$0x10800] =	vst v63  }
.LBB2_2:
0x24: {  	_ =	swait.ge [sflag:s14], $0x8000  }
0x25: {  	[sflag:s14] =	ssyncset.done $0x0  }
0x26: {  	s0 =	sadd.s32 s31, s7;
	[sflag:s14] =	ssyncadd.s32 $0xFFFF8000  }
0x27: {  	[hbm4b:s0+s15] =	stream.strided.scatter [tilespmem:s13], [sflag:$0x3], $0x2000, s16, s15, $0x38;
	[tilespmem:$0x10800] =	vst v63  }
0x28: {  	s1 =	sadd.s32 $0x4, s0  }
0x29: {  	[hbm4b:s1+s15] =	stream.strided.scatter [tilespmem:s17], [sflag:$0x3], $0x2000, s16, s15, $0x38;
	[tilespmem:$0x10800] =	vst v63  }
0x2a: {  	s1 =	sadd.s32 $0x8, s0  }
0x2b: {  	[hbm4b:s1+s15] =	stream.strided.scatter [tilespmem:s18], [sflag:$0x3], $0x2000, s16, s15, $0x38;
	[tilespmem:$0x10800] =	vst v63  }
0x2c: {  	p0 =	seq.s32 s31, $0x0;
	s0 =	sadd.s32 $0xC, s0  }
0x2d: {  	[hbm4b:s0+s15] =	stream.strided.scatter [tilespmem:s19], [sflag:$0x3], $0x2000, s16, s15, $0x38;
	[tilespmem:$0x10800] =	vst v63  }
0x2e: {  	s0 =	simm.s32 @!p0 $0x4  }
0x2f: {  	_ =	swait.ge @!p0 [sflag:s0], $0x2000  }
0x30: {  	[sflag:s0] =	ssyncset.done @!p0 $0x0  }
0x31: {  	[sflag:s0] =	ssyncadd.s32 @!p0 $0xFFFFE000  }
0x32: {  	_ =	swait.ge @!p0 [sflag:s0], $0x2000  }
0x33: {  	[sflag:s0] =	ssyncset.done @!p0 $0x0  }
0x34: {  	[sflag:s0] =	ssyncadd.s32 @!p0 $0xFFFFE000  }
0x35: {  	_ =	swait.ge @!p0 [sflag:s0], $0x2000  }
0x36: {  	[sflag:s0] =	ssyncset.done @!p0 $0x0  }
0x37: {  	[sflag:s0] =	ssyncadd.s32 @!p0 $0xFFFFE000  }
0x38: {  	_ =	swait.ge @!p0 [sflag:s0], $0x2000  }
0x39: {  	[sflag:s0] =	ssyncset.done @!p0 $0x0  }
0x3a: {  	[sflag:s0] =	ssyncadd.s32 @!p0 $0xFFFFE000  }
0x3b: {  	[tilespmem:s12], [sflag:$0x5] =	stream.linear.gather [hbm4b:s29+s2], $0x400, $0x38;
	[tilespmem:$0x10800] =	vst v63  }
0x3c: {  	_ =	swait.ge [sflag:s11], $0x400  }
0x3d: {  	[sflag:s11] =	ssyncset.done $0x0  }
0x3e: {  	[sflag:s11] =	ssyncadd.s32 $0xFFFFFC00  }
0x3f: {  	[tilespmem:s20], [sflag:$0x2] =	stream.indirect.gather [hbm4b:s4+s12], $0x20, s12, s12, $0xb8;
	[tilespmem:$0x10800] =	vst v63  }
0x40: {  	_ =	swait.ge [sflag:s21], $0x8000  }
0x41: {  	s0 =	sadd.s32 s31, s9;
	[sflag:s21] =	ssyncset.done $0x0  }
0x42: {  	s1 =	sadd.s32 $0x1000, s0;
	[sflag:s21] =	ssyncadd.s32 $0xFFFF8000  }
0x43: {  	[hbm4b:s1+s15] =	stream.strided.scatter [tilespmem:s20], [sflag:$0x4], $0x2000, s16, s15, $0x38;
	[tilespmem:$0x10800] =	vst v63  }
0x44: {  	s1 =	sadd.s32 $0x1004, s0  }
0x45: {  	[hbm4b:s1+s15] =	stream.strided.scatter [tilespmem:s22], [sflag:$0x4], $0x2000, s16, s15, $0x38;
	[tilespmem:$0x10800] =	vst v63  }
0x46: {  	s1 =	sadd.s32 $0x1008, s0  }
0x47: {  	[hbm4b:s1+s15] =	stream.strided.scatter [tilespmem:s23], [sflag:$0x4], $0x2000, s16, s15, $0x38;
	[tilespmem:$0x10800] =	vst v63  }
0x48: {  	s0 =	sadd.s32 $0x100C, s0  }
0x49: {  	[hbm4b:s0+s15] =	stream.strided.scatter [tilespmem:s24], [sflag:$0x4], $0x2000, s16, s15, $0x38;
	[tilespmem:$0x10800] =	vst v63  }
0x4a: {  	_ =	swait.ge [sflag:s25], $0x2000  }
0x4b: {  	[sflag:s25] =	ssyncset.done $0x0  }
0x4c: {  	[sflag:s25] =	ssyncadd.s32 $0xFFFFE000  }
0x4d: {  	_ =	swait.ge [sflag:s25], $0x2000  }
0x4e: {  	[sflag:s25] =	ssyncset.done $0x0  }
0x4f: {  	[sflag:s25] =	ssyncadd.s32 $0xFFFFE000  }
0x50: {  	p0 =	seq.s32 s31, $0x8000;
	_ =	swait.ge [sflag:s25], $0x2000  }
.Ltmp2:
0x51: {  	[sflag:s25] =	ssyncset.done $0x0;
	(pc) =	sbr.rel @p0 .LBB2_4-.Ltmp2, $4  }
0x52: {  	[sflag:s25] =	ssyncadd.s32 $0xFFFFE000  }
0x53: {  	_ =	swait.ge [sflag:s25], $0x2000  }
0x54: {  	[sflag:s25] =	ssyncset.done $0x0  }
0x55: {  	[sflag:s25] =	ssyncadd.s32 $0xFFFFE000  }
0x56: {  	s0 =	sshrl.u32 s30, $0x3  }
0x57: {  	s0 =	sadd.s32 s3, s0  }
0x58: {  	[tilespmem:s2], [sflag:$0x5] =	stream.linear.gather [hbm4b:s0+s2], $0x400, $0x38;
	[tilespmem:$0x10800] =	vst v63  }
.Ltmp3:
0x59: {  	_ = 	snop;
	(pc) =	sbr.rel .LBB2_2-.Ltmp3, $4  }
0x5a: {  	_ =	swait.ge [sflag:s11], $0x400  }
0x5b: {  	s31 =	sadd.s32 $0x2000, s31;
	[sflag:s11] =	ssyncset.done $0x0  }
0x5c: {  	s30 =	sadd.s32 $0x800, s30;
	s29 =	sadd.s32 $0x100, s29;
	[sflag:s11] =	ssyncadd.s32 $0xFFFFFC00  }
0x5d: {  	[tilespmem:s13], [sflag:$0x1] =	stream.indirect.gather [hbm4b:s4+s12], $0x20, s2, s12, $0xb8;
	[tilespmem:$0x10800] =	vst v63  }
.LBB2_5:
0x5e: {  	_ =	sfence.sel $0x180000  }
0x5f: {  	[bflag:$0x0] =	sbarrier.arrive $0xFFFF  }
0x60: {  	_ =	strace $0x9000004A  }
0x61: {  	s0 =	stileid.u32;
	[bflag:$0x2] =	sbarrier.arrive $0xFFFF  }
0x62: {  	p0 =	sne.s32 s0, $0x0;
	s0 =	rddreg [dreg:$0x1]  }
0x63: {  	s0 =	sadd.s32 @!p0 $0x100000, s0  }
0x64: {  	[sflag:s0] =	ssyncadd.tile.s32 @!p0 $0x1;
	_ =	shalt  }
.Lfunc_end2:
_tile_overlayer_lowered:
.L_overlay_start_2:
0x65: {  	(tag) =	ssettag $0x2  }
0x66: {  	s0 =	rddreg [dreg:$0x0];
	s2 =	stileid.u32  }
0x67: {  	s1 =	rddreg [dreg:$0x1];
	p0 =	sne.s32 s2, $0x0  }
0x68: {  	s3 =	rddreg [dreg:$0x2];
	[bflag:$0x3] =	sbarrier.arrive $0xFFFF;
	s2 =	simm.s32 @!p0 $0x1C05  }
0x69: {  	[timem:s3], [sflag:s2] =	dma.local @!p0 [hbm:s0], s1  }
0x6a: {  	s0 =	simm.s32 @!p0 $0x5  }
0x6b: {  	_ =	swait.ge @!p0 [sflag:s0], s1  }
0x6c: {  	s1 =	ssub.s32 @!p0 $0x0, s1;
	[sflag:s0] =	ssyncset.done @!p0 $0x0  }
0x6d: {  	[sflag:s0] =	ssyncadd.s32 @!p0 s1  }
0x6e: {  	[bflag:$0x3] =	sbarrier.arrive $0xFFFF  }
0x6f: {  	_ =	shalt  }

// kernel: kernel.18.cloned.1.call-start
scs
__scs_entry_jumppad:
0x0: {  	(pc) =	sbr.rel $0x88, $3  }
0x1: {  	(tag) =	ssettag $0x0;
	lr =	simm.s32 $0x1  }
0x2: {  	[smem:$0x3F9D] =	sst lr;
	_ =	strace $0xD0000000  }
0x3: {  	_ = 	snop  }
0x4: {  	_ = 	snop  }
0x5: {  	_ = 	snop  }
0x6: {  	_ = 	snop  }
0x7: {  	_ = 	snop  }
__scs_overlays_trampoline_lowered:
0x8: {  	[smem:$0x3FAC] =	sst s0  }
0x9: {  	[smem:$0x3FAD] =	sst s1  }
0xa: {  	[smem:$0x3FAE] =	sst s2  }
0xb: {  	[smem:$0x3FAF] =	sst s3  }
0xc: {  	[smem:$0x3FB0] =	sst s4  }
0xd: {  	[smem:$0x3FB1] =	sst s5  }
0xe: {  	[smem:$0x3FB2] =	sst s6  }
0xf: {  	[smem:$0x3FB3] =	sst s7  }
0x10: {  	[smem:$0x3FB4] =	sst s8  }
0x11: {  	[smem:$0x3FB5] =	sst s9;
	s0 =	simm.s32 @!p0 $0x0  }
0x12: {  	s1 =	sld [smem:$0x3F9B];
	s0 =	simm.s32 @p0 $0x1  }
0x13: {  	[smem:$0x3FB6] =	sst s0;
	s0 =	simm.s32 @!p1 $0x0  }
0x14: {  	s2 =	sld [smem:$0x3F9A];
	s0 =	simm.s32 @p1 $0x1  }
0x15: {  	[smem:$0x3FB7] =	sst s0;
	s0 =	simm.s32 @!p2 $0x0  }
0x16: {  	s3 =	sld [smem:$0x3FDB];
	s0 =	simm.s32 @p2 $0x1  }
0x17: {  	s4 =	simm.s32 $0x1BF5;
	[smem:$0x3FB9] =	sst s0  }
0x18: {  	s0 =	sld [smem:$0x3F9C];
	_ =	swait.ge [sflag:s4], $0x0  }
0x19: {  	s7 =	sld [smem:$0x3F9D]  }
0x1a: {  	s8 =	sadd.s32 $0xFFFFE003, lr  }
0x1b: {  	s9 =	sadd.s32 $0xFFFFFEF7, lr;
	s5 =	simm.s32 $0xFFFFFFFF;
	p2 =	slt.u32 s8, $0xFFFFF086  }
0x1c: {  	p1 =	slt.u32 s9, $0xF7A;
	s5 =	simm.s32 @!p2 $0x0  }
0x1d: {  	s5 =	simm.s32 @p1 $0x1;
	p0 =	seq.s32 s7, s2  }
0x1e: {  	s7 =	smul.u32 @!p0 $0xF7A, s2;
	p2 =	seq.s32 @!p0 s5, $0x0  }
0x1f: {  	s9 =	smul.u32 $0xF7A, s1;
	s8 =	simm.s32 @!p0 $0x1BF5;
	p2 =	por !p2, p0  }
0x20: {  	[sflag:s8] =	ssyncset.s32 @!p0 $0xFFFFF086;
	s6 =	sadd.s32 @!p0 s3, s7;
	s7 =	simm.s32 @!p0 $0x108  }
0x21: {  	s3 =	sadd.s32 s3, s9;
	s6 =	sadd.s32 @!p0 $0x88, s6;
	s7 =	simm.s32 @p2 $0x1082  }
0x22: {  	[simem:s7], [sflag:s8] =	dma.local @!p0 [hbm:s6], $0xF7A  }
0x23: {  	s9 =	sor.u32 $0xD0000000, s2;
	s6 =	simm.s32 $0x108;
	_ =	swait.ge @!p0 [sflag:s8], $0x0  }
0x24: {  	s3 =	sadd.s32 $0x88, s3;
	s6 =	simm.s32 @!p1 $0x1082;
	[sflag:s4] =	ssyncset.s32 $0xFFFFF086  }
0x25: {  	[simem:s6], [sflag:s4] =	dma.local [hbm:s3], $0xF7A  }
0x26: {  	[smem:$0x3F9D] =	sst s1;
	(tag) =	ssettag s2;
	_ =	strace s9  }
0x27: {  	s1 =	sld [smem:$0x3FAD]  }
0x28: {  	s2 =	sld [smem:$0x3FAE]  }
0x29: {  	s4 =	sld [smem:$0x3FB0]  }
0x2a: {  	p0 =	seq.s32 s5, $0x0;
	s5 =	sld [smem:$0x3FB1]  }
0x2b: {  	s6 =	sld [smem:$0x3FB2]  }
0x2c: {  	s7 =	sld [smem:$0x3FB3]  }
0x2d: {  	s3 =	simm.s32 $0x108;
	s8 =	sld [smem:$0x3FB4]  }
0x2e: {  	s3 =	simm.s32 @!p0 $0x1082;
	s9 =	sld [smem:$0x3FB5]  }
0x2f: {  	lr =	sadd.s32 s0, s3;
	s0 =	sld [smem:$0x3FAC]  }
0x30: {  	s3 =	sld [smem:$0x3FAF]  }
0x31: {  	[smem:$0x3FB8] =	sst s10  }
0x32: {  	s10 =	sld [smem:$0x3FB6];
	_ =	sdelay $0x3  }
0x33: {  	p0 =	seq.s32 s10, $0x1;
	s10 =	sld [smem:$0x3FB8];
	_ =	sdelay $0x3  }
0x34: {  	[smem:$0x3FB8] =	sst s10  }
0x35: {  	s10 =	sld [smem:$0x3FB7];
	_ =	sdelay $0x3  }
0x36: {  	p1 =	seq.s32 s10, $0x1;
	s10 =	sld [smem:$0x3FB8];
	_ =	sdelay $0x3  }
0x37: {  	[smem:$0x3FB8] =	sst s10  }
0x38: {  	s10 =	sld [smem:$0x3FB9]  }
0x39: {  	_ = 	snop;
	(pc) =	sbr.ind lr, $3  }
0x3a: {  	_ = 	snop  }
0x3b: {  	_ = 	snop  }
0x3c: {  	p2 =	seq.s32 s10, $0x1;
	s10 =	sld [smem:$0x3FB8]  }
0x3d: {  	_ =	shalt  }
0x3e: {  	_ =	shalt  }
0x3f: {  	_ =	shalt  }
0x40: {  	_ =	shalt  }
0x41: {  	_ =	shalt  }
0x42: {  	_ =	shalt  }
0x43: {  	_ =	shalt  }
0x44: {  	_ =	shalt  }
0x45: {  	_ =	shalt  }
0x46: {  	_ =	shalt  }
0x47: {  	_ =	shalt  }
0x48: {  	_ =	shalt  }
0x49: {  	_ =	shalt  }
0x4a: {  	_ =	shalt  }
0x4b: {  	_ =	shalt  }
0x4c: {  	_ =	shalt  }
0x4d: {  	_ =	shalt  }
0x4e: {  	_ =	shalt  }
0x4f: {  	_ =	shalt  }
0x50: {  	_ =	shalt  }
0x51: {  	_ =	shalt  }
0x52: {  	_ =	shalt  }
0x53: {  	_ =	shalt  }
0x54: {  	_ =	shalt  }
0x55: {  	_ =	shalt  }
0x56: {  	_ =	shalt  }
0x57: {  	_ =	shalt  }
0x58: {  	_ =	shalt  }
0x59: {  	_ =	shalt  }
0x5a: {  	_ =	shalt  }
0x5b: {  	_ =	shalt  }
0x5c: {  	_ =	shalt  }
0x5d: {  	_ =	shalt  }
0x5e: {  	_ =	shalt  }
0x5f: {  	_ =	shalt  }
0x60: {  	_ =	shalt  }
0x61: {  	_ =	shalt  }
0x62: {  	_ =	shalt  }
0x63: {  	_ =	shalt  }
0x64: {  	_ =	shalt  }
0x65: {  	_ =	shalt  }
0x66: {  	_ =	shalt  }
0x67: {  	_ =	shalt  }
0x68: {  	_ =	shalt  }
0x69: {  	_ =	shalt  }
0x6a: {  	_ =	shalt  }
0x6b: {  	_ =	shalt  }
0x6c: {  	_ =	shalt  }
0x6d: {  	_ =	shalt  }
0x6e: {  	_ =	shalt  }
0x6f: {  	_ =	shalt  }
0x70: {  	_ =	shalt  }
0x71: {  	_ =	shalt  }
0x72: {  	_ =	shalt  }
0x73: {  	_ =	shalt  }
0x74: {  	_ =	shalt  }
0x75: {  	_ =	shalt  }
0x76: {  	_ =	shalt  }
0x77: {  	_ =	shalt  }
0x78: {  	_ =	shalt  }
0x79: {  	_ =	shalt  }
0x7a: {  	_ =	shalt  }
0x7b: {  	_ =	shalt  }
0x7c: {  	_ =	shalt  }
0x7d: {  	_ =	shalt  }
0x7e: {  	_ =	shalt  }
0x7f: {  	_ =	shalt  }
0x80: {  	_ =	shalt  }
0x81: {  	_ =	shalt  }
0x82: {  	_ =	shalt  }
0x83: {  	_ =	shalt  }
0x84: {  	_ =	shalt  }
0x85: {  	_ =	shalt  }
0x86: {  	_ =	shalt  }
0x87: {  	_ =	shalt  }
.Lfunc_end0:
.L_simem_size_0:
called_computation.2_lowered:
.L_overlay_start_0:
0x88: {  	s2 =	sld [smem:$0x3FD9]  }
0x89: {  	s3 =	sld [smem:$0x3FFE];
	_ =	sdelay $0x1  }
0x8a: {  	s1 =	srdreg.scid  }
0x8b: {  	s0 =	sand.u32 $0x1, s1  }
0x8c: {  	s17 =	sshll.u32 s0, $0xA;
	s2 =	sadd.s32 s3, s2  }
0x8d: {  	s2 =	sadd.s32 s2, s17  }
0x8e: {  	[smem:$0x3FC4] =	sst s2  }
0x8f: {  	_ = 	snop  }
0x90: {  	(tm) =	ssettm $0x1  }
0x91: {  	s18 =	sld [smem:$0x3FFB];
	_ =	sdelay $0x3  }
0x92: {  	_ =	strace s18  }
0x93: {  	s2 =	sld [smem:$0x3FFC];
	_ =	sdelay $0x3  }
0x94: {  	_ =	strace s2  }
0x95: {  	s2 =	sld [smem:$0x3FFD];
	_ =	sdelay $0x3  }
0x96: {  	_ =	strace s2  }
0x97: {  	_ =	strace $0x8FFFFFFF  }
0x98: {  	s19 =	sld [smem:$0x3FDB];
	_ =	sdelay $0x1  }
0x99: {  	s20 =	simm.s32 $_scs_section_size  }
0x9a: {  	s4 =	simm.s32 $_size__tile_overlayer_lowered;
	s5 =	simm.s32 $_tile_overlayer_lowered  }
0x9b: {  	s6 =	simm.s32 $0x1BFF;
	s21 =	sshll.u32 s5, $0x1;
	s3 =	sadd.s32 s20, s19  }
0x9c: {  	s22 =	simm.s32 $0x0;
	s4 =	sshll.u32 s4, $0x1;
	s5 =	sadd.s32 s21, s3  }
0x9d: {  	[timem:s22], [sflag:s6] =	dma.local [hbm:s5], s4  }
0x9e: {  	_ =	swait.ge [sflag:s6], s4  }
0x9f: {  	s4 =	ssub.s32 $0x0, s4;
	[sflag:s6] =	ssyncset.done $0x0  }
0xa0: {  	[sflag:s6] =	ssyncadd.s32 s4;
	_ =	sdelay $0x1  }
0xa1: {  	s23 =	simm.s32 $0x1B8B  }
0xa2: {  	_ =	swait.ge [sflag:s23], $0x1  }
0xa3: {  	[sflag:s23] =	ssyncset.done $0x0  }
0xa4: {  	[sflag:s23] =	ssyncadd.s32 $0xFFFFFFFF  }
0xa5: {  	s4 =	sld [smem:$0x0]  }
0xa6: {  	s5 =	sand.u32 $0xFFFFFFFE, s1  }
0xa7: {  	p0 =	sne.s32 s1, s5  }
0xa8: {  	s5 =	sshll.u32 @p0 s5, $0xE  }
0xa9: {  	s5 =	sadd.s32 @p0 $0x11B8D, s5;
	s6 =	sshll.u32 @p0 s4, $0x11  }
0xaa: {  	s5 =	sor.u32 @p0 s6, s5  }
0xab: {  	[sflag:s5] =	ssyncadd.remote.s32 @p0 $0x1;
	_ =	sdelay $0x1  }
0xac: {  	s5 =	simm.s32 @p0 $0x1B8D  }
0xad: {  	_ =	swait.eq @p0 [sflag:s5], $0x1  }
0xae: {  	[sflag:s5] =	ssyncadd.s32 @p0 $0xFFFFFFFF  }
0xaf: {  	s6 =	sshll.u32 @!p0 s1, $0xE  }
0xb0: {  	s6 =	sor.u32 @!p0 $0x4000, s6;
	s5 =	simm.s32 @!p0 $0x1B8D  }
0xb1: {  	s4 =	sshll.u32 @!p0 s4, $0x11;
	s6 =	sadd.s32 @!p0 $0x11B8D, s6;
	_ =	swait.eq @!p0 [sflag:s5], $0x1  }
0xb2: {  	s4 =	sor.u32 @!p0 s4, s6;
	[sflag:s5] =	ssyncadd.s32 @!p0 $0xFFFFFFFF  }
0xb3: {  	s25 =	simm.s32 $0x1B8E;
	s24 =	sld [smem:$0x3FFE];
	[sflag:s4] =	ssyncadd.remote.s32 @!p0 $0x1  }
0xb4: {  	s26 =	simm.s32 $execute0_lowered;
	[smem:$0x3FD2] =	sst s25  }
0xb5: {  	s5 =	sshll.u32 s26, $0x1;
	_ =	strace $0x8000004C;
	[dreg:$0x1] =	wrdreg $0xFFFFFFFF  }
0xb6: {  	s28 =	simm.s32 $_size_execute0_lowered;
	s3 =	sadd.s32 s3, s5;
	[dreg:$0x0] =	wrdreg $0x0  }
0xb7: {  	s5 =	sshll.u32 s28, $0x1;
	[dreg:$0x2] =	wrdreg s3  }
0xb8: {  	[dreg:$0x3] =	wrdreg s5  }
0xb9: {  	[dreg:$0x4] =	wrdreg $0xC0  }
0xba: {  	_ =	task [dreg:s22], $0x5FFFF  }
0xbb: {  	[dreg:$0x1] =	wrdreg $0xFFFFFFFF  }
0xbc: {  	[dreg:$0x0] =	wrdreg $0x60  }
0xbd: {  	[dreg:$0x2] =	wrdreg s24  }
0xbe: {  	[dreg:$0x3] =	wrdreg $0xB  }
0xbf: {  	_ =	task.clear_ibuf [dreg:s22], $0x4FFFF;
	_ =	strace $0x9000004C  }
0xc0: {  	s29 =	simm.s32 $0xB;
	_ =	strace $0x8000004E  }
0xc1: {  	_ =	swait.ge [sflag:s29], $0x1  }
0xc2: {  	[sflag:s29] =	ssyncadd.s32 $0xFFFFFFFF  }
0xc3: {  	_ =	strace $0x9000004E  }
0xc4: {  	_ =	sfence  }
0xc5: {  	s30 =	sld [smem:$0x0];
	_ =	sdelay $0x2  }
0xc6: {  	s31 =	sshll.u32 s1, $0xD;
	s1 =	sshrl.u32 s1, $0x2  }
0xc7: {  	s4 =	sand.u32 $0x4000, s31;
	s1 =	sadd.s32 s1, s30  }
0xc8: {  	s0 =	sor.u32 s4, s0;
	s1 =	sshll.u32 s1, $0x11  }
0xc9: {  	s0 =	sor.u32 s1, s0  }
0xca: {  	s0 =	sadd.s32 $0x8F2B, s0  }
0xcb: {  	[sflag:s0] =	ssyncadd.remote.s32 $0x1  }
0xcc: {  	_ =	sfence.sel $0xFFFF  }
0xcd: {  	[dreg:$0x0] =	wrdreg $0xFFFFFFFF;
	(pc) =	sbr.abs _section_cstart, $3  }
0xce: {  	[dreg:$0x1] =	wrdreg $0xFFFFFFFF  }
0xcf: {  	_ =	task.clear_ibuf [dreg:s22], $0x2FFFF;
	_ =	strace $0x9FFFFFFF  }
0xd0: {  	(tm) =	ssettm $0x7FFFFFFF  }
0xd1: {  	_ =	shalt  }
tec
execute0_lowered:
.L_overlay_start_1:
0x0: {  	(tag) =	ssettag $0x1  }
0x1: {  	s5 =	rddreg [dreg:$0x0];
	s3 =	srdreg.scid  }
0x2: {  	s0 =	stileid.u32;
	s2 =	simm.s32 $0x0;
	s14 =	simm.s32 $0x1  }
0x3: {  	s15 =	simm.s32 $0x20;
	s16 =	simm.s32 $0x80;
	s17 =	simm.s32 $0x2800  }
0x4: {  	s18 =	simm.s32 $0x4800;
	s19 =	simm.s32 $0x6800;
	s20 =	simm.s32 $0x8800  }
0x5: {  	s21 =	simm.s32 $0x2;
	s22 =	simm.s32 $0xA800;
	s8 =	smul.u32 $0xA0000, s0  }
0x6: {  	s23 =	simm.s32 $0xC800;
	s28 =	simm.s32 $0x0;
	s12 =	smul.u32 $0x5000, s0  }
0x7: {  	s7 =	sand.u32 $0x1, s3;
	s24 =	sshll.u32 s0, $0x1;
	s26 =	smul.u32 $0x14000, s0  }
0x8: {  	[smem:$0x7FF] =	sst s2;
	s4 =	sadd.s32 $0x2000, s5;
	s10 =	smul.u32 $0x50000, s7  }
0x9: {  	s9 =	sadd.s32 $0x30BC00, s5;
	s3 =	sor.u32 s7, s24;
	s13 =	smul.u32 $0x2800, s7  }
0xa: {  	_ =	strace $0x8000004D;
	s25 =	ssub.s32 $0x2, s7;
	s30 =	smul.u32 $0xA000, s7  }
0xb: {  	s24 =	simm.s32 $0xE800;
	s6 =	smul.u32 $0x2800, s3;
	s11 =	sshrl.u32 s25, $0x1  }
0xc: {  	s3 =	sadd.s32 $0x301C00, s5;
	s11 =	ssub.s32 s25, s11;
	s8 =	sadd.s32 s10, s8  }
0xd: {  	s29 =	sadd.s32 s13, s12;
	s12 =	simm.s32 $0x400;
	s13 =	simm.s32 $0x800  }
.Ltmp0:
0xe: {  	s25 =	simm.s32 $0x3;
	s6 =	sshrl.u32 s6, $0x3;
	(pc) =	sbr.rel .LBB2_1-.Ltmp0, $4  }
0xf: {  	s8 =	sshrl.u32 s8, $0x3;
	s31 =	sor.u32 $0x400, s29;
	s5 =	sadd.s32 s3, s6  }
0x10: {  	s6 =	smax.u32 s11, $0x1;
	s7 =	sadd.s32 s8, s9;
	s9 =	sadd.s32 s26, s9  }
0x11: {  	s8 =	sadd.s32 $0x800, s29;
	s10 =	sshrl.u32 s31, $0x3;
	s11 =	simm.s32 $0x5  }
0x12: {  	s26 =	simm.s32 $0x4;
	s9 =	sadd.s32 s30, s9;
	s10 =	sadd.s32 s10, s3  }
.LBB2_4:
0x13: {  	_ =	swait.ge [sflag:s26], $0x2000  }
0x14: {  	[sflag:s26] =	ssyncset.done $0x0  }
0x15: {  	[sflag:s26] =	ssyncadd.s32 $0xFFFFE000  }
0x16: {  	_ =	swait.ge [sflag:s26], $0x2000  }
0x17: {  	[sflag:s26] =	ssyncset.done $0x0  }
0x18: {  	s28 =	sadd.s32 $0x1, s28;
	[sflag:s26] =	ssyncadd.s32 $0xFFFFE000  }
0x19: {  	p0 =	sne.s32 s28, s6;
	_ =	swait.ge [sflag:s26], $0x2000  }
.Ltmp1:
0x1a: {  	[sflag:s26] =	ssyncset.done $0x0;
	(pc) =	sbr.rel @!p0 .LBB2_5-.Ltmp1, $4  }
0x1b: {  	[sflag:s26] =	ssyncadd.s32 $0xFFFFE000  }
0x1c: {  	_ =	swait.ge [sflag:s26], $0x2000  }
0x1d: {  	[sflag:s26] =	ssyncset.done $0x0  }
0x1e: {  	[sflag:s26] =	ssyncadd.s32 $0xFFFFE000  }
.LBB2_1:
0x1f: {  	[tilespmem:s2], [sflag:$0x5] =	stream.linear.gather [hbm4b:s5+s2], $0x400, $0x38;
	[tilespmem:$0x10800] =	vst v63  }
0x20: {  	_ =	swait.ge [sflag:s11], $0x400  }
0x21: {  	s29 =	smov.u32 s10;
	[sflag:s11] =	ssyncset.done $0x0  }
0x22: {  	s30 =	smov.u32 s8;
	s31 =	simm.s32 $0x0;
	[sflag:s11] =	ssyncadd.s32 $0xFFFFFC00  }
0x23: {  	[tilespmem:s13], [sflag:$0x1] =	stream.indirect.gather [hbm4b:s4+s12], $0x20, s2, s12, $0xb8;
	[tilespmem:$0x10800] =	vst v63  }
.LBB2_2:
0x24: {  	_ =	swait.ge [sflag:s14], $0x8000  }
0x25: {  	[sflag:s14] =	ssyncset.done $0x0  }
0x26: {  	s0 =	sadd.s32 s31, s7;
	[sflag:s14] =	ssyncadd.s32 $0xFFFF8000  }
0x27: {  	[hbm4b:s0+s15] =	stream.strided.scatter [tilespmem:s13], [sflag:$0x3], $0x2000, s16, s15, $0x38;
	[tilespmem:$0x10800] =	vst v63  }
0x28: {  	s1 =	sadd.s32 $0x4, s0  }
0x29: {  	[hbm4b:s1+s15] =	stream.strided.scatter [tilespmem:s17], [sflag:$0x3], $0x2000, s16, s15, $0x38;
	[tilespmem:$0x10800] =	vst v63  }
0x2a: {  	s1 =	sadd.s32 $0x8, s0  }
0x2b: {  	[hbm4b:s1+s15] =	stream.strided.scatter [tilespmem:s18], [sflag:$0x3], $0x2000, s16, s15, $0x38;
	[tilespmem:$0x10800] =	vst v63  }
0x2c: {  	p0 =	seq.s32 s31, $0x0;
	s0 =	sadd.s32 $0xC, s0  }
0x2d: {  	[hbm4b:s0+s15] =	stream.strided.scatter [tilespmem:s19], [sflag:$0x3], $0x2000, s16, s15, $0x38;
	[tilespmem:$0x10800] =	vst v63  }
0x2e: {  	s0 =	simm.s32 @!p0 $0x4  }
0x2f: {  	_ =	swait.ge @!p0 [sflag:s0], $0x2000  }
0x30: {  	[sflag:s0] =	ssyncset.done @!p0 $0x0  }
0x31: {  	[sflag:s0] =	ssyncadd.s32 @!p0 $0xFFFFE000  }
0x32: {  	_ =	swait.ge @!p0 [sflag:s0], $0x2000  }
0x33: {  	[sflag:s0] =	ssyncset.done @!p0 $0x0  }
0x34: {  	[sflag:s0] =	ssyncadd.s32 @!p0 $0xFFFFE000  }
0x35: {  	_ =	swait.ge @!p0 [sflag:s0], $0x2000  }
0x36: {  	[sflag:s0] =	ssyncset.done @!p0 $0x0  }
0x37: {  	[sflag:s0] =	ssyncadd.s32 @!p0 $0xFFFFE000  }
0x38: {  	_ =	swait.ge @!p0 [sflag:s0], $0x2000  }
0x39: {  	[sflag:s0] =	ssyncset.done @!p0 $0x0  }
0x3a: {  	[sflag:s0] =	ssyncadd.s32 @!p0 $0xFFFFE000  }
0x3b: {  	[tilespmem:s12], [sflag:$0x5] =	stream.linear.gather [hbm4b:s29+s2], $0x400, $0x38;
	[tilespmem:$0x10800] =	vst v63  }
0x3c: {  	_ =	swait.ge [sflag:s11], $0x400  }
0x3d: {  	[sflag:s11] =	ssyncset.done $0x0  }
0x3e: {  	[sflag:s11] =	ssyncadd.s32 $0xFFFFFC00  }
0x3f: {  	[tilespmem:s20], [sflag:$0x2] =	stream.indirect.gather [hbm4b:s4+s12], $0x20, s12, s12, $0xb8;
	[tilespmem:$0x10800] =	vst v63  }
0x40: {  	_ =	swait.ge [sflag:s21], $0x8000  }
0x41: {  	s0 =	sadd.s32 s31, s9;
	[sflag:s21] =	ssyncset.done $0x0  }
0x42: {  	s1 =	sadd.s32 $0x1000, s0;
	[sflag:s21] =	ssyncadd.s32 $0xFFFF8000  }
0x43: {  	[hbm4b:s1+s15] =	stream.strided.scatter [tilespmem:s20], [sflag:$0x4], $0x2000, s16, s15, $0x38;
	[tilespmem:$0x10800] =	vst v63  }
0x44: {  	s1 =	sadd.s32 $0x1004, s0  }
0x45: {  	[hbm4b:s1+s15] =	stream.strided.scatter [tilespmem:s22], [sflag:$0x4], $0x2000, s16, s15, $0x38;
	[tilespmem:$0x10800] =	vst v63  }
0x46: {  	s1 =	sadd.s32 $0x1008, s0  }
0x47: {  	[hbm4b:s1+s15] =	stream.strided.scatter [tilespmem:s23], [sflag:$0x4], $0x2000, s16, s15, $0x38;
	[tilespmem:$0x10800] =	vst v63  }
0x48: {  	s0 =	sadd.s32 $0x100C, s0  }
0x49: {  	[hbm4b:s0+s15] =	stream.strided.scatter [tilespmem:s24], [sflag:$0x4], $0x2000, s16, s15, $0x38;
	[tilespmem:$0x10800] =	vst v63  }
0x4a: {  	_ =	swait.ge [sflag:s25], $0x2000  }
0x4b: {  	[sflag:s25] =	ssyncset.done $0x0  }
0x4c: {  	[sflag:s25] =	ssyncadd.s32 $0xFFFFE000  }
0x4d: {  	_ =	swait.ge [sflag:s25], $0x2000  }
0x4e: {  	[sflag:s25] =	ssyncset.done $0x0  }
0x4f: {  	[sflag:s25] =	ssyncadd.s32 $0xFFFFE000  }
0x50: {  	p0 =	seq.s32 s31, $0x8000;
	_ =	swait.ge [sflag:s25], $0x2000  }
.Ltmp2:
0x51: {  	[sflag:s25] =	ssyncset.done $0x0;
	(pc) =	sbr.rel @p0 .LBB2_4-.Ltmp2, $4  }
0x52: {  	[sflag:s25] =	ssyncadd.s32 $0xFFFFE000  }
0x53: {  	_ =	swait.ge [sflag:s25], $0x2000  }
0x54: {  	[sflag:s25] =	ssyncset.done $0x0  }
0x55: {  	[sflag:s25] =	ssyncadd.s32 $0xFFFFE000  }
0x56: {  	s0 =	sshrl.u32 s30, $0x3  }
0x57: {  	s0 =	sadd.s32 s3, s0  }
0x58: {  	[tilespmem:s2], [sflag:$0x5] =	stream.linear.gather [hbm4b:s0+s2], $0x400, $0x38;
	[tilespmem:$0x10800] =	vst v63  }
.Ltmp3:
0x59: {  	_ = 	snop;
	(pc) =	sbr.rel .LBB2_2-.Ltmp3, $4  }
0x5a: {  	_ =	swait.ge [sflag:s11], $0x400  }
0x5b: {  	s31 =	sadd.s32 $0x2000, s31;
	[sflag:s11] =	ssyncset.done $0x0  }
0x5c: {  	s30 =	sadd.s32 $0x800, s30;
	s29 =	sadd.s32 $0x100, s29;
	[sflag:s11] =	ssyncadd.s32 $0xFFFFFC00  }
0x5d: {  	[tilespmem:s13], [sflag:$0x1] =	stream.indirect.gather [hbm4b:s4+s12], $0x20, s2, s12, $0xb8;
	[tilespmem:$0x10800] =	vst v63  }
.LBB2_5:
0x5e: {  	_ =	sfence.sel $0x180000  }
0x5f: {  	[bflag:$0x0] =	sbarrier.arrive $0xFFFF  }
0x60: {  	_ =	strace $0x9000004D  }
0x61: {  	s0 =	stileid.u32;
	[bflag:$0x2] =	sbarrier.arrive $0xFFFF  }
0x62: {  	p0 =	sne.s32 s0, $0x0;
	s0 =	rddreg [dreg:$0x1]  }
0x63: {  	s0 =	sadd.s32 @!p0 $0x100000, s0  }
0x64: {  	[sflag:s0] =	ssyncadd.tile.s32 @!p0 $0x1;
	_ =	shalt  }
.Lfunc_end2:
_tile_overlayer_lowered:
.L_overlay_start_2:
0x65: {  	(tag) =	ssettag $0x2  }
0x66: {  	s0 =	rddreg [dreg:$0x0];
	s2 =	stileid.u32  }
0x67: {  	s1 =	rddreg [dreg:$0x1];
	p0 =	sne.s32 s2, $0x0  }
0x68: {  	s3 =	rddreg [dreg:$0x2];
	[bflag:$0x3] =	sbarrier.arrive $0xFFFF;
	s2 =	simm.s32 @!p0 $0x1C05  }
0x69: {  	[timem:s3], [sflag:s2] =	dma.local @!p0 [hbm:s0], s1  }
0x6a: {  	s0 =	simm.s32 @!p0 $0x5  }
0x6b: {  	_ =	swait.ge @!p0 [sflag:s0], s1  }
0x6c: {  	s1 =	ssub.s32 @!p0 $0x0, s1;
	[sflag:s0] =	ssyncset.done @!p0 $0x0  }
0x6d: {  	[sflag:s0] =	ssyncadd.s32 @!p0 s1  }
0x6e: {  	[bflag:$0x3] =	sbarrier.arrive $0xFFFF  }
0x6f: {  	_ =	shalt  }

// kernel: kernel.21.cloned.1.call-start
scs
__scs_entry_jumppad:
0x0: {  	(pc) =	sbr.rel $0x88, $3  }
0x1: {  	(tag) =	ssettag $0x0;
	lr =	simm.s32 $0x1  }
0x2: {  	[smem:$0x3F9D] =	sst lr;
	_ =	strace $0xD0000000  }
0x3: {  	_ = 	snop  }
0x4: {  	_ = 	snop  }
0x5: {  	_ = 	snop  }
0x6: {  	_ = 	snop  }
0x7: {  	_ = 	snop  }
__scs_overlays_trampoline_lowered:
0x8: {  	[smem:$0x3FAC] =	sst s0  }
0x9: {  	[smem:$0x3FAD] =	sst s1  }
0xa: {  	[smem:$0x3FAE] =	sst s2  }
0xb: {  	[smem:$0x3FAF] =	sst s3  }
0xc: {  	[smem:$0x3FB0] =	sst s4  }
0xd: {  	[smem:$0x3FB1] =	sst s5  }
0xe: {  	[smem:$0x3FB2] =	sst s6  }
0xf: {  	[smem:$0x3FB3] =	sst s7  }
0x10: {  	[smem:$0x3FB4] =	sst s8  }
0x11: {  	[smem:$0x3FB5] =	sst s9;
	s0 =	simm.s32 @!p0 $0x0  }
0x12: {  	s1 =	sld [smem:$0x3F9B];
	s0 =	simm.s32 @p0 $0x1  }
0x13: {  	[smem:$0x3FB6] =	sst s0;
	s0 =	simm.s32 @!p1 $0x0  }
0x14: {  	s2 =	sld [smem:$0x3F9A];
	s0 =	simm.s32 @p1 $0x1  }
0x15: {  	[smem:$0x3FB7] =	sst s0;
	s0 =	simm.s32 @!p2 $0x0  }
0x16: {  	s3 =	sld [smem:$0x3FDB];
	s0 =	simm.s32 @p2 $0x1  }
0x17: {  	s4 =	simm.s32 $0x1BF5;
	[smem:$0x3FB9] =	sst s0  }
0x18: {  	s0 =	sld [smem:$0x3F9C];
	_ =	swait.ge [sflag:s4], $0x0  }
0x19: {  	s7 =	sld [smem:$0x3F9D]  }
0x1a: {  	s8 =	sadd.s32 $0xFFFFE003, lr  }
0x1b: {  	s9 =	sadd.s32 $0xFFFFFEF7, lr;
	s5 =	simm.s32 $0xFFFFFFFF;
	p2 =	slt.u32 s8, $0xFFFFF086  }
0x1c: {  	p1 =	slt.u32 s9, $0xF7A;
	s5 =	simm.s32 @!p2 $0x0  }
0x1d: {  	s5 =	simm.s32 @p1 $0x1;
	p0 =	seq.s32 s7, s2  }
0x1e: {  	s7 =	smul.u32 @!p0 $0xF7A, s2;
	p2 =	seq.s32 @!p0 s5, $0x0  }
0x1f: {  	s9 =	smul.u32 $0xF7A, s1;
	s8 =	simm.s32 @!p0 $0x1BF5;
	p2 =	por !p2, p0  }
0x20: {  	[sflag:s8] =	ssyncset.s32 @!p0 $0xFFFFF086;
	s6 =	sadd.s32 @!p0 s3, s7;
	s7 =	simm.s32 @!p0 $0x108  }
0x21: {  	s3 =	sadd.s32 s3, s9;
	s6 =	sadd.s32 @!p0 $0x88, s6;
	s7 =	simm.s32 @p2 $0x1082  }
0x22: {  	[simem:s7], [sflag:s8] =	dma.local @!p0 [hbm:s6], $0xF7A  }
0x23: {  	s9 =	sor.u32 $0xD0000000, s2;
	s6 =	simm.s32 $0x108;
	_ =	swait.ge @!p0 [sflag:s8], $0x0  }
0x24: {  	s3 =	sadd.s32 $0x88, s3;
	s6 =	simm.s32 @!p1 $0x1082;
	[sflag:s4] =	ssyncset.s32 $0xFFFFF086  }
0x25: {  	[simem:s6], [sflag:s4] =	dma.local [hbm:s3], $0xF7A  }
0x26: {  	[smem:$0x3F9D] =	sst s1;
	(tag) =	ssettag s2;
	_ =	strace s9  }
0x27: {  	s1 =	sld [smem:$0x3FAD]  }
0x28: {  	s2 =	sld [smem:$0x3FAE]  }
0x29: {  	s4 =	sld [smem:$0x3FB0]  }
0x2a: {  	p0 =	seq.s32 s5, $0x0;
	s5 =	sld [smem:$0x3FB1]  }
0x2b: {  	s6 =	sld [smem:$0x3FB2]  }
0x2c: {  	s7 =	sld [smem:$0x3FB3]  }
0x2d: {  	s3 =	simm.s32 $0x108;
	s8 =	sld [smem:$0x3FB4]  }
0x2e: {  	s3 =	simm.s32 @!p0 $0x1082;
	s9 =	sld [smem:$0x3FB5]  }
0x2f: {  	lr =	sadd.s32 s0, s3;
	s0 =	sld [smem:$0x3FAC]  }
0x30: {  	s3 =	sld [smem:$0x3FAF]  }
0x31: {  	[smem:$0x3FB8] =	sst s10  }
0x32: {  	s10 =	sld [smem:$0x3FB6];
	_ =	sdelay $0x3  }
0x33: {  	p0 =	seq.s32 s10, $0x1;
	s10 =	sld [smem:$0x3FB8];
	_ =	sdelay $0x3  }
0x34: {  	[smem:$0x3FB8] =	sst s10  }
0x35: {  	s10 =	sld [smem:$0x3FB7];
	_ =	sdelay $0x3  }
0x36: {  	p1 =	seq.s32 s10, $0x1;
	s10 =	sld [smem:$0x3FB8];
	_ =	sdelay $0x3  }
0x37: {  	[smem:$0x3FB8] =	sst s10  }
0x38: {  	s10 =	sld [smem:$0x3FB9]  }
0x39: {  	_ = 	snop;
	(pc) =	sbr.ind lr, $3  }
0x3a: {  	_ = 	snop  }
0x3b: {  	_ = 	snop  }
0x3c: {  	p2 =	seq.s32 s10, $0x1;
	s10 =	sld [smem:$0x3FB8]  }
0x3d: {  	_ =	shalt  }
0x3e: {  	_ =	shalt  }
0x3f: {  	_ =	shalt  }
0x40: {  	_ =	shalt  }
0x41: {  	_ =	shalt  }
0x42: {  	_ =	shalt  }
0x43: {  	_ =	shalt  }
0x44: {  	_ =	shalt  }
0x45: {  	_ =	shalt  }
0x46: {  	_ =	shalt  }
0x47: {  	_ =	shalt  }
0x48: {  	_ =	shalt  }
0x49: {  	_ =	shalt  }
0x4a: {  	_ =	shalt  }
0x4b: {  	_ =	shalt  }
0x4c: {  	_ =	shalt  }
0x4d: {  	_ =	shalt  }
0x4e: {  	_ =	shalt  }
0x4f: {  	_ =	shalt  }
0x50: {  	_ =	shalt  }
0x51: {  	_ =	shalt  }
0x52: {  	_ =	shalt  }
0x53: {  	_ =	shalt  }
0x54: {  	_ =	shalt  }
0x55: {  	_ =	shalt  }
0x56: {  	_ =	shalt  }
0x57: {  	_ =	shalt  }
0x58: {  	_ =	shalt  }
0x59: {  	_ =	shalt  }
0x5a: {  	_ =	shalt  }
0x5b: {  	_ =	shalt  }
0x5c: {  	_ =	shalt  }
0x5d: {  	_ =	shalt  }
0x5e: {  	_ =	shalt  }
0x5f: {  	_ =	shalt  }
0x60: {  	_ =	shalt  }
0x61: {  	_ =	shalt  }
0x62: {  	_ =	shalt  }
0x63: {  	_ =	shalt  }
0x64: {  	_ =	shalt  }
0x65: {  	_ =	shalt  }
0x66: {  	_ =	shalt  }
0x67: {  	_ =	shalt  }
0x68: {  	_ =	shalt  }
0x69: {  	_ =	shalt  }
0x6a: {  	_ =	shalt  }
0x6b: {  	_ =	shalt  }
0x6c: {  	_ =	shalt  }
0x6d: {  	_ =	shalt  }
0x6e: {  	_ =	shalt  }
0x6f: {  	_ =	shalt  }
0x70: {  	_ =	shalt  }
0x71: {  	_ =	shalt  }
0x72: {  	_ =	shalt  }
0x73: {  	_ =	shalt  }
0x74: {  	_ =	shalt  }
0x75: {  	_ =	shalt  }
0x76: {  	_ =	shalt  }
0x77: {  	_ =	shalt  }
0x78: {  	_ =	shalt  }
0x79: {  	_ =	shalt  }
0x7a: {  	_ =	shalt  }
0x7b: {  	_ =	shalt  }
0x7c: {  	_ =	shalt  }
0x7d: {  	_ =	shalt  }
0x7e: {  	_ =	shalt  }
0x7f: {  	_ =	shalt  }
0x80: {  	_ =	shalt  }
0x81: {  	_ =	shalt  }
0x82: {  	_ =	shalt  }
0x83: {  	_ =	shalt  }
0x84: {  	_ =	shalt  }
0x85: {  	_ =	shalt  }
0x86: {  	_ =	shalt  }
0x87: {  	_ =	shalt  }
.Lfunc_end0:
.L_simem_size_0:
called_computation.3_lowered:
.L_overlay_start_0:
0x88: {  	s2 =	sld [smem:$0x3FD9]  }
0x89: {  	s3 =	sld [smem:$0x3FFE];
	_ =	sdelay $0x1  }
0x8a: {  	s1 =	srdreg.scid  }
0x8b: {  	s0 =	sand.u32 $0x1, s1  }
0x8c: {  	s17 =	sshll.u32 s0, $0xA;
	s2 =	sadd.s32 s3, s2  }
0x8d: {  	s2 =	sadd.s32 s2, s17  }
0x8e: {  	[smem:$0x3FC4] =	sst s2  }
0x8f: {  	_ = 	snop  }
0x90: {  	(tm) =	ssettm $0x1  }
0x91: {  	s18 =	sld [smem:$0x3FFB];
	_ =	sdelay $0x3  }
0x92: {  	_ =	strace s18  }
0x93: {  	s2 =	sld [smem:$0x3FFC];
	_ =	sdelay $0x3  }
0x94: {  	_ =	strace s2  }
0x95: {  	s2 =	sld [smem:$0x3FFD];
	_ =	sdelay $0x3  }
0x96: {  	_ =	strace s2  }
0x97: {  	_ =	strace $0x8FFFFFFF  }
0x98: {  	s19 =	sld [smem:$0x3FDB];
	_ =	sdelay $0x1  }
0x99: {  	s20 =	simm.s32 $_scs_section_size  }
0x9a: {  	s4 =	simm.s32 $_size__tile_overlayer_lowered;
	s5 =	simm.s32 $_tile_overlayer_lowered  }
0x9b: {  	s6 =	simm.s32 $0x1BFF;
	s21 =	sshll.u32 s5, $0x1;
	s3 =	sadd.s32 s20, s19  }
0x9c: {  	s22 =	simm.s32 $0x0;
	s4 =	sshll.u32 s4, $0x1;
	s5 =	sadd.s32 s21, s3  }
0x9d: {  	[timem:s22], [sflag:s6] =	dma.local [hbm:s5], s4  }
0x9e: {  	_ =	swait.ge [sflag:s6], s4  }
0x9f: {  	s4 =	ssub.s32 $0x0, s4;
	[sflag:s6] =	ssyncset.done $0x0  }
0xa0: {  	[sflag:s6] =	ssyncadd.s32 s4;
	_ =	sdelay $0x1  }
0xa1: {  	s23 =	simm.s32 $0x1B8B  }
0xa2: {  	_ =	swait.ge [sflag:s23], $0x1  }
0xa3: {  	[sflag:s23] =	ssyncset.done $0x0  }
0xa4: {  	[sflag:s23] =	ssyncadd.s32 $0xFFFFFFFF  }
0xa5: {  	s4 =	sld [smem:$0x0]  }
0xa6: {  	s5 =	sand.u32 $0xFFFFFFFE, s1  }
0xa7: {  	p0 =	sne.s32 s1, s5  }
0xa8: {  	s5 =	sshll.u32 @p0 s5, $0xE  }
0xa9: {  	s5 =	sadd.s32 @p0 $0x11B8D, s5;
	s6 =	sshll.u32 @p0 s4, $0x11  }
0xaa: {  	s5 =	sor.u32 @p0 s6, s5  }
0xab: {  	[sflag:s5] =	ssyncadd.remote.s32 @p0 $0x1;
	_ =	sdelay $0x1  }
0xac: {  	s5 =	simm.s32 @p0 $0x1B8D  }
0xad: {  	_ =	swait.eq @p0 [sflag:s5], $0x1  }
0xae: {  	[sflag:s5] =	ssyncadd.s32 @p0 $0xFFFFFFFF  }
0xaf: {  	s6 =	sshll.u32 @!p0 s1, $0xE  }
0xb0: {  	s6 =	sor.u32 @!p0 $0x4000, s6;
	s5 =	simm.s32 @!p0 $0x1B8D  }
0xb1: {  	s4 =	sshll.u32 @!p0 s4, $0x11;
	s6 =	sadd.s32 @!p0 $0x11B8D, s6;
	_ =	swait.eq @!p0 [sflag:s5], $0x1  }
0xb2: {  	s4 =	sor.u32 @!p0 s4, s6;
	[sflag:s5] =	ssyncadd.s32 @!p0 $0xFFFFFFFF  }
0xb3: {  	s25 =	simm.s32 $0x1B8E;
	s24 =	sld [smem:$0x3FFE];
	[sflag:s4] =	ssyncadd.remote.s32 @!p0 $0x1  }
0xb4: {  	s26 =	simm.s32 $execute0_lowered;
	[smem:$0x3FD2] =	sst s25  }
0xb5: {  	s5 =	sshll.u32 s26, $0x1;
	_ =	strace $0x8000004F;
	[dreg:$0x1] =	wrdreg $0xFFFFFFFF  }
0xb6: {  	s28 =	simm.s32 $_size_execute0_lowered;
	s3 =	sadd.s32 s3, s5;
	[dreg:$0x0] =	wrdreg $0x0  }
0xb7: {  	s5 =	sshll.u32 s28, $0x1;
	[dreg:$0x2] =	wrdreg s3  }
0xb8: {  	[dreg:$0x3] =	wrdreg s5  }
0xb9: {  	[dreg:$0x4] =	wrdreg $0xC0  }
0xba: {  	_ =	task [dreg:s22], $0x5FFFF  }
0xbb: {  	[dreg:$0x1] =	wrdreg $0xFFFFFFFF  }
0xbc: {  	[dreg:$0x0] =	wrdreg $0x60  }
0xbd: {  	[dreg:$0x2] =	wrdreg s24  }
0xbe: {  	[dreg:$0x3] =	wrdreg $0xC  }
0xbf: {  	_ =	task.clear_ibuf [dreg:s22], $0x4FFFF;
	_ =	strace $0x9000004F  }
0xc0: {  	s29 =	simm.s32 $0xC;
	_ =	strace $0x80000051  }
0xc1: {  	_ =	swait.ge [sflag:s29], $0x1  }
0xc2: {  	[sflag:s29] =	ssyncadd.s32 $0xFFFFFFFF  }
0xc3: {  	_ =	strace $0x90000051  }
0xc4: {  	_ =	sfence  }
0xc5: {  	s30 =	sld [smem:$0x0];
	_ =	sdelay $0x2  }
0xc6: {  	s31 =	sshll.u32 s1, $0xD;
	s1 =	sshrl.u32 s1, $0x2  }
0xc7: {  	s4 =	sand.u32 $0x4000, s31;
	s1 =	sadd.s32 s1, s30  }
0xc8: {  	s0 =	sor.u32 s4, s0;
	s1 =	sshll.u32 s1, $0x11  }
0xc9: {  	s0 =	sor.u32 s1, s0  }
0xca: {  	s0 =	sadd.s32 $0x8F2B, s0  }
0xcb: {  	[sflag:s0] =	ssyncadd.remote.s32 $0x1  }
0xcc: {  	_ =	sfence.sel $0xFFFF  }
0xcd: {  	[dreg:$0x0] =	wrdreg $0xFFFFFFFF;
	(pc) =	sbr.abs _section_cstart, $3  }
0xce: {  	[dreg:$0x1] =	wrdreg $0xFFFFFFFF  }
0xcf: {  	_ =	task.clear_ibuf [dreg:s22], $0x2FFFF;
	_ =	strace $0x9FFFFFFF  }
0xd0: {  	(tm) =	ssettm $0x7FFFFFFF  }
0xd1: {  	_ =	shalt  }
tec
execute0_lowered:
.L_overlay_start_1:
0x0: {  	(tag) =	ssettag $0x1  }
0x1: {  	s5 =	rddreg [dreg:$0x0];
	s3 =	srdreg.scid  }
0x2: {  	s0 =	stileid.u32;
	s2 =	simm.s32 $0x0;
	s14 =	simm.s32 $0x1  }
0x3: {  	s15 =	simm.s32 $0x20;
	s16 =	simm.s32 $0x80;
	s17 =	simm.s32 $0x2800  }
0x4: {  	s18 =	simm.s32 $0x4800;
	s19 =	simm.s32 $0x6800;
	s20 =	simm.s32 $0x8800  }
0x5: {  	s21 =	simm.s32 $0x2;
	s22 =	simm.s32 $0xA800;
	s8 =	smul.u32 $0xA0000, s0  }
0x6: {  	s23 =	simm.s32 $0xC800;
	s28 =	simm.s32 $0x0;
	s12 =	smul.u32 $0x5000, s0  }
0x7: {  	s7 =	sand.u32 $0x1, s3;
	s24 =	sshll.u32 s0, $0x1;
	s26 =	smul.u32 $0x14000, s0  }
0x8: {  	[smem:$0x7FF] =	sst s2;
	s4 =	sadd.s32 $0x2000, s5;
	s10 =	smul.u32 $0x50000, s7  }
0x9: {  	s9 =	sadd.s32 $0x455C00, s5;
	s3 =	sor.u32 s7, s24;
	s13 =	smul.u32 $0x2800, s7  }
0xa: {  	_ =	strace $0x80000050;
	s25 =	ssub.s32 $0x2, s7;
	s30 =	smul.u32 $0xA000, s7  }
0xb: {  	s24 =	simm.s32 $0xE800;
	s6 =	smul.u32 $0x2800, s3;
	s11 =	sshrl.u32 s25, $0x1  }
0xc: {  	s3 =	sadd.s32 $0x44BC00, s5;
	s11 =	ssub.s32 s25, s11;
	s8 =	sadd.s32 s10, s8  }
0xd: {  	s29 =	sadd.s32 s13, s12;
	s12 =	simm.s32 $0x400;
	s13 =	simm.s32 $0x800  }
.Ltmp0:
0xe: {  	s25 =	simm.s32 $0x3;
	s6 =	sshrl.u32 s6, $0x3;
	(pc) =	sbr.rel .LBB2_1-.Ltmp0, $4  }
0xf: {  	s8 =	sshrl.u32 s8, $0x3;
	s31 =	sor.u32 $0x400, s29;
	s5 =	sadd.s32 s3, s6  }
0x10: {  	s6 =	smax.u32 s11, $0x1;
	s7 =	sadd.s32 s8, s9;
	s9 =	sadd.s32 s26, s9  }
0x11: {  	s8 =	sadd.s32 $0x800, s29;
	s10 =	sshrl.u32 s31, $0x3;
	s11 =	simm.s32 $0x5  }
0x12: {  	s26 =	simm.s32 $0x4;
	s9 =	sadd.s32 s30, s9;
	s10 =	sadd.s32 s10, s3  }
.LBB2_4:
0x13: {  	_ =	swait.ge [sflag:s26], $0x2000  }
0x14: {  	[sflag:s26] =	ssyncset.done $0x0  }
0x15: {  	[sflag:s26] =	ssyncadd.s32 $0xFFFFE000  }
0x16: {  	_ =	swait.ge [sflag:s26], $0x2000  }
0x17: {  	[sflag:s26] =	ssyncset.done $0x0  }
0x18: {  	s28 =	sadd.s32 $0x1, s28;
	[sflag:s26] =	ssyncadd.s32 $0xFFFFE000  }
0x19: {  	p0 =	sne.s32 s28, s6;
	_ =	swait.ge [sflag:s26], $0x2000  }
.Ltmp1:
0x1a: {  	[sflag:s26] =	ssyncset.done $0x0;
	(pc) =	sbr.rel @!p0 .LBB2_5-.Ltmp1, $4  }
0x1b: {  	[sflag:s26] =	ssyncadd.s32 $0xFFFFE000  }
0x1c: {  	_ =	swait.ge [sflag:s26], $0x2000  }
0x1d: {  	[sflag:s26] =	ssyncset.done $0x0  }
0x1e: {  	[sflag:s26] =	ssyncadd.s32 $0xFFFFE000  }
.LBB2_1:
0x1f: {  	[tilespmem:s2], [sflag:$0x5] =	stream.linear.gather [hbm4b:s5+s2], $0x400, $0x38;
	[tilespmem:$0x10800] =	vst v63  }
0x20: {  	_ =	swait.ge [sflag:s11], $0x400  }
0x21: {  	s29 =	smov.u32 s10;
	[sflag:s11] =	ssyncset.done $0x0  }
0x22: {  	s30 =	smov.u32 s8;
	s31 =	simm.s32 $0x0;
	[sflag:s11] =	ssyncadd.s32 $0xFFFFFC00  }
0x23: {  	[tilespmem:s13], [sflag:$0x1] =	stream.indirect.gather [hbm4b:s4+s12], $0x20, s2, s12, $0xb8;
	[tilespmem:$0x10800] =	vst v63  }
.LBB2_2:
0x24: {  	_ =	swait.ge [sflag:s14], $0x8000  }
0x25: {  	[sflag:s14] =	ssyncset.done $0x0  }
0x26: {  	s0 =	sadd.s32 s31, s7;
	[sflag:s14] =	ssyncadd.s32 $0xFFFF8000  }
0x27: {  	[hbm4b:s0+s15] =	stream.strided.scatter [tilespmem:s13], [sflag:$0x3], $0x2000, s16, s15, $0x38;
	[tilespmem:$0x10800] =	vst v63  }
0x28: {  	s1 =	sadd.s32 $0x4, s0  }
0x29: {  	[hbm4b:s1+s15] =	stream.strided.scatter [tilespmem:s17], [sflag:$0x3], $0x2000, s16, s15, $0x38;
	[tilespmem:$0x10800] =	vst v63  }
0x2a: {  	s1 =	sadd.s32 $0x8, s0  }
0x2b: {  	[hbm4b:s1+s15] =	stream.strided.scatter [tilespmem:s18], [sflag:$0x3], $0x2000, s16, s15, $0x38;
	[tilespmem:$0x10800] =	vst v63  }
0x2c: {  	p0 =	seq.s32 s31, $0x0;
	s0 =	sadd.s32 $0xC, s0  }
0x2d: {  	[hbm4b:s0+s15] =	stream.strided.scatter [tilespmem:s19], [sflag:$0x3], $0x2000, s16, s15, $0x38;
	[tilespmem:$0x10800] =	vst v63  }
0x2e: {  	s0 =	simm.s32 @!p0 $0x4  }
0x2f: {  	_ =	swait.ge @!p0 [sflag:s0], $0x2000  }
0x30: {  	[sflag:s0] =	ssyncset.done @!p0 $0x0  }
0x31: {  	[sflag:s0] =	ssyncadd.s32 @!p0 $0xFFFFE000  }
0x32: {  	_ =	swait.ge @!p0 [sflag:s0], $0x2000  }
0x33: {  	[sflag:s0] =	ssyncset.done @!p0 $0x0  }
0x34: {  	[sflag:s0] =	ssyncadd.s32 @!p0 $0xFFFFE000  }
0x35: {  	_ =	swait.ge @!p0 [sflag:s0], $0x2000  }
0x36: {  	[sflag:s0] =	ssyncset.done @!p0 $0x0  }
0x37: {  	[sflag:s0] =	ssyncadd.s32 @!p0 $0xFFFFE000  }
0x38: {  	_ =	swait.ge @!p0 [sflag:s0], $0x2000  }
0x39: {  	[sflag:s0] =	ssyncset.done @!p0 $0x0  }
0x3a: {  	[sflag:s0] =	ssyncadd.s32 @!p0 $0xFFFFE000  }
0x3b: {  	[tilespmem:s12], [sflag:$0x5] =	stream.linear.gather [hbm4b:s29+s2], $0x400, $0x38;
	[tilespmem:$0x10800] =	vst v63  }
0x3c: {  	_ =	swait.ge [sflag:s11], $0x400  }
0x3d: {  	[sflag:s11] =	ssyncset.done $0x0  }
0x3e: {  	[sflag:s11] =	ssyncadd.s32 $0xFFFFFC00  }
0x3f: {  	[tilespmem:s20], [sflag:$0x2] =	stream.indirect.gather [hbm4b:s4+s12], $0x20, s12, s12, $0xb8;
	[tilespmem:$0x10800] =	vst v63  }
0x40: {  	_ =	swait.ge [sflag:s21], $0x8000  }
0x41: {  	s0 =	sadd.s32 s31, s9;
	[sflag:s21] =	ssyncset.done $0x0  }
0x42: {  	s1 =	sadd.s32 $0x1000, s0;
	[sflag:s21] =	ssyncadd.s32 $0xFFFF8000  }
0x43: {  	[hbm4b:s1+s15] =	stream.strided.scatter [tilespmem:s20], [sflag:$0x4], $0x2000, s16, s15, $0x38;
	[tilespmem:$0x10800] =	vst v63  }
0x44: {  	s1 =	sadd.s32 $0x1004, s0  }
0x45: {  	[hbm4b:s1+s15] =	stream.strided.scatter [tilespmem:s22], [sflag:$0x4], $0x2000, s16, s15, $0x38;
	[tilespmem:$0x10800] =	vst v63  }
0x46: {  	s1 =	sadd.s32 $0x1008, s0  }
0x47: {  	[hbm4b:s1+s15] =	stream.strided.scatter [tilespmem:s23], [sflag:$0x4], $0x2000, s16, s15, $0x38;
	[tilespmem:$0x10800] =	vst v63  }
0x48: {  	s0 =	sadd.s32 $0x100C, s0  }
0x49: {  	[hbm4b:s0+s15] =	stream.strided.scatter [tilespmem:s24], [sflag:$0x4], $0x2000, s16, s15, $0x38;
	[tilespmem:$0x10800] =	vst v63  }
0x4a: {  	_ =	swait.ge [sflag:s25], $0x2000  }
0x4b: {  	[sflag:s25] =	ssyncset.done $0x0  }
0x4c: {  	[sflag:s25] =	ssyncadd.s32 $0xFFFFE000  }
0x4d: {  	_ =	swait.ge [sflag:s25], $0x2000  }
0x4e: {  	[sflag:s25] =	ssyncset.done $0x0  }
0x4f: {  	[sflag:s25] =	ssyncadd.s32 $0xFFFFE000  }
0x50: {  	p0 =	seq.s32 s31, $0x8000;
	_ =	swait.ge [sflag:s25], $0x2000  }
.Ltmp2:
0x51: {  	[sflag:s25] =	ssyncset.done $0x0;
	(pc) =	sbr.rel @p0 .LBB2_4-.Ltmp2, $4  }
0x52: {  	[sflag:s25] =	ssyncadd.s32 $0xFFFFE000  }
0x53: {  	_ =	swait.ge [sflag:s25], $0x2000  }
0x54: {  	[sflag:s25] =	ssyncset.done $0x0  }
0x55: {  	[sflag:s25] =	ssyncadd.s32 $0xFFFFE000  }
0x56: {  	s0 =	sshrl.u32 s30, $0x3  }
0x57: {  	s0 =	sadd.s32 s3, s0  }
0x58: {  	[tilespmem:s2], [sflag:$0x5] =	stream.linear.gather [hbm4b:s0+s2], $0x400, $0x38;
	[tilespmem:$0x10800] =	vst v63  }
.Ltmp3:
0x59: {  	_ = 	snop;
	(pc) =	sbr.rel .LBB2_2-.Ltmp3, $4  }
0x5a: {  	_ =	swait.ge [sflag:s11], $0x400  }
0x5b: {  	s31 =	sadd.s32 $0x2000, s31;
	[sflag:s11] =	ssyncset.done $0x0  }
0x5c: {  	s30 =	sadd.s32 $0x800, s30;
	s29 =	sadd.s32 $0x100, s29;
	[sflag:s11] =	ssyncadd.s32 $0xFFFFFC00  }
0x5d: {  	[tilespmem:s13], [sflag:$0x1] =	stream.indirect.gather [hbm4b:s4+s12], $0x20, s2, s12, $0xb8;
	[tilespmem:$0x10800] =	vst v63  }
.LBB2_5:
0x5e: {  	_ =	sfence.sel $0x180000  }
0x5f: {  	[bflag:$0x0] =	sbarrier.arrive $0xFFFF  }
0x60: {  	_ =	strace $0x90000050  }
0x61: {  	s0 =	stileid.u32;
	[bflag:$0x2] =	sbarrier.arrive $0xFFFF  }
0x62: {  	p0 =	sne.s32 s0, $0x0;
	s0 =	rddreg [dreg:$0x1]  }
0x63: {  	s0 =	sadd.s32 @!p0 $0x100000, s0  }
0x64: {  	[sflag:s0] =	ssyncadd.tile.s32 @!p0 $0x1;
	_ =	shalt  }
.Lfunc_end2:
_tile_overlayer_lowered:
.L_overlay_start_2:
0x65: {  	(tag) =	ssettag $0x2  }
0x66: {  	s0 =	rddreg [dreg:$0x0];
	s2 =	stileid.u32  }
0x67: {  	s1 =	rddreg [dreg:$0x1];
	p0 =	sne.s32 s2, $0x0  }
0x68: {  	s3 =	rddreg [dreg:$0x2];
	[bflag:$0x3] =	sbarrier.arrive $0xFFFF;
	s2 =	simm.s32 @!p0 $0x1C05  }
0x69: {  	[timem:s3], [sflag:s2] =	dma.local @!p0 [hbm:s0], s1  }
0x6a: {  	s0 =	simm.s32 @!p0 $0x5  }
0x6b: {  	_ =	swait.ge @!p0 [sflag:s0], s1  }
0x6c: {  	s1 =	ssub.s32 @!p0 $0x0, s1;
	[sflag:s0] =	ssyncset.done @!p0 $0x0  }
0x6d: {  	[sflag:s0] =	ssyncadd.s32 @!p0 s1  }
0x6e: {  	[bflag:$0x3] =	sbarrier.arrive $0xFFFF  }
0x6f: {  	_ =	shalt  }

// kernel: kernel.24.cloned.1.call-start
scs
__scs_entry_jumppad:
0x0: {  	(pc) =	sbr.rel $0x88, $3  }
0x1: {  	(tag) =	ssettag $0x0;
	lr =	simm.s32 $0x1  }
0x2: {  	[smem:$0x3F9D] =	sst lr;
	_ =	strace $0xD0000000  }
0x3: {  	_ = 	snop  }
0x4: {  	_ = 	snop  }
0x5: {  	_ = 	snop  }
0x6: {  	_ = 	snop  }
0x7: {  	_ = 	snop  }
__scs_overlays_trampoline_lowered:
0x8: {  	[smem:$0x3FAC] =	sst s0  }
0x9: {  	[smem:$0x3FAD] =	sst s1  }
0xa: {  	[smem:$0x3FAE] =	sst s2  }
0xb: {  	[smem:$0x3FAF] =	sst s3  }
0xc: {  	[smem:$0x3FB0] =	sst s4  }
0xd: {  	[smem:$0x3FB1] =	sst s5  }
0xe: {  	[smem:$0x3FB2] =	sst s6  }
0xf: {  	[smem:$0x3FB3] =	sst s7  }
0x10: {  	[smem:$0x3FB4] =	sst s8  }
0x11: {  	[smem:$0x3FB5] =	sst s9;
	s0 =	simm.s32 @!p0 $0x0  }
0x12: {  	s1 =	sld [smem:$0x3F9B];
	s0 =	simm.s32 @p0 $0x1  }
0x13: {  	[smem:$0x3FB6] =	sst s0;
	s0 =	simm.s32 @!p1 $0x0  }
0x14: {  	s2 =	sld [smem:$0x3F9A];
	s0 =	simm.s32 @p1 $0x1  }
0x15: {  	[smem:$0x3FB7] =	sst s0;
	s0 =	simm.s32 @!p2 $0x0  }
0x16: {  	s3 =	sld [smem:$0x3FDB];
	s0 =	simm.s32 @p2 $0x1  }
0x17: {  	s4 =	simm.s32 $0x1BF5;
	[smem:$0x3FB9] =	sst s0  }
0x18: {  	s0 =	sld [smem:$0x3F9C];
	_ =	swait.ge [sflag:s4], $0x0  }
0x19: {  	s7 =	sld [smem:$0x3F9D]  }
0x1a: {  	s8 =	sadd.s32 $0xFFFFE003, lr  }
0x1b: {  	s9 =	sadd.s32 $0xFFFFFEF7, lr;
	s5 =	simm.s32 $0xFFFFFFFF;
	p2 =	slt.u32 s8, $0xFFFFF086  }
0x1c: {  	p1 =	slt.u32 s9, $0xF7A;
	s5 =	simm.s32 @!p2 $0x0  }
0x1d: {  	s5 =	simm.s32 @p1 $0x1;
	p0 =	seq.s32 s7, s2  }
0x1e: {  	s7 =	smul.u32 @!p0 $0xF7A, s2;
	p2 =	seq.s32 @!p0 s5, $0x0  }
0x1f: {  	s9 =	smul.u32 $0xF7A, s1;
	s8 =	simm.s32 @!p0 $0x1BF5;
	p2 =	por !p2, p0  }
0x20: {  	[sflag:s8] =	ssyncset.s32 @!p0 $0xFFFFF086;
	s6 =	sadd.s32 @!p0 s3, s7;
	s7 =	simm.s32 @!p0 $0x108  }
0x21: {  	s3 =	sadd.s32 s3, s9;
	s6 =	sadd.s32 @!p0 $0x88, s6;
	s7 =	simm.s32 @p2 $0x1082  }
0x22: {  	[simem:s7], [sflag:s8] =	dma.local @!p0 [hbm:s6], $0xF7A  }
0x23: {  	s9 =	sor.u32 $0xD0000000, s2;
	s6 =	simm.s32 $0x108;
	_ =	swait.ge @!p0 [sflag:s8], $0x0  }
0x24: {  	s3 =	sadd.s32 $0x88, s3;
	s6 =	simm.s32 @!p1 $0x1082;
	[sflag:s4] =	ssyncset.s32 $0xFFFFF086  }
0x25: {  	[simem:s6], [sflag:s4] =	dma.local [hbm:s3], $0xF7A  }
0x26: {  	[smem:$0x3F9D] =	sst s1;
	(tag) =	ssettag s2;
	_ =	strace s9  }
0x27: {  	s1 =	sld [smem:$0x3FAD]  }
0x28: {  	s2 =	sld [smem:$0x3FAE]  }
0x29: {  	s4 =	sld [smem:$0x3FB0]  }
0x2a: {  	p0 =	seq.s32 s5, $0x0;
	s5 =	sld [smem:$0x3FB1]  }
0x2b: {  	s6 =	sld [smem:$0x3FB2]  }
0x2c: {  	s7 =	sld [smem:$0x3FB3]  }
0x2d: {  	s3 =	simm.s32 $0x108;
	s8 =	sld [smem:$0x3FB4]  }
0x2e: {  	s3 =	simm.s32 @!p0 $0x1082;
	s9 =	sld [smem:$0x3FB5]  }
0x2f: {  	lr =	sadd.s32 s0, s3;
	s0 =	sld [smem:$0x3FAC]  }
0x30: {  	s3 =	sld [smem:$0x3FAF]  }
0x31: {  	[smem:$0x3FB8] =	sst s10  }
0x32: {  	s10 =	sld [smem:$0x3FB6];
	_ =	sdelay $0x3  }
0x33: {  	p0 =	seq.s32 s10, $0x1;
	s10 =	sld [smem:$0x3FB8];
	_ =	sdelay $0x3  }
0x34: {  	[smem:$0x3FB8] =	sst s10  }
0x35: {  	s10 =	sld [smem:$0x3FB7];
	_ =	sdelay $0x3  }
0x36: {  	p1 =	seq.s32 s10, $0x1;
	s10 =	sld [smem:$0x3FB8];
	_ =	sdelay $0x3  }
0x37: {  	[smem:$0x3FB8] =	sst s10  }
0x38: {  	s10 =	sld [smem:$0x3FB9]  }
0x39: {  	_ = 	snop;
	(pc) =	sbr.ind lr, $3  }
0x3a: {  	_ = 	snop  }
0x3b: {  	_ = 	snop  }
0x3c: {  	p2 =	seq.s32 s10, $0x1;
	s10 =	sld [smem:$0x3FB8]  }
0x3d: {  	_ =	shalt  }
0x3e: {  	_ =	shalt  }
0x3f: {  	_ =	shalt  }
0x40: {  	_ =	shalt  }
0x41: {  	_ =	shalt  }
0x42: {  	_ =	shalt  }
0x43: {  	_ =	shalt  }
0x44: {  	_ =	shalt  }
0x45: {  	_ =	shalt  }
0x46: {  	_ =	shalt  }
0x47: {  	_ =	shalt  }
0x48: {  	_ =	shalt  }
0x49: {  	_ =	shalt  }
0x4a: {  	_ =	shalt  }
0x4b: {  	_ =	shalt  }
0x4c: {  	_ =	shalt  }
0x4d: {  	_ =	shalt  }
0x4e: {  	_ =	shalt  }
0x4f: {  	_ =	shalt  }
0x50: {  	_ =	shalt  }
0x51: {  	_ =	shalt  }
0x52: {  	_ =	shalt  }
0x53: {  	_ =	shalt  }
0x54: {  	_ =	shalt  }
0x55: {  	_ =	shalt  }
0x56: {  	_ =	shalt  }
0x57: {  	_ =	shalt  }
0x58: {  	_ =	shalt  }
0x59: {  	_ =	shalt  }
0x5a: {  	_ =	shalt  }
0x5b: {  	_ =	shalt  }
0x5c: {  	_ =	shalt  }
0x5d: {  	_ =	shalt  }
0x5e: {  	_ =	shalt  }
0x5f: {  	_ =	shalt  }
0x60: {  	_ =	shalt  }
0x61: {  	_ =	shalt  }
0x62: {  	_ =	shalt  }
0x63: {  	_ =	shalt  }
0x64: {  	_ =	shalt  }
0x65: {  	_ =	shalt  }
0x66: {  	_ =	shalt  }
0x67: {  	_ =	shalt  }
0x68: {  	_ =	shalt  }
0x69: {  	_ =	shalt  }
0x6a: {  	_ =	shalt  }
0x6b: {  	_ =	shalt  }
0x6c: {  	_ =	shalt  }
0x6d: {  	_ =	shalt  }
0x6e: {  	_ =	shalt  }
0x6f: {  	_ =	shalt  }
0x70: {  	_ =	shalt  }
0x71: {  	_ =	shalt  }
0x72: {  	_ =	shalt  }
0x73: {  	_ =	shalt  }
0x74: {  	_ =	shalt  }
0x75: {  	_ =	shalt  }
0x76: {  	_ =	shalt  }
0x77: {  	_ =	shalt  }
0x78: {  	_ =	shalt  }
0x79: {  	_ =	shalt  }
0x7a: {  	_ =	shalt  }
0x7b: {  	_ =	shalt  }
0x7c: {  	_ =	shalt  }
0x7d: {  	_ =	shalt  }
0x7e: {  	_ =	shalt  }
0x7f: {  	_ =	shalt  }
0x80: {  	_ =	shalt  }
0x81: {  	_ =	shalt  }
0x82: {  	_ =	shalt  }
0x83: {  	_ =	shalt  }
0x84: {  	_ =	shalt  }
0x85: {  	_ =	shalt  }
0x86: {  	_ =	shalt  }
0x87: {  	_ =	shalt  }
.Lfunc_end0:
.L_simem_size_0:
called_computation.4_lowered:
.L_overlay_start_0:
0x88: {  	s2 =	sld [smem:$0x3FD9]  }
0x89: {  	s3 =	sld [smem:$0x3FFE];
	_ =	sdelay $0x1  }
0x8a: {  	s1 =	srdreg.scid  }
0x8b: {  	s0 =	sand.u32 $0x1, s1  }
0x8c: {  	s17 =	sshll.u32 s0, $0xA;
	s2 =	sadd.s32 s3, s2  }
0x8d: {  	s2 =	sadd.s32 s2, s17  }
0x8e: {  	[smem:$0x3FC4] =	sst s2  }
0x8f: {  	_ = 	snop  }
0x90: {  	(tm) =	ssettm $0x1  }
0x91: {  	s18 =	sld [smem:$0x3FFB];
	_ =	sdelay $0x3  }
0x92: {  	_ =	strace s18  }
0x93: {  	s2 =	sld [smem:$0x3FFC];
	_ =	sdelay $0x3  }
0x94: {  	_ =	strace s2  }
0x95: {  	s2 =	sld [smem:$0x3FFD];
	_ =	sdelay $0x3  }
0x96: {  	_ =	strace s2  }
0x97: {  	_ =	strace $0x8FFFFFFF  }
0x98: {  	s19 =	sld [smem:$0x3FDB];
	_ =	sdelay $0x1  }
0x99: {  	s20 =	simm.s32 $_scs_section_size  }
0x9a: {  	s4 =	simm.s32 $_size__tile_overlayer_lowered;
	s5 =	simm.s32 $_tile_overlayer_lowered  }
0x9b: {  	s6 =	simm.s32 $0x1BFF;
	s21 =	sshll.u32 s5, $0x1;
	s3 =	sadd.s32 s20, s19  }
0x9c: {  	s22 =	simm.s32 $0x0;
	s4 =	sshll.u32 s4, $0x1;
	s5 =	sadd.s32 s21, s3  }
0x9d: {  	[timem:s22], [sflag:s6] =	dma.local [hbm:s5], s4  }
0x9e: {  	_ =	swait.ge [sflag:s6], s4  }
0x9f: {  	s4 =	ssub.s32 $0x0, s4;
	[sflag:s6] =	ssyncset.done $0x0  }
0xa0: {  	[sflag:s6] =	ssyncadd.s32 s4;
	_ =	sdelay $0x1  }
0xa1: {  	s23 =	simm.s32 $0x1B8B  }
0xa2: {  	_ =	swait.ge [sflag:s23], $0x1  }
0xa3: {  	[sflag:s23] =	ssyncset.done $0x0  }
0xa4: {  	[sflag:s23] =	ssyncadd.s32 $0xFFFFFFFF  }
0xa5: {  	s4 =	sld [smem:$0x0]  }
0xa6: {  	s5 =	sand.u32 $0xFFFFFFFE, s1  }
0xa7: {  	p0 =	sne.s32 s1, s5  }
0xa8: {  	s5 =	sshll.u32 @p0 s5, $0xE  }
0xa9: {  	s5 =	sadd.s32 @p0 $0x11B8D, s5;
	s6 =	sshll.u32 @p0 s4, $0x11  }
0xaa: {  	s5 =	sor.u32 @p0 s6, s5  }
0xab: {  	[sflag:s5] =	ssyncadd.remote.s32 @p0 $0x1;
	_ =	sdelay $0x1  }
0xac: {  	s5 =	simm.s32 @p0 $0x1B8D  }
0xad: {  	_ =	swait.eq @p0 [sflag:s5], $0x1  }
0xae: {  	[sflag:s5] =	ssyncadd.s32 @p0 $0xFFFFFFFF  }
0xaf: {  	s6 =	sshll.u32 @!p0 s1, $0xE  }
0xb0: {  	s6 =	sor.u32 @!p0 $0x4000, s6;
	s5 =	simm.s32 @!p0 $0x1B8D  }
0xb1: {  	s4 =	sshll.u32 @!p0 s4, $0x11;
	s6 =	sadd.s32 @!p0 $0x11B8D, s6;
	_ =	swait.eq @!p0 [sflag:s5], $0x1  }
0xb2: {  	s4 =	sor.u32 @!p0 s4, s6;
	[sflag:s5] =	ssyncadd.s32 @!p0 $0xFFFFFFFF  }
0xb3: {  	s25 =	simm.s32 $0x1B8E;
	s24 =	sld [smem:$0x3FFE];
	[sflag:s4] =	ssyncadd.remote.s32 @!p0 $0x1  }
0xb4: {  	s26 =	simm.s32 $execute0_lowered;
	[smem:$0x3FD2] =	sst s25  }
0xb5: {  	s5 =	sshll.u32 s26, $0x1;
	_ =	strace $0x80000052;
	[dreg:$0x1] =	wrdreg $0xFFFFFFFF  }
0xb6: {  	s28 =	simm.s32 $_size_execute0_lowered;
	s3 =	sadd.s32 s3, s5;
	[dreg:$0x0] =	wrdreg $0x0  }
0xb7: {  	s5 =	sshll.u32 s28, $0x1;
	[dreg:$0x2] =	wrdreg s3  }
0xb8: {  	[dreg:$0x3] =	wrdreg s5  }
0xb9: {  	[dreg:$0x4] =	wrdreg $0xC0  }
0xba: {  	_ =	task [dreg:s22], $0x5FFFF  }
0xbb: {  	[dreg:$0x1] =	wrdreg $0xFFFFFFFF  }
0xbc: {  	[dreg:$0x0] =	wrdreg $0x60  }
0xbd: {  	[dreg:$0x2] =	wrdreg s24  }
0xbe: {  	[dreg:$0x3] =	wrdreg $0xD  }
0xbf: {  	_ =	task.clear_ibuf [dreg:s22], $0x4FFFF;
	_ =	strace $0x90000052  }
0xc0: {  	s29 =	simm.s32 $0xD;
	_ =	strace $0x80000054  }
0xc1: {  	_ =	swait.ge [sflag:s29], $0x1  }
0xc2: {  	[sflag:s29] =	ssyncadd.s32 $0xFFFFFFFF  }
0xc3: {  	_ =	strace $0x90000054  }
0xc4: {  	_ =	sfence  }
0xc5: {  	s30 =	sld [smem:$0x0];
	_ =	sdelay $0x2  }
0xc6: {  	s31 =	sshll.u32 s1, $0xD;
	s1 =	sshrl.u32 s1, $0x2  }
0xc7: {  	s4 =	sand.u32 $0x4000, s31;
	s1 =	sadd.s32 s1, s30  }
0xc8: {  	s0 =	sor.u32 s4, s0;
	s1 =	sshll.u32 s1, $0x11  }
0xc9: {  	s0 =	sor.u32 s1, s0  }
0xca: {  	s0 =	sadd.s32 $0x8F2B, s0  }
0xcb: {  	[sflag:s0] =	ssyncadd.remote.s32 $0x1  }
0xcc: {  	_ =	sfence.sel $0xFFFF  }
0xcd: {  	[dreg:$0x0] =	wrdreg $0xFFFFFFFF;
	(pc) =	sbr.abs _section_cstart, $3  }
0xce: {  	[dreg:$0x1] =	wrdreg $0xFFFFFFFF  }
0xcf: {  	_ =	task.clear_ibuf [dreg:s22], $0x2FFFF;
	_ =	strace $0x9FFFFFFF  }
0xd0: {  	(tm) =	ssettm $0x7FFFFFFF  }
0xd1: {  	_ =	shalt  }
tec
execute0_lowered:
.L_overlay_start_1:
0x0: {  	(tag) =	ssettag $0x1  }
0x1: {  	s5 =	rddreg [dreg:$0x0];
	s3 =	srdreg.scid  }
0x2: {  	s0 =	stileid.u32;
	s2 =	simm.s32 $0x0;
	s14 =	simm.s32 $0x1  }
0x3: {  	s15 =	simm.s32 $0x20;
	s16 =	simm.s32 $0x80;
	s17 =	simm.s32 $0x2800  }
0x4: {  	s18 =	simm.s32 $0x4800;
	s19 =	simm.s32 $0x6800;
	s20 =	simm.s32 $0x8800  }
0x5: {  	s21 =	simm.s32 $0x2;
	s22 =	simm.s32 $0xA800;
	s8 =	smul.u32 $0xA0000, s0  }
0x6: {  	s23 =	simm.s32 $0xC800;
	s28 =	simm.s32 $0x0;
	s12 =	smul.u32 $0x5000, s0  }
0x7: {  	s7 =	sand.u32 $0x1, s3;
	s24 =	sshll.u32 s0, $0x1;
	s26 =	smul.u32 $0x14000, s0  }
0x8: {  	[smem:$0x7FF] =	sst s2;
	s4 =	sadd.s32 $0x2000, s5;
	s10 =	smul.u32 $0x50000, s7  }
0x9: {  	s9 =	sadd.s32 $0x595C00, s5;
	s3 =	sor.u32 s7, s24;
	s13 =	smul.u32 $0x2800, s7  }
0xa: {  	_ =	strace $0x80000053;
	s25 =	ssub.s32 $0x2, s7;
	s30 =	smul.u32 $0xA000, s7  }
0xb: {  	s24 =	simm.s32 $0xE800;
	s6 =	smul.u32 $0x2800, s3;
	s11 =	sshrl.u32 s25, $0x1  }
0xc: {  	s3 =	sadd.s32 $0x63C00, s5;
	s11 =	ssub.s32 s25, s11;
	s8 =	sadd.s32 s10, s8  }
0xd: {  	s29 =	sadd.s32 s13, s12;
	s12 =	simm.s32 $0x400;
	s13 =	simm.s32 $0x800  }
.Ltmp0:
0xe: {  	s25 =	simm.s32 $0x3;
	s6 =	sshrl.u32 s6, $0x3;
	(pc) =	sbr.rel .LBB2_1-.Ltmp0, $4  }
0xf: {  	s8 =	sshrl.u32 s8, $0x3;
	s31 =	sor.u32 $0x400, s29;
	s5 =	sadd.s32 s3, s6  }
0x10: {  	s6 =	smax.u32 s11, $0x1;
	s7 =	sadd.s32 s8, s9;
	s9 =	sadd.s32 s26, s9  }
0x11: {  	s8 =	sadd.s32 $0x800, s29;
	s10 =	sshrl.u32 s31, $0x3;
	s11 =	simm.s32 $0x5  }
0x12: {  	s26 =	simm.s32 $0x4;
	s9 =	sadd.s32 s30, s9;
	s10 =	sadd.s32 s10, s3  }
.LBB2_4:
0x13: {  	_ =	swait.ge [sflag:s26], $0x2000  }
0x14: {  	[sflag:s26] =	ssyncset.done $0x0  }
0x15: {  	[sflag:s26] =	ssyncadd.s32 $0xFFFFE000  }
0x16: {  	_ =	swait.ge [sflag:s26], $0x2000  }
0x17: {  	[sflag:s26] =	ssyncset.done $0x0  }
0x18: {  	s28 =	sadd.s32 $0x1, s28;
	[sflag:s26] =	ssyncadd.s32 $0xFFFFE000  }
0x19: {  	p0 =	sne.s32 s28, s6;
	_ =	swait.ge [sflag:s26], $0x2000  }
.Ltmp1:
0x1a: {  	[sflag:s26] =	ssyncset.done $0x0;
	(pc) =	sbr.rel @!p0 .LBB2_5-.Ltmp1, $4  }
0x1b: {  	[sflag:s26] =	ssyncadd.s32 $0xFFFFE000  }
0x1c: {  	_ =	swait.ge [sflag:s26], $0x2000  }
0x1d: {  	[sflag:s26] =	ssyncset.done $0x0  }
0x1e: {  	[sflag:s26] =	ssyncadd.s32 $0xFFFFE000  }
.LBB2_1:
0x1f: {  	[tilespmem:s2], [sflag:$0x5] =	stream.linear.gather [hbm4b:s5+s2], $0x400, $0x38;
	[tilespmem:$0x10800] =	vst v63  }
0x20: {  	_ =	swait.ge [sflag:s11], $0x400  }
0x21: {  	s29 =	smov.u32 s10;
	[sflag:s11] =	ssyncset.done $0x0  }
0x22: {  	s30 =	smov.u32 s8;
	s31 =	simm.s32 $0x0;
	[sflag:s11] =	ssyncadd.s32 $0xFFFFFC00  }
0x23: {  	[tilespmem:s13], [sflag:$0x1] =	stream.indirect.gather [hbm4b:s4+s12], $0x20, s2, s12, $0xb8;
	[tilespmem:$0x10800] =	vst v63  }
.LBB2_2:
0x24: {  	_ =	swait.ge [sflag:s14], $0x8000  }
0x25: {  	[sflag:s14] =	ssyncset.done $0x0  }
0x26: {  	s0 =	sadd.s32 s31, s7;
	[sflag:s14] =	ssyncadd.s32 $0xFFFF8000  }
0x27: {  	[hbm4b:s0+s15] =	stream.strided.scatter [tilespmem:s13], [sflag:$0x3], $0x2000, s16, s15, $0x38;
	[tilespmem:$0x10800] =	vst v63  }
0x28: {  	s1 =	sadd.s32 $0x4, s0  }
0x29: {  	[hbm4b:s1+s15] =	stream.strided.scatter [tilespmem:s17], [sflag:$0x3], $0x2000, s16, s15, $0x38;
	[tilespmem:$0x10800] =	vst v63  }
0x2a: {  	s1 =	sadd.s32 $0x8, s0  }
0x2b: {  	[hbm4b:s1+s15] =	stream.strided.scatter [tilespmem:s18], [sflag:$0x3], $0x2000, s16, s15, $0x38;
	[tilespmem:$0x10800] =	vst v63  }
0x2c: {  	p0 =	seq.s32 s31, $0x0;
	s0 =	sadd.s32 $0xC, s0  }
0x2d: {  	[hbm4b:s0+s15] =	stream.strided.scatter [tilespmem:s19], [sflag:$0x3], $0x2000, s16, s15, $0x38;
	[tilespmem:$0x10800] =	vst v63  }
0x2e: {  	s0 =	simm.s32 @!p0 $0x4  }
0x2f: {  	_ =	swait.ge @!p0 [sflag:s0], $0x2000  }
0x30: {  	[sflag:s0] =	ssyncset.done @!p0 $0x0  }
0x31: {  	[sflag:s0] =	ssyncadd.s32 @!p0 $0xFFFFE000  }
0x32: {  	_ =	swait.ge @!p0 [sflag:s0], $0x2000  }
0x33: {  	[sflag:s0] =	ssyncset.done @!p0 $0x0  }
0x34: {  	[sflag:s0] =	ssyncadd.s32 @!p0 $0xFFFFE000  }
0x35: {  	_ =	swait.ge @!p0 [sflag:s0], $0x2000  }
0x36: {  	[sflag:s0] =	ssyncset.done @!p0 $0x0  }
0x37: {  	[sflag:s0] =	ssyncadd.s32 @!p0 $0xFFFFE000  }
0x38: {  	_ =	swait.ge @!p0 [sflag:s0], $0x2000  }
0x39: {  	[sflag:s0] =	ssyncset.done @!p0 $0x0  }
0x3a: {  	[sflag:s0] =	ssyncadd.s32 @!p0 $0xFFFFE000  }
0x3b: {  	[tilespmem:s12], [sflag:$0x5] =	stream.linear.gather [hbm4b:s29+s2], $0x400, $0x38;
	[tilespmem:$0x10800] =	vst v63  }
0x3c: {  	_ =	swait.ge [sflag:s11], $0x400  }
0x3d: {  	[sflag:s11] =	ssyncset.done $0x0  }
0x3e: {  	[sflag:s11] =	ssyncadd.s32 $0xFFFFFC00  }
0x3f: {  	[tilespmem:s20], [sflag:$0x2] =	stream.indirect.gather [hbm4b:s4+s12], $0x20, s12, s12, $0xb8;
	[tilespmem:$0x10800] =	vst v63  }
0x40: {  	_ =	swait.ge [sflag:s21], $0x8000  }
0x41: {  	s0 =	sadd.s32 s31, s9;
	[sflag:s21] =	ssyncset.done $0x0  }
0x42: {  	s1 =	sadd.s32 $0x1000, s0;
	[sflag:s21] =	ssyncadd.s32 $0xFFFF8000  }
0x43: {  	[hbm4b:s1+s15] =	stream.strided.scatter [tilespmem:s20], [sflag:$0x4], $0x2000, s16, s15, $0x38;
	[tilespmem:$0x10800] =	vst v63  }
0x44: {  	s1 =	sadd.s32 $0x1004, s0  }
0x45: {  	[hbm4b:s1+s15] =	stream.strided.scatter [tilespmem:s22], [sflag:$0x4], $0x2000, s16, s15, $0x38;
	[tilespmem:$0x10800] =	vst v63  }
0x46: {  	s1 =	sadd.s32 $0x1008, s0  }
0x47: {  	[hbm4b:s1+s15] =	stream.strided.scatter [tilespmem:s23], [sflag:$0x4], $0x2000, s16, s15, $0x38;
	[tilespmem:$0x10800] =	vst v63  }
0x48: {  	s0 =	sadd.s32 $0x100C, s0  }
0x49: {  	[hbm4b:s0+s15] =	stream.strided.scatter [tilespmem:s24], [sflag:$0x4], $0x2000, s16, s15, $0x38;
	[tilespmem:$0x10800] =	vst v63  }
0x4a: {  	_ =	swait.ge [sflag:s25], $0x2000  }
0x4b: {  	[sflag:s25] =	ssyncset.done $0x0  }
0x4c: {  	[sflag:s25] =	ssyncadd.s32 $0xFFFFE000  }
0x4d: {  	_ =	swait.ge [sflag:s25], $0x2000  }
0x4e: {  	[sflag:s25] =	ssyncset.done $0x0  }
0x4f: {  	[sflag:s25] =	ssyncadd.s32 $0xFFFFE000  }
0x50: {  	p0 =	seq.s32 s31, $0x8000;
	_ =	swait.ge [sflag:s25], $0x2000  }
.Ltmp2:
0x51: {  	[sflag:s25] =	ssyncset.done $0x0;
	(pc) =	sbr.rel @p0 .LBB2_4-.Ltmp2, $4  }
0x52: {  	[sflag:s25] =	ssyncadd.s32 $0xFFFFE000  }
0x53: {  	_ =	swait.ge [sflag:s25], $0x2000  }
0x54: {  	[sflag:s25] =	ssyncset.done $0x0  }
0x55: {  	[sflag:s25] =	ssyncadd.s32 $0xFFFFE000  }
0x56: {  	s0 =	sshrl.u32 s30, $0x3  }
0x57: {  	s0 =	sadd.s32 s3, s0  }
0x58: {  	[tilespmem:s2], [sflag:$0x5] =	stream.linear.gather [hbm4b:s0+s2], $0x400, $0x38;
	[tilespmem:$0x10800] =	vst v63  }
.Ltmp3:
0x59: {  	_ = 	snop;
	(pc) =	sbr.rel .LBB2_2-.Ltmp3, $4  }
0x5a: {  	_ =	swait.ge [sflag:s11], $0x400  }
0x5b: {  	s31 =	sadd.s32 $0x2000, s31;
	[sflag:s11] =	ssyncset.done $0x0  }
0x5c: {  	s30 =	sadd.s32 $0x800, s30;
	s29 =	sadd.s32 $0x100, s29;
	[sflag:s11] =	ssyncadd.s32 $0xFFFFFC00  }
0x5d: {  	[tilespmem:s13], [sflag:$0x1] =	stream.indirect.gather [hbm4b:s4+s12], $0x20, s2, s12, $0xb8;
	[tilespmem:$0x10800] =	vst v63  }
.LBB2_5:
0x5e: {  	_ =	sfence.sel $0x180000  }
0x5f: {  	[bflag:$0x0] =	sbarrier.arrive $0xFFFF  }
0x60: {  	_ =	strace $0x90000053  }
0x61: {  	s0 =	stileid.u32;
	[bflag:$0x2] =	sbarrier.arrive $0xFFFF  }
0x62: {  	p0 =	sne.s32 s0, $0x0;
	s0 =	rddreg [dreg:$0x1]  }
0x63: {  	s0 =	sadd.s32 @!p0 $0x100000, s0  }
0x64: {  	[sflag:s0] =	ssyncadd.tile.s32 @!p0 $0x1;
	_ =	shalt  }
.Lfunc_end2:
_tile_overlayer_lowered:
.L_overlay_start_2:
0x65: {  	(tag) =	ssettag $0x2  }
0x66: {  	s0 =	rddreg [dreg:$0x0];
	s2 =	stileid.u32  }
0x67: {  	s1 =	rddreg [dreg:$0x1];
	p0 =	sne.s32 s2, $0x0  }
0x68: {  	s3 =	rddreg [dreg:$0x2];
	[bflag:$0x3] =	sbarrier.arrive $0xFFFF;
	s2 =	simm.s32 @!p0 $0x1C05  }
0x69: {  	[timem:s3], [sflag:s2] =	dma.local @!p0 [hbm:s0], s1  }
0x6a: {  	s0 =	simm.s32 @!p0 $0x5  }
0x6b: {  	_ =	swait.ge @!p0 [sflag:s0], s1  }
0x6c: {  	s1 =	ssub.s32 @!p0 $0x0, s1;
	[sflag:s0] =	ssyncset.done @!p0 $0x0  }
0x6d: {  	[sflag:s0] =	ssyncadd.s32 @!p0 s1  }
0x6e: {  	[bflag:$0x3] =	sbarrier.arrive $0xFFFF  }
0x6f: {  	_ =	shalt  }

</sc_bundles>
